<compile_context>
chip_gen: v7x
topology: tpu7x:2x2x1
jax: 0.10.2.dev20260603
libtpu: 0.0.44.dev20260713+nightly
codegen_flags: <defaults>
</compile_context>

<pallas_src>
import functools

import jax
import jax.numpy as jnp
from jax import lax
from jax.experimental import pallas as pl
from jax.experimental.pallas import tpu as pltpu
from jax.experimental.pallas import tpu_sc as plsc

N = 10000
E = 320000
D_IN = 128
E_DIM = 16
D_OUT = 128

NC = 2
NS = 16
NW = NC * NS
BLK = 128
NBLK = E // BLK
NODES_PER_TILE = N // NS


K = 4
NCHUNK = NBLK // K
NB = 5
LOOKAHEAD = 2
TRIPS = -(-NCHUNK // NW)


def _sc_segment_sum(ei4, ef4):
    mesh = plsc.VectorSubcoreMesh(core_axis_name="c", subcore_axis_name="s")

    @functools.partial(
        pl.kernel,
        mesh=mesh,
        compiler_params=pltpu.CompilerParams(
            use_tc_tiling_on_sc=False, needs_layout_passes=False),
        out_type=[
            jax.ShapeDtypeStruct((NC, N, E_DIM), jnp.float32),
            jax.ShapeDtypeStruct((NC, N, E_DIM), jnp.float32),
        ],
        scratch_types=[
            pltpu.VMEM((NB, K, BLK), jnp.int32),
            pltpu.VMEM((NB, 2, K, 10, BLK + 1), jnp.float32),
            pltpu.VMEM((NB, K * BLK, E_DIM), jnp.float32),
            pltpu.VMEM((BLK, E_DIM), jnp.float32),
            pltpu.VMEM((NODES_PER_TILE, E_DIM), jnp.float32),
            pltpu.VMEM_SHARED((N, E_DIM), jnp.float32),
            pltpu.VMEM_SHARED((N, E_DIM), jnp.float32),
            pltpu.SemaphoreType.DMA((NB,)),
            pltpu.SemaphoreType.DMA((NB,)),
        ],
    )
    def seg_kernel(ei_hbm, ef_hbm, msg_out, cnt_out,
                   idx_v, tmsg_v, msg_v, ones_v, stage_v, acc_sh,
                   cnt_sh, ld_sem, sc_sem):
        cid = lax.axis_index("c")
        sid = lax.axis_index("s")

        def fill_ones(i, _):
            ones_v[i, :] = jnp.ones((E_DIM,), jnp.float32)
            return 0
        lax.fori_loop(0, BLK, fill_ones, 0)

        def fill_zero(i, _):
            stage_v[i, :] = jnp.zeros((E_DIM,), jnp.float32)
            return 0
        lax.fori_loop(0, NODES_PER_TILE, fill_zero, 0)

        node_lo = sid * NODES_PER_TILE
        pltpu.sync_copy(stage_v, acc_sh.at[pl.ds(node_lo, NODES_PER_TILE)])
        pltpu.sync_copy(stage_v, cnt_sh.at[pl.ds(node_lo, NODES_PER_TILE)])
        plsc.subcore_barrier()

        wid = sid * NC + cid

        def chunk_of(t):
            return wid + t * NW

        def load_descs(c, buf):
            return (
                pltpu.make_async_copy(
                    ei_hbm.at[pl.ds(c * K, K), 1], idx_v.at[buf],
                    ld_sem.at[buf]),
                pltpu.make_async_copy(
                    ef_hbm.at[:, pl.ds(c * K, K)],
                    tmsg_v.at[buf, :, :, pl.ds(0, 8), pl.ds(0, BLK)],
                    ld_sem.at[buf]),
            )

        def start_load(t):
            buf = lax.rem(t, NB)
            c = chunk_of(t)

            @pl.when(c < NCHUNK)
            def _():
                for d in load_descs(c, buf):
                    d.start()

        lane = lax.iota(jnp.int32, E_DIM)
        f_hi = lax.shift_right_logical(lane, 3)
        f_lo = lane & 7

        def transpose_chunk(t):
            buf = lax.rem(t, NB)
            b_vec = jnp.full((E_DIM,), 0, jnp.int32) + buf

            @pl.when(chunk_of(t) < NCHUNK)
            def _():
                for j in range(K):
                    j_vec = jnp.full((E_DIM,), j, jnp.int32)

                    zl = jnp.full((E_DIM,), 0, jnp.int32)

                    def edge(i, lvs):
                        vals = [plsc.load_gather(
                                    tmsg_v, [b_vec, f_hi, j_vec, f_lo, lv])
                                for lv in lvs]
                        for s, v in enumerate(vals):
                            msg_v[buf, j * BLK + s * 32 + i, :] = v
                        return tuple(lv + 1 for lv in lvs)
                    lax.fori_loop(0, 32, edge,
                                  (zl, zl + 32, zl + 64, zl + 96), unroll=8)

        def issue_scatters(t):
            buf = lax.rem(t, NB)

            @pl.when(chunk_of(t) < NCHUNK)
            def _():
                for j in range(K):
                    idx_row = idx_v.at[buf, j]
                    pltpu.async_copy(
                        msg_v.at[buf, pl.ds(j * BLK, BLK)], acc_sh.at[idx_row],
                        sc_sem.at[buf], add=True)
                    pltpu.async_copy(
                        ones_v, cnt_sh.at[idx_row], sc_sem.at[buf], add=True)

        def wait_scatters(t):
            buf = lax.rem(t, NB)

            @pl.when((t >= 0) & (chunk_of(t) < NCHUNK))
            def _():
                for j in range(K):
                    idx_row = idx_v.at[buf, j]
                    pltpu.make_async_copy(
                        msg_v.at[buf, pl.ds(j * BLK, BLK)], acc_sh.at[idx_row],
                        sc_sem.at[buf]).wait()
                    pltpu.make_async_copy(
                        ones_v, cnt_sh.at[idx_row], sc_sem.at[buf]).wait()

        def wait_load(t):
            buf = lax.rem(t, NB)
            c = chunk_of(t)

            @pl.when(c < NCHUNK)
            def _():
                for d in load_descs(c, buf):
                    d.wait()

        for t in range(LOOKAHEAD):
            start_load(jnp.int32(t))

        def trip(t, _):
            wait_scatters(t + LOOKAHEAD - NB)
            start_load(t + LOOKAHEAD)
            wait_load(t)
            transpose_chunk(t)
            issue_scatters(t)
            return 0
        lax.fori_loop(0, TRIPS, trip, 0)

        for t in range(TRIPS - (NB - LOOKAHEAD), TRIPS):
            wait_scatters(jnp.int32(t))
        plsc.subcore_barrier()

        pltpu.sync_copy(acc_sh.at[pl.ds(node_lo, NODES_PER_TILE)], stage_v)
        pltpu.sync_copy(stage_v, msg_out.at[cid, pl.ds(node_lo, NODES_PER_TILE)])

        pltpu.sync_copy(cnt_sh.at[pl.ds(node_lo, NODES_PER_TILE)], stage_v)
        pltpu.sync_copy(stage_v, cnt_out.at[cid, pl.ds(node_lo, NODES_PER_TILE)])

    return seg_kernel(ei4, ef4)


ROWS_PER_BLOCK = 1000


def _tc_dense_body(x_ref, w1_ref, b_ref, o_ref):
    o_ref[...] = jnp.dot(x_ref[...], w1_ref[...],
                         preferred_element_type=jnp.float32) + b_ref[...]


def _tc_dense(x, w1, b2d):
    grid = N // ROWS_PER_BLOCK
    return pl.pallas_call(
        _tc_dense_body,
        grid=(grid,),
        in_specs=[
            pl.BlockSpec((ROWS_PER_BLOCK, D_IN), lambda i: (i, 0)),
            pl.BlockSpec((D_IN, D_OUT), lambda i: (0, 0)),
            pl.BlockSpec((1, D_OUT), lambda i: (0, 0)),
        ],
        out_specs=pl.BlockSpec((ROWS_PER_BLOCK, D_OUT), lambda i: (i, 0)),
        out_shape=jax.ShapeDtypeStruct((N, D_OUT), jnp.float32),
    )(x, w1, b2d)


def _tc_combine_body(d_ref, m_ref, c_ref, w2_ref, o_ref):
    m = m_ref[0] + m_ref[1]
    c = c_ref[0] + c_ref[1]
    h_neigh = m / jnp.maximum(c, 1.0)
    acc = d_ref[...] + jnp.dot(h_neigh, w2_ref[...],
                               preferred_element_type=jnp.float32)
    o_ref[...] = jnp.maximum(acc, 0.0)


def _tc_combine(dense, msg_parts, cnt_parts, w2):
    grid = N // ROWS_PER_BLOCK
    return pl.pallas_call(
        _tc_combine_body,
        grid=(grid,),
        in_specs=[
            pl.BlockSpec((ROWS_PER_BLOCK, D_OUT), lambda i: (i, 0)),
            pl.BlockSpec((NC, ROWS_PER_BLOCK, E_DIM), lambda i: (0, i, 0)),
            pl.BlockSpec((NC, ROWS_PER_BLOCK, E_DIM), lambda i: (0, i, 0)),
            pl.BlockSpec((E_DIM, D_OUT), lambda i: (0, 0)),
        ],
        out_specs=pl.BlockSpec((ROWS_PER_BLOCK, D_OUT), lambda i: (i, 0)),
        out_shape=jax.ShapeDtypeStruct((N, D_OUT), jnp.float32),
    )(dense, msg_parts, cnt_parts, w2)


def kernel(nfeats, efeats, edge_index, W, b):
    ef4 = (efeats.reshape(E, E_DIM).T
           .reshape(2, 8, NBLK, BLK).transpose(0, 2, 1, 3))
    ei4 = edge_index.reshape(2, NBLK, BLK).transpose(1, 0, 2)
    msg_parts, cnt_parts = _sc_segment_sum(ei4, ef4)
    x = nfeats.reshape(N, D_IN)
    dense = _tc_dense(x, W[:D_IN], b.reshape(1, D_OUT))
    out = _tc_combine(dense, msg_parts, cnt_parts, W[D_IN:])
    return out.reshape(N, 1, D_OUT)

# --- scband reference (transcript-rebuilt; emitter-appended) ---
"""Pipeline reference for scband-sagelayer-76510547411433 (READ-ONLY COPY).

The authoritative reference and input builder live on the scoring server;
editing this copy changes nothing except your own understanding.
"""

import jax, jax.numpy as jnp
import numpy as np

N = 10000
E = 320000
D_IN = 128
E_DIM = 16
D_OUT = 128


def setup_inputs(seed: int = 0) -> dict:
    key = jax.random.key(seed)
    k1, k2, k3, k4 = jax.random.split(key, 4)
    nfeats = jax.random.normal(k1, (N, 1, D_IN), dtype=jnp.float32)
    efeats = jax.random.normal(k2, (E, 1, E_DIM), dtype=jnp.float32)
    edge_index = jax.random.randint(k3, (2, E), 0, N, dtype=jnp.int32)
    # W_apply: Linear(ndim_in + edim, ndim_out)
    W = jax.random.normal(k4, (D_IN + E_DIM, D_OUT), dtype=jnp.float32) / np.sqrt(D_IN + E_DIM)
    b = jnp.zeros((D_OUT,), dtype=jnp.float32)
    return {"nfeats": nfeats, "efeats": efeats, "edge_index": edge_index, "W": W, "b": b}


def reference(nfeats, efeats, edge_index, W, b):
    # DGL update_all(message=edge feats 'h', reduce=fn.mean('m','h_neigh')):
    # mean of incoming edge features at each destination node; 0 for isolated nodes.
    dst = edge_index[1]
    msg_sum = jax.ops.segment_sum(efeats, dst, num_segments=N)          # [N, 1, E_DIM]
    cnt = jax.ops.segment_sum(jnp.ones((E, 1, 1), jnp.float32), dst, num_segments=N)
    h_neigh = msg_sum / jnp.maximum(cnt, 1.0)
    h_cat = jnp.concatenate([nfeats, h_neigh], axis=2)                  # [N, 1, D_IN+E_DIM]
    h_new = jax.nn.relu(h_cat @ W + b)                                  # [N, 1, D_OUT]
    return h_new

if __name__ == "__main__":
    import jax
    _d = setup_inputs()
    print(jax.jit(kernel)(*tuple(_d.values())))

</pallas_src>

<mosaic_0001>
#map = affine_map<(d0, d1) -> (0, 0, 0)>
#map1 = affine_map<(d0, d1) -> (0, 0, 0, 0)>
module attributes {stable_mosaic.version = 14 : i64} {
  func.func @seg_kernel(%arg0: i32, %arg1: i32, %arg2: memref<2500x2x128xi32, #tpu.memory_space<hbm>>, %arg3: memref<2x2500x8x128xf32, #tpu.memory_space<hbm>>, %arg4: memref<2x10000x16xf32, #tpu.memory_space<hbm>>, %arg5: memref<2x10000x16xf32, #tpu.memory_space<hbm>>, %arg6: memref<5x4x128xi32, #tpu.memory_space<vmem>>, %arg7: memref<5x2x4x10x129xf32, #tpu.memory_space<vmem>>, %arg8: memref<5x512x16xf32, #tpu.memory_space<vmem>>, %arg9: memref<128x16xf32, #tpu.memory_space<vmem>>, %arg10: memref<625x16xf32, #tpu.memory_space<vmem>>, %arg11: memref<10000x16xf32, #tpu.memory_space<vmem_shared>>, %arg12: memref<10000x16xf32, #tpu.memory_space<vmem_shared>>, %arg13: memref<5x!tpu.dma_semaphore, #tpu.memory_space<semaphore_mem>>, %arg14: memref<5x!tpu.dma_semaphore, #tpu.memory_space<semaphore_mem>>) attributes {dimension_semantics = [#tpu.dimension_semantics<core_parallel>, #tpu.dimension_semantics<subcore_parallel>], iteration_bounds = array<i64: 2, 16>, scalar_prefetch = 0 : i64, scratch_operands = 9 : i64, tpu.core_type = #tpu.core_type<sc_vector_subcore>, window_params = [{transform_indices = #map}, {transform_indices = #map1}, {transform_indices = #map}, {transform_indices = #map}]} {
    %scan3A = arith.constant 0 : i32
    %scan3A_0 = arith.constant 0 : i32
    %scan3A_1 = arith.constant 128 : i32
    %scan3A_2 = arith.addi %scan3A_0, %scan3A_1 : i32
    %scan3A_3 = arith.constant 1 : i32
    %scan3A_4 = scf.for %scan3A_95 = %scan3A_0 to %scan3A_2 step %scan3A_3 iter_args(%scan3A_96 = %scan3A) -> (i32)  : i32 {
      %broadcast_in_dim3A = arith.constant 1.000000e+00 : f32
      %broadcast_in_dim3A_97 = vector.broadcast %broadcast_in_dim3A : f32 to vector<16xf32>
      %swap3A = arith.index_cast %scan3A_95 : i32 to index
      %swap3A_98 = arith.constant 0 : index
      %swap3A_99 = tpu.vector_load %arg9[%swap3A, %swap3A_98] {strides = array<i32>} : memref<128x16xf32, #tpu.memory_space<vmem>>, vector<16xf32>,
      tpu.vector_store %arg9[%swap3A, %swap3A_98], %broadcast_in_dim3A_97 {strides = array<i32>} : memref<128x16xf32, #tpu.memory_space<vmem>>, vector<16xf32>,
      %scan3A_100 = arith.constant 0 : i32
      scf.yield %scan3A_100 : i32
    }
    %scan3A_5 = arith.constant 128 : i32
    %scan3A_6 = arith.constant 0 : i32
    %scan3A_7 = arith.constant 0 : i32
    %scan3A_8 = arith.constant 625 : i32
    %scan3A_9 = arith.addi %scan3A_7, %scan3A_8 : i32
    %scan3A_10 = arith.constant 1 : i32
    %scan3A_11 = scf.for %scan3A_95 = %scan3A_7 to %scan3A_9 step %scan3A_10 iter_args(%scan3A_96 = %scan3A_6) -> (i32)  : i32 {
      %broadcast_in_dim3A = arith.constant 0.000000e+00 : f32
      %broadcast_in_dim3A_97 = vector.broadcast %broadcast_in_dim3A : f32 to vector<16xf32>
      %swap3A = arith.index_cast %scan3A_95 : i32 to index
      %swap3A_98 = arith.constant 0 : index
      %swap3A_99 = tpu.vector_load %arg10[%swap3A, %swap3A_98] {strides = array<i32>} : memref<625x16xf32, #tpu.memory_space<vmem>>, vector<16xf32>,
      tpu.vector_store %arg10[%swap3A, %swap3A_98], %broadcast_in_dim3A_97 {strides = array<i32>} : memref<625x16xf32, #tpu.memory_space<vmem>>, vector<16xf32>,
      %scan3A_100 = arith.constant 0 : i32
      scf.yield %scan3A_100 : i32
    }
    %scan3A_12 = arith.constant 625 : i32
    %mul3A = arith.constant 625 : i32
    %mul3A_13 = arith.muli %arg1, %mul3A : i32
    "tpu.region"() ({
      %run_scoped3A = tpu.sem_alloc : memref<!tpu.dma_semaphore, #tpu.memory_space<semaphore_mem>>
      %dma_start3A = arith.constant 0 : i32
      %dma_start3A_95 = tpu.memref_slice %arg11[%mul3A_13, %dma_start3A] : memref<10000x16xf32, #tpu.memory_space<vmem_shared>> -> memref<625x16xf32, #tpu.memory_space<vmem_shared>>
      %dma_start3A_96 = arith.constant 0 : i32
      %dma_start3A_97 = tpu.memref_slice %arg11[%mul3A_13, %dma_start3A_96] : memref<10000x16xf32, #tpu.memory_space<vmem_shared>> -> memref<625x16xf32, #tpu.memory_space<vmem_shared>>
      tpu.enqueue_dma source(%arg10 : memref<625x16xf32, #tpu.memory_space<vmem>>) target(%dma_start3A_97 : memref<625x16xf32, #tpu.memory_space<vmem_shared>>) target_semaphore(%run_scoped3A : memref<!tpu.dma_semaphore, #tpu.memory_space<semaphore_mem>>)
      %dma_wait3A = arith.constant 0 : i32
      %dma_wait3A_98 = tpu.memref_slice %arg11[%mul3A_13, %dma_wait3A] : memref<10000x16xf32, #tpu.memory_space<vmem_shared>> -> memref<625x16xf32, #tpu.memory_space<vmem_shared>>
      %dma_wait3A_99 = arith.constant 0 : i32
      %dma_wait3A_100 = tpu.memref_slice %arg11[%mul3A_13, %dma_wait3A_99] : memref<10000x16xf32, #tpu.memory_space<vmem_shared>> -> memref<625x16xf32, #tpu.memory_space<vmem_shared>>
      tpu.wait_dma2 semaphore(%run_scoped3A : memref<!tpu.dma_semaphore, #tpu.memory_space<semaphore_mem>>) src(%arg10 : memref<625x16xf32, #tpu.memory_space<vmem>>) dst(%dma_wait3A_100 : memref<625x16xf32, #tpu.memory_space<vmem_shared>>)
      tpu.yield
    }) : () -> ()
    "tpu.region"() ({
      %run_scoped3A = tpu.sem_alloc : memref<!tpu.dma_semaphore, #tpu.memory_space<semaphore_mem>>
      %dma_start3A = arith.constant 0 : i32
      %dma_start3A_95 = tpu.memref_slice %arg12[%mul3A_13, %dma_start3A] : memref<10000x16xf32, #tpu.memory_space<vmem_shared>> -> memref<625x16xf32, #tpu.memory_space<vmem_shared>>
      %dma_start3A_96 = arith.constant 0 : i32
      %dma_start3A_97 = tpu.memref_slice %arg12[%mul3A_13, %dma_start3A_96] : memref<10000x16xf32, #tpu.memory_space<vmem_shared>> -> memref<625x16xf32, #tpu.memory_space<vmem_shared>>
      tpu.enqueue_dma source(%arg10 : memref<625x16xf32, #tpu.memory_space<vmem>>) target(%dma_start3A_97 : memref<625x16xf32, #tpu.memory_space<vmem_shared>>) target_semaphore(%run_scoped3A : memref<!tpu.dma_semaphore, #tpu.memory_space<semaphore_mem>>)
      %dma_wait3A = arith.constant 0 : i32
      %dma_wait3A_98 = tpu.memref_slice %arg12[%mul3A_13, %dma_wait3A] : memref<10000x16xf32, #tpu.memory_space<vmem_shared>> -> memref<625x16xf32, #tpu.memory_space<vmem_shared>>
      %dma_wait3A_99 = arith.constant 0 : i32
      %dma_wait3A_100 = tpu.memref_slice %arg12[%mul3A_13, %dma_wait3A_99] : memref<10000x16xf32, #tpu.memory_space<vmem_shared>> -> memref<625x16xf32, #tpu.memory_space<vmem_shared>>
      tpu.wait_dma2 semaphore(%run_scoped3A : memref<!tpu.dma_semaphore, #tpu.memory_space<semaphore_mem>>) src(%arg10 : memref<625x16xf32, #tpu.memory_space<vmem>>) dst(%dma_wait3A_100 : memref<625x16xf32, #tpu.memory_space<vmem_shared>>)
      tpu.yield
    }) : () -> ()
    %barrier3A = arith.constant 0 : index
    tpu.barrier barrier_id(%barrier3A)
    %mul3A_14 = arith.constant 2 : i32
    %mul3A_15 = arith.muli %arg1, %mul3A_14 : i32
    %add3A = arith.addi %mul3A_15, %arg0 : i32
    %iota3A = tpu.iota {dimensions = array<i32: 0>} : vector<16xi32>
    %shift_right_logical3A = arith.constant 3 : i32
    %shift_right_logical3A_16 = vector.broadcast %shift_right_logical3A : i32 to vector<16xi32>
    %shift_right_logical3A_17 = arith.shrui %iota3A, %shift_right_logical3A_16 : vector<16xi32>
    %and3A = arith.constant 7 : i32
    %and3A_18 = vector.broadcast %and3A : i32 to vector<16xi32>
    %and3A_19 = arith.andi %iota3A, %and3A_18 : vector<16xi32>
    %rem3A = arith.constant 0 : i32
    %rem3A_20 = arith.constant 5 : i32
    %rem3A_21 = arith.remsi %rem3A, %rem3A_20 : i32
    %mul3A_22 = arith.constant 0 : i32
    %mul3A_23 = arith.constant 32 : i32
    %mul3A_24 = arith.muli %mul3A_22, %mul3A_23 : i32
    %add3A_25 = arith.addi %add3A, %mul3A_24 : i32
    %lt3A = arith.constant 625 : i32
    %lt3A_26 = arith.cmpi slt, %add3A_25, %lt3A : i32
    %convert_element_type3A = arith.extui %lt3A_26 : i1 to i32
    %cond3A = arith.constant 0 : i32
    %cond3A_27 = arith.cmpi ne, %convert_element_type3A, %cond3A : i32
    scf.if %cond3A_27 {
      %mul3A_95 = arith.constant 4 : i32
      %mul3A_96 = arith.muli %add3A_25, %mul3A_95 : i32
      %mul3A_97 = arith.constant 4 : i32
      %mul3A_98 = arith.muli %add3A_25, %mul3A_97 : i32
      %dma_start3A = arith.constant 1 : i32
      %dma_start3A_99 = arith.constant 0 : i32
      %dma_start3A_100 = arith.constant 0 : i32
      %dma_start3A_101 = tpu.memref_slice %arg6[%rem3A_21, %dma_start3A_99, %dma_start3A_100] : memref<5x4x128xi32, #tpu.memory_space<vmem>> -> memref<1x4x128xi32, #tpu.memory_space<vmem>>
      %dma_start3A_102 = tpu.memref_squeeze %dma_start3A_101 : memref<1x4x128xi32, #tpu.memory_space<vmem>> -> memref<4x128xi32, #tpu.memory_space<vmem>>
      %dma_start3A_103 = arith.constant 0 : i32
      %dma_start3A_104 = tpu.memref_slice %arg2[%mul3A_96, %dma_start3A, %dma_start3A_103] : memref<2500x2x128xi32, #tpu.memory_space<hbm>> -> memref<4x1x128xi32, #tpu.memory_space<hbm>>
      %dma_start3A_105 = tpu.memref_squeeze %dma_start3A_104 : memref<4x1x128xi32, #tpu.memory_space<hbm>> -> memref<4x128xi32, #tpu.memory_space<hbm>>
      %dma_start3A_106 = tpu.memref_slice %arg13[%rem3A_21] : memref<5x!tpu.dma_semaphore, #tpu.memory_space<semaphore_mem>> -> memref<1x!tpu.dma_semaphore, #tpu.memory_space<semaphore_mem>>
      %dma_start3A_107 = tpu.memref_squeeze %dma_start3A_106 : memref<1x!tpu.dma_semaphore, #tpu.memory_space<semaphore_mem>> -> memref<!tpu.dma_semaphore, #tpu.memory_space<semaphore_mem>>
      %dma_start3A_108 = arith.constant 0 : i32
      %dma_start3A_109 = arith.constant 0 : i32
      %dma_start3A_110 = tpu.memref_slice %arg6[%rem3A_21, %dma_start3A_108, %dma_start3A_109] : memref<5x4x128xi32, #tpu.memory_space<vmem>> -> memref<1x4x128xi32, #tpu.memory_space<vmem>>
      %dma_start3A_111 = tpu.memref_squeeze %dma_start3A_110 : memref<1x4x128xi32, #tpu.memory_space<vmem>> -> memref<4x128xi32, #tpu.memory_space<vmem>>
      %dma_start3A_112 = arith.constant 0 : i32
      %dma_start3A_113 = tpu.memref_slice %arg2[%mul3A_96, %dma_start3A, %dma_start3A_112] : memref<2500x2x128xi32, #tpu.memory_space<hbm>> -> memref<4x1x128xi32, #tpu.memory_space<hbm>>
      %dma_start3A_114 = tpu.memref_squeeze %dma_start3A_113 : memref<4x1x128xi32, #tpu.memory_space<hbm>> -> memref<4x128xi32, #tpu.memory_space<hbm>>
      tpu.enqueue_dma source(%dma_start3A_114 : memref<4x128xi32, #tpu.memory_space<hbm>>) target(%dma_start3A_111 : memref<4x128xi32, #tpu.memory_space<vmem>>) target_semaphore(%dma_start3A_107 : memref<!tpu.dma_semaphore, #tpu.memory_space<semaphore_mem>>)
      %dma_start3A_115 = arith.constant 0 : i32
      %dma_start3A_116 = arith.constant 0 : i32
      %dma_start3A_117 = arith.constant 0 : i32
      %dma_start3A_118 = arith.constant 0 : i32
      %dma_start3A_119 = tpu.memref_slice %arg7[%rem3A_21, %dma_start3A_115, %dma_start3A_116, %dma_start3A_117, %dma_start3A_118] : memref<5x2x4x10x129xf32, #tpu.memory_space<vmem>> -> memref<1x2x4x8x128xf32, #tpu.memory_space<vmem>>
      %dma_start3A_120 = tpu.memref_squeeze %dma_start3A_119 : memref<1x2x4x8x128xf32, #tpu.memory_space<vmem>> -> memref<2x4x8x128xf32, #tpu.memory_space<vmem>>
      %dma_start3A_121 = arith.constant 0 : i32
      %dma_start3A_122 = arith.constant 0 : i32
      %dma_start3A_123 = arith.constant 0 : i32
      %dma_start3A_124 = tpu.memref_slice %arg3[%dma_start3A_121, %mul3A_98, %dma_start3A_122, %dma_start3A_123] : memref<2x2500x8x128xf32, #tpu.memory_space<hbm>> -> memref<2x4x8x128xf32, #tpu.memory_space<hbm>>
      %dma_start3A_125 = tpu.memref_slice %arg13[%rem3A_21] : memref<5x!tpu.dma_semaphore, #tpu.memory_space<semaphore_mem>> -> memref<1x!tpu.dma_semaphore, #tpu.memory_space<semaphore_mem>>
      %dma_start3A_126 = tpu.memref_squeeze %dma_start3A_125 : memref<1x!tpu.dma_semaphore, #tpu.memory_space<semaphore_mem>> -> memref<!tpu.dma_semaphore, #tpu.memory_space<semaphore_mem>>
      %dma_start3A_127 = arith.constant 0 : i32
      %dma_start3A_128 = arith.constant 0 : i32
      %dma_start3A_129 = arith.constant 0 : i32
      %dma_start3A_130 = arith.constant 0 : i32
      %dma_start3A_131 = tpu.memref_slice %arg7[%rem3A_21, %dma_start3A_127, %dma_start3A_128, %dma_start3A_129, %dma_start3A_130] : memref<5x2x4x10x129xf32, #tpu.memory_space<vmem>> -> memref<1x2x4x8x128xf32, #tpu.memory_space<vmem>>
      %dma_start3A_132 = tpu.memref_squeeze %dma_start3A_131 : memref<1x2x4x8x128xf32, #tpu.memory_space<vmem>> -> memref<2x4x8x128xf32, #tpu.memory_space<vmem>>
      %dma_start3A_133 = arith.constant 0 : i32
      %dma_start3A_134 = arith.constant 0 : i32
      %dma_start3A_135 = arith.constant 0 : i32
      %dma_start3A_136 = tpu.memref_slice %arg3[%dma_start3A_133, %mul3A_98, %dma_start3A_134, %dma_start3A_135] : memref<2x2500x8x128xf32, #tpu.memory_space<hbm>> -> memref<2x4x8x128xf32, #tpu.memory_space<hbm>>
      tpu.enqueue_dma source(%dma_start3A_136 : memref<2x4x8x128xf32, #tpu.memory_space<hbm>>) target(%dma_start3A_132 : memref<2x4x8x128xf32, #tpu.memory_space<vmem>>) target_semaphore(%dma_start3A_126 : memref<!tpu.dma_semaphore, #tpu.memory_space<semaphore_mem>>)
    } else {
    }
    %rem3A_28 = arith.constant 1 : i32
    %rem3A_29 = arith.constant 5 : i32
    %rem3A_30 = arith.remsi %rem3A_28, %rem3A_29 : i32
    %mul3A_31 = arith.constant 1 : i32
    %mul3A_32 = arith.constant 32 : i32
    %mul3A_33 = arith.muli %mul3A_31, %mul3A_32 : i32
    %add3A_34 = arith.addi %add3A, %mul3A_33 : i32
    %lt3A_35 = arith.constant 625 : i32
    %lt3A_36 = arith.cmpi slt, %add3A_34, %lt3A_35 : i32
    %convert_element_type3A_37 = arith.extui %lt3A_36 : i1 to i32
    %cond3A_38 = arith.constant 0 : i32
    %cond3A_39 = arith.cmpi ne, %convert_element_type3A_37, %cond3A_38 : i32
    scf.if %cond3A_39 {
      %mul3A_95 = arith.constant 4 : i32
      %mul3A_96 = arith.muli %add3A_34, %mul3A_95 : i32
      %mul3A_97 = arith.constant 4 : i32
      %mul3A_98 = arith.muli %add3A_34, %mul3A_97 : i32
      %dma_start3A = arith.constant 1 : i32
      %dma_start3A_99 = arith.constant 0 : i32
      %dma_start3A_100 = arith.constant 0 : i32
      %dma_start3A_101 = tpu.memref_slice %arg6[%rem3A_30, %dma_start3A_99, %dma_start3A_100] : memref<5x4x128xi32, #tpu.memory_space<vmem>> -> memref<1x4x128xi32, #tpu.memory_space<vmem>>
      %dma_start3A_102 = tpu.memref_squeeze %dma_start3A_101 : memref<1x4x128xi32, #tpu.memory_space<vmem>> -> memref<4x128xi32, #tpu.memory_space<vmem>>
      %dma_start3A_103 = arith.constant 0 : i32
      %dma_start3A_104 = tpu.memref_slice %arg2[%mul3A_96, %dma_start3A, %dma_start3A_103] : memref<2500x2x128xi32, #tpu.memory_space<hbm>> -> memref<4x1x128xi32, #tpu.memory_space<hbm>>
      %dma_start3A_105 = tpu.memref_squeeze %dma_start3A_104 : memref<4x1x128xi32, #tpu.memory_space<hbm>> -> memref<4x128xi32, #tpu.memory_space<hbm>>
      %dma_start3A_106 = tpu.memref_slice %arg13[%rem3A_30] : memref<5x!tpu.dma_semaphore, #tpu.memory_space<semaphore_mem>> -> memref<1x!tpu.dma_semaphore, #tpu.memory_space<semaphore_mem>>
      %dma_start3A_107 = tpu.memref_squeeze %dma_start3A_106 : memref<1x!tpu.dma_semaphore, #tpu.memory_space<semaphore_mem>> -> memref<!tpu.dma_semaphore, #tpu.memory_space<semaphore_mem>>
      %dma_start3A_108 = arith.constant 0 : i32
      %dma_start3A_109 = arith.constant 0 : i32
      %dma_start3A_110 = tpu.memref_slice %arg6[%rem3A_30, %dma_start3A_108, %dma_start3A_109] : memref<5x4x128xi32, #tpu.memory_space<vmem>> -> memref<1x4x128xi32, #tpu.memory_space<vmem>>
      %dma_start3A_111 = tpu.memref_squeeze %dma_start3A_110 : memref<1x4x128xi32, #tpu.memory_space<vmem>> -> memref<4x128xi32, #tpu.memory_space<vmem>>
      %dma_start3A_112 = arith.constant 0 : i32
      %dma_start3A_113 = tpu.memref_slice %arg2[%mul3A_96, %dma_start3A, %dma_start3A_112] : memref<2500x2x128xi32, #tpu.memory_space<hbm>> -> memref<4x1x128xi32, #tpu.memory_space<hbm>>
      %dma_start3A_114 = tpu.memref_squeeze %dma_start3A_113 : memref<4x1x128xi32, #tpu.memory_space<hbm>> -> memref<4x128xi32, #tpu.memory_space<hbm>>
      tpu.enqueue_dma source(%dma_start3A_114 : memref<4x128xi32, #tpu.memory_space<hbm>>) target(%dma_start3A_111 : memref<4x128xi32, #tpu.memory_space<vmem>>) target_semaphore(%dma_start3A_107 : memref<!tpu.dma_semaphore, #tpu.memory_space<semaphore_mem>>)
      %dma_start3A_115 = arith.constant 0 : i32
      %dma_start3A_116 = arith.constant 0 : i32
      %dma_start3A_117 = arith.constant 0 : i32
      %dma_start3A_118 = arith.constant 0 : i32
      %dma_start3A_119 = tpu.memref_slice %arg7[%rem3A_30, %dma_start3A_115, %dma_start3A_116, %dma_start3A_117, %dma_start3A_118] : memref<5x2x4x10x129xf32, #tpu.memory_space<vmem>> -> memref<1x2x4x8x128xf32, #tpu.memory_space<vmem>>
      %dma_start3A_120 = tpu.memref_squeeze %dma_start3A_119 : memref<1x2x4x8x128xf32, #tpu.memory_space<vmem>> -> memref<2x4x8x128xf32, #tpu.memory_space<vmem>>
      %dma_start3A_121 = arith.constant 0 : i32
      %dma_start3A_122 = arith.constant 0 : i32
      %dma_start3A_123 = arith.constant 0 : i32
      %dma_start3A_124 = tpu.memref_slice %arg3[%dma_start3A_121, %mul3A_98, %dma_start3A_122, %dma_start3A_123] : memref<2x2500x8x128xf32, #tpu.memory_space<hbm>> -> memref<2x4x8x128xf32, #tpu.memory_space<hbm>>
      %dma_start3A_125 = tpu.memref_slice %arg13[%rem3A_30] : memref<5x!tpu.dma_semaphore, #tpu.memory_space<semaphore_mem>> -> memref<1x!tpu.dma_semaphore, #tpu.memory_space<semaphore_mem>>
      %dma_start3A_126 = tpu.memref_squeeze %dma_start3A_125 : memref<1x!tpu.dma_semaphore, #tpu.memory_space<semaphore_mem>> -> memref<!tpu.dma_semaphore, #tpu.memory_space<semaphore_mem>>
      %dma_start3A_127 = arith.constant 0 : i32
      %dma_start3A_128 = arith.constant 0 : i32
      %dma_start3A_129 = arith.constant 0 : i32
      %dma_start3A_130 = arith.constant 0 : i32
      %dma_start3A_131 = tpu.memref_slice %arg7[%rem3A_30, %dma_start3A_127, %dma_start3A_128, %dma_start3A_129, %dma_start3A_130] : memref<5x2x4x10x129xf32, #tpu.memory_space<vmem>> -> memref<1x2x4x8x128xf32, #tpu.memory_space<vmem>>
      %dma_start3A_132 = tpu.memref_squeeze %dma_start3A_131 : memref<1x2x4x8x128xf32, #tpu.memory_space<vmem>> -> memref<2x4x8x128xf32, #tpu.memory_space<vmem>>
      %dma_start3A_133 = arith.constant 0 : i32
      %dma_start3A_134 = arith.constant 0 : i32
      %dma_start3A_135 = arith.constant 0 : i32
      %dma_start3A_136 = tpu.memref_slice %arg3[%dma_start3A_133, %mul3A_98, %dma_start3A_134, %dma_start3A_135] : memref<2x2500x8x128xf32, #tpu.memory_space<hbm>> -> memref<2x4x8x128xf32, #tpu.memory_space<hbm>>
      tpu.enqueue_dma source(%dma_start3A_136 : memref<2x4x8x128xf32, #tpu.memory_space<hbm>>) target(%dma_start3A_132 : memref<2x4x8x128xf32, #tpu.memory_space<vmem>>) target_semaphore(%dma_start3A_126 : memref<!tpu.dma_semaphore, #tpu.memory_space<semaphore_mem>>)
    } else {
    }
    %scan3A_40 = arith.constant 0 : i32
    %scan3A_41 = arith.constant 0 : i32
    %scan3A_42 = arith.constant 20 : i32
    %scan3A_43 = arith.addi %scan3A_41, %scan3A_42 : i32
    %scan3A_44 = arith.constant 1 : i32
    %scan3A_45 = scf.for %scan3A_95 = %scan3A_41 to %scan3A_43 step %scan3A_44 iter_args(%scan3A_96 = %scan3A_40) -> (i32)  : i32 {
      %add3A_97 = arith.constant 2 : i32
      %add3A_98 = arith.addi %scan3A_95, %add3A_97 : i32
      %sub3A = arith.constant 5 : i32
      %sub3A_99 = arith.subi %add3A_98, %sub3A : i32
      %rem3A_100 = arith.constant 5 : i32
      %rem3A_101 = arith.remsi %sub3A_99, %rem3A_100 : i32
      %ge3A_102 = arith.constant 0 : i32
      %ge3A_103 = arith.cmpi sge, %sub3A_99, %ge3A_102 : i32
      %mul3A_104 = arith.constant 32 : i32
      %mul3A_105 = arith.muli %sub3A_99, %mul3A_104 : i32
      %add3A_106 = arith.addi %add3A, %mul3A_105 : i32
      %lt3A_107 = arith.constant 625 : i32
      %lt3A_108 = arith.cmpi slt, %add3A_106, %lt3A_107 : i32
      %and3A_109 = arith.andi %ge3A_103, %lt3A_108 : i1
      %convert_element_type3A_110 = arith.extui %and3A_109 : i1 to i32
      %cond3A_111 = arith.constant 0 : i32
      %cond3A_112 = arith.cmpi ne, %convert_element_type3A_110, %cond3A_111 : i32
      scf.if %cond3A_112 {
        %dma_wait3A = arith.constant 0 : i32
        %dma_wait3A_159 = arith.constant 0 : i32
        %dma_wait3A_160 = arith.constant 0 : i32
        %dma_wait3A_161 = tpu.memref_slice %arg8[%rem3A_101, %dma_wait3A_159, %dma_wait3A_160] : memref<5x512x16xf32, #tpu.memory_space<vmem>> -> memref<1x128x16xf32, #tpu.memory_space<vmem>>
        %dma_wait3A_162 = tpu.memref_squeeze %dma_wait3A_161 : memref<1x128x16xf32, #tpu.memory_space<vmem>> -> memref<128x16xf32, #tpu.memory_space<vmem>>
        %dma_wait3A_163 = arith.constant 0 : i32
        %dma_wait3A_164 = tpu.memref_slice %arg6[%rem3A_101, %dma_wait3A, %dma_wait3A_163] : memref<5x4x128xi32, #tpu.memory_space<vmem>> -> memref<1x1x128xi32, #tpu.memory_space<vmem>>
        %dma_wait3A_165 = tpu.memref_squeeze %dma_wait3A_164 : memref<1x1x128xi32, #tpu.memory_space<vmem>> -> memref<128xi32, #tpu.memory_space<vmem>>
        %dma_wait3A_166 = arith.constant 0 : i32
        %dma_wait3A_167 = arith.constant 0 : i32
        %dma_wait3A_168 = tpu.memref_slice %arg11[%dma_wait3A_166, %dma_wait3A_167] : memref<10000x16xf32, #tpu.memory_space<vmem_shared>> -> memref<10000x16xf32, #tpu.memory_space<vmem_shared>>
        %dma_wait3A_169 = tpu.memref_slice %arg14[%rem3A_101] : memref<5x!tpu.dma_semaphore, #tpu.memory_space<semaphore_mem>> -> memref<1x!tpu.dma_semaphore, #tpu.memory_space<semaphore_mem>>
        %dma_wait3A_170 = tpu.memref_squeeze %dma_wait3A_169 : memref<1x!tpu.dma_semaphore, #tpu.memory_space<semaphore_mem>> -> memref<!tpu.dma_semaphore, #tpu.memory_space<semaphore_mem>>
        tpu.wait_indirect_dma semaphore(%dma_wait3A_170 : memref<!tpu.dma_semaphore, #tpu.memory_space<semaphore_mem>>) src(%dma_wait3A_162 : memref<128x16xf32, #tpu.memory_space<vmem>>) dst(%dma_wait3A_168 : memref<10000x16xf32, #tpu.memory_space<vmem_shared>>)
        %dma_wait3A_171 = arith.constant 0 : i32
        %dma_wait3A_172 = arith.constant 0 : i32
        %dma_wait3A_173 = tpu.memref_slice %arg6[%rem3A_101, %dma_wait3A_171, %dma_wait3A_172] : memref<5x4x128xi32, #tpu.memory_space<vmem>> -> memref<1x1x128xi32, #tpu.memory_space<vmem>>
        %dma_wait3A_174 = tpu.memref_squeeze %dma_wait3A_173 : memref<1x1x128xi32, #tpu.memory_space<vmem>> -> memref<128xi32, #tpu.memory_space<vmem>>
        %dma_wait3A_175 = arith.constant 0 : i32
        %dma_wait3A_176 = arith.constant 0 : i32
        %dma_wait3A_177 = tpu.memref_slice %arg12[%dma_wait3A_175, %dma_wait3A_176] : memref<10000x16xf32, #tpu.memory_space<vmem_shared>> -> memref<10000x16xf32, #tpu.memory_space<vmem_shared>>
        %dma_wait3A_178 = tpu.memref_slice %arg14[%rem3A_101] : memref<5x!tpu.dma_semaphore, #tpu.memory_space<semaphore_mem>> -> memref<1x!tpu.dma_semaphore, #tpu.memory_space<semaphore_mem>>
        %dma_wait3A_179 = tpu.memref_squeeze %dma_wait3A_178 : memref<1x!tpu.dma_semaphore, #tpu.memory_space<semaphore_mem>> -> memref<!tpu.dma_semaphore, #tpu.memory_space<semaphore_mem>>
        tpu.wait_indirect_dma semaphore(%dma_wait3A_179 : memref<!tpu.dma_semaphore, #tpu.memory_space<semaphore_mem>>) src(%arg9 : memref<128x16xf32, #tpu.memory_space<vmem>>) dst(%dma_wait3A_177 : memref<10000x16xf32, #tpu.memory_space<vmem_shared>>)
        %dma_wait3A_180 = arith.constant 1 : i32
        %dma_wait3A_181 = arith.constant 128 : i32
        %dma_wait3A_182 = arith.constant 0 : i32
        %dma_wait3A_183 = tpu.memref_slice %arg8[%rem3A_101, %dma_wait3A_181, %dma_wait3A_182] : memref<5x512x16xf32, #tpu.memory_space<vmem>> -> memref<1x128x16xf32, #tpu.memory_space<vmem>>
        %dma_wait3A_184 = tpu.memref_squeeze %dma_wait3A_183 : memref<1x128x16xf32, #tpu.memory_space<vmem>> -> memref<128x16xf32, #tpu.memory_space<vmem>>
        %dma_wait3A_185 = arith.constant 0 : i32
        %dma_wait3A_186 = tpu.memref_slice %arg6[%rem3A_101, %dma_wait3A_180, %dma_wait3A_185] : memref<5x4x128xi32, #tpu.memory_space<vmem>> -> memref<1x1x128xi32, #tpu.memory_space<vmem>>
        %dma_wait3A_187 = tpu.memref_squeeze %dma_wait3A_186 : memref<1x1x128xi32, #tpu.memory_space<vmem>> -> memref<128xi32, #tpu.memory_space<vmem>>
        %dma_wait3A_188 = arith.constant 0 : i32
        %dma_wait3A_189 = arith.constant 0 : i32
        %dma_wait3A_190 = tpu.memref_slice %arg11[%dma_wait3A_188, %dma_wait3A_189] : memref<10000x16xf32, #tpu.memory_space<vmem_shared>> -> memref<10000x16xf32, #tpu.memory_space<vmem_shared>>
        %dma_wait3A_191 = tpu.memref_slice %arg14[%rem3A_101] : memref<5x!tpu.dma_semaphore, #tpu.memory_space<semaphore_mem>> -> memref<1x!tpu.dma_semaphore, #tpu.memory_space<semaphore_mem>>
        %dma_wait3A_192 = tpu.memref_squeeze %dma_wait3A_191 : memref<1x!tpu.dma_semaphore, #tpu.memory_space<semaphore_mem>> -> memref<!tpu.dma_semaphore, #tpu.memory_space<semaphore_mem>>
        tpu.wait_indirect_dma semaphore(%dma_wait3A_192 : memref<!tpu.dma_semaphore, #tpu.memory_space<semaphore_mem>>) src(%dma_wait3A_184 : memref<128x16xf32, #tpu.memory_space<vmem>>) dst(%dma_wait3A_190 : memref<10000x16xf32, #tpu.memory_space<vmem_shared>>)
        %dma_wait3A_193 = arith.constant 1 : i32
        %dma_wait3A_194 = arith.constant 0 : i32
        %dma_wait3A_195 = tpu.memref_slice %arg6[%rem3A_101, %dma_wait3A_193, %dma_wait3A_194] : memref<5x4x128xi32, #tpu.memory_space<vmem>> -> memref<1x1x128xi32, #tpu.memory_space<vmem>>
        %dma_wait3A_196 = tpu.memref_squeeze %dma_wait3A_195 : memref<1x1x128xi32, #tpu.memory_space<vmem>> -> memref<128xi32, #tpu.memory_space<vmem>>
        %dma_wait3A_197 = arith.constant 0 : i32
        %dma_wait3A_198 = arith.constant 0 : i32
        %dma_wait3A_199 = tpu.memref_slice %arg12[%dma_wait3A_197, %dma_wait3A_198] : memref<10000x16xf32, #tpu.memory_space<vmem_shared>> -> memref<10000x16xf32, #tpu.memory_space<vmem_shared>>
        %dma_wait3A_200 = tpu.memref_slice %arg14[%rem3A_101] : memref<5x!tpu.dma_semaphore, #tpu.memory_space<semaphore_mem>> -> memref<1x!tpu.dma_semaphore, #tpu.memory_space<semaphore_mem>>
        %dma_wait3A_201 = tpu.memref_squeeze %dma_wait3A_200 : memref<1x!tpu.dma_semaphore, #tpu.memory_space<semaphore_mem>> -> memref<!tpu.dma_semaphore, #tpu.memory_space<semaphore_mem>>
        tpu.wait_indirect_dma semaphore(%dma_wait3A_201 : memref<!tpu.dma_semaphore, #tpu.memory_space<semaphore_mem>>) src(%arg9 : memref<128x16xf32, #tpu.memory_space<vmem>>) dst(%dma_wait3A_199 : memref<10000x16xf32, #tpu.memory_space<vmem_shared>>)
        %dma_wait3A_202 = arith.constant 2 : i32
        %dma_wait3A_203 = arith.constant 256 : i32
        %dma_wait3A_204 = arith.constant 0 : i32
        %dma_wait3A_205 = tpu.memref_slice %arg8[%rem3A_101, %dma_wait3A_203, %dma_wait3A_204] : memref<5x512x16xf32, #tpu.memory_space<vmem>> -> memref<1x128x16xf32, #tpu.memory_space<vmem>>
        %dma_wait3A_206 = tpu.memref_squeeze %dma_wait3A_205 : memref<1x128x16xf32, #tpu.memory_space<vmem>> -> memref<128x16xf32, #tpu.memory_space<vmem>>
        %dma_wait3A_207 = arith.constant 0 : i32
        %dma_wait3A_208 = tpu.memref_slice %arg6[%rem3A_101, %dma_wait3A_202, %dma_wait3A_207] : memref<5x4x128xi32, #tpu.memory_space<vmem>> -> memref<1x1x128xi32, #tpu.memory_space<vmem>>
        %dma_wait3A_209 = tpu.memref_squeeze %dma_wait3A_208 : memref<1x1x128xi32, #tpu.memory_space<vmem>> -> memref<128xi32, #tpu.memory_space<vmem>>
        %dma_wait3A_210 = arith.constant 0 : i32
        %dma_wait3A_211 = arith.constant 0 : i32
        %dma_wait3A_212 = tpu.memref_slice %arg11[%dma_wait3A_210, %dma_wait3A_211] : memref<10000x16xf32, #tpu.memory_space<vmem_shared>> -> memref<10000x16xf32, #tpu.memory_space<vmem_shared>>
        %dma_wait3A_213 = tpu.memref_slice %arg14[%rem3A_101] : memref<5x!tpu.dma_semaphore, #tpu.memory_space<semaphore_mem>> -> memref<1x!tpu.dma_semaphore, #tpu.memory_space<semaphore_mem>>
        %dma_wait3A_214 = tpu.memref_squeeze %dma_wait3A_213 : memref<1x!tpu.dma_semaphore, #tpu.memory_space<semaphore_mem>> -> memref<!tpu.dma_semaphore, #tpu.memory_space<semaphore_mem>>
        tpu.wait_indirect_dma semaphore(%dma_wait3A_214 : memref<!tpu.dma_semaphore, #tpu.memory_space<semaphore_mem>>) src(%dma_wait3A_206 : memref<128x16xf32, #tpu.memory_space<vmem>>) dst(%dma_wait3A_212 : memref<10000x16xf32, #tpu.memory_space<vmem_shared>>)
        %dma_wait3A_215 = arith.constant 2 : i32
        %dma_wait3A_216 = arith.constant 0 : i32
        %dma_wait3A_217 = tpu.memref_slice %arg6[%rem3A_101, %dma_wait3A_215, %dma_wait3A_216] : memref<5x4x128xi32, #tpu.memory_space<vmem>> -> memref<1x1x128xi32, #tpu.memory_space<vmem>>
        %dma_wait3A_218 = tpu.memref_squeeze %dma_wait3A_217 : memref<1x1x128xi32, #tpu.memory_space<vmem>> -> memref<128xi32, #tpu.memory_space<vmem>>
        %dma_wait3A_219 = arith.constant 0 : i32
        %dma_wait3A_220 = arith.constant 0 : i32
        %dma_wait3A_221 = tpu.memref_slice %arg12[%dma_wait3A_219, %dma_wait3A_220] : memref<10000x16xf32, #tpu.memory_space<vmem_shared>> -> memref<10000x16xf32, #tpu.memory_space<vmem_shared>>
        %dma_wait3A_222 = tpu.memref_slice %arg14[%rem3A_101] : memref<5x!tpu.dma_semaphore, #tpu.memory_space<semaphore_mem>> -> memref<1x!tpu.dma_semaphore, #tpu.memory_space<semaphore_mem>>
        %dma_wait3A_223 = tpu.memref_squeeze %dma_wait3A_222 : memref<1x!tpu.dma_semaphore, #tpu.memory_space<semaphore_mem>> -> memref<!tpu.dma_semaphore, #tpu.memory_space<semaphore_mem>>
        tpu.wait_indirect_dma semaphore(%dma_wait3A_223 : memref<!tpu.dma_semaphore, #tpu.memory_space<semaphore_mem>>) src(%arg9 : memref<128x16xf32, #tpu.memory_space<vmem>>) dst(%dma_wait3A_221 : memref<10000x16xf32, #tpu.memory_space<vmem_shared>>)
        %dma_wait3A_224 = arith.constant 3 : i32
        %dma_wait3A_225 = arith.constant 384 : i32
        %dma_wait3A_226 = arith.constant 0 : i32
        %dma_wait3A_227 = tpu.memref_slice %arg8[%rem3A_101, %dma_wait3A_225, %dma_wait3A_226] : memref<5x512x16xf32, #tpu.memory_space<vmem>> -> memref<1x128x16xf32, #tpu.memory_space<vmem>>
        %dma_wait3A_228 = tpu.memref_squeeze %dma_wait3A_227 : memref<1x128x16xf32, #tpu.memory_space<vmem>> -> memref<128x16xf32, #tpu.memory_space<vmem>>
        %dma_wait3A_229 = arith.constant 0 : i32
        %dma_wait3A_230 = tpu.memref_slice %arg6[%rem3A_101, %dma_wait3A_224, %dma_wait3A_229] : memref<5x4x128xi32, #tpu.memory_space<vmem>> -> memref<1x1x128xi32, #tpu.memory_space<vmem>>
        %dma_wait3A_231 = tpu.memref_squeeze %dma_wait3A_230 : memref<1x1x128xi32, #tpu.memory_space<vmem>> -> memref<128xi32, #tpu.memory_space<vmem>>
        %dma_wait3A_232 = arith.constant 0 : i32
        %dma_wait3A_233 = arith.constant 0 : i32
        %dma_wait3A_234 = tpu.memref_slice %arg11[%dma_wait3A_232, %dma_wait3A_233] : memref<10000x16xf32, #tpu.memory_space<vmem_shared>> -> memref<10000x16xf32, #tpu.memory_space<vmem_shared>>
        %dma_wait3A_235 = tpu.memref_slice %arg14[%rem3A_101] : memref<5x!tpu.dma_semaphore, #tpu.memory_space<semaphore_mem>> -> memref<1x!tpu.dma_semaphore, #tpu.memory_space<semaphore_mem>>
        %dma_wait3A_236 = tpu.memref_squeeze %dma_wait3A_235 : memref<1x!tpu.dma_semaphore, #tpu.memory_space<semaphore_mem>> -> memref<!tpu.dma_semaphore, #tpu.memory_space<semaphore_mem>>
        tpu.wait_indirect_dma semaphore(%dma_wait3A_236 : memref<!tpu.dma_semaphore, #tpu.memory_space<semaphore_mem>>) src(%dma_wait3A_228 : memref<128x16xf32, #tpu.memory_space<vmem>>) dst(%dma_wait3A_234 : memref<10000x16xf32, #tpu.memory_space<vmem_shared>>)
        %dma_wait3A_237 = arith.constant 3 : i32
        %dma_wait3A_238 = arith.constant 0 : i32
        %dma_wait3A_239 = tpu.memref_slice %arg6[%rem3A_101, %dma_wait3A_237, %dma_wait3A_238] : memref<5x4x128xi32, #tpu.memory_space<vmem>> -> memref<1x1x128xi32, #tpu.memory_space<vmem>>
        %dma_wait3A_240 = tpu.memref_squeeze %dma_wait3A_239 : memref<1x1x128xi32, #tpu.memory_space<vmem>> -> memref<128xi32, #tpu.memory_space<vmem>>
        %dma_wait3A_241 = arith.constant 0 : i32
        %dma_wait3A_242 = arith.constant 0 : i32
        %dma_wait3A_243 = tpu.memref_slice %arg12[%dma_wait3A_241, %dma_wait3A_242] : memref<10000x16xf32, #tpu.memory_space<vmem_shared>> -> memref<10000x16xf32, #tpu.memory_space<vmem_shared>>
        %dma_wait3A_244 = tpu.memref_slice %arg14[%rem3A_101] : memref<5x!tpu.dma_semaphore, #tpu.memory_space<semaphore_mem>> -> memref<1x!tpu.dma_semaphore, #tpu.memory_space<semaphore_mem>>
        %dma_wait3A_245 = tpu.memref_squeeze %dma_wait3A_244 : memref<1x!tpu.dma_semaphore, #tpu.memory_space<semaphore_mem>> -> memref<!tpu.dma_semaphore, #tpu.memory_space<semaphore_mem>>
        tpu.wait_indirect_dma semaphore(%dma_wait3A_245 : memref<!tpu.dma_semaphore, #tpu.memory_space<semaphore_mem>>) src(%arg9 : memref<128x16xf32, #tpu.memory_space<vmem>>) dst(%dma_wait3A_243 : memref<10000x16xf32, #tpu.memory_space<vmem_shared>>)
      } else {
      }
      %add3A_113 = arith.constant 2 : i32
      %add3A_114 = arith.addi %scan3A_95, %add3A_113 : i32
      %rem3A_115 = arith.constant 5 : i32
      %rem3A_116 = arith.remsi %add3A_114, %rem3A_115 : i32
      %mul3A_117 = arith.constant 32 : i32
      %mul3A_118 = arith.muli %add3A_114, %mul3A_117 : i32
      %add3A_119 = arith.addi %add3A, %mul3A_118 : i32
      %lt3A_120 = arith.constant 625 : i32
      %lt3A_121 = arith.cmpi slt, %add3A_119, %lt3A_120 : i32
      %convert_element_type3A_122 = arith.extui %lt3A_121 : i1 to i32
      %cond3A_123 = arith.constant 0 : i32
      %cond3A_124 = arith.cmpi ne, %convert_element_type3A_122, %cond3A_123 : i32
      scf.if %cond3A_124 {
        %mul3A_159 = arith.constant 4 : i32
        %mul3A_160 = arith.muli %add3A_119, %mul3A_159 : i32
        %mul3A_161 = arith.constant 4 : i32
        %mul3A_162 = arith.muli %add3A_119, %mul3A_161 : i32
        %dma_start3A = arith.constant 1 : i32
        %dma_start3A_163 = arith.constant 0 : i32
        %dma_start3A_164 = arith.constant 0 : i32
        %dma_start3A_165 = tpu.memref_slice %arg6[%rem3A_116, %dma_start3A_163, %dma_start3A_164] : memref<5x4x128xi32, #tpu.memory_space<vmem>> -> memref<1x4x128xi32, #tpu.memory_space<vmem>>
        %dma_start3A_166 = tpu.memref_squeeze %dma_start3A_165 : memref<1x4x128xi32, #tpu.memory_space<vmem>> -> memref<4x128xi32, #tpu.memory_space<vmem>>
        %dma_start3A_167 = arith.constant 0 : i32
        %dma_start3A_168 = tpu.memref_slice %arg2[%mul3A_160, %dma_start3A, %dma_start3A_167] : memref<2500x2x128xi32, #tpu.memory_space<hbm>> -> memref<4x1x128xi32, #tpu.memory_space<hbm>>
        %dma_start3A_169 = tpu.memref_squeeze %dma_start3A_168 : memref<4x1x128xi32, #tpu.memory_space<hbm>> -> memref<4x128xi32, #tpu.memory_space<hbm>>
        %dma_start3A_170 = tpu.memref_slice %arg13[%rem3A_116] : memref<5x!tpu.dma_semaphore, #tpu.memory_space<semaphore_mem>> -> memref<1x!tpu.dma_semaphore, #tpu.memory_space<semaphore_mem>>
        %dma_start3A_171 = tpu.memref_squeeze %dma_start3A_170 : memref<1x!tpu.dma_semaphore, #tpu.memory_space<semaphore_mem>> -> memref<!tpu.dma_semaphore, #tpu.memory_space<semaphore_mem>>
        %dma_start3A_172 = arith.constant 0 : i32
        %dma_start3A_173 = arith.constant 0 : i32
        %dma_start3A_174 = tpu.memref_slice %arg6[%rem3A_116, %dma_start3A_172, %dma_start3A_173] : memref<5x4x128xi32, #tpu.memory_space<vmem>> -> memref<1x4x128xi32, #tpu.memory_space<vmem>>
        %dma_start3A_175 = tpu.memref_squeeze %dma_start3A_174 : memref<1x4x128xi32, #tpu.memory_space<vmem>> -> memref<4x128xi32, #tpu.memory_space<vmem>>
        %dma_start3A_176 = arith.constant 0 : i32
        %dma_start3A_177 = tpu.memref_slice %arg2[%mul3A_160, %dma_start3A, %dma_start3A_176] : memref<2500x2x128xi32, #tpu.memory_space<hbm>> -> memref<4x1x128xi32, #tpu.memory_space<hbm>>
        %dma_start3A_178 = tpu.memref_squeeze %dma_start3A_177 : memref<4x1x128xi32, #tpu.memory_space<hbm>> -> memref<4x128xi32, #tpu.memory_space<hbm>>
        tpu.enqueue_dma source(%dma_start3A_178 : memref<4x128xi32, #tpu.memory_space<hbm>>) target(%dma_start3A_175 : memref<4x128xi32, #tpu.memory_space<vmem>>) target_semaphore(%dma_start3A_171 : memref<!tpu.dma_semaphore, #tpu.memory_space<semaphore_mem>>)
        %dma_start3A_179 = arith.constant 0 : i32
        %dma_start3A_180 = arith.constant 0 : i32
        %dma_start3A_181 = arith.constant 0 : i32
        %dma_start3A_182 = arith.constant 0 : i32
        %dma_start3A_183 = tpu.memref_slice %arg7[%rem3A_116, %dma_start3A_179, %dma_start3A_180, %dma_start3A_181, %dma_start3A_182] : memref<5x2x4x10x129xf32, #tpu.memory_space<vmem>> -> memref<1x2x4x8x128xf32, #tpu.memory_space<vmem>>
        %dma_start3A_184 = tpu.memref_squeeze %dma_start3A_183 : memref<1x2x4x8x128xf32, #tpu.memory_space<vmem>> -> memref<2x4x8x128xf32, #tpu.memory_space<vmem>>
        %dma_start3A_185 = arith.constant 0 : i32
        %dma_start3A_186 = arith.constant 0 : i32
        %dma_start3A_187 = arith.constant 0 : i32
        %dma_start3A_188 = tpu.memref_slice %arg3[%dma_start3A_185, %mul3A_162, %dma_start3A_186, %dma_start3A_187] : memref<2x2500x8x128xf32, #tpu.memory_space<hbm>> -> memref<2x4x8x128xf32, #tpu.memory_space<hbm>>
        %dma_start3A_189 = tpu.memref_slice %arg13[%rem3A_116] : memref<5x!tpu.dma_semaphore, #tpu.memory_space<semaphore_mem>> -> memref<1x!tpu.dma_semaphore, #tpu.memory_space<semaphore_mem>>
        %dma_start3A_190 = tpu.memref_squeeze %dma_start3A_189 : memref<1x!tpu.dma_semaphore, #tpu.memory_space<semaphore_mem>> -> memref<!tpu.dma_semaphore, #tpu.memory_space<semaphore_mem>>
        %dma_start3A_191 = arith.constant 0 : i32
        %dma_start3A_192 = arith.constant 0 : i32
        %dma_start3A_193 = arith.constant 0 : i32
        %dma_start3A_194 = arith.constant 0 : i32
        %dma_start3A_195 = tpu.memref_slice %arg7[%rem3A_116, %dma_start3A_191, %dma_start3A_192, %dma_start3A_193, %dma_start3A_194] : memref<5x2x4x10x129xf32, #tpu.memory_space<vmem>> -> memref<1x2x4x8x128xf32, #tpu.memory_space<vmem>>
        %dma_start3A_196 = tpu.memref_squeeze %dma_start3A_195 : memref<1x2x4x8x128xf32, #tpu.memory_space<vmem>> -> memref<2x4x8x128xf32, #tpu.memory_space<vmem>>
        %dma_start3A_197 = arith.constant 0 : i32
        %dma_start3A_198 = arith.constant 0 : i32
        %dma_start3A_199 = arith.constant 0 : i32
        %dma_start3A_200 = tpu.memref_slice %arg3[%dma_start3A_197, %mul3A_162, %dma_start3A_198, %dma_start3A_199] : memref<2x2500x8x128xf32, #tpu.memory_space<hbm>> -> memref<2x4x8x128xf32, #tpu.memory_space<hbm>>
        tpu.enqueue_dma source(%dma_start3A_200 : memref<2x4x8x128xf32, #tpu.memory_space<hbm>>) target(%dma_start3A_196 : memref<2x4x8x128xf32, #tpu.memory_space<vmem>>) target_semaphore(%dma_start3A_190 : memref<!tpu.dma_semaphore, #tpu.memory_space<semaphore_mem>>)
      } else {
      }
      %rem3A_125 = arith.constant 5 : i32
      %rem3A_126 = arith.remsi %scan3A_95, %rem3A_125 : i32
      %mul3A_127 = arith.constant 32 : i32
      %mul3A_128 = arith.muli %scan3A_95, %mul3A_127 : i32
      %add3A_129 = arith.addi %add3A, %mul3A_128 : i32
      %lt3A_130 = arith.constant 625 : i32
      %lt3A_131 = arith.cmpi slt, %add3A_129, %lt3A_130 : i32
      %convert_element_type3A_132 = arith.extui %lt3A_131 : i1 to i32
      %cond3A_133 = arith.constant 0 : i32
      %cond3A_134 = arith.cmpi ne, %convert_element_type3A_132, %cond3A_133 : i32
      scf.if %cond3A_134 {
        %mul3A_159 = arith.constant 4 : i32
        %mul3A_160 = arith.muli %add3A_129, %mul3A_159 : i32
        %mul3A_161 = arith.constant 4 : i32
        %mul3A_162 = arith.muli %add3A_129, %mul3A_161 : i32
        %dma_wait3A = arith.constant 1 : i32
        %dma_wait3A_163 = arith.constant 0 : i32
        %dma_wait3A_164 = arith.constant 0 : i32
        %dma_wait3A_165 = tpu.memref_slice %arg6[%rem3A_126, %dma_wait3A_163, %dma_wait3A_164] : memref<5x4x128xi32, #tpu.memory_space<vmem>> -> memref<1x4x128xi32, #tpu.memory_space<vmem>>
        %dma_wait3A_166 = tpu.memref_squeeze %dma_wait3A_165 : memref<1x4x128xi32, #tpu.memory_space<vmem>> -> memref<4x128xi32, #tpu.memory_space<vmem>>
        %dma_wait3A_167 = arith.constant 0 : i32
        %dma_wait3A_168 = tpu.memref_slice %arg2[%mul3A_160, %dma_wait3A, %dma_wait3A_167] : memref<2500x2x128xi32, #tpu.memory_space<hbm>> -> memref<4x1x128xi32, #tpu.memory_space<hbm>>
        %dma_wait3A_169 = tpu.memref_squeeze %dma_wait3A_168 : memref<4x1x128xi32, #tpu.memory_space<hbm>> -> memref<4x128xi32, #tpu.memory_space<hbm>>
        %dma_wait3A_170 = tpu.memref_slice %arg13[%rem3A_126] : memref<5x!tpu.dma_semaphore, #tpu.memory_space<semaphore_mem>> -> memref<1x!tpu.dma_semaphore, #tpu.memory_space<semaphore_mem>>
        %dma_wait3A_171 = tpu.memref_squeeze %dma_wait3A_170 : memref<1x!tpu.dma_semaphore, #tpu.memory_space<semaphore_mem>> -> memref<!tpu.dma_semaphore, #tpu.memory_space<semaphore_mem>>
        %dma_wait3A_172 = arith.constant 0 : i32
        %dma_wait3A_173 = arith.constant 0 : i32
        %dma_wait3A_174 = tpu.memref_slice %arg6[%rem3A_126, %dma_wait3A_172, %dma_wait3A_173] : memref<5x4x128xi32, #tpu.memory_space<vmem>> -> memref<1x4x128xi32, #tpu.memory_space<vmem>>
        %dma_wait3A_175 = tpu.memref_squeeze %dma_wait3A_174 : memref<1x4x128xi32, #tpu.memory_space<vmem>> -> memref<4x128xi32, #tpu.memory_space<vmem>>
        %dma_wait3A_176 = arith.constant 0 : i32
        %dma_wait3A_177 = tpu.memref_slice %arg2[%mul3A_160, %dma_wait3A, %dma_wait3A_176] : memref<2500x2x128xi32, #tpu.memory_space<hbm>> -> memref<4x1x128xi32, #tpu.memory_space<hbm>>
        %dma_wait3A_178 = tpu.memref_squeeze %dma_wait3A_177 : memref<4x1x128xi32, #tpu.memory_space<hbm>> -> memref<4x128xi32, #tpu.memory_space<hbm>>
        tpu.wait_dma2 semaphore(%dma_wait3A_171 : memref<!tpu.dma_semaphore, #tpu.memory_space<semaphore_mem>>) src(%dma_wait3A_178 : memref<4x128xi32, #tpu.memory_space<hbm>>) dst(%dma_wait3A_175 : memref<4x128xi32, #tpu.memory_space<vmem>>)
        %dma_wait3A_179 = arith.constant 0 : i32
        %dma_wait3A_180 = arith.constant 0 : i32
        %dma_wait3A_181 = arith.constant 0 : i32
        %dma_wait3A_182 = arith.constant 0 : i32
        %dma_wait3A_183 = tpu.memref_slice %arg7[%rem3A_126, %dma_wait3A_179, %dma_wait3A_180, %dma_wait3A_181, %dma_wait3A_182] : memref<5x2x4x10x129xf32, #tpu.memory_space<vmem>> -> memref<1x2x4x8x128xf32, #tpu.memory_space<vmem>>
        %dma_wait3A_184 = tpu.memref_squeeze %dma_wait3A_183 : memref<1x2x4x8x128xf32, #tpu.memory_space<vmem>> -> memref<2x4x8x128xf32, #tpu.memory_space<vmem>>
        %dma_wait3A_185 = arith.constant 0 : i32
        %dma_wait3A_186 = arith.constant 0 : i32
        %dma_wait3A_187 = arith.constant 0 : i32
        %dma_wait3A_188 = tpu.memref_slice %arg3[%dma_wait3A_185, %mul3A_162, %dma_wait3A_186, %dma_wait3A_187] : memref<2x2500x8x128xf32, #tpu.memory_space<hbm>> -> memref<2x4x8x128xf32, #tpu.memory_space<hbm>>
        %dma_wait3A_189 = tpu.memref_slice %arg13[%rem3A_126] : memref<5x!tpu.dma_semaphore, #tpu.memory_space<semaphore_mem>> -> memref<1x!tpu.dma_semaphore, #tpu.memory_space<semaphore_mem>>
        %dma_wait3A_190 = tpu.memref_squeeze %dma_wait3A_189 : memref<1x!tpu.dma_semaphore, #tpu.memory_space<semaphore_mem>> -> memref<!tpu.dma_semaphore, #tpu.memory_space<semaphore_mem>>
        %dma_wait3A_191 = arith.constant 0 : i32
        %dma_wait3A_192 = arith.constant 0 : i32
        %dma_wait3A_193 = arith.constant 0 : i32
        %dma_wait3A_194 = arith.constant 0 : i32
        %dma_wait3A_195 = tpu.memref_slice %arg7[%rem3A_126, %dma_wait3A_191, %dma_wait3A_192, %dma_wait3A_193, %dma_wait3A_194] : memref<5x2x4x10x129xf32, #tpu.memory_space<vmem>> -> memref<1x2x4x8x128xf32, #tpu.memory_space<vmem>>
        %dma_wait3A_196 = tpu.memref_squeeze %dma_wait3A_195 : memref<1x2x4x8x128xf32, #tpu.memory_space<vmem>> -> memref<2x4x8x128xf32, #tpu.memory_space<vmem>>
        %dma_wait3A_197 = arith.constant 0 : i32
        %dma_wait3A_198 = arith.constant 0 : i32
        %dma_wait3A_199 = arith.constant 0 : i32
        %dma_wait3A_200 = tpu.memref_slice %arg3[%dma_wait3A_197, %mul3A_162, %dma_wait3A_198, %dma_wait3A_199] : memref<2x2500x8x128xf32, #tpu.memory_space<hbm>> -> memref<2x4x8x128xf32, #tpu.memory_space<hbm>>
        tpu.wait_dma2 semaphore(%dma_wait3A_190 : memref<!tpu.dma_semaphore, #tpu.memory_space<semaphore_mem>>) src(%dma_wait3A_200 : memref<2x4x8x128xf32, #tpu.memory_space<hbm>>) dst(%dma_wait3A_196 : memref<2x4x8x128xf32, #tpu.memory_space<vmem>>)
      } else {
      }
      %rem3A_135 = arith.constant 5 : i32
      %rem3A_136 = arith.remsi %scan3A_95, %rem3A_135 : i32
      %broadcast_in_dim3A = arith.constant 0 : i32
      %broadcast_in_dim3A_137 = vector.broadcast %broadcast_in_dim3A : i32 to vector<16xi32>
      %add3A_138 = vector.broadcast %rem3A_136 : i32 to vector<16xi32>
      %add3A_139 = arith.addi %broadcast_in_dim3A_137, %add3A_138 : vector<16xi32>
      %mul3A_140 = arith.constant 32 : i32
      %mul3A_141 = arith.muli %scan3A_95, %mul3A_140 : i32
      %add3A_142 = arith.addi %add3A, %mul3A_141 : i32
      %lt3A_143 = arith.constant 625 : i32
      %lt3A_144 = arith.cmpi slt, %add3A_142, %lt3A_143 : i32
      %convert_element_type3A_145 = arith.extui %lt3A_144 : i1 to i32
      %cond3A_146 = arith.constant 0 : i32
      %cond3A_147 = arith.cmpi ne, %convert_element_type3A_145, %cond3A_146 : i32
      scf.if %cond3A_147 {
        %broadcast_in_dim3A_159 = arith.constant 0 : i32
        %broadcast_in_dim3A_160 = vector.broadcast %broadcast_in_dim3A_159 : i32 to vector<16xi32>
        %broadcast_in_dim3A_161 = arith.constant 0 : i32
        %broadcast_in_dim3A_162 = vector.broadcast %broadcast_in_dim3A_161 : i32 to vector<16xi32>
        %add3A_163 = arith.constant 32 : i32
        %add3A_164 = vector.broadcast %add3A_163 : i32 to vector<16xi32>
        %add3A_165 = arith.addi %broadcast_in_dim3A_162, %add3A_164 : vector<16xi32>
        %add3A_166 = arith.constant 64 : i32
        %add3A_167 = vector.broadcast %add3A_166 : i32 to vector<16xi32>
        %add3A_168 = arith.addi %broadcast_in_dim3A_162, %add3A_167 : vector<16xi32>
        %add3A_169 = arith.constant 96 : i32
        %add3A_170 = vector.broadcast %add3A_169 : i32 to vector<16xi32>
        %add3A_171 = arith.addi %broadcast_in_dim3A_162, %add3A_170 : vector<16xi32>
        %scan3A_172 = arith.constant 0 : i32
        %scan3A_173 = arith.constant 32 : i32
        %scan3A_174 = arith.addi %scan3A_172, %scan3A_173 : i32
        %scan3A_175 = arith.constant 8 : i32
        %scan3A_176:4 = scf.for %scan3A_235 = %scan3A_172 to %scan3A_174 step %scan3A_175 iter_args(%scan3A_236 = %broadcast_in_dim3A_162, %scan3A_237 = %add3A_165, %scan3A_238 = %add3A_168, %scan3A_239 = %add3A_171) -> (vector<16xi32>, vector<16xi32>, vector<16xi32>, vector<16xi32>)  : i32 {
          %gather3A = tpu.vector_load_idx %arg7[%add3A_139, %shift_right_logical3A_17, %broadcast_in_dim3A_160, %and3A_19, %scan3A_236] : memref<5x2x4x10x129xf32, #tpu.memory_space<vmem>>[vector<16xi32>, vector<16xi32>, vector<16xi32>, vector<16xi32>, vector<16xi32>], vector<16xf32>,
          %gather3A_240 = tpu.vector_load_idx %arg7[%add3A_139, %shift_right_logical3A_17, %broadcast_in_dim3A_160, %and3A_19, %scan3A_237] : memref<5x2x4x10x129xf32, #tpu.memory_space<vmem>>[vector<16xi32>, vector<16xi32>, vector<16xi32>, vector<16xi32>, vector<16xi32>], vector<16xf32>,
          %gather3A_241 = tpu.vector_load_idx %arg7[%add3A_139, %shift_right_logical3A_17, %broadcast_in_dim3A_160, %and3A_19, %scan3A_238] : memref<5x2x4x10x129xf32, #tpu.memory_space<vmem>>[vector<16xi32>, vector<16xi32>, vector<16xi32>, vector<16xi32>, vector<16xi32>], vector<16xf32>,
          %gather3A_242 = tpu.vector_load_idx %arg7[%add3A_139, %shift_right_logical3A_17, %broadcast_in_dim3A_160, %and3A_19, %scan3A_239] : memref<5x2x4x10x129xf32, #tpu.memory_space<vmem>>[vector<16xi32>, vector<16xi32>, vector<16xi32>, vector<16xi32>, vector<16xi32>], vector<16xf32>,
          %add3A_243 = arith.constant 0 : i32
          %add3A_244 = arith.addi %add3A_243, %scan3A_235 : i32
          %swap3A = arith.index_cast %rem3A_136 : i32 to index
          %swap3A_245 = arith.index_cast %add3A_244 : i32 to index
          %swap3A_246 = arith.constant 0 : index
          %swap3A_247 = tpu.vector_load %arg8[%swap3A, %swap3A_245, %swap3A_246] {strides = array<i32>} : memref<5x512x16xf32, #tpu.memory_space<vmem>>, vector<16xf32>,
          tpu.vector_store %arg8[%swap3A, %swap3A_245, %swap3A_246], %gather3A {strides = array<i32>} : memref<5x512x16xf32, #tpu.memory_space<vmem>>, vector<16xf32>,
          %add3A_248 = arith.constant 32 : i32
          %add3A_249 = arith.addi %add3A_248, %scan3A_235 : i32
          %swap3A_250 = arith.index_cast %rem3A_136 : i32 to index
          %swap3A_251 = arith.index_cast %add3A_249 : i32 to index
          %swap3A_252 = arith.constant 0 : index
          %swap3A_253 = tpu.vector_load %arg8[%swap3A_250, %swap3A_251, %swap3A_252] {strides = array<i32>} : memref<5x512x16xf32, #tpu.memory_space<vmem>>, vector<16xf32>,
          tpu.vector_store %arg8[%swap3A_250, %swap3A_251, %swap3A_252], %gather3A_240 {strides = array<i32>} : memref<5x512x16xf32, #tpu.memory_space<vmem>>, vector<16xf32>,
          %add3A_254 = arith.constant 64 : i32
          %add3A_255 = arith.addi %add3A_254, %scan3A_235 : i32
          %swap3A_256 = arith.index_cast %rem3A_136 : i32 to index
          %swap3A_257 = arith.index_cast %add3A_255 : i32 to index
          %swap3A_258 = arith.constant 0 : index
          %swap3A_259 = tpu.vector_load %arg8[%swap3A_256, %swap3A_257, %swap3A_258] {strides = array<i32>} : memref<5x512x16xf32, #tpu.memory_space<vmem>>, vector<16xf32>,
          tpu.vector_store %arg8[%swap3A_256, %swap3A_257, %swap3A_258], %gather3A_241 {strides = array<i32>} : memref<5x512x16xf32, #tpu.memory_space<vmem>>, vector<16xf32>,
          %add3A_260 = arith.constant 96 : i32
          %add3A_261 = arith.addi %add3A_260, %scan3A_235 : i32
          %swap3A_262 = arith.index_cast %rem3A_136 : i32 to index
          %swap3A_263 = arith.index_cast %add3A_261 : i32 to index
          %swap3A_264 = arith.constant 0 : index
          %swap3A_265 = tpu.vector_load %arg8[%swap3A_262, %swap3A_263, %swap3A_264] {strides = array<i32>} : memref<5x512x16xf32, #tpu.memory_space<vmem>>, vector<16xf32>,
          tpu.vector_store %arg8[%swap3A_262, %swap3A_263, %swap3A_264], %gather3A_242 {strides = array<i32>} : memref<5x512x16xf32, #tpu.memory_space<vmem>>, vector<16xf32>,
          %add3A_266 = arith.constant 1 : i32
          %add3A_267 = vector.broadcast %add3A_266 : i32 to vector<16xi32>
          %add3A_268 = arith.addi %scan3A_236, %add3A_267 : vector<16xi32>
          %add3A_269 = arith.constant 1 : i32
          %add3A_270 = vector.broadcast %add3A_269 : i32 to vector<16xi32>
          %add3A_271 = arith.addi %scan3A_237, %add3A_270 : vector<16xi32>
          %add3A_272 = arith.constant 1 : i32
          %add3A_273 = vector.broadcast %add3A_272 : i32 to vector<16xi32>
          %add3A_274 = arith.addi %scan3A_238, %add3A_273 : vector<16xi32>
          %add3A_275 = arith.constant 1 : i32
          %add3A_276 = vector.broadcast %add3A_275 : i32 to vector<16xi32>
          %add3A_277 = arith.addi %scan3A_239, %add3A_276 : vector<16xi32>
          %scan3A_278 = arith.constant 1 : i32
          %scan3A_279 = arith.addi %scan3A_235, %scan3A_278 : i32
          %gather3A_280 = tpu.vector_load_idx %arg7[%add3A_139, %shift_right_logical3A_17, %broadcast_in_dim3A_160, %and3A_19, %add3A_268] : memref<5x2x4x10x129xf32, #tpu.memory_space<vmem>>[vector<16xi32>, vector<16xi32>, vector<16xi32>, vector<16xi32>, vector<16xi32>], vector<16xf32>,
          %gather3A_281 = tpu.vector_load_idx %arg7[%add3A_139, %shift_right_logical3A_17, %broadcast_in_dim3A_160, %and3A_19, %add3A_271] : memref<5x2x4x10x129xf32, #tpu.memory_space<vmem>>[vector<16xi32>, vector<16xi32>, vector<16xi32>, vector<16xi32>, vector<16xi32>], vector<16xf32>,
          %gather3A_282 = tpu.vector_load_idx %arg7[%add3A_139, %shift_right_logical3A_17, %broadcast_in_dim3A_160, %and3A_19, %add3A_274] : memref<5x2x4x10x129xf32, #tpu.memory_space<vmem>>[vector<16xi32>, vector<16xi32>, vector<16xi32>, vector<16xi32>, vector<16xi32>], vector<16xf32>,
          %gather3A_283 = tpu.vector_load_idx %arg7[%add3A_139, %shift_right_logical3A_17, %broadcast_in_dim3A_160, %and3A_19, %add3A_277] : memref<5x2x4x10x129xf32, #tpu.memory_space<vmem>>[vector<16xi32>, vector<16xi32>, vector<16xi32>, vector<16xi32>, vector<16xi32>], vector<16xf32>,
          %add3A_284 = arith.constant 0 : i32
          %add3A_285 = arith.addi %add3A_284, %scan3A_279 : i32
          %swap3A_286 = arith.index_cast %rem3A_136 : i32 to index
          %swap3A_287 = arith.index_cast %add3A_285 : i32 to index
          %swap3A_288 = arith.constant 0 : index
          %swap3A_289 = tpu.vector_load %arg8[%swap3A_286, %swap3A_287, %swap3A_288] {strides = array<i32>} : memref<5x512x16xf32, #tpu.memory_space<vmem>>, vector<16xf32>,
          tpu.vector_store %arg8[%swap3A_286, %swap3A_287, %swap3A_288], %gather3A_280 {strides = array<i32>} : memref<5x512x16xf32, #tpu.memory_space<vmem>>, vector<16xf32>,
          %add3A_290 = arith.constant 32 : i32
          %add3A_291 = arith.addi %add3A_290, %scan3A_279 : i32
          %swap3A_292 = arith.index_cast %rem3A_136 : i32 to index
          %swap3A_293 = arith.index_cast %add3A_291 : i32 to index
          %swap3A_294 = arith.constant 0 : index
          %swap3A_295 = tpu.vector_load %arg8[%swap3A_292, %swap3A_293, %swap3A_294] {strides = array<i32>} : memref<5x512x16xf32, #tpu.memory_space<vmem>>, vector<16xf32>,
          tpu.vector_store %arg8[%swap3A_292, %swap3A_293, %swap3A_294], %gather3A_281 {strides = array<i32>} : memref<5x512x16xf32, #tpu.memory_space<vmem>>, vector<16xf32>,
          %add3A_296 = arith.constant 64 : i32
          %add3A_297 = arith.addi %add3A_296, %scan3A_279 : i32
          %swap3A_298 = arith.index_cast %rem3A_136 : i32 to index
          %swap3A_299 = arith.index_cast %add3A_297 : i32 to index
          %swap3A_300 = arith.constant 0 : index
          %swap3A_301 = tpu.vector_load %arg8[%swap3A_298, %swap3A_299, %swap3A_300] {strides = array<i32>} : memref<5x512x16xf32, #tpu.memory_space<vmem>>, vector<16xf32>,
          tpu.vector_store %arg8[%swap3A_298, %swap3A_299, %swap3A_300], %gather3A_282 {strides = array<i32>} : memref<5x512x16xf32, #tpu.memory_space<vmem>>, vector<16xf32>,
          %add3A_302 = arith.constant 96 : i32
          %add3A_303 = arith.addi %add3A_302, %scan3A_279 : i32
          %swap3A_304 = arith.index_cast %rem3A_136 : i32 to index
          %swap3A_305 = arith.index_cast %add3A_303 : i32 to index
          %swap3A_306 = arith.constant 0 : index
          %swap3A_307 = tpu.vector_load %arg8[%swap3A_304, %swap3A_305, %swap3A_306] {strides = array<i32>} : memref<5x512x16xf32, #tpu.memory_space<vmem>>, vector<16xf32>,
          tpu.vector_store %arg8[%swap3A_304, %swap3A_305, %swap3A_306], %gather3A_283 {strides = array<i32>} : memref<5x512x16xf32, #tpu.memory_space<vmem>>, vector<16xf32>,
          %add3A_308 = arith.constant 1 : i32
          %add3A_309 = vector.broadcast %add3A_308 : i32 to vector<16xi32>
          %add3A_310 = arith.addi %add3A_268, %add3A_309 : vector<16xi32>
          %add3A_311 = arith.constant 1 : i32
          %add3A_312 = vector.broadcast %add3A_311 : i32 to vector<16xi32>
          %add3A_313 = arith.addi %add3A_271, %add3A_312 : vector<16xi32>
          %add3A_314 = arith.constant 1 : i32
          %add3A_315 = vector.broadcast %add3A_314 : i32 to vector<16xi32>
          %add3A_316 = arith.addi %add3A_274, %add3A_315 : vector<16xi32>
          %add3A_317 = arith.constant 1 : i32
          %add3A_318 = vector.broadcast %add3A_317 : i32 to vector<16xi32>
          %add3A_319 = arith.addi %add3A_277, %add3A_318 : vector<16xi32>
          %scan3A_320 = arith.constant 2 : i32
          %scan3A_321 = arith.addi %scan3A_235, %scan3A_320 : i32
          %gather3A_322 = tpu.vector_load_idx %arg7[%add3A_139, %shift_right_logical3A_17, %broadcast_in_dim3A_160, %and3A_19, %add3A_310] : memref<5x2x4x10x129xf32, #tpu.memory_space<vmem>>[vector<16xi32>, vector<16xi32>, vector<16xi32>, vector<16xi32>, vector<16xi32>], vector<16xf32>,
          %gather3A_323 = tpu.vector_load_idx %arg7[%add3A_139, %shift_right_logical3A_17, %broadcast_in_dim3A_160, %and3A_19, %add3A_313] : memref<5x2x4x10x129xf32, #tpu.memory_space<vmem>>[vector<16xi32>, vector<16xi32>, vector<16xi32>, vector<16xi32>, vector<16xi32>], vector<16xf32>,
          %gather3A_324 = tpu.vector_load_idx %arg7[%add3A_139, %shift_right_logical3A_17, %broadcast_in_dim3A_160, %and3A_19, %add3A_316] : memref<5x2x4x10x129xf32, #tpu.memory_space<vmem>>[vector<16xi32>, vector<16xi32>, vector<16xi32>, vector<16xi32>, vector<16xi32>], vector<16xf32>,
          %gather3A_325 = tpu.vector_load_idx %arg7[%add3A_139, %shift_right_logical3A_17, %broadcast_in_dim3A_160, %and3A_19, %add3A_319] : memref<5x2x4x10x129xf32, #tpu.memory_space<vmem>>[vector<16xi32>, vector<16xi32>, vector<16xi32>, vector<16xi32>, vector<16xi32>], vector<16xf32>,
          %add3A_326 = arith.constant 0 : i32
          %add3A_327 = arith.addi %add3A_326, %scan3A_321 : i32
          %swap3A_328 = arith.index_cast %rem3A_136 : i32 to index
          %swap3A_329 = arith.index_cast %add3A_327 : i32 to index
          %swap3A_330 = arith.constant 0 : index
          %swap3A_331 = tpu.vector_load %arg8[%swap3A_328, %swap3A_329, %swap3A_330] {strides = array<i32>} : memref<5x512x16xf32, #tpu.memory_space<vmem>>, vector<16xf32>,
          tpu.vector_store %arg8[%swap3A_328, %swap3A_329, %swap3A_330], %gather3A_322 {strides = array<i32>} : memref<5x512x16xf32, #tpu.memory_space<vmem>>, vector<16xf32>,
          %add3A_332 = arith.constant 32 : i32
          %add3A_333 = arith.addi %add3A_332, %scan3A_321 : i32
          %swap3A_334 = arith.index_cast %rem3A_136 : i32 to index
          %swap3A_335 = arith.index_cast %add3A_333 : i32 to index
          %swap3A_336 = arith.constant 0 : index
          %swap3A_337 = tpu.vector_load %arg8[%swap3A_334, %swap3A_335, %swap3A_336] {strides = array<i32>} : memref<5x512x16xf32, #tpu.memory_space<vmem>>, vector<16xf32>,
          tpu.vector_store %arg8[%swap3A_334, %swap3A_335, %swap3A_336], %gather3A_323 {strides = array<i32>} : memref<5x512x16xf32, #tpu.memory_space<vmem>>, vector<16xf32>,
          %add3A_338 = arith.constant 64 : i32
          %add3A_339 = arith.addi %add3A_338, %scan3A_321 : i32
          %swap3A_340 = arith.index_cast %rem3A_136 : i32 to index
          %swap3A_341 = arith.index_cast %add3A_339 : i32 to index
          %swap3A_342 = arith.constant 0 : index
          %swap3A_343 = tpu.vector_load %arg8[%swap3A_340, %swap3A_341, %swap3A_342] {strides = array<i32>} : memref<5x512x16xf32, #tpu.memory_space<vmem>>, vector<16xf32>,
          tpu.vector_store %arg8[%swap3A_340, %swap3A_341, %swap3A_342], %gather3A_324 {strides = array<i32>} : memref<5x512x16xf32, #tpu.memory_space<vmem>>, vector<16xf32>,
          %add3A_344 = arith.constant 96 : i32
          %add3A_345 = arith.addi %add3A_344, %scan3A_321 : i32
          %swap3A_346 = arith.index_cast %rem3A_136 : i32 to index
          %swap3A_347 = arith.index_cast %add3A_345 : i32 to index
          %swap3A_348 = arith.constant 0 : index
          %swap3A_349 = tpu.vector_load %arg8[%swap3A_346, %swap3A_347, %swap3A_348] {strides = array<i32>} : memref<5x512x16xf32, #tpu.memory_space<vmem>>, vector<16xf32>,
          tpu.vector_store %arg8[%swap3A_346, %swap3A_347, %swap3A_348], %gather3A_325 {strides = array<i32>} : memref<5x512x16xf32, #tpu.memory_space<vmem>>, vector<16xf32>,
          %add3A_350 = arith.constant 1 : i32
          %add3A_351 = vector.broadcast %add3A_350 : i32 to vector<16xi32>
          %add3A_352 = arith.addi %add3A_310, %add3A_351 : vector<16xi32>
          %add3A_353 = arith.constant 1 : i32
          %add3A_354 = vector.broadcast %add3A_353 : i32 to vector<16xi32>
          %add3A_355 = arith.addi %add3A_313, %add3A_354 : vector<16xi32>
          %add3A_356 = arith.constant 1 : i32
          %add3A_357 = vector.broadcast %add3A_356 : i32 to vector<16xi32>
          %add3A_358 = arith.addi %add3A_316, %add3A_357 : vector<16xi32>
          %add3A_359 = arith.constant 1 : i32
          %add3A_360 = vector.broadcast %add3A_359 : i32 to vector<16xi32>
          %add3A_361 = arith.addi %add3A_319, %add3A_360 : vector<16xi32>
          %scan3A_362 = arith.constant 3 : i32
          %scan3A_363 = arith.addi %scan3A_235, %scan3A_362 : i32
          %gather3A_364 = tpu.vector_load_idx %arg7[%add3A_139, %shift_right_logical3A_17, %broadcast_in_dim3A_160, %and3A_19, %add3A_352] : memref<5x2x4x10x129xf32, #tpu.memory_space<vmem>>[vector<16xi32>, vector<16xi32>, vector<16xi32>, vector<16xi32>, vector<16xi32>], vector<16xf32>,
          %gather3A_365 = tpu.vector_load_idx %arg7[%add3A_139, %shift_right_logical3A_17, %broadcast_in_dim3A_160, %and3A_19, %add3A_355] : memref<5x2x4x10x129xf32, #tpu.memory_space<vmem>>[vector<16xi32>, vector<16xi32>, vector<16xi32>, vector<16xi32>, vector<16xi32>], vector<16xf32>,
          %gather3A_366 = tpu.vector_load_idx %arg7[%add3A_139, %shift_right_logical3A_17, %broadcast_in_dim3A_160, %and3A_19, %add3A_358] : memref<5x2x4x10x129xf32, #tpu.memory_space<vmem>>[vector<16xi32>, vector<16xi32>, vector<16xi32>, vector<16xi32>, vector<16xi32>], vector<16xf32>,
          %gather3A_367 = tpu.vector_load_idx %arg7[%add3A_139, %shift_right_logical3A_17, %broadcast_in_dim3A_160, %and3A_19, %add3A_361] : memref<5x2x4x10x129xf32, #tpu.memory_space<vmem>>[vector<16xi32>, vector<16xi32>, vector<16xi32>, vector<16xi32>, vector<16xi32>], vector<16xf32>,
          %add3A_368 = arith.constant 0 : i32
          %add3A_369 = arith.addi %add3A_368, %scan3A_363 : i32
          %swap3A_370 = arith.index_cast %rem3A_136 : i32 to index
          %swap3A_371 = arith.index_cast %add3A_369 : i32 to index
          %swap3A_372 = arith.constant 0 : index
          %swap3A_373 = tpu.vector_load %arg8[%swap3A_370, %swap3A_371, %swap3A_372] {strides = array<i32>} : memref<5x512x16xf32, #tpu.memory_space<vmem>>, vector<16xf32>,
          tpu.vector_store %arg8[%swap3A_370, %swap3A_371, %swap3A_372], %gather3A_364 {strides = array<i32>} : memref<5x512x16xf32, #tpu.memory_space<vmem>>, vector<16xf32>,
          %add3A_374 = arith.constant 32 : i32
          %add3A_375 = arith.addi %add3A_374, %scan3A_363 : i32
          %swap3A_376 = arith.index_cast %rem3A_136 : i32 to index
          %swap3A_377 = arith.index_cast %add3A_375 : i32 to index
          %swap3A_378 = arith.constant 0 : index
          %swap3A_379 = tpu.vector_load %arg8[%swap3A_376, %swap3A_377, %swap3A_378] {strides = array<i32>} : memref<5x512x16xf32, #tpu.memory_space<vmem>>, vector<16xf32>,
          tpu.vector_store %arg8[%swap3A_376, %swap3A_377, %swap3A_378], %gather3A_365 {strides = array<i32>} : memref<5x512x16xf32, #tpu.memory_space<vmem>>, vector<16xf32>,
          %add3A_380 = arith.constant 64 : i32
          %add3A_381 = arith.addi %add3A_380, %scan3A_363 : i32
          %swap3A_382 = arith.index_cast %rem3A_136 : i32 to index
          %swap3A_383 = arith.index_cast %add3A_381 : i32 to index
          %swap3A_384 = arith.constant 0 : index
          %swap3A_385 = tpu.vector_load %arg8[%swap3A_382, %swap3A_383, %swap3A_384] {strides = array<i32>} : memref<5x512x16xf32, #tpu.memory_space<vmem>>, vector<16xf32>,
          tpu.vector_store %arg8[%swap3A_382, %swap3A_383, %swap3A_384], %gather3A_366 {strides = array<i32>} : memref<5x512x16xf32, #tpu.memory_space<vmem>>, vector<16xf32>,
          %add3A_386 = arith.constant 96 : i32
          %add3A_387 = arith.addi %add3A_386, %scan3A_363 : i32
          %swap3A_388 = arith.index_cast %rem3A_136 : i32 to index
          %swap3A_389 = arith.index_cast %add3A_387 : i32 to index
          %swap3A_390 = arith.constant 0 : index
          %swap3A_391 = tpu.vector_load %arg8[%swap3A_388, %swap3A_389, %swap3A_390] {strides = array<i32>} : memref<5x512x16xf32, #tpu.memory_space<vmem>>, vector<16xf32>,
          tpu.vector_store %arg8[%swap3A_388, %swap3A_389, %swap3A_390], %gather3A_367 {strides = array<i32>} : memref<5x512x16xf32, #tpu.memory_space<vmem>>, vector<16xf32>,
          %add3A_392 = arith.constant 1 : i32
          %add3A_393 = vector.broadcast %add3A_392 : i32 to vector<16xi32>
          %add3A_394 = arith.addi %add3A_352, %add3A_393 : vector<16xi32>
          %add3A_395 = arith.constant 1 : i32
          %add3A_396 = vector.broadcast %add3A_395 : i32 to vector<16xi32>
          %add3A_397 = arith.addi %add3A_355, %add3A_396 : vector<16xi32>
          %add3A_398 = arith.constant 1 : i32
          %add3A_399 = vector.broadcast %add3A_398 : i32 to vector<16xi32>
          %add3A_400 = arith.addi %add3A_358, %add3A_399 : vector<16xi32>
          %add3A_401 = arith.constant 1 : i32
          %add3A_402 = vector.broadcast %add3A_401 : i32 to vector<16xi32>
          %add3A_403 = arith.addi %add3A_361, %add3A_402 : vector<16xi32>
          %scan3A_404 = arith.constant 4 : i32
          %scan3A_405 = arith.addi %scan3A_235, %scan3A_404 : i32
          %gather3A_406 = tpu.vector_load_idx %arg7[%add3A_139, %shift_right_logical3A_17, %broadcast_in_dim3A_160, %and3A_19, %add3A_394] : memref<5x2x4x10x129xf32, #tpu.memory_space<vmem>>[vector<16xi32>, vector<16xi32>, vector<16xi32>, vector<16xi32>, vector<16xi32>], vector<16xf32>,
          %gather3A_407 = tpu.vector_load_idx %arg7[%add3A_139, %shift_right_logical3A_17, %broadcast_in_dim3A_160, %and3A_19, %add3A_397] : memref<5x2x4x10x129xf32, #tpu.memory_space<vmem>>[vector<16xi32>, vector<16xi32>, vector<16xi32>, vector<16xi32>, vector<16xi32>], vector<16xf32>,
          %gather3A_408 = tpu.vector_load_idx %arg7[%add3A_139, %shift_right_logical3A_17, %broadcast_in_dim3A_160, %and3A_19, %add3A_400] : memref<5x2x4x10x129xf32, #tpu.memory_space<vmem>>[vector<16xi32>, vector<16xi32>, vector<16xi32>, vector<16xi32>, vector<16xi32>], vector<16xf32>,
          %gather3A_409 = tpu.vector_load_idx %arg7[%add3A_139, %shift_right_logical3A_17, %broadcast_in_dim3A_160, %and3A_19, %add3A_403] : memref<5x2x4x10x129xf32, #tpu.memory_space<vmem>>[vector<16xi32>, vector<16xi32>, vector<16xi32>, vector<16xi32>, vector<16xi32>], vector<16xf32>,
          %add3A_410 = arith.constant 0 : i32
          %add3A_411 = arith.addi %add3A_410, %scan3A_405 : i32
          %swap3A_412 = arith.index_cast %rem3A_136 : i32 to index
          %swap3A_413 = arith.index_cast %add3A_411 : i32 to index
          %swap3A_414 = arith.constant 0 : index
          %swap3A_415 = tpu.vector_load %arg8[%swap3A_412, %swap3A_413, %swap3A_414] {strides = array<i32>} : memref<5x512x16xf32, #tpu.memory_space<vmem>>, vector<16xf32>,
          tpu.vector_store %arg8[%swap3A_412, %swap3A_413, %swap3A_414], %gather3A_406 {strides = array<i32>} : memref<5x512x16xf32, #tpu.memory_space<vmem>>, vector<16xf32>,
          %add3A_416 = arith.constant 32 : i32
          %add3A_417 = arith.addi %add3A_416, %scan3A_405 : i32
          %swap3A_418 = arith.index_cast %rem3A_136 : i32 to index
          %swap3A_419 = arith.index_cast %add3A_417 : i32 to index
          %swap3A_420 = arith.constant 0 : index
          %swap3A_421 = tpu.vector_load %arg8[%swap3A_418, %swap3A_419, %swap3A_420] {strides = array<i32>} : memref<5x512x16xf32, #tpu.memory_space<vmem>>, vector<16xf32>,
          tpu.vector_store %arg8[%swap3A_418, %swap3A_419, %swap3A_420], %gather3A_407 {strides = array<i32>} : memref<5x512x16xf32, #tpu.memory_space<vmem>>, vector<16xf32>,
          %add3A_422 = arith.constant 64 : i32
          %add3A_423 = arith.addi %add3A_422, %scan3A_405 : i32
          %swap3A_424 = arith.index_cast %rem3A_136 : i32 to index
          %swap3A_425 = arith.index_cast %add3A_423 : i32 to index
          %swap3A_426 = arith.constant 0 : index
          %swap3A_427 = tpu.vector_load %arg8[%swap3A_424, %swap3A_425, %swap3A_426] {strides = array<i32>} : memref<5x512x16xf32, #tpu.memory_space<vmem>>, vector<16xf32>,
          tpu.vector_store %arg8[%swap3A_424, %swap3A_425, %swap3A_426], %gather3A_408 {strides = array<i32>} : memref<5x512x16xf32, #tpu.memory_space<vmem>>, vector<16xf32>,
          %add3A_428 = arith.constant 96 : i32
          %add3A_429 = arith.addi %add3A_428, %scan3A_405 : i32
          %swap3A_430 = arith.index_cast %rem3A_136 : i32 to index
          %swap3A_431 = arith.index_cast %add3A_429 : i32 to index
          %swap3A_432 = arith.constant 0 : index
          %swap3A_433 = tpu.vector_load %arg8[%swap3A_430, %swap3A_431, %swap3A_432] {strides = array<i32>} : memref<5x512x16xf32, #tpu.memory_space<vmem>>, vector<16xf32>,
          tpu.vector_store %arg8[%swap3A_430, %swap3A_431, %swap3A_432], %gather3A_409 {strides = array<i32>} : memref<5x512x16xf32, #tpu.memory_space<vmem>>, vector<16xf32>,
          %add3A_434 = arith.constant 1 : i32
          %add3A_435 = vector.broadcast %add3A_434 : i32 to vector<16xi32>
          %add3A_436 = arith.addi %add3A_394, %add3A_435 : vector<16xi32>
          %add3A_437 = arith.constant 1 : i32
          %add3A_438 = vector.broadcast %add3A_437 : i32 to vector<16xi32>
          %add3A_439 = arith.addi %add3A_397, %add3A_438 : vector<16xi32>
          %add3A_440 = arith.constant 1 : i32
          %add3A_441 = vector.broadcast %add3A_440 : i32 to vector<16xi32>
          %add3A_442 = arith.addi %add3A_400, %add3A_441 : vector<16xi32>
          %add3A_443 = arith.constant 1 : i32
          %add3A_444 = vector.broadcast %add3A_443 : i32 to vector<16xi32>
          %add3A_445 = arith.addi %add3A_403, %add3A_444 : vector<16xi32>
          %scan3A_446 = arith.constant 5 : i32
          %scan3A_447 = arith.addi %scan3A_235, %scan3A_446 : i32
          %gather3A_448 = tpu.vector_load_idx %arg7[%add3A_139, %shift_right_logical3A_17, %broadcast_in_dim3A_160, %and3A_19, %add3A_436] : memref<5x2x4x10x129xf32, #tpu.memory_space<vmem>>[vector<16xi32>, vector<16xi32>, vector<16xi32>, vector<16xi32>, vector<16xi32>], vector<16xf32>,
          %gather3A_449 = tpu.vector_load_idx %arg7[%add3A_139, %shift_right_logical3A_17, %broadcast_in_dim3A_160, %and3A_19, %add3A_439] : memref<5x2x4x10x129xf32, #tpu.memory_space<vmem>>[vector<16xi32>, vector<16xi32>, vector<16xi32>, vector<16xi32>, vector<16xi32>], vector<16xf32>,
          %gather3A_450 = tpu.vector_load_idx %arg7[%add3A_139, %shift_right_logical3A_17, %broadcast_in_dim3A_160, %and3A_19, %add3A_442] : memref<5x2x4x10x129xf32, #tpu.memory_space<vmem>>[vector<16xi32>, vector<16xi32>, vector<16xi32>, vector<16xi32>, vector<16xi32>], vector<16xf32>,
          %gather3A_451 = tpu.vector_load_idx %arg7[%add3A_139, %shift_right_logical3A_17, %broadcast_in_dim3A_160, %and3A_19, %add3A_445] : memref<5x2x4x10x129xf32, #tpu.memory_space<vmem>>[vector<16xi32>, vector<16xi32>, vector<16xi32>, vector<16xi32>, vector<16xi32>], vector<16xf32>,
          %add3A_452 = arith.constant 0 : i32
          %add3A_453 = arith.addi %add3A_452, %scan3A_447 : i32
          %swap3A_454 = arith.index_cast %rem3A_136 : i32 to index
          %swap3A_455 = arith.index_cast %add3A_453 : i32 to index
          %swap3A_456 = arith.constant 0 : index
          %swap3A_457 = tpu.vector_load %arg8[%swap3A_454, %swap3A_455, %swap3A_456] {strides = array<i32>} : memref<5x512x16xf32, #tpu.memory_space<vmem>>, vector<16xf32>,
          tpu.vector_store %arg8[%swap3A_454, %swap3A_455, %swap3A_456], %gather3A_448 {strides = array<i32>} : memref<5x512x16xf32, #tpu.memory_space<vmem>>, vector<16xf32>,
          %add3A_458 = arith.constant 32 : i32
          %add3A_459 = arith.addi %add3A_458, %scan3A_447 : i32
          %swap3A_460 = arith.index_cast %rem3A_136 : i32 to index
          %swap3A_461 = arith.index_cast %add3A_459 : i32 to index
          %swap3A_462 = arith.constant 0 : index
          %swap3A_463 = tpu.vector_load %arg8[%swap3A_460, %swap3A_461, %swap3A_462] {strides = array<i32>} : memref<5x512x16xf32, #tpu.memory_space<vmem>>, vector<16xf32>,
          tpu.vector_store %arg8[%swap3A_460, %swap3A_461, %swap3A_462], %gather3A_449 {strides = array<i32>} : memref<5x512x16xf32, #tpu.memory_space<vmem>>, vector<16xf32>,
          %add3A_464 = arith.constant 64 : i32
          %add3A_465 = arith.addi %add3A_464, %scan3A_447 : i32
          %swap3A_466 = arith.index_cast %rem3A_136 : i32 to index
          %swap3A_467 = arith.index_cast %add3A_465 : i32 to index
          %swap3A_468 = arith.constant 0 : index
          %swap3A_469 = tpu.vector_load %arg8[%swap3A_466, %swap3A_467, %swap3A_468] {strides = array<i32>} : memref<5x512x16xf32, #tpu.memory_space<vmem>>, vector<16xf32>,
          tpu.vector_store %arg8[%swap3A_466, %swap3A_467, %swap3A_468], %gather3A_450 {strides = array<i32>} : memref<5x512x16xf32, #tpu.memory_space<vmem>>, vector<16xf32>,
          %add3A_470 = arith.constant 96 : i32
          %add3A_471 = arith.addi %add3A_470, %scan3A_447 : i32
          %swap3A_472 = arith.index_cast %rem3A_136 : i32 to index
          %swap3A_473 = arith.index_cast %add3A_471 : i32 to index
          %swap3A_474 = arith.constant 0 : index
          %swap3A_475 = tpu.vector_load %arg8[%swap3A_472, %swap3A_473, %swap3A_474] {strides = array<i32>} : memref<5x512x16xf32, #tpu.memory_space<vmem>>, vector<16xf32>,
          tpu.vector_store %arg8[%swap3A_472, %swap3A_473, %swap3A_474], %gather3A_451 {strides = array<i32>} : memref<5x512x16xf32, #tpu.memory_space<vmem>>, vector<16xf32>,
          %add3A_476 = arith.constant 1 : i32
          %add3A_477 = vector.broadcast %add3A_476 : i32 to vector<16xi32>
          %add3A_478 = arith.addi %add3A_436, %add3A_477 : vector<16xi32>
          %add3A_479 = arith.constant 1 : i32
          %add3A_480 = vector.broadcast %add3A_479 : i32 to vector<16xi32>
          %add3A_481 = arith.addi %add3A_439, %add3A_480 : vector<16xi32>
          %add3A_482 = arith.constant 1 : i32
          %add3A_483 = vector.broadcast %add3A_482 : i32 to vector<16xi32>
          %add3A_484 = arith.addi %add3A_442, %add3A_483 : vector<16xi32>
          %add3A_485 = arith.constant 1 : i32
          %add3A_486 = vector.broadcast %add3A_485 : i32 to vector<16xi32>
          %add3A_487 = arith.addi %add3A_445, %add3A_486 : vector<16xi32>
          %scan3A_488 = arith.constant 6 : i32
          %scan3A_489 = arith.addi %scan3A_235, %scan3A_488 : i32
          %gather3A_490 = tpu.vector_load_idx %arg7[%add3A_139, %shift_right_logical3A_17, %broadcast_in_dim3A_160, %and3A_19, %add3A_478] : memref<5x2x4x10x129xf32, #tpu.memory_space<vmem>>[vector<16xi32>, vector<16xi32>, vector<16xi32>, vector<16xi32>, vector<16xi32>], vector<16xf32>,
          %gather3A_491 = tpu.vector_load_idx %arg7[%add3A_139, %shift_right_logical3A_17, %broadcast_in_dim3A_160, %and3A_19, %add3A_481] : memref<5x2x4x10x129xf32, #tpu.memory_space<vmem>>[vector<16xi32>, vector<16xi32>, vector<16xi32>, vector<16xi32>, vector<16xi32>], vector<16xf32>,
          %gather3A_492 = tpu.vector_load_idx %arg7[%add3A_139, %shift_right_logical3A_17, %broadcast_in_dim3A_160, %and3A_19, %add3A_484] : memref<5x2x4x10x129xf32, #tpu.memory_space<vmem>>[vector<16xi32>, vector<16xi32>, vector<16xi32>, vector<16xi32>, vector<16xi32>], vector<16xf32>,
          %gather3A_493 = tpu.vector_load_idx %arg7[%add3A_139, %shift_right_logical3A_17, %broadcast_in_dim3A_160, %and3A_19, %add3A_487] : memref<5x2x4x10x129xf32, #tpu.memory_space<vmem>>[vector<16xi32>, vector<16xi32>, vector<16xi32>, vector<16xi32>, vector<16xi32>], vector<16xf32>,
          %add3A_494 = arith.constant 0 : i32
          %add3A_495 = arith.addi %add3A_494, %scan3A_489 : i32
          %swap3A_496 = arith.index_cast %rem3A_136 : i32 to index
          %swap3A_497 = arith.index_cast %add3A_495 : i32 to index
          %swap3A_498 = arith.constant 0 : index
          %swap3A_499 = tpu.vector_load %arg8[%swap3A_496, %swap3A_497, %swap3A_498] {strides = array<i32>} : memref<5x512x16xf32, #tpu.memory_space<vmem>>, vector<16xf32>,
          tpu.vector_store %arg8[%swap3A_496, %swap3A_497, %swap3A_498], %gather3A_490 {strides = array<i32>} : memref<5x512x16xf32, #tpu.memory_space<vmem>>, vector<16xf32>,
          %add3A_500 = arith.constant 32 : i32
          %add3A_501 = arith.addi %add3A_500, %scan3A_489 : i32
          %swap3A_502 = arith.index_cast %rem3A_136 : i32 to index
          %swap3A_503 = arith.index_cast %add3A_501 : i32 to index
          %swap3A_504 = arith.constant 0 : index
          %swap3A_505 = tpu.vector_load %arg8[%swap3A_502, %swap3A_503, %swap3A_504] {strides = array<i32>} : memref<5x512x16xf32, #tpu.memory_space<vmem>>, vector<16xf32>,
          tpu.vector_store %arg8[%swap3A_502, %swap3A_503, %swap3A_504], %gather3A_491 {strides = array<i32>} : memref<5x512x16xf32, #tpu.memory_space<vmem>>, vector<16xf32>,
          %add3A_506 = arith.constant 64 : i32
          %add3A_507 = arith.addi %add3A_506, %scan3A_489 : i32
          %swap3A_508 = arith.index_cast %rem3A_136 : i32 to index
          %swap3A_509 = arith.index_cast %add3A_507 : i32 to index
          %swap3A_510 = arith.constant 0 : index
          %swap3A_511 = tpu.vector_load %arg8[%swap3A_508, %swap3A_509, %swap3A_510] {strides = array<i32>} : memref<5x512x16xf32, #tpu.memory_space<vmem>>, vector<16xf32>,
          tpu.vector_store %arg8[%swap3A_508, %swap3A_509, %swap3A_510], %gather3A_492 {strides = array<i32>} : memref<5x512x16xf32, #tpu.memory_space<vmem>>, vector<16xf32>,
          %add3A_512 = arith.constant 96 : i32
          %add3A_513 = arith.addi %add3A_512, %scan3A_489 : i32
          %swap3A_514 = arith.index_cast %rem3A_136 : i32 to index
          %swap3A_515 = arith.index_cast %add3A_513 : i32 to index
          %swap3A_516 = arith.constant 0 : index
          %swap3A_517 = tpu.vector_load %arg8[%swap3A_514, %swap3A_515, %swap3A_516] {strides = array<i32>} : memref<5x512x16xf32, #tpu.memory_space<vmem>>, vector<16xf32>,
          tpu.vector_store %arg8[%swap3A_514, %swap3A_515, %swap3A_516], %gather3A_493 {strides = array<i32>} : memref<5x512x16xf32, #tpu.memory_space<vmem>>, vector<16xf32>,
          %add3A_518 = arith.constant 1 : i32
          %add3A_519 = vector.broadcast %add3A_518 : i32 to vector<16xi32>
          %add3A_520 = arith.addi %add3A_478, %add3A_519 : vector<16xi32>
          %add3A_521 = arith.constant 1 : i32
          %add3A_522 = vector.broadcast %add3A_521 : i32 to vector<16xi32>
          %add3A_523 = arith.addi %add3A_481, %add3A_522 : vector<16xi32>
          %add3A_524 = arith.constant 1 : i32
          %add3A_525 = vector.broadcast %add3A_524 : i32 to vector<16xi32>
          %add3A_526 = arith.addi %add3A_484, %add3A_525 : vector<16xi32>
          %add3A_527 = arith.constant 1 : i32
          %add3A_528 = vector.broadcast %add3A_527 : i32 to vector<16xi32>
          %add3A_529 = arith.addi %add3A_487, %add3A_528 : vector<16xi32>
          %scan3A_530 = arith.constant 7 : i32
          %scan3A_531 = arith.addi %scan3A_235, %scan3A_530 : i32
          %gather3A_532 = tpu.vector_load_idx %arg7[%add3A_139, %shift_right_logical3A_17, %broadcast_in_dim3A_160, %and3A_19, %add3A_520] : memref<5x2x4x10x129xf32, #tpu.memory_space<vmem>>[vector<16xi32>, vector<16xi32>, vector<16xi32>, vector<16xi32>, vector<16xi32>], vector<16xf32>,
          %gather3A_533 = tpu.vector_load_idx %arg7[%add3A_139, %shift_right_logical3A_17, %broadcast_in_dim3A_160, %and3A_19, %add3A_523] : memref<5x2x4x10x129xf32, #tpu.memory_space<vmem>>[vector<16xi32>, vector<16xi32>, vector<16xi32>, vector<16xi32>, vector<16xi32>], vector<16xf32>,
          %gather3A_534 = tpu.vector_load_idx %arg7[%add3A_139, %shift_right_logical3A_17, %broadcast_in_dim3A_160, %and3A_19, %add3A_526] : memref<5x2x4x10x129xf32, #tpu.memory_space<vmem>>[vector<16xi32>, vector<16xi32>, vector<16xi32>, vector<16xi32>, vector<16xi32>], vector<16xf32>,
          %gather3A_535 = tpu.vector_load_idx %arg7[%add3A_139, %shift_right_logical3A_17, %broadcast_in_dim3A_160, %and3A_19, %add3A_529] : memref<5x2x4x10x129xf32, #tpu.memory_space<vmem>>[vector<16xi32>, vector<16xi32>, vector<16xi32>, vector<16xi32>, vector<16xi32>], vector<16xf32>,
          %add3A_536 = arith.constant 0 : i32
          %add3A_537 = arith.addi %add3A_536, %scan3A_531 : i32
          %swap3A_538 = arith.index_cast %rem3A_136 : i32 to index
          %swap3A_539 = arith.index_cast %add3A_537 : i32 to index
          %swap3A_540 = arith.constant 0 : index
          %swap3A_541 = tpu.vector_load %arg8[%swap3A_538, %swap3A_539, %swap3A_540] {strides = array<i32>} : memref<5x512x16xf32, #tpu.memory_space<vmem>>, vector<16xf32>,
          tpu.vector_store %arg8[%swap3A_538, %swap3A_539, %swap3A_540], %gather3A_532 {strides = array<i32>} : memref<5x512x16xf32, #tpu.memory_space<vmem>>, vector<16xf32>,
          %add3A_542 = arith.constant 32 : i32
          %add3A_543 = arith.addi %add3A_542, %scan3A_531 : i32
          %swap3A_544 = arith.index_cast %rem3A_136 : i32 to index
          %swap3A_545 = arith.index_cast %add3A_543 : i32 to index
          %swap3A_546 = arith.constant 0 : index
          %swap3A_547 = tpu.vector_load %arg8[%swap3A_544, %swap3A_545, %swap3A_546] {strides = array<i32>} : memref<5x512x16xf32, #tpu.memory_space<vmem>>, vector<16xf32>,
          tpu.vector_store %arg8[%swap3A_544, %swap3A_545, %swap3A_546], %gather3A_533 {strides = array<i32>} : memref<5x512x16xf32, #tpu.memory_space<vmem>>, vector<16xf32>,
          %add3A_548 = arith.constant 64 : i32
          %add3A_549 = arith.addi %add3A_548, %scan3A_531 : i32
          %swap3A_550 = arith.index_cast %rem3A_136 : i32 to index
          %swap3A_551 = arith.index_cast %add3A_549 : i32 to index
          %swap3A_552 = arith.constant 0 : index
          %swap3A_553 = tpu.vector_load %arg8[%swap3A_550, %swap3A_551, %swap3A_552] {strides = array<i32>} : memref<5x512x16xf32, #tpu.memory_space<vmem>>, vector<16xf32>,
          tpu.vector_store %arg8[%swap3A_550, %swap3A_551, %swap3A_552], %gather3A_534 {strides = array<i32>} : memref<5x512x16xf32, #tpu.memory_space<vmem>>, vector<16xf32>,
          %add3A_554 = arith.constant 96 : i32
          %add3A_555 = arith.addi %add3A_554, %scan3A_531 : i32
          %swap3A_556 = arith.index_cast %rem3A_136 : i32 to index
          %swap3A_557 = arith.index_cast %add3A_555 : i32 to index
          %swap3A_558 = arith.constant 0 : index
          %swap3A_559 = tpu.vector_load %arg8[%swap3A_556, %swap3A_557, %swap3A_558] {strides = array<i32>} : memref<5x512x16xf32, #tpu.memory_space<vmem>>, vector<16xf32>,
          tpu.vector_store %arg8[%swap3A_556, %swap3A_557, %swap3A_558], %gather3A_535 {strides = array<i32>} : memref<5x512x16xf32, #tpu.memory_space<vmem>>, vector<16xf32>,
          %add3A_560 = arith.constant 1 : i32
          %add3A_561 = vector.broadcast %add3A_560 : i32 to vector<16xi32>
          %add3A_562 = arith.addi %add3A_520, %add3A_561 : vector<16xi32>
          %add3A_563 = arith.constant 1 : i32
          %add3A_564 = vector.broadcast %add3A_563 : i32 to vector<16xi32>
          %add3A_565 = arith.addi %add3A_523, %add3A_564 : vector<16xi32>
          %add3A_566 = arith.constant 1 : i32
          %add3A_567 = vector.broadcast %add3A_566 : i32 to vector<16xi32>
          %add3A_568 = arith.addi %add3A_526, %add3A_567 : vector<16xi32>
          %add3A_569 = arith.constant 1 : i32
          %add3A_570 = vector.broadcast %add3A_569 : i32 to vector<16xi32>
          %add3A_571 = arith.addi %add3A_529, %add3A_570 : vector<16xi32>
          scf.yield %add3A_562, %add3A_565, %add3A_568, %add3A_571 : vector<16xi32>, vector<16xi32>, vector<16xi32>, vector<16xi32>
        }
        %scan3A_177 = arith.constant 32 : i32
        %broadcast_in_dim3A_178 = arith.constant 1 : i32
        %broadcast_in_dim3A_179 = vector.broadcast %broadcast_in_dim3A_178 : i32 to vector<16xi32>
        %broadcast_in_dim3A_180 = arith.constant 0 : i32
        %broadcast_in_dim3A_181 = vector.broadcast %broadcast_in_dim3A_180 : i32 to vector<16xi32>
        %add3A_182 = arith.constant 32 : i32
        %add3A_183 = vector.broadcast %add3A_182 : i32 to vector<16xi32>
        %add3A_184 = arith.addi %broadcast_in_dim3A_181, %add3A_183 : vector<16xi32>
        %add3A_185 = arith.constant 64 : i32
        %add3A_186 = vector.broadcast %add3A_185 : i32 to vector<16xi32>
        %add3A_187 = arith.addi %broadcast_in_dim3A_181, %add3A_186 : vector<16xi32>
        %add3A_188 = arith.constant 96 : i32
        %add3A_189 = vector.broadcast %add3A_188 : i32 to vector<16xi32>
        %add3A_190 = arith.addi %broadcast_in_dim3A_181, %add3A_189 : vector<16xi32>
        %scan3A_191 = arith.constant 0 : i32
        %scan3A_192 = arith.constant 32 : i32
        %scan3A_193 = arith.addi %scan3A_191, %scan3A_192 : i32
        %scan3A_194 = arith.constant 8 : i32
        %scan3A_195:4 = scf.for %scan3A_235 = %scan3A_191 to %scan3A_193 step %scan3A_194 iter_args(%scan3A_236 = %broadcast_in_dim3A_181, %scan3A_237 = %add3A_184, %scan3A_238 = %add3A_187, %scan3A_239 = %add3A_190) -> (vector<16xi32>, vector<16xi32>, vector<16xi32>, vector<16xi32>)  : i32 {
          %gather3A = tpu.vector_load_idx %arg7[%add3A_139, %shift_right_logical3A_17, %broadcast_in_dim3A_179, %and3A_19, %scan3A_236] : memref<5x2x4x10x129xf32, #tpu.memory_space<vmem>>[vector<16xi32>, vector<16xi32>, vector<16xi32>, vector<16xi32>, vector<16xi32>], vector<16xf32>,
          %gather3A_240 = tpu.vector_load_idx %arg7[%add3A_139, %shift_right_logical3A_17, %broadcast_in_dim3A_179, %and3A_19, %scan3A_237] : memref<5x2x4x10x129xf32, #tpu.memory_space<vmem>>[vector<16xi32>, vector<16xi32>, vector<16xi32>, vector<16xi32>, vector<16xi32>], vector<16xf32>,
          %gather3A_241 = tpu.vector_load_idx %arg7[%add3A_139, %shift_right_logical3A_17, %broadcast_in_dim3A_179, %and3A_19, %scan3A_238] : memref<5x2x4x10x129xf32, #tpu.memory_space<vmem>>[vector<16xi32>, vector<16xi32>, vector<16xi32>, vector<16xi32>, vector<16xi32>], vector<16xf32>,
          %gather3A_242 = tpu.vector_load_idx %arg7[%add3A_139, %shift_right_logical3A_17, %broadcast_in_dim3A_179, %and3A_19, %scan3A_239] : memref<5x2x4x10x129xf32, #tpu.memory_space<vmem>>[vector<16xi32>, vector<16xi32>, vector<16xi32>, vector<16xi32>, vector<16xi32>], vector<16xf32>,
          %add3A_243 = arith.constant 128 : i32
          %add3A_244 = arith.addi %add3A_243, %scan3A_235 : i32
          %swap3A = arith.index_cast %rem3A_136 : i32 to index
          %swap3A_245 = arith.index_cast %add3A_244 : i32 to index
          %swap3A_246 = arith.constant 0 : index
          %swap3A_247 = tpu.vector_load %arg8[%swap3A, %swap3A_245, %swap3A_246] {strides = array<i32>} : memref<5x512x16xf32, #tpu.memory_space<vmem>>, vector<16xf32>,
          tpu.vector_store %arg8[%swap3A, %swap3A_245, %swap3A_246], %gather3A {strides = array<i32>} : memref<5x512x16xf32, #tpu.memory_space<vmem>>, vector<16xf32>,
          %add3A_248 = arith.constant 160 : i32
          %add3A_249 = arith.addi %add3A_248, %scan3A_235 : i32
          %swap3A_250 = arith.index_cast %rem3A_136 : i32 to index
          %swap3A_251 = arith.index_cast %add3A_249 : i32 to index
          %swap3A_252 = arith.constant 0 : index
          %swap3A_253 = tpu.vector_load %arg8[%swap3A_250, %swap3A_251, %swap3A_252] {strides = array<i32>} : memref<5x512x16xf32, #tpu.memory_space<vmem>>, vector<16xf32>,
          tpu.vector_store %arg8[%swap3A_250, %swap3A_251, %swap3A_252], %gather3A_240 {strides = array<i32>} : memref<5x512x16xf32, #tpu.memory_space<vmem>>, vector<16xf32>,
          %add3A_254 = arith.constant 192 : i32
          %add3A_255 = arith.addi %add3A_254, %scan3A_235 : i32
          %swap3A_256 = arith.index_cast %rem3A_136 : i32 to index
          %swap3A_257 = arith.index_cast %add3A_255 : i32 to index
          %swap3A_258 = arith.constant 0 : index
          %swap3A_259 = tpu.vector_load %arg8[%swap3A_256, %swap3A_257, %swap3A_258] {strides = array<i32>} : memref<5x512x16xf32, #tpu.memory_space<vmem>>, vector<16xf32>,
          tpu.vector_store %arg8[%swap3A_256, %swap3A_257, %swap3A_258], %gather3A_241 {strides = array<i32>} : memref<5x512x16xf32, #tpu.memory_space<vmem>>, vector<16xf32>,
          %add3A_260 = arith.constant 224 : i32
          %add3A_261 = arith.addi %add3A_260, %scan3A_235 : i32
          %swap3A_262 = arith.index_cast %rem3A_136 : i32 to index
          %swap3A_263 = arith.index_cast %add3A_261 : i32 to index
          %swap3A_264 = arith.constant 0 : index
          %swap3A_265 = tpu.vector_load %arg8[%swap3A_262, %swap3A_263, %swap3A_264] {strides = array<i32>} : memref<5x512x16xf32, #tpu.memory_space<vmem>>, vector<16xf32>,
          tpu.vector_store %arg8[%swap3A_262, %swap3A_263, %swap3A_264], %gather3A_242 {strides = array<i32>} : memref<5x512x16xf32, #tpu.memory_space<vmem>>, vector<16xf32>,
          %add3A_266 = arith.constant 1 : i32
          %add3A_267 = vector.broadcast %add3A_266 : i32 to vector<16xi32>
          %add3A_268 = arith.addi %scan3A_236, %add3A_267 : vector<16xi32>
          %add3A_269 = arith.constant 1 : i32
          %add3A_270 = vector.broadcast %add3A_269 : i32 to vector<16xi32>
          %add3A_271 = arith.addi %scan3A_237, %add3A_270 : vector<16xi32>
          %add3A_272 = arith.constant 1 : i32
          %add3A_273 = vector.broadcast %add3A_272 : i32 to vector<16xi32>
          %add3A_274 = arith.addi %scan3A_238, %add3A_273 : vector<16xi32>
          %add3A_275 = arith.constant 1 : i32
          %add3A_276 = vector.broadcast %add3A_275 : i32 to vector<16xi32>
          %add3A_277 = arith.addi %scan3A_239, %add3A_276 : vector<16xi32>
          %scan3A_278 = arith.constant 1 : i32
          %scan3A_279 = arith.addi %scan3A_235, %scan3A_278 : i32
          %gather3A_280 = tpu.vector_load_idx %arg7[%add3A_139, %shift_right_logical3A_17, %broadcast_in_dim3A_179, %and3A_19, %add3A_268] : memref<5x2x4x10x129xf32, #tpu.memory_space<vmem>>[vector<16xi32>, vector<16xi32>, vector<16xi32>, vector<16xi32>, vector<16xi32>], vector<16xf32>,
          %gather3A_281 = tpu.vector_load_idx %arg7[%add3A_139, %shift_right_logical3A_17, %broadcast_in_dim3A_179, %and3A_19, %add3A_271] : memref<5x2x4x10x129xf32, #tpu.memory_space<vmem>>[vector<16xi32>, vector<16xi32>, vector<16xi32>, vector<16xi32>, vector<16xi32>], vector<16xf32>,
          %gather3A_282 = tpu.vector_load_idx %arg7[%add3A_139, %shift_right_logical3A_17, %broadcast_in_dim3A_179, %and3A_19, %add3A_274] : memref<5x2x4x10x129xf32, #tpu.memory_space<vmem>>[vector<16xi32>, vector<16xi32>, vector<16xi32>, vector<16xi32>, vector<16xi32>], vector<16xf32>,
          %gather3A_283 = tpu.vector_load_idx %arg7[%add3A_139, %shift_right_logical3A_17, %broadcast_in_dim3A_179, %and3A_19, %add3A_277] : memref<5x2x4x10x129xf32, #tpu.memory_space<vmem>>[vector<16xi32>, vector<16xi32>, vector<16xi32>, vector<16xi32>, vector<16xi32>], vector<16xf32>,
          %add3A_284 = arith.constant 128 : i32
          %add3A_285 = arith.addi %add3A_284, %scan3A_279 : i32
          %swap3A_286 = arith.index_cast %rem3A_136 : i32 to index
          %swap3A_287 = arith.index_cast %add3A_285 : i32 to index
          %swap3A_288 = arith.constant 0 : index
          %swap3A_289 = tpu.vector_load %arg8[%swap3A_286, %swap3A_287, %swap3A_288] {strides = array<i32>} : memref<5x512x16xf32, #tpu.memory_space<vmem>>, vector<16xf32>,
          tpu.vector_store %arg8[%swap3A_286, %swap3A_287, %swap3A_288], %gather3A_280 {strides = array<i32>} : memref<5x512x16xf32, #tpu.memory_space<vmem>>, vector<16xf32>,
          %add3A_290 = arith.constant 160 : i32
          %add3A_291 = arith.addi %add3A_290, %scan3A_279 : i32
          %swap3A_292 = arith.index_cast %rem3A_136 : i32 to index
          %swap3A_293 = arith.index_cast %add3A_291 : i32 to index
          %swap3A_294 = arith.constant 0 : index
          %swap3A_295 = tpu.vector_load %arg8[%swap3A_292, %swap3A_293, %swap3A_294] {strides = array<i32>} : memref<5x512x16xf32, #tpu.memory_space<vmem>>, vector<16xf32>,
          tpu.vector_store %arg8[%swap3A_292, %swap3A_293, %swap3A_294], %gather3A_281 {strides = array<i32>} : memref<5x512x16xf32, #tpu.memory_space<vmem>>, vector<16xf32>,
          %add3A_296 = arith.constant 192 : i32
          %add3A_297 = arith.addi %add3A_296, %scan3A_279 : i32
          %swap3A_298 = arith.index_cast %rem3A_136 : i32 to index
          %swap3A_299 = arith.index_cast %add3A_297 : i32 to index
          %swap3A_300 = arith.constant 0 : index
          %swap3A_301 = tpu.vector_load %arg8[%swap3A_298, %swap3A_299, %swap3A_300] {strides = array<i32>} : memref<5x512x16xf32, #tpu.memory_space<vmem>>, vector<16xf32>,
          tpu.vector_store %arg8[%swap3A_298, %swap3A_299, %swap3A_300], %gather3A_282 {strides = array<i32>} : memref<5x512x16xf32, #tpu.memory_space<vmem>>, vector<16xf32>,
          %add3A_302 = arith.constant 224 : i32
          %add3A_303 = arith.addi %add3A_302, %scan3A_279 : i32
          %swap3A_304 = arith.index_cast %rem3A_136 : i32 to index
          %swap3A_305 = arith.index_cast %add3A_303 : i32 to index
          %swap3A_306 = arith.constant 0 : index
          %swap3A_307 = tpu.vector_load %arg8[%swap3A_304, %swap3A_305, %swap3A_306] {strides = array<i32>} : memref<5x512x16xf32, #tpu.memory_space<vmem>>, vector<16xf32>,
          tpu.vector_store %arg8[%swap3A_304, %swap3A_305, %swap3A_306], %gather3A_283 {strides = array<i32>} : memref<5x512x16xf32, #tpu.memory_space<vmem>>, vector<16xf32>,
          %add3A_308 = arith.constant 1 : i32
          %add3A_309 = vector.broadcast %add3A_308 : i32 to vector<16xi32>
          %add3A_310 = arith.addi %add3A_268, %add3A_309 : vector<16xi32>
          %add3A_311 = arith.constant 1 : i32
          %add3A_312 = vector.broadcast %add3A_311 : i32 to vector<16xi32>
          %add3A_313 = arith.addi %add3A_271, %add3A_312 : vector<16xi32>
          %add3A_314 = arith.constant 1 : i32
          %add3A_315 = vector.broadcast %add3A_314 : i32 to vector<16xi32>
          %add3A_316 = arith.addi %add3A_274, %add3A_315 : vector<16xi32>
          %add3A_317 = arith.constant 1 : i32
          %add3A_318 = vector.broadcast %add3A_317 : i32 to vector<16xi32>
          %add3A_319 = arith.addi %add3A_277, %add3A_318 : vector<16xi32>
          %scan3A_320 = arith.constant 2 : i32
          %scan3A_321 = arith.addi %scan3A_235, %scan3A_320 : i32
          %gather3A_322 = tpu.vector_load_idx %arg7[%add3A_139, %shift_right_logical3A_17, %broadcast_in_dim3A_179, %and3A_19, %add3A_310] : memref<5x2x4x10x129xf32, #tpu.memory_space<vmem>>[vector<16xi32>, vector<16xi32>, vector<16xi32>, vector<16xi32>, vector<16xi32>], vector<16xf32>,
          %gather3A_323 = tpu.vector_load_idx %arg7[%add3A_139, %shift_right_logical3A_17, %broadcast_in_dim3A_179, %and3A_19, %add3A_313] : memref<5x2x4x10x129xf32, #tpu.memory_space<vmem>>[vector<16xi32>, vector<16xi32>, vector<16xi32>, vector<16xi32>, vector<16xi32>], vector<16xf32>,
          %gather3A_324 = tpu.vector_load_idx %arg7[%add3A_139, %shift_right_logical3A_17, %broadcast_in_dim3A_179, %and3A_19, %add3A_316] : memref<5x2x4x10x129xf32, #tpu.memory_space<vmem>>[vector<16xi32>, vector<16xi32>, vector<16xi32>, vector<16xi32>, vector<16xi32>], vector<16xf32>,
          %gather3A_325 = tpu.vector_load_idx %arg7[%add3A_139, %shift_right_logical3A_17, %broadcast_in_dim3A_179, %and3A_19, %add3A_319] : memref<5x2x4x10x129xf32, #tpu.memory_space<vmem>>[vector<16xi32>, vector<16xi32>, vector<16xi32>, vector<16xi32>, vector<16xi32>], vector<16xf32>,
          %add3A_326 = arith.constant 128 : i32
          %add3A_327 = arith.addi %add3A_326, %scan3A_321 : i32
          %swap3A_328 = arith.index_cast %rem3A_136 : i32 to index
          %swap3A_329 = arith.index_cast %add3A_327 : i32 to index
          %swap3A_330 = arith.constant 0 : index
          %swap3A_331 = tpu.vector_load %arg8[%swap3A_328, %swap3A_329, %swap3A_330] {strides = array<i32>} : memref<5x512x16xf32, #tpu.memory_space<vmem>>, vector<16xf32>,
          tpu.vector_store %arg8[%swap3A_328, %swap3A_329, %swap3A_330], %gather3A_322 {strides = array<i32>} : memref<5x512x16xf32, #tpu.memory_space<vmem>>, vector<16xf32>,
          %add3A_332 = arith.constant 160 : i32
          %add3A_333 = arith.addi %add3A_332, %scan3A_321 : i32
          %swap3A_334 = arith.index_cast %rem3A_136 : i32 to index
          %swap3A_335 = arith.index_cast %add3A_333 : i32 to index
          %swap3A_336 = arith.constant 0 : index
          %swap3A_337 = tpu.vector_load %arg8[%swap3A_334, %swap3A_335, %swap3A_336] {strides = array<i32>} : memref<5x512x16xf32, #tpu.memory_space<vmem>>, vector<16xf32>,
          tpu.vector_store %arg8[%swap3A_334, %swap3A_335, %swap3A_336], %gather3A_323 {strides = array<i32>} : memref<5x512x16xf32, #tpu.memory_space<vmem>>, vector<16xf32>,
          %add3A_338 = arith.constant 192 : i32
          %add3A_339 = arith.addi %add3A_338, %scan3A_321 : i32
          %swap3A_340 = arith.index_cast %rem3A_136 : i32 to index
          %swap3A_341 = arith.index_cast %add3A_339 : i32 to index
          %swap3A_342 = arith.constant 0 : index
          %swap3A_343 = tpu.vector_load %arg8[%swap3A_340, %swap3A_341, %swap3A_342] {strides = array<i32>} : memref<5x512x16xf32, #tpu.memory_space<vmem>>, vector<16xf32>,
          tpu.vector_store %arg8[%swap3A_340, %swap3A_341, %swap3A_342], %gather3A_324 {strides = array<i32>} : memref<5x512x16xf32, #tpu.memory_space<vmem>>, vector<16xf32>,
          %add3A_344 = arith.constant 224 : i32
          %add3A_345 = arith.addi %add3A_344, %scan3A_321 : i32
          %swap3A_346 = arith.index_cast %rem3A_136 : i32 to index
          %swap3A_347 = arith.index_cast %add3A_345 : i32 to index
          %swap3A_348 = arith.constant 0 : index
          %swap3A_349 = tpu.vector_load %arg8[%swap3A_346, %swap3A_347, %swap3A_348] {strides = array<i32>} : memref<5x512x16xf32, #tpu.memory_space<vmem>>, vector<16xf32>,
          tpu.vector_store %arg8[%swap3A_346, %swap3A_347, %swap3A_348], %gather3A_325 {strides = array<i32>} : memref<5x512x16xf32, #tpu.memory_space<vmem>>, vector<16xf32>,
          %add3A_350 = arith.constant 1 : i32
          %add3A_351 = vector.broadcast %add3A_350 : i32 to vector<16xi32>
          %add3A_352 = arith.addi %add3A_310, %add3A_351 : vector<16xi32>
          %add3A_353 = arith.constant 1 : i32
          %add3A_354 = vector.broadcast %add3A_353 : i32 to vector<16xi32>
          %add3A_355 = arith.addi %add3A_313, %add3A_354 : vector<16xi32>
          %add3A_356 = arith.constant 1 : i32
          %add3A_357 = vector.broadcast %add3A_356 : i32 to vector<16xi32>
          %add3A_358 = arith.addi %add3A_316, %add3A_357 : vector<16xi32>
          %add3A_359 = arith.constant 1 : i32
          %add3A_360 = vector.broadcast %add3A_359 : i32 to vector<16xi32>
          %add3A_361 = arith.addi %add3A_319, %add3A_360 : vector<16xi32>
          %scan3A_362 = arith.constant 3 : i32
          %scan3A_363 = arith.addi %scan3A_235, %scan3A_362 : i32
          %gather3A_364 = tpu.vector_load_idx %arg7[%add3A_139, %shift_right_logical3A_17, %broadcast_in_dim3A_179, %and3A_19, %add3A_352] : memref<5x2x4x10x129xf32, #tpu.memory_space<vmem>>[vector<16xi32>, vector<16xi32>, vector<16xi32>, vector<16xi32>, vector<16xi32>], vector<16xf32>,
          %gather3A_365 = tpu.vector_load_idx %arg7[%add3A_139, %shift_right_logical3A_17, %broadcast_in_dim3A_179, %and3A_19, %add3A_355] : memref<5x2x4x10x129xf32, #tpu.memory_space<vmem>>[vector<16xi32>, vector<16xi32>, vector<16xi32>, vector<16xi32>, vector<16xi32>], vector<16xf32>,
          %gather3A_366 = tpu.vector_load_idx %arg7[%add3A_139, %shift_right_logical3A_17, %broadcast_in_dim3A_179, %and3A_19, %add3A_358] : memref<5x2x4x10x129xf32, #tpu.memory_space<vmem>>[vector<16xi32>, vector<16xi32>, vector<16xi32>, vector<16xi32>, vector<16xi32>], vector<16xf32>,
          %gather3A_367 = tpu.vector_load_idx %arg7[%add3A_139, %shift_right_logical3A_17, %broadcast_in_dim3A_179, %and3A_19, %add3A_361] : memref<5x2x4x10x129xf32, #tpu.memory_space<vmem>>[vector<16xi32>, vector<16xi32>, vector<16xi32>, vector<16xi32>, vector<16xi32>], vector<16xf32>,
          %add3A_368 = arith.constant 128 : i32
          %add3A_369 = arith.addi %add3A_368, %scan3A_363 : i32
          %swap3A_370 = arith.index_cast %rem3A_136 : i32 to index
          %swap3A_371 = arith.index_cast %add3A_369 : i32 to index
          %swap3A_372 = arith.constant 0 : index
          %swap3A_373 = tpu.vector_load %arg8[%swap3A_370, %swap3A_371, %swap3A_372] {strides = array<i32>} : memref<5x512x16xf32, #tpu.memory_space<vmem>>, vector<16xf32>,
          tpu.vector_store %arg8[%swap3A_370, %swap3A_371, %swap3A_372], %gather3A_364 {strides = array<i32>} : memref<5x512x16xf32, #tpu.memory_space<vmem>>, vector<16xf32>,
          %add3A_374 = arith.constant 160 : i32
          %add3A_375 = arith.addi %add3A_374, %scan3A_363 : i32
          %swap3A_376 = arith.index_cast %rem3A_136 : i32 to index
          %swap3A_377 = arith.index_cast %add3A_375 : i32 to index
          %swap3A_378 = arith.constant 0 : index
          %swap3A_379 = tpu.vector_load %arg8[%swap3A_376, %swap3A_377, %swap3A_378] {strides = array<i32>} : memref<5x512x16xf32, #tpu.memory_space<vmem>>, vector<16xf32>,
          tpu.vector_store %arg8[%swap3A_376, %swap3A_377, %swap3A_378], %gather3A_365 {strides = array<i32>} : memref<5x512x16xf32, #tpu.memory_space<vmem>>, vector<16xf32>,
          %add3A_380 = arith.constant 192 : i32
          %add3A_381 = arith.addi %add3A_380, %scan3A_363 : i32
          %swap3A_382 = arith.index_cast %rem3A_136 : i32 to index
          %swap3A_383 = arith.index_cast %add3A_381 : i32 to index
          %swap3A_384 = arith.constant 0 : index
          %swap3A_385 = tpu.vector_load %arg8[%swap3A_382, %swap3A_383, %swap3A_384] {strides = array<i32>} : memref<5x512x16xf32, #tpu.memory_space<vmem>>, vector<16xf32>,
          tpu.vector_store %arg8[%swap3A_382, %swap3A_383, %swap3A_384], %gather3A_366 {strides = array<i32>} : memref<5x512x16xf32, #tpu.memory_space<vmem>>, vector<16xf32>,
          %add3A_386 = arith.constant 224 : i32
          %add3A_387 = arith.addi %add3A_386, %scan3A_363 : i32
          %swap3A_388 = arith.index_cast %rem3A_136 : i32 to index
          %swap3A_389 = arith.index_cast %add3A_387 : i32 to index
          %swap3A_390 = arith.constant 0 : index
          %swap3A_391 = tpu.vector_load %arg8[%swap3A_388, %swap3A_389, %swap3A_390] {strides = array<i32>} : memref<5x512x16xf32, #tpu.memory_space<vmem>>, vector<16xf32>,
          tpu.vector_store %arg8[%swap3A_388, %swap3A_389, %swap3A_390], %gather3A_367 {strides = array<i32>} : memref<5x512x16xf32, #tpu.memory_space<vmem>>, vector<16xf32>,
          %add3A_392 = arith.constant 1 : i32
          %add3A_393 = vector.broadcast %add3A_392 : i32 to vector<16xi32>
          %add3A_394 = arith.addi %add3A_352, %add3A_393 : vector<16xi32>
          %add3A_395 = arith.constant 1 : i32
          %add3A_396 = vector.broadcast %add3A_395 : i32 to vector<16xi32>
          %add3A_397 = arith.addi %add3A_355, %add3A_396 : vector<16xi32>
          %add3A_398 = arith.constant 1 : i32
          %add3A_399 = vector.broadcast %add3A_398 : i32 to vector<16xi32>
          %add3A_400 = arith.addi %add3A_358, %add3A_399 : vector<16xi32>
          %add3A_401 = arith.constant 1 : i32
          %add3A_402 = vector.broadcast %add3A_401 : i32 to vector<16xi32>
          %add3A_403 = arith.addi %add3A_361, %add3A_402 : vector<16xi32>
          %scan3A_404 = arith.constant 4 : i32
          %scan3A_405 = arith.addi %scan3A_235, %scan3A_404 : i32
          %gather3A_406 = tpu.vector_load_idx %arg7[%add3A_139, %shift_right_logical3A_17, %broadcast_in_dim3A_179, %and3A_19, %add3A_394] : memref<5x2x4x10x129xf32, #tpu.memory_space<vmem>>[vector<16xi32>, vector<16xi32>, vector<16xi32>, vector<16xi32>, vector<16xi32>], vector<16xf32>,
          %gather3A_407 = tpu.vector_load_idx %arg7[%add3A_139, %shift_right_logical3A_17, %broadcast_in_dim3A_179, %and3A_19, %add3A_397] : memref<5x2x4x10x129xf32, #tpu.memory_space<vmem>>[vector<16xi32>, vector<16xi32>, vector<16xi32>, vector<16xi32>, vector<16xi32>], vector<16xf32>,
          %gather3A_408 = tpu.vector_load_idx %arg7[%add3A_139, %shift_right_logical3A_17, %broadcast_in_dim3A_179, %and3A_19, %add3A_400] : memref<5x2x4x10x129xf32, #tpu.memory_space<vmem>>[vector<16xi32>, vector<16xi32>, vector<16xi32>, vector<16xi32>, vector<16xi32>], vector<16xf32>,
          %gather3A_409 = tpu.vector_load_idx %arg7[%add3A_139, %shift_right_logical3A_17, %broadcast_in_dim3A_179, %and3A_19, %add3A_403] : memref<5x2x4x10x129xf32, #tpu.memory_space<vmem>>[vector<16xi32>, vector<16xi32>, vector<16xi32>, vector<16xi32>, vector<16xi32>], vector<16xf32>,
          %add3A_410 = arith.constant 128 : i32
          %add3A_411 = arith.addi %add3A_410, %scan3A_405 : i32
          %swap3A_412 = arith.index_cast %rem3A_136 : i32 to index
          %swap3A_413 = arith.index_cast %add3A_411 : i32 to index
          %swap3A_414 = arith.constant 0 : index
          %swap3A_415 = tpu.vector_load %arg8[%swap3A_412, %swap3A_413, %swap3A_414] {strides = array<i32>} : memref<5x512x16xf32, #tpu.memory_space<vmem>>, vector<16xf32>,
          tpu.vector_store %arg8[%swap3A_412, %swap3A_413, %swap3A_414], %gather3A_406 {strides = array<i32>} : memref<5x512x16xf32, #tpu.memory_space<vmem>>, vector<16xf32>,
          %add3A_416 = arith.constant 160 : i32
          %add3A_417 = arith.addi %add3A_416, %scan3A_405 : i32
          %swap3A_418 = arith.index_cast %rem3A_136 : i32 to index
          %swap3A_419 = arith.index_cast %add3A_417 : i32 to index
          %swap3A_420 = arith.constant 0 : index
          %swap3A_421 = tpu.vector_load %arg8[%swap3A_418, %swap3A_419, %swap3A_420] {strides = array<i32>} : memref<5x512x16xf32, #tpu.memory_space<vmem>>, vector<16xf32>,
          tpu.vector_store %arg8[%swap3A_418, %swap3A_419, %swap3A_420], %gather3A_407 {strides = array<i32>} : memref<5x512x16xf32, #tpu.memory_space<vmem>>, vector<16xf32>,
          %add3A_422 = arith.constant 192 : i32
          %add3A_423 = arith.addi %add3A_422, %scan3A_405 : i32
          %swap3A_424 = arith.index_cast %rem3A_136 : i32 to index
          %swap3A_425 = arith.index_cast %add3A_423 : i32 to index
          %swap3A_426 = arith.constant 0 : index
          %swap3A_427 = tpu.vector_load %arg8[%swap3A_424, %swap3A_425, %swap3A_426] {strides = array<i32>} : memref<5x512x16xf32, #tpu.memory_space<vmem>>, vector<16xf32>,
          tpu.vector_store %arg8[%swap3A_424, %swap3A_425, %swap3A_426], %gather3A_408 {strides = array<i32>} : memref<5x512x16xf32, #tpu.memory_space<vmem>>, vector<16xf32>,
          %add3A_428 = arith.constant 224 : i32
          %add3A_429 = arith.addi %add3A_428, %scan3A_405 : i32
          %swap3A_430 = arith.index_cast %rem3A_136 : i32 to index
          %swap3A_431 = arith.index_cast %add3A_429 : i32 to index
          %swap3A_432 = arith.constant 0 : index
          %swap3A_433 = tpu.vector_load %arg8[%swap3A_430, %swap3A_431, %swap3A_432] {strides = array<i32>} : memref<5x512x16xf32, #tpu.memory_space<vmem>>, vector<16xf32>,
          tpu.vector_store %arg8[%swap3A_430, %swap3A_431, %swap3A_432], %gather3A_409 {strides = array<i32>} : memref<5x512x16xf32, #tpu.memory_space<vmem>>, vector<16xf32>,
          %add3A_434 = arith.constant 1 : i32
          %add3A_435 = vector.broadcast %add3A_434 : i32 to vector<16xi32>
          %add3A_436 = arith.addi %add3A_394, %add3A_435 : vector<16xi32>
          %add3A_437 = arith.constant 1 : i32
          %add3A_438 = vector.broadcast %add3A_437 : i32 to vector<16xi32>
          %add3A_439 = arith.addi %add3A_397, %add3A_438 : vector<16xi32>
          %add3A_440 = arith.constant 1 : i32
          %add3A_441 = vector.broadcast %add3A_440 : i32 to vector<16xi32>
          %add3A_442 = arith.addi %add3A_400, %add3A_441 : vector<16xi32>
          %add3A_443 = arith.constant 1 : i32
          %add3A_444 = vector.broadcast %add3A_443 : i32 to vector<16xi32>
          %add3A_445 = arith.addi %add3A_403, %add3A_444 : vector<16xi32>
          %scan3A_446 = arith.constant 5 : i32
          %scan3A_447 = arith.addi %scan3A_235, %scan3A_446 : i32
          %gather3A_448 = tpu.vector_load_idx %arg7[%add3A_139, %shift_right_logical3A_17, %broadcast_in_dim3A_179, %and3A_19, %add3A_436] : memref<5x2x4x10x129xf32, #tpu.memory_space<vmem>>[vector<16xi32>, vector<16xi32>, vector<16xi32>, vector<16xi32>, vector<16xi32>], vector<16xf32>,
          %gather3A_449 = tpu.vector_load_idx %arg7[%add3A_139, %shift_right_logical3A_17, %broadcast_in_dim3A_179, %and3A_19, %add3A_439] : memref<5x2x4x10x129xf32, #tpu.memory_space<vmem>>[vector<16xi32>, vector<16xi32>, vector<16xi32>, vector<16xi32>, vector<16xi32>], vector<16xf32>,
          %gather3A_450 = tpu.vector_load_idx %arg7[%add3A_139, %shift_right_logical3A_17, %broadcast_in_dim3A_179, %and3A_19, %add3A_442] : memref<5x2x4x10x129xf32, #tpu.memory_space<vmem>>[vector<16xi32>, vector<16xi32>, vector<16xi32>, vector<16xi32>, vector<16xi32>], vector<16xf32>,
          %gather3A_451 = tpu.vector_load_idx %arg7[%add3A_139, %shift_right_logical3A_17, %broadcast_in_dim3A_179, %and3A_19, %add3A_445] : memref<5x2x4x10x129xf32, #tpu.memory_space<vmem>>[vector<16xi32>, vector<16xi32>, vector<16xi32>, vector<16xi32>, vector<16xi32>], vector<16xf32>,
          %add3A_452 = arith.constant 128 : i32
          %add3A_453 = arith.addi %add3A_452, %scan3A_447 : i32
          %swap3A_454 = arith.index_cast %rem3A_136 : i32 to index
          %swap3A_455 = arith.index_cast %add3A_453 : i32 to index
          %swap3A_456 = arith.constant 0 : index
          %swap3A_457 = tpu.vector_load %arg8[%swap3A_454, %swap3A_455, %swap3A_456] {strides = array<i32>} : memref<5x512x16xf32, #tpu.memory_space<vmem>>, vector<16xf32>,
          tpu.vector_store %arg8[%swap3A_454, %swap3A_455, %swap3A_456], %gather3A_448 {strides = array<i32>} : memref<5x512x16xf32, #tpu.memory_space<vmem>>, vector<16xf32>,
          %add3A_458 = arith.constant 160 : i32
          %add3A_459 = arith.addi %add3A_458, %scan3A_447 : i32
          %swap3A_460 = arith.index_cast %rem3A_136 : i32 to index
          %swap3A_461 = arith.index_cast %add3A_459 : i32 to index
          %swap3A_462 = arith.constant 0 : index
          %swap3A_463 = tpu.vector_load %arg8[%swap3A_460, %swap3A_461, %swap3A_462] {strides = array<i32>} : memref<5x512x16xf32, #tpu.memory_space<vmem>>, vector<16xf32>,
          tpu.vector_store %arg8[%swap3A_460, %swap3A_461, %swap3A_462], %gather3A_449 {strides = array<i32>} : memref<5x512x16xf32, #tpu.memory_space<vmem>>, vector<16xf32>,
          %add3A_464 = arith.constant 192 : i32
          %add3A_465 = arith.addi %add3A_464, %scan3A_447 : i32
          %swap3A_466 = arith.index_cast %rem3A_136 : i32 to index
          %swap3A_467 = arith.index_cast %add3A_465 : i32 to index
          %swap3A_468 = arith.constant 0 : index
          %swap3A_469 = tpu.vector_load %arg8[%swap3A_466, %swap3A_467, %swap3A_468] {strides = array<i32>} : memref<5x512x16xf32, #tpu.memory_space<vmem>>, vector<16xf32>,
          tpu.vector_store %arg8[%swap3A_466, %swap3A_467, %swap3A_468], %gather3A_450 {strides = array<i32>} : memref<5x512x16xf32, #tpu.memory_space<vmem>>, vector<16xf32>,
          %add3A_470 = arith.constant 224 : i32
          %add3A_471 = arith.addi %add3A_470, %scan3A_447 : i32
          %swap3A_472 = arith.index_cast %rem3A_136 : i32 to index
          %swap3A_473 = arith.index_cast %add3A_471 : i32 to index
          %swap3A_474 = arith.constant 0 : index
          %swap3A_475 = tpu.vector_load %arg8[%swap3A_472, %swap3A_473, %swap3A_474] {strides = array<i32>} : memref<5x512x16xf32, #tpu.memory_space<vmem>>, vector<16xf32>,
          tpu.vector_store %arg8[%swap3A_472, %swap3A_473, %swap3A_474], %gather3A_451 {strides = array<i32>} : memref<5x512x16xf32, #tpu.memory_space<vmem>>, vector<16xf32>,
          %add3A_476 = arith.constant 1 : i32
          %add3A_477 = vector.broadcast %add3A_476 : i32 to vector<16xi32>
          %add3A_478 = arith.addi %add3A_436, %add3A_477 : vector<16xi32>
          %add3A_479 = arith.constant 1 : i32
          %add3A_480 = vector.broadcast %add3A_479 : i32 to vector<16xi32>
          %add3A_481 = arith.addi %add3A_439, %add3A_480 : vector<16xi32>
          %add3A_482 = arith.constant 1 : i32
          %add3A_483 = vector.broadcast %add3A_482 : i32 to vector<16xi32>
          %add3A_484 = arith.addi %add3A_442, %add3A_483 : vector<16xi32>
          %add3A_485 = arith.constant 1 : i32
          %add3A_486 = vector.broadcast %add3A_485 : i32 to vector<16xi32>
          %add3A_487 = arith.addi %add3A_445, %add3A_486 : vector<16xi32>
          %scan3A_488 = arith.constant 6 : i32
          %scan3A_489 = arith.addi %scan3A_235, %scan3A_488 : i32
          %gather3A_490 = tpu.vector_load_idx %arg7[%add3A_139, %shift_right_logical3A_17, %broadcast_in_dim3A_179, %and3A_19, %add3A_478] : memref<5x2x4x10x129xf32, #tpu.memory_space<vmem>>[vector<16xi32>, vector<16xi32>, vector<16xi32>, vector<16xi32>, vector<16xi32>], vector<16xf32>,
          %gather3A_491 = tpu.vector_load_idx %arg7[%add3A_139, %shift_right_logical3A_17, %broadcast_in_dim3A_179, %and3A_19, %add3A_481] : memref<5x2x4x10x129xf32, #tpu.memory_space<vmem>>[vector<16xi32>, vector<16xi32>, vector<16xi32>, vector<16xi32>, vector<16xi32>], vector<16xf32>,
          %gather3A_492 = tpu.vector_load_idx %arg7[%add3A_139, %shift_right_logical3A_17, %broadcast_in_dim3A_179, %and3A_19, %add3A_484] : memref<5x2x4x10x129xf32, #tpu.memory_space<vmem>>[vector<16xi32>, vector<16xi32>, vector<16xi32>, vector<16xi32>, vector<16xi32>], vector<16xf32>,
          %gather3A_493 = tpu.vector_load_idx %arg7[%add3A_139, %shift_right_logical3A_17, %broadcast_in_dim3A_179, %and3A_19, %add3A_487] : memref<5x2x4x10x129xf32, #tpu.memory_space<vmem>>[vector<16xi32>, vector<16xi32>, vector<16xi32>, vector<16xi32>, vector<16xi32>], vector<16xf32>,
          %add3A_494 = arith.constant 128 : i32
          %add3A_495 = arith.addi %add3A_494, %scan3A_489 : i32
          %swap3A_496 = arith.index_cast %rem3A_136 : i32 to index
          %swap3A_497 = arith.index_cast %add3A_495 : i32 to index
          %swap3A_498 = arith.constant 0 : index
          %swap3A_499 = tpu.vector_load %arg8[%swap3A_496, %swap3A_497, %swap3A_498] {strides = array<i32>} : memref<5x512x16xf32, #tpu.memory_space<vmem>>, vector<16xf32>,
          tpu.vector_store %arg8[%swap3A_496, %swap3A_497, %swap3A_498], %gather3A_490 {strides = array<i32>} : memref<5x512x16xf32, #tpu.memory_space<vmem>>, vector<16xf32>,
          %add3A_500 = arith.constant 160 : i32
          %add3A_501 = arith.addi %add3A_500, %scan3A_489 : i32
          %swap3A_502 = arith.index_cast %rem3A_136 : i32 to index
          %swap3A_503 = arith.index_cast %add3A_501 : i32 to index
          %swap3A_504 = arith.constant 0 : index
          %swap3A_505 = tpu.vector_load %arg8[%swap3A_502, %swap3A_503, %swap3A_504] {strides = array<i32>} : memref<5x512x16xf32, #tpu.memory_space<vmem>>, vector<16xf32>,
          tpu.vector_store %arg8[%swap3A_502, %swap3A_503, %swap3A_504], %gather3A_491 {strides = array<i32>} : memref<5x512x16xf32, #tpu.memory_space<vmem>>, vector<16xf32>,
          %add3A_506 = arith.constant 192 : i32
          %add3A_507 = arith.addi %add3A_506, %scan3A_489 : i32
          %swap3A_508 = arith.index_cast %rem3A_136 : i32 to index
          %swap3A_509 = arith.index_cast %add3A_507 : i32 to index
          %swap3A_510 = arith.constant 0 : index
          %swap3A_511 = tpu.vector_load %arg8[%swap3A_508, %swap3A_509, %swap3A_510] {strides = array<i32>} : memref<5x512x16xf32, #tpu.memory_space<vmem>>, vector<16xf32>,
          tpu.vector_store %arg8[%swap3A_508, %swap3A_509, %swap3A_510], %gather3A_492 {strides = array<i32>} : memref<5x512x16xf32, #tpu.memory_space<vmem>>, vector<16xf32>,
          %add3A_512 = arith.constant 224 : i32
          %add3A_513 = arith.addi %add3A_512, %scan3A_489 : i32
          %swap3A_514 = arith.index_cast %rem3A_136 : i32 to index
          %swap3A_515 = arith.index_cast %add3A_513 : i32 to index
          %swap3A_516 = arith.constant 0 : index
          %swap3A_517 = tpu.vector_load %arg8[%swap3A_514, %swap3A_515, %swap3A_516] {strides = array<i32>} : memref<5x512x16xf32, #tpu.memory_space<vmem>>, vector<16xf32>,
          tpu.vector_store %arg8[%swap3A_514, %swap3A_515, %swap3A_516], %gather3A_493 {strides = array<i32>} : memref<5x512x16xf32, #tpu.memory_space<vmem>>, vector<16xf32>,
          %add3A_518 = arith.constant 1 : i32
          %add3A_519 = vector.broadcast %add3A_518 : i32 to vector<16xi32>
          %add3A_520 = arith.addi %add3A_478, %add3A_519 : vector<16xi32>
          %add3A_521 = arith.constant 1 : i32
          %add3A_522 = vector.broadcast %add3A_521 : i32 to vector<16xi32>
          %add3A_523 = arith.addi %add3A_481, %add3A_522 : vector<16xi32>
          %add3A_524 = arith.constant 1 : i32
          %add3A_525 = vector.broadcast %add3A_524 : i32 to vector<16xi32>
          %add3A_526 = arith.addi %add3A_484, %add3A_525 : vector<16xi32>
          %add3A_527 = arith.constant 1 : i32
          %add3A_528 = vector.broadcast %add3A_527 : i32 to vector<16xi32>
          %add3A_529 = arith.addi %add3A_487, %add3A_528 : vector<16xi32>
          %scan3A_530 = arith.constant 7 : i32
          %scan3A_531 = arith.addi %scan3A_235, %scan3A_530 : i32
          %gather3A_532 = tpu.vector_load_idx %arg7[%add3A_139, %shift_right_logical3A_17, %broadcast_in_dim3A_179, %and3A_19, %add3A_520] : memref<5x2x4x10x129xf32, #tpu.memory_space<vmem>>[vector<16xi32>, vector<16xi32>, vector<16xi32>, vector<16xi32>, vector<16xi32>], vector<16xf32>,
          %gather3A_533 = tpu.vector_load_idx %arg7[%add3A_139, %shift_right_logical3A_17, %broadcast_in_dim3A_179, %and3A_19, %add3A_523] : memref<5x2x4x10x129xf32, #tpu.memory_space<vmem>>[vector<16xi32>, vector<16xi32>, vector<16xi32>, vector<16xi32>, vector<16xi32>], vector<16xf32>,
          %gather3A_534 = tpu.vector_load_idx %arg7[%add3A_139, %shift_right_logical3A_17, %broadcast_in_dim3A_179, %and3A_19, %add3A_526] : memref<5x2x4x10x129xf32, #tpu.memory_space<vmem>>[vector<16xi32>, vector<16xi32>, vector<16xi32>, vector<16xi32>, vector<16xi32>], vector<16xf32>,
          %gather3A_535 = tpu.vector_load_idx %arg7[%add3A_139, %shift_right_logical3A_17, %broadcast_in_dim3A_179, %and3A_19, %add3A_529] : memref<5x2x4x10x129xf32, #tpu.memory_space<vmem>>[vector<16xi32>, vector<16xi32>, vector<16xi32>, vector<16xi32>, vector<16xi32>], vector<16xf32>,
          %add3A_536 = arith.constant 128 : i32
          %add3A_537 = arith.addi %add3A_536, %scan3A_531 : i32
          %swap3A_538 = arith.index_cast %rem3A_136 : i32 to index
          %swap3A_539 = arith.index_cast %add3A_537 : i32 to index
          %swap3A_540 = arith.constant 0 : index
          %swap3A_541 = tpu.vector_load %arg8[%swap3A_538, %swap3A_539, %swap3A_540] {strides = array<i32>} : memref<5x512x16xf32, #tpu.memory_space<vmem>>, vector<16xf32>,
          tpu.vector_store %arg8[%swap3A_538, %swap3A_539, %swap3A_540], %gather3A_532 {strides = array<i32>} : memref<5x512x16xf32, #tpu.memory_space<vmem>>, vector<16xf32>,
          %add3A_542 = arith.constant 160 : i32
          %add3A_543 = arith.addi %add3A_542, %scan3A_531 : i32
          %swap3A_544 = arith.index_cast %rem3A_136 : i32 to index
          %swap3A_545 = arith.index_cast %add3A_543 : i32 to index
          %swap3A_546 = arith.constant 0 : index
          %swap3A_547 = tpu.vector_load %arg8[%swap3A_544, %swap3A_545, %swap3A_546] {strides = array<i32>} : memref<5x512x16xf32, #tpu.memory_space<vmem>>, vector<16xf32>,
          tpu.vector_store %arg8[%swap3A_544, %swap3A_545, %swap3A_546], %gather3A_533 {strides = array<i32>} : memref<5x512x16xf32, #tpu.memory_space<vmem>>, vector<16xf32>,
          %add3A_548 = arith.constant 192 : i32
          %add3A_549 = arith.addi %add3A_548, %scan3A_531 : i32
          %swap3A_550 = arith.index_cast %rem3A_136 : i32 to index
          %swap3A_551 = arith.index_cast %add3A_549 : i32 to index
          %swap3A_552 = arith.constant 0 : index
          %swap3A_553 = tpu.vector_load %arg8[%swap3A_550, %swap3A_551, %swap3A_552] {strides = array<i32>} : memref<5x512x16xf32, #tpu.memory_space<vmem>>, vector<16xf32>,
          tpu.vector_store %arg8[%swap3A_550, %swap3A_551, %swap3A_552], %gather3A_534 {strides = array<i32>} : memref<5x512x16xf32, #tpu.memory_space<vmem>>, vector<16xf32>,
          %add3A_554 = arith.constant 224 : i32
          %add3A_555 = arith.addi %add3A_554, %scan3A_531 : i32
          %swap3A_556 = arith.index_cast %rem3A_136 : i32 to index
          %swap3A_557 = arith.index_cast %add3A_555 : i32 to index
          %swap3A_558 = arith.constant 0 : index
          %swap3A_559 = tpu.vector_load %arg8[%swap3A_556, %swap3A_557, %swap3A_558] {strides = array<i32>} : memref<5x512x16xf32, #tpu.memory_space<vmem>>, vector<16xf32>,
          tpu.vector_store %arg8[%swap3A_556, %swap3A_557, %swap3A_558], %gather3A_535 {strides = array<i32>} : memref<5x512x16xf32, #tpu.memory_space<vmem>>, vector<16xf32>,
          %add3A_560 = arith.constant 1 : i32
          %add3A_561 = vector.broadcast %add3A_560 : i32 to vector<16xi32>
          %add3A_562 = arith.addi %add3A_520, %add3A_561 : vector<16xi32>
          %add3A_563 = arith.constant 1 : i32
          %add3A_564 = vector.broadcast %add3A_563 : i32 to vector<16xi32>
          %add3A_565 = arith.addi %add3A_523, %add3A_564 : vector<16xi32>
          %add3A_566 = arith.constant 1 : i32
          %add3A_567 = vector.broadcast %add3A_566 : i32 to vector<16xi32>
          %add3A_568 = arith.addi %add3A_526, %add3A_567 : vector<16xi32>
          %add3A_569 = arith.constant 1 : i32
          %add3A_570 = vector.broadcast %add3A_569 : i32 to vector<16xi32>
          %add3A_571 = arith.addi %add3A_529, %add3A_570 : vector<16xi32>
          scf.yield %add3A_562, %add3A_565, %add3A_568, %add3A_571 : vector<16xi32>, vector<16xi32>, vector<16xi32>, vector<16xi32>
        }
        %scan3A_196 = arith.constant 32 : i32
        %broadcast_in_dim3A_197 = arith.constant 2 : i32
        %broadcast_in_dim3A_198 = vector.broadcast %broadcast_in_dim3A_197 : i32 to vector<16xi32>
        %broadcast_in_dim3A_199 = arith.constant 0 : i32
        %broadcast_in_dim3A_200 = vector.broadcast %broadcast_in_dim3A_199 : i32 to vector<16xi32>
        %add3A_201 = arith.constant 32 : i32
        %add3A_202 = vector.broadcast %add3A_201 : i32 to vector<16xi32>
        %add3A_203 = arith.addi %broadcast_in_dim3A_200, %add3A_202 : vector<16xi32>
        %add3A_204 = arith.constant 64 : i32
        %add3A_205 = vector.broadcast %add3A_204 : i32 to vector<16xi32>
        %add3A_206 = arith.addi %broadcast_in_dim3A_200, %add3A_205 : vector<16xi32>
        %add3A_207 = arith.constant 96 : i32
        %add3A_208 = vector.broadcast %add3A_207 : i32 to vector<16xi32>
        %add3A_209 = arith.addi %broadcast_in_dim3A_200, %add3A_208 : vector<16xi32>
        %scan3A_210 = arith.constant 0 : i32
        %scan3A_211 = arith.constant 32 : i32
        %scan3A_212 = arith.addi %scan3A_210, %scan3A_211 : i32
        %scan3A_213 = arith.constant 8 : i32
        %scan3A_214:4 = scf.for %scan3A_235 = %scan3A_210 to %scan3A_212 step %scan3A_213 iter_args(%scan3A_236 = %broadcast_in_dim3A_200, %scan3A_237 = %add3A_203, %scan3A_238 = %add3A_206, %scan3A_239 = %add3A_209) -> (vector<16xi32>, vector<16xi32>, vector<16xi32>, vector<16xi32>)  : i32 {
          %gather3A = tpu.vector_load_idx %arg7[%add3A_139, %shift_right_logical3A_17, %broadcast_in_dim3A_198, %and3A_19, %scan3A_236] : memref<5x2x4x10x129xf32, #tpu.memory_space<vmem>>[vector<16xi32>, vector<16xi32>, vector<16xi32>, vector<16xi32>, vector<16xi32>], vector<16xf32>,
          %gather3A_240 = tpu.vector_load_idx %arg7[%add3A_139, %shift_right_logical3A_17, %broadcast_in_dim3A_198, %and3A_19, %scan3A_237] : memref<5x2x4x10x129xf32, #tpu.memory_space<vmem>>[vector<16xi32>, vector<16xi32>, vector<16xi32>, vector<16xi32>, vector<16xi32>], vector<16xf32>,
          %gather3A_241 = tpu.vector_load_idx %arg7[%add3A_139, %shift_right_logical3A_17, %broadcast_in_dim3A_198, %and3A_19, %scan3A_238] : memref<5x2x4x10x129xf32, #tpu.memory_space<vmem>>[vector<16xi32>, vector<16xi32>, vector<16xi32>, vector<16xi32>, vector<16xi32>], vector<16xf32>,
          %gather3A_242 = tpu.vector_load_idx %arg7[%add3A_139, %shift_right_logical3A_17, %broadcast_in_dim3A_198, %and3A_19, %scan3A_239] : memref<5x2x4x10x129xf32, #tpu.memory_space<vmem>>[vector<16xi32>, vector<16xi32>, vector<16xi32>, vector<16xi32>, vector<16xi32>], vector<16xf32>,
          %add3A_243 = arith.constant 256 : i32
          %add3A_244 = arith.addi %add3A_243, %scan3A_235 : i32
          %swap3A = arith.index_cast %rem3A_136 : i32 to index
          %swap3A_245 = arith.index_cast %add3A_244 : i32 to index
          %swap3A_246 = arith.constant 0 : index
          %swap3A_247 = tpu.vector_load %arg8[%swap3A, %swap3A_245, %swap3A_246] {strides = array<i32>} : memref<5x512x16xf32, #tpu.memory_space<vmem>>, vector<16xf32>,
          tpu.vector_store %arg8[%swap3A, %swap3A_245, %swap3A_246], %gather3A {strides = array<i32>} : memref<5x512x16xf32, #tpu.memory_space<vmem>>, vector<16xf32>,
          %add3A_248 = arith.constant 288 : i32
          %add3A_249 = arith.addi %add3A_248, %scan3A_235 : i32
          %swap3A_250 = arith.index_cast %rem3A_136 : i32 to index
          %swap3A_251 = arith.index_cast %add3A_249 : i32 to index
          %swap3A_252 = arith.constant 0 : index
          %swap3A_253 = tpu.vector_load %arg8[%swap3A_250, %swap3A_251, %swap3A_252] {strides = array<i32>} : memref<5x512x16xf32, #tpu.memory_space<vmem>>, vector<16xf32>,
          tpu.vector_store %arg8[%swap3A_250, %swap3A_251, %swap3A_252], %gather3A_240 {strides = array<i32>} : memref<5x512x16xf32, #tpu.memory_space<vmem>>, vector<16xf32>,
          %add3A_254 = arith.constant 320 : i32
          %add3A_255 = arith.addi %add3A_254, %scan3A_235 : i32
          %swap3A_256 = arith.index_cast %rem3A_136 : i32 to index
          %swap3A_257 = arith.index_cast %add3A_255 : i32 to index
          %swap3A_258 = arith.constant 0 : index
          %swap3A_259 = tpu.vector_load %arg8[%swap3A_256, %swap3A_257, %swap3A_258] {strides = array<i32>} : memref<5x512x16xf32, #tpu.memory_space<vmem>>, vector<16xf32>,
          tpu.vector_store %arg8[%swap3A_256, %swap3A_257, %swap3A_258], %gather3A_241 {strides = array<i32>} : memref<5x512x16xf32, #tpu.memory_space<vmem>>, vector<16xf32>,
          %add3A_260 = arith.constant 352 : i32
          %add3A_261 = arith.addi %add3A_260, %scan3A_235 : i32
          %swap3A_262 = arith.index_cast %rem3A_136 : i32 to index
          %swap3A_263 = arith.index_cast %add3A_261 : i32 to index
          %swap3A_264 = arith.constant 0 : index
          %swap3A_265 = tpu.vector_load %arg8[%swap3A_262, %swap3A_263, %swap3A_264] {strides = array<i32>} : memref<5x512x16xf32, #tpu.memory_space<vmem>>, vector<16xf32>,
          tpu.vector_store %arg8[%swap3A_262, %swap3A_263, %swap3A_264], %gather3A_242 {strides = array<i32>} : memref<5x512x16xf32, #tpu.memory_space<vmem>>, vector<16xf32>,
          %add3A_266 = arith.constant 1 : i32
          %add3A_267 = vector.broadcast %add3A_266 : i32 to vector<16xi32>
          %add3A_268 = arith.addi %scan3A_236, %add3A_267 : vector<16xi32>
          %add3A_269 = arith.constant 1 : i32
          %add3A_270 = vector.broadcast %add3A_269 : i32 to vector<16xi32>
          %add3A_271 = arith.addi %scan3A_237, %add3A_270 : vector<16xi32>
          %add3A_272 = arith.constant 1 : i32
          %add3A_273 = vector.broadcast %add3A_272 : i32 to vector<16xi32>
          %add3A_274 = arith.addi %scan3A_238, %add3A_273 : vector<16xi32>
          %add3A_275 = arith.constant 1 : i32
          %add3A_276 = vector.broadcast %add3A_275 : i32 to vector<16xi32>
          %add3A_277 = arith.addi %scan3A_239, %add3A_276 : vector<16xi32>
          %scan3A_278 = arith.constant 1 : i32
          %scan3A_279 = arith.addi %scan3A_235, %scan3A_278 : i32
          %gather3A_280 = tpu.vector_load_idx %arg7[%add3A_139, %shift_right_logical3A_17, %broadcast_in_dim3A_198, %and3A_19, %add3A_268] : memref<5x2x4x10x129xf32, #tpu.memory_space<vmem>>[vector<16xi32>, vector<16xi32>, vector<16xi32>, vector<16xi32>, vector<16xi32>], vector<16xf32>,
          %gather3A_281 = tpu.vector_load_idx %arg7[%add3A_139, %shift_right_logical3A_17, %broadcast_in_dim3A_198, %and3A_19, %add3A_271] : memref<5x2x4x10x129xf32, #tpu.memory_space<vmem>>[vector<16xi32>, vector<16xi32>, vector<16xi32>, vector<16xi32>, vector<16xi32>], vector<16xf32>,
          %gather3A_282 = tpu.vector_load_idx %arg7[%add3A_139, %shift_right_logical3A_17, %broadcast_in_dim3A_198, %and3A_19, %add3A_274] : memref<5x2x4x10x129xf32, #tpu.memory_space<vmem>>[vector<16xi32>, vector<16xi32>, vector<16xi32>, vector<16xi32>, vector<16xi32>], vector<16xf32>,
          %gather3A_283 = tpu.vector_load_idx %arg7[%add3A_139, %shift_right_logical3A_17, %broadcast_in_dim3A_198, %and3A_19, %add3A_277] : memref<5x2x4x10x129xf32, #tpu.memory_space<vmem>>[vector<16xi32>, vector<16xi32>, vector<16xi32>, vector<16xi32>, vector<16xi32>], vector<16xf32>,
          %add3A_284 = arith.constant 256 : i32
          %add3A_285 = arith.addi %add3A_284, %scan3A_279 : i32
          %swap3A_286 = arith.index_cast %rem3A_136 : i32 to index
          %swap3A_287 = arith.index_cast %add3A_285 : i32 to index
          %swap3A_288 = arith.constant 0 : index
          %swap3A_289 = tpu.vector_load %arg8[%swap3A_286, %swap3A_287, %swap3A_288] {strides = array<i32>} : memref<5x512x16xf32, #tpu.memory_space<vmem>>, vector<16xf32>,
          tpu.vector_store %arg8[%swap3A_286, %swap3A_287, %swap3A_288], %gather3A_280 {strides = array<i32>} : memref<5x512x16xf32, #tpu.memory_space<vmem>>, vector<16xf32>,
          %add3A_290 = arith.constant 288 : i32
          %add3A_291 = arith.addi %add3A_290, %scan3A_279 : i32
          %swap3A_292 = arith.index_cast %rem3A_136 : i32 to index
          %swap3A_293 = arith.index_cast %add3A_291 : i32 to index
          %swap3A_294 = arith.constant 0 : index
          %swap3A_295 = tpu.vector_load %arg8[%swap3A_292, %swap3A_293, %swap3A_294] {strides = array<i32>} : memref<5x512x16xf32, #tpu.memory_space<vmem>>, vector<16xf32>,
          tpu.vector_store %arg8[%swap3A_292, %swap3A_293, %swap3A_294], %gather3A_281 {strides = array<i32>} : memref<5x512x16xf32, #tpu.memory_space<vmem>>, vector<16xf32>,
          %add3A_296 = arith.constant 320 : i32
          %add3A_297 = arith.addi %add3A_296, %scan3A_279 : i32
          %swap3A_298 = arith.index_cast %rem3A_136 : i32 to index
          %swap3A_299 = arith.index_cast %add3A_297 : i32 to index
          %swap3A_300 = arith.constant 0 : index
          %swap3A_301 = tpu.vector_load %arg8[%swap3A_298, %swap3A_299, %swap3A_300] {strides = array<i32>} : memref<5x512x16xf32, #tpu.memory_space<vmem>>, vector<16xf32>,
          tpu.vector_store %arg8[%swap3A_298, %swap3A_299, %swap3A_300], %gather3A_282 {strides = array<i32>} : memref<5x512x16xf32, #tpu.memory_space<vmem>>, vector<16xf32>,
          %add3A_302 = arith.constant 352 : i32
          %add3A_303 = arith.addi %add3A_302, %scan3A_279 : i32
          %swap3A_304 = arith.index_cast %rem3A_136 : i32 to index
          %swap3A_305 = arith.index_cast %add3A_303 : i32 to index
          %swap3A_306 = arith.constant 0 : index
          %swap3A_307 = tpu.vector_load %arg8[%swap3A_304, %swap3A_305, %swap3A_306] {strides = array<i32>} : memref<5x512x16xf32, #tpu.memory_space<vmem>>, vector<16xf32>,
          tpu.vector_store %arg8[%swap3A_304, %swap3A_305, %swap3A_306], %gather3A_283 {strides = array<i32>} : memref<5x512x16xf32, #tpu.memory_space<vmem>>, vector<16xf32>,
          %add3A_308 = arith.constant 1 : i32
          %add3A_309 = vector.broadcast %add3A_308 : i32 to vector<16xi32>
          %add3A_310 = arith.addi %add3A_268, %add3A_309 : vector<16xi32>
          %add3A_311 = arith.constant 1 : i32
          %add3A_312 = vector.broadcast %add3A_311 : i32 to vector<16xi32>
          %add3A_313 = arith.addi %add3A_271, %add3A_312 : vector<16xi32>
          %add3A_314 = arith.constant 1 : i32
          %add3A_315 = vector.broadcast %add3A_314 : i32 to vector<16xi32>
          %add3A_316 = arith.addi %add3A_274, %add3A_315 : vector<16xi32>
          %add3A_317 = arith.constant 1 : i32
          %add3A_318 = vector.broadcast %add3A_317 : i32 to vector<16xi32>
          %add3A_319 = arith.addi %add3A_277, %add3A_318 : vector<16xi32>
          %scan3A_320 = arith.constant 2 : i32
          %scan3A_321 = arith.addi %scan3A_235, %scan3A_320 : i32
          %gather3A_322 = tpu.vector_load_idx %arg7[%add3A_139, %shift_right_logical3A_17, %broadcast_in_dim3A_198, %and3A_19, %add3A_310] : memref<5x2x4x10x129xf32, #tpu.memory_space<vmem>>[vector<16xi32>, vector<16xi32>, vector<16xi32>, vector<16xi32>, vector<16xi32>], vector<16xf32>,
          %gather3A_323 = tpu.vector_load_idx %arg7[%add3A_139, %shift_right_logical3A_17, %broadcast_in_dim3A_198, %and3A_19, %add3A_313] : memref<5x2x4x10x129xf32, #tpu.memory_space<vmem>>[vector<16xi32>, vector<16xi32>, vector<16xi32>, vector<16xi32>, vector<16xi32>], vector<16xf32>,
          %gather3A_324 = tpu.vector_load_idx %arg7[%add3A_139, %shift_right_logical3A_17, %broadcast_in_dim3A_198, %and3A_19, %add3A_316] : memref<5x2x4x10x129xf32, #tpu.memory_space<vmem>>[vector<16xi32>, vector<16xi32>, vector<16xi32>, vector<16xi32>, vector<16xi32>], vector<16xf32>,
          %gather3A_325 = tpu.vector_load_idx %arg7[%add3A_139, %shift_right_logical3A_17, %broadcast_in_dim3A_198, %and3A_19, %add3A_319] : memref<5x2x4x10x129xf32, #tpu.memory_space<vmem>>[vector<16xi32>, vector<16xi32>, vector<16xi32>, vector<16xi32>, vector<16xi32>], vector<16xf32>,
          %add3A_326 = arith.constant 256 : i32
          %add3A_327 = arith.addi %add3A_326, %scan3A_321 : i32
          %swap3A_328 = arith.index_cast %rem3A_136 : i32 to index
          %swap3A_329 = arith.index_cast %add3A_327 : i32 to index
          %swap3A_330 = arith.constant 0 : index
          %swap3A_331 = tpu.vector_load %arg8[%swap3A_328, %swap3A_329, %swap3A_330] {strides = array<i32>} : memref<5x512x16xf32, #tpu.memory_space<vmem>>, vector<16xf32>,
          tpu.vector_store %arg8[%swap3A_328, %swap3A_329, %swap3A_330], %gather3A_322 {strides = array<i32>} : memref<5x512x16xf32, #tpu.memory_space<vmem>>, vector<16xf32>,
          %add3A_332 = arith.constant 288 : i32
          %add3A_333 = arith.addi %add3A_332, %scan3A_321 : i32
          %swap3A_334 = arith.index_cast %rem3A_136 : i32 to index
          %swap3A_335 = arith.index_cast %add3A_333 : i32 to index
          %swap3A_336 = arith.constant 0 : index
          %swap3A_337 = tpu.vector_load %arg8[%swap3A_334, %swap3A_335, %swap3A_336] {strides = array<i32>} : memref<5x512x16xf32, #tpu.memory_space<vmem>>, vector<16xf32>,
          tpu.vector_store %arg8[%swap3A_334, %swap3A_335, %swap3A_336], %gather3A_323 {strides = array<i32>} : memref<5x512x16xf32, #tpu.memory_space<vmem>>, vector<16xf32>,
          %add3A_338 = arith.constant 320 : i32
          %add3A_339 = arith.addi %add3A_338, %scan3A_321 : i32
          %swap3A_340 = arith.index_cast %rem3A_136 : i32 to index
          %swap3A_341 = arith.index_cast %add3A_339 : i32 to index
          %swap3A_342 = arith.constant 0 : index
          %swap3A_343 = tpu.vector_load %arg8[%swap3A_340, %swap3A_341, %swap3A_342] {strides = array<i32>} : memref<5x512x16xf32, #tpu.memory_space<vmem>>, vector<16xf32>,
          tpu.vector_store %arg8[%swap3A_340, %swap3A_341, %swap3A_342], %gather3A_324 {strides = array<i32>} : memref<5x512x16xf32, #tpu.memory_space<vmem>>, vector<16xf32>,
          %add3A_344 = arith.constant 352 : i32
          %add3A_345 = arith.addi %add3A_344, %scan3A_321 : i32
          %swap3A_346 = arith.index_cast %rem3A_136 : i32 to index
          %swap3A_347 = arith.index_cast %add3A_345 : i32 to index
          %swap3A_348 = arith.constant 0 : index
          %swap3A_349 = tpu.vector_load %arg8[%swap3A_346, %swap3A_347, %swap3A_348] {strides = array<i32>} : memref<5x512x16xf32, #tpu.memory_space<vmem>>, vector<16xf32>,
          tpu.vector_store %arg8[%swap3A_346, %swap3A_347, %swap3A_348], %gather3A_325 {strides = array<i32>} : memref<5x512x16xf32, #tpu.memory_space<vmem>>, vector<16xf32>,
          %add3A_350 = arith.constant 1 : i32
          %add3A_351 = vector.broadcast %add3A_350 : i32 to vector<16xi32>
          %add3A_352 = arith.addi %add3A_310, %add3A_351 : vector<16xi32>
          %add3A_353 = arith.constant 1 : i32
          %add3A_354 = vector.broadcast %add3A_353 : i32 to vector<16xi32>
          %add3A_355 = arith.addi %add3A_313, %add3A_354 : vector<16xi32>
          %add3A_356 = arith.constant 1 : i32
          %add3A_357 = vector.broadcast %add3A_356 : i32 to vector<16xi32>
          %add3A_358 = arith.addi %add3A_316, %add3A_357 : vector<16xi32>
          %add3A_359 = arith.constant 1 : i32
          %add3A_360 = vector.broadcast %add3A_359 : i32 to vector<16xi32>
          %add3A_361 = arith.addi %add3A_319, %add3A_360 : vector<16xi32>
          %scan3A_362 = arith.constant 3 : i32
          %scan3A_363 = arith.addi %scan3A_235, %scan3A_362 : i32
          %gather3A_364 = tpu.vector_load_idx %arg7[%add3A_139, %shift_right_logical3A_17, %broadcast_in_dim3A_198, %and3A_19, %add3A_352] : memref<5x2x4x10x129xf32, #tpu.memory_space<vmem>>[vector<16xi32>, vector<16xi32>, vector<16xi32>, vector<16xi32>, vector<16xi32>], vector<16xf32>,
          %gather3A_365 = tpu.vector_load_idx %arg7[%add3A_139, %shift_right_logical3A_17, %broadcast_in_dim3A_198, %and3A_19, %add3A_355] : memref<5x2x4x10x129xf32, #tpu.memory_space<vmem>>[vector<16xi32>, vector<16xi32>, vector<16xi32>, vector<16xi32>, vector<16xi32>], vector<16xf32>,
          %gather3A_366 = tpu.vector_load_idx %arg7[%add3A_139, %shift_right_logical3A_17, %broadcast_in_dim3A_198, %and3A_19, %add3A_358] : memref<5x2x4x10x129xf32, #tpu.memory_space<vmem>>[vector<16xi32>, vector<16xi32>, vector<16xi32>, vector<16xi32>, vector<16xi32>], vector<16xf32>,
          %gather3A_367 = tpu.vector_load_idx %arg7[%add3A_139, %shift_right_logical3A_17, %broadcast_in_dim3A_198, %and3A_19, %add3A_361] : memref<5x2x4x10x129xf32, #tpu.memory_space<vmem>>[vector<16xi32>, vector<16xi32>, vector<16xi32>, vector<16xi32>, vector<16xi32>], vector<16xf32>,
          %add3A_368 = arith.constant 256 : i32
          %add3A_369 = arith.addi %add3A_368, %scan3A_363 : i32
          %swap3A_370 = arith.index_cast %rem3A_136 : i32 to index
          %swap3A_371 = arith.index_cast %add3A_369 : i32 to index
          %swap3A_372 = arith.constant 0 : index
          %swap3A_373 = tpu.vector_load %arg8[%swap3A_370, %swap3A_371, %swap3A_372] {strides = array<i32>} : memref<5x512x16xf32, #tpu.memory_space<vmem>>, vector<16xf32>,
          tpu.vector_store %arg8[%swap3A_370, %swap3A_371, %swap3A_372], %gather3A_364 {strides = array<i32>} : memref<5x512x16xf32, #tpu.memory_space<vmem>>, vector<16xf32>,
          %add3A_374 = arith.constant 288 : i32
          %add3A_375 = arith.addi %add3A_374, %scan3A_363 : i32
          %swap3A_376 = arith.index_cast %rem3A_136 : i32 to index
          %swap3A_377 = arith.index_cast %add3A_375 : i32 to index
          %swap3A_378 = arith.constant 0 : index
          %swap3A_379 = tpu.vector_load %arg8[%swap3A_376, %swap3A_377, %swap3A_378] {strides = array<i32>} : memref<5x512x16xf32, #tpu.memory_space<vmem>>, vector<16xf32>,
          tpu.vector_store %arg8[%swap3A_376, %swap3A_377, %swap3A_378], %gather3A_365 {strides = array<i32>} : memref<5x512x16xf32, #tpu.memory_space<vmem>>, vector<16xf32>,
          %add3A_380 = arith.constant 320 : i32
          %add3A_381 = arith.addi %add3A_380, %scan3A_363 : i32
          %swap3A_382 = arith.index_cast %rem3A_136 : i32 to index
          %swap3A_383 = arith.index_cast %add3A_381 : i32 to index
          %swap3A_384 = arith.constant 0 : index
          %swap3A_385 = tpu.vector_load %arg8[%swap3A_382, %swap3A_383, %swap3A_384] {strides = array<i32>} : memref<5x512x16xf32, #tpu.memory_space<vmem>>, vector<16xf32>,
          tpu.vector_store %arg8[%swap3A_382, %swap3A_383, %swap3A_384], %gather3A_366 {strides = array<i32>} : memref<5x512x16xf32, #tpu.memory_space<vmem>>, vector<16xf32>,
          %add3A_386 = arith.constant 352 : i32
          %add3A_387 = arith.addi %add3A_386, %scan3A_363 : i32
          %swap3A_388 = arith.index_cast %rem3A_136 : i32 to index
          %swap3A_389 = arith.index_cast %add3A_387 : i32 to index
          %swap3A_390 = arith.constant 0 : index
          %swap3A_391 = tpu.vector_load %arg8[%swap3A_388, %swap3A_389, %swap3A_390] {strides = array<i32>} : memref<5x512x16xf32, #tpu.memory_space<vmem>>, vector<16xf32>,
          tpu.vector_store %arg8[%swap3A_388, %swap3A_389, %swap3A_390], %gather3A_367 {strides = array<i32>} : memref<5x512x16xf32, #tpu.memory_space<vmem>>, vector<16xf32>,
          %add3A_392 = arith.constant 1 : i32
          %add3A_393 = vector.broadcast %add3A_392 : i32 to vector<16xi32>
          %add3A_394 = arith.addi %add3A_352, %add3A_393 : vector<16xi32>
          %add3A_395 = arith.constant 1 : i32
          %add3A_396 = vector.broadcast %add3A_395 : i32 to vector<16xi32>
          %add3A_397 = arith.addi %add3A_355, %add3A_396 : vector<16xi32>
          %add3A_398 = arith.constant 1 : i32
          %add3A_399 = vector.broadcast %add3A_398 : i32 to vector<16xi32>
          %add3A_400 = arith.addi %add3A_358, %add3A_399 : vector<16xi32>
          %add3A_401 = arith.constant 1 : i32
          %add3A_402 = vector.broadcast %add3A_401 : i32 to vector<16xi32>
          %add3A_403 = arith.addi %add3A_361, %add3A_402 : vector<16xi32>
          %scan3A_404 = arith.constant 4 : i32
          %scan3A_405 = arith.addi %scan3A_235, %scan3A_404 : i32
          %gather3A_406 = tpu.vector_load_idx %arg7[%add3A_139, %shift_right_logical3A_17, %broadcast_in_dim3A_198, %and3A_19, %add3A_394] : memref<5x2x4x10x129xf32, #tpu.memory_space<vmem>>[vector<16xi32>, vector<16xi32>, vector<16xi32>, vector<16xi32>, vector<16xi32>], vector<16xf32>,
          %gather3A_407 = tpu.vector_load_idx %arg7[%add3A_139, %shift_right_logical3A_17, %broadcast_in_dim3A_198, %and3A_19, %add3A_397] : memref<5x2x4x10x129xf32, #tpu.memory_space<vmem>>[vector<16xi32>, vector<16xi32>, vector<16xi32>, vector<16xi32>, vector<16xi32>], vector<16xf32>,
          %gather3A_408 = tpu.vector_load_idx %arg7[%add3A_139, %shift_right_logical3A_17, %broadcast_in_dim3A_198, %and3A_19, %add3A_400] : memref<5x2x4x10x129xf32, #tpu.memory_space<vmem>>[vector<16xi32>, vector<16xi32>, vector<16xi32>, vector<16xi32>, vector<16xi32>], vector<16xf32>,
          %gather3A_409 = tpu.vector_load_idx %arg7[%add3A_139, %shift_right_logical3A_17, %broadcast_in_dim3A_198, %and3A_19, %add3A_403] : memref<5x2x4x10x129xf32, #tpu.memory_space<vmem>>[vector<16xi32>, vector<16xi32>, vector<16xi32>, vector<16xi32>, vector<16xi32>], vector<16xf32>,
          %add3A_410 = arith.constant 256 : i32
          %add3A_411 = arith.addi %add3A_410, %scan3A_405 : i32
          %swap3A_412 = arith.index_cast %rem3A_136 : i32 to index
          %swap3A_413 = arith.index_cast %add3A_411 : i32 to index
          %swap3A_414 = arith.constant 0 : index
          %swap3A_415 = tpu.vector_load %arg8[%swap3A_412, %swap3A_413, %swap3A_414] {strides = array<i32>} : memref<5x512x16xf32, #tpu.memory_space<vmem>>, vector<16xf32>,
          tpu.vector_store %arg8[%swap3A_412, %swap3A_413, %swap3A_414], %gather3A_406 {strides = array<i32>} : memref<5x512x16xf32, #tpu.memory_space<vmem>>, vector<16xf32>,
          %add3A_416 = arith.constant 288 : i32
          %add3A_417 = arith.addi %add3A_416, %scan3A_405 : i32
          %swap3A_418 = arith.index_cast %rem3A_136 : i32 to index
          %swap3A_419 = arith.index_cast %add3A_417 : i32 to index
          %swap3A_420 = arith.constant 0 : index
          %swap3A_421 = tpu.vector_load %arg8[%swap3A_418, %swap3A_419, %swap3A_420] {strides = array<i32>} : memref<5x512x16xf32, #tpu.memory_space<vmem>>, vector<16xf32>,
          tpu.vector_store %arg8[%swap3A_418, %swap3A_419, %swap3A_420], %gather3A_407 {strides = array<i32>} : memref<5x512x16xf32, #tpu.memory_space<vmem>>, vector<16xf32>,
          %add3A_422 = arith.constant 320 : i32
          %add3A_423 = arith.addi %add3A_422, %scan3A_405 : i32
          %swap3A_424 = arith.index_cast %rem3A_136 : i32 to index
          %swap3A_425 = arith.index_cast %add3A_423 : i32 to index
          %swap3A_426 = arith.constant 0 : index
          %swap3A_427 = tpu.vector_load %arg8[%swap3A_424, %swap3A_425, %swap3A_426] {strides = array<i32>} : memref<5x512x16xf32, #tpu.memory_space<vmem>>, vector<16xf32>,
          tpu.vector_store %arg8[%swap3A_424, %swap3A_425, %swap3A_426], %gather3A_408 {strides = array<i32>} : memref<5x512x16xf32, #tpu.memory_space<vmem>>, vector<16xf32>,
          %add3A_428 = arith.constant 352 : i32
          %add3A_429 = arith.addi %add3A_428, %scan3A_405 : i32
          %swap3A_430 = arith.index_cast %rem3A_136 : i32 to index
          %swap3A_431 = arith.index_cast %add3A_429 : i32 to index
          %swap3A_432 = arith.constant 0 : index
          %swap3A_433 = tpu.vector_load %arg8[%swap3A_430, %swap3A_431, %swap3A_432] {strides = array<i32>} : memref<5x512x16xf32, #tpu.memory_space<vmem>>, vector<16xf32>,
          tpu.vector_store %arg8[%swap3A_430, %swap3A_431, %swap3A_432], %gather3A_409 {strides = array<i32>} : memref<5x512x16xf32, #tpu.memory_space<vmem>>, vector<16xf32>,
          %add3A_434 = arith.constant 1 : i32
          %add3A_435 = vector.broadcast %add3A_434 : i32 to vector<16xi32>
          %add3A_436 = arith.addi %add3A_394, %add3A_435 : vector<16xi32>
          %add3A_437 = arith.constant 1 : i32
          %add3A_438 = vector.broadcast %add3A_437 : i32 to vector<16xi32>
          %add3A_439 = arith.addi %add3A_397, %add3A_438 : vector<16xi32>
          %add3A_440 = arith.constant 1 : i32
          %add3A_441 = vector.broadcast %add3A_440 : i32 to vector<16xi32>
          %add3A_442 = arith.addi %add3A_400, %add3A_441 : vector<16xi32>
          %add3A_443 = arith.constant 1 : i32
          %add3A_444 = vector.broadcast %add3A_443 : i32 to vector<16xi32>
          %add3A_445 = arith.addi %add3A_403, %add3A_444 : vector<16xi32>
          %scan3A_446 = arith.constant 5 : i32
          %scan3A_447 = arith.addi %scan3A_235, %scan3A_446 : i32
          %gather3A_448 = tpu.vector_load_idx %arg7[%add3A_139, %shift_right_logical3A_17, %broadcast_in_dim3A_198, %and3A_19, %add3A_436] : memref<5x2x4x10x129xf32, #tpu.memory_space<vmem>>[vector<16xi32>, vector<16xi32>, vector<16xi32>, vector<16xi32>, vector<16xi32>], vector<16xf32>,
          %gather3A_449 = tpu.vector_load_idx %arg7[%add3A_139, %shift_right_logical3A_17, %broadcast_in_dim3A_198, %and3A_19, %add3A_439] : memref<5x2x4x10x129xf32, #tpu.memory_space<vmem>>[vector<16xi32>, vector<16xi32>, vector<16xi32>, vector<16xi32>, vector<16xi32>], vector<16xf32>,
          %gather3A_450 = tpu.vector_load_idx %arg7[%add3A_139, %shift_right_logical3A_17, %broadcast_in_dim3A_198, %and3A_19, %add3A_442] : memref<5x2x4x10x129xf32, #tpu.memory_space<vmem>>[vector<16xi32>, vector<16xi32>, vector<16xi32>, vector<16xi32>, vector<16xi32>], vector<16xf32>,
          %gather3A_451 = tpu.vector_load_idx %arg7[%add3A_139, %shift_right_logical3A_17, %broadcast_in_dim3A_198, %and3A_19, %add3A_445] : memref<5x2x4x10x129xf32, #tpu.memory_space<vmem>>[vector<16xi32>, vector<16xi32>, vector<16xi32>, vector<16xi32>, vector<16xi32>], vector<16xf32>,
          %add3A_452 = arith.constant 256 : i32
          %add3A_453 = arith.addi %add3A_452, %scan3A_447 : i32
          %swap3A_454 = arith.index_cast %rem3A_136 : i32 to index
          %swap3A_455 = arith.index_cast %add3A_453 : i32 to index
          %swap3A_456 = arith.constant 0 : index
          %swap3A_457 = tpu.vector_load %arg8[%swap3A_454, %swap3A_455, %swap3A_456] {strides = array<i32>} : memref<5x512x16xf32, #tpu.memory_space<vmem>>, vector<16xf32>,
          tpu.vector_store %arg8[%swap3A_454, %swap3A_455, %swap3A_456], %gather3A_448 {strides = array<i32>} : memref<5x512x16xf32, #tpu.memory_space<vmem>>, vector<16xf32>,
          %add3A_458 = arith.constant 288 : i32
          %add3A_459 = arith.addi %add3A_458, %scan3A_447 : i32
          %swap3A_460 = arith.index_cast %rem3A_136 : i32 to index
          %swap3A_461 = arith.index_cast %add3A_459 : i32 to index
          %swap3A_462 = arith.constant 0 : index
          %swap3A_463 = tpu.vector_load %arg8[%swap3A_460, %swap3A_461, %swap3A_462] {strides = array<i32>} : memref<5x512x16xf32, #tpu.memory_space<vmem>>, vector<16xf32>,
          tpu.vector_store %arg8[%swap3A_460, %swap3A_461, %swap3A_462], %gather3A_449 {strides = array<i32>} : memref<5x512x16xf32, #tpu.memory_space<vmem>>, vector<16xf32>,
          %add3A_464 = arith.constant 320 : i32
          %add3A_465 = arith.addi %add3A_464, %scan3A_447 : i32
          %swap3A_466 = arith.index_cast %rem3A_136 : i32 to index
          %swap3A_467 = arith.index_cast %add3A_465 : i32 to index
          %swap3A_468 = arith.constant 0 : index
          %swap3A_469 = tpu.vector_load %arg8[%swap3A_466, %swap3A_467, %swap3A_468] {strides = array<i32>} : memref<5x512x16xf32, #tpu.memory_space<vmem>>, vector<16xf32>,
          tpu.vector_store %arg8[%swap3A_466, %swap3A_467, %swap3A_468], %gather3A_450 {strides = array<i32>} : memref<5x512x16xf32, #tpu.memory_space<vmem>>, vector<16xf32>,
          %add3A_470 = arith.constant 352 : i32
          %add3A_471 = arith.addi %add3A_470, %scan3A_447 : i32
          %swap3A_472 = arith.index_cast %rem3A_136 : i32 to index
          %swap3A_473 = arith.index_cast %add3A_471 : i32 to index
          %swap3A_474 = arith.constant 0 : index
          %swap3A_475 = tpu.vector_load %arg8[%swap3A_472, %swap3A_473, %swap3A_474] {strides = array<i32>} : memref<5x512x16xf32, #tpu.memory_space<vmem>>, vector<16xf32>,
          tpu.vector_store %arg8[%swap3A_472, %swap3A_473, %swap3A_474], %gather3A_451 {strides = array<i32>} : memref<5x512x16xf32, #tpu.memory_space<vmem>>, vector<16xf32>,
          %add3A_476 = arith.constant 1 : i32
          %add3A_477 = vector.broadcast %add3A_476 : i32 to vector<16xi32>
          %add3A_478 = arith.addi %add3A_436, %add3A_477 : vector<16xi32>
          %add3A_479 = arith.constant 1 : i32
          %add3A_480 = vector.broadcast %add3A_479 : i32 to vector<16xi32>
          %add3A_481 = arith.addi %add3A_439, %add3A_480 : vector<16xi32>
          %add3A_482 = arith.constant 1 : i32
          %add3A_483 = vector.broadcast %add3A_482 : i32 to vector<16xi32>
          %add3A_484 = arith.addi %add3A_442, %add3A_483 : vector<16xi32>
          %add3A_485 = arith.constant 1 : i32
          %add3A_486 = vector.broadcast %add3A_485 : i32 to vector<16xi32>
          %add3A_487 = arith.addi %add3A_445, %add3A_486 : vector<16xi32>
          %scan3A_488 = arith.constant 6 : i32
          %scan3A_489 = arith.addi %scan3A_235, %scan3A_488 : i32
          %gather3A_490 = tpu.vector_load_idx %arg7[%add3A_139, %shift_right_logical3A_17, %broadcast_in_dim3A_198, %and3A_19, %add3A_478] : memref<5x2x4x10x129xf32, #tpu.memory_space<vmem>>[vector<16xi32>, vector<16xi32>, vector<16xi32>, vector<16xi32>, vector<16xi32>], vector<16xf32>,
          %gather3A_491 = tpu.vector_load_idx %arg7[%add3A_139, %shift_right_logical3A_17, %broadcast_in_dim3A_198, %and3A_19, %add3A_481] : memref<5x2x4x10x129xf32, #tpu.memory_space<vmem>>[vector<16xi32>, vector<16xi32>, vector<16xi32>, vector<16xi32>, vector<16xi32>], vector<16xf32>,
          %gather3A_492 = tpu.vector_load_idx %arg7[%add3A_139, %shift_right_logical3A_17, %broadcast_in_dim3A_198, %and3A_19, %add3A_484] : memref<5x2x4x10x129xf32, #tpu.memory_space<vmem>>[vector<16xi32>, vector<16xi32>, vector<16xi32>, vector<16xi32>, vector<16xi32>], vector<16xf32>,
          %gather3A_493 = tpu.vector_load_idx %arg7[%add3A_139, %shift_right_logical3A_17, %broadcast_in_dim3A_198, %and3A_19, %add3A_487] : memref<5x2x4x10x129xf32, #tpu.memory_space<vmem>>[vector<16xi32>, vector<16xi32>, vector<16xi32>, vector<16xi32>, vector<16xi32>], vector<16xf32>,
          %add3A_494 = arith.constant 256 : i32
          %add3A_495 = arith.addi %add3A_494, %scan3A_489 : i32
          %swap3A_496 = arith.index_cast %rem3A_136 : i32 to index
          %swap3A_497 = arith.index_cast %add3A_495 : i32 to index
          %swap3A_498 = arith.constant 0 : index
          %swap3A_499 = tpu.vector_load %arg8[%swap3A_496, %swap3A_497, %swap3A_498] {strides = array<i32>} : memref<5x512x16xf32, #tpu.memory_space<vmem>>, vector<16xf32>,
          tpu.vector_store %arg8[%swap3A_496, %swap3A_497, %swap3A_498], %gather3A_490 {strides = array<i32>} : memref<5x512x16xf32, #tpu.memory_space<vmem>>, vector<16xf32>,
          %add3A_500 = arith.constant 288 : i32
          %add3A_501 = arith.addi %add3A_500, %scan3A_489 : i32
          %swap3A_502 = arith.index_cast %rem3A_136 : i32 to index
          %swap3A_503 = arith.index_cast %add3A_501 : i32 to index
          %swap3A_504 = arith.constant 0 : index
          %swap3A_505 = tpu.vector_load %arg8[%swap3A_502, %swap3A_503, %swap3A_504] {strides = array<i32>} : memref<5x512x16xf32, #tpu.memory_space<vmem>>, vector<16xf32>,
          tpu.vector_store %arg8[%swap3A_502, %swap3A_503, %swap3A_504], %gather3A_491 {strides = array<i32>} : memref<5x512x16xf32, #tpu.memory_space<vmem>>, vector<16xf32>,
          %add3A_506 = arith.constant 320 : i32
          %add3A_507 = arith.addi %add3A_506, %scan3A_489 : i32
          %swap3A_508 = arith.index_cast %rem3A_136 : i32 to index
          %swap3A_509 = arith.index_cast %add3A_507 : i32 to index
          %swap3A_510 = arith.constant 0 : index
          %swap3A_511 = tpu.vector_load %arg8[%swap3A_508, %swap3A_509, %swap3A_510] {strides = array<i32>} : memref<5x512x16xf32, #tpu.memory_space<vmem>>, vector<16xf32>,
          tpu.vector_store %arg8[%swap3A_508, %swap3A_509, %swap3A_510], %gather3A_492 {strides = array<i32>} : memref<5x512x16xf32, #tpu.memory_space<vmem>>, vector<16xf32>,
          %add3A_512 = arith.constant 352 : i32
          %add3A_513 = arith.addi %add3A_512, %scan3A_489 : i32
          %swap3A_514 = arith.index_cast %rem3A_136 : i32 to index
          %swap3A_515 = arith.index_cast %add3A_513 : i32 to index
          %swap3A_516 = arith.constant 0 : index
          %swap3A_517 = tpu.vector_load %arg8[%swap3A_514, %swap3A_515, %swap3A_516] {strides = array<i32>} : memref<5x512x16xf32, #tpu.memory_space<vmem>>, vector<16xf32>,
          tpu.vector_store %arg8[%swap3A_514, %swap3A_515, %swap3A_516], %gather3A_493 {strides = array<i32>} : memref<5x512x16xf32, #tpu.memory_space<vmem>>, vector<16xf32>,
          %add3A_518 = arith.constant 1 : i32
          %add3A_519 = vector.broadcast %add3A_518 : i32 to vector<16xi32>
          %add3A_520 = arith.addi %add3A_478, %add3A_519 : vector<16xi32>
          %add3A_521 = arith.constant 1 : i32
          %add3A_522 = vector.broadcast %add3A_521 : i32 to vector<16xi32>
          %add3A_523 = arith.addi %add3A_481, %add3A_522 : vector<16xi32>
          %add3A_524 = arith.constant 1 : i32
          %add3A_525 = vector.broadcast %add3A_524 : i32 to vector<16xi32>
          %add3A_526 = arith.addi %add3A_484, %add3A_525 : vector<16xi32>
          %add3A_527 = arith.constant 1 : i32
          %add3A_528 = vector.broadcast %add3A_527 : i32 to vector<16xi32>
          %add3A_529 = arith.addi %add3A_487, %add3A_528 : vector<16xi32>
          %scan3A_530 = arith.constant 7 : i32
          %scan3A_531 = arith.addi %scan3A_235, %scan3A_530 : i32
          %gather3A_532 = tpu.vector_load_idx %arg7[%add3A_139, %shift_right_logical3A_17, %broadcast_in_dim3A_198, %and3A_19, %add3A_520] : memref<5x2x4x10x129xf32, #tpu.memory_space<vmem>>[vector<16xi32>, vector<16xi32>, vector<16xi32>, vector<16xi32>, vector<16xi32>], vector<16xf32>,
          %gather3A_533 = tpu.vector_load_idx %arg7[%add3A_139, %shift_right_logical3A_17, %broadcast_in_dim3A_198, %and3A_19, %add3A_523] : memref<5x2x4x10x129xf32, #tpu.memory_space<vmem>>[vector<16xi32>, vector<16xi32>, vector<16xi32>, vector<16xi32>, vector<16xi32>], vector<16xf32>,
          %gather3A_534 = tpu.vector_load_idx %arg7[%add3A_139, %shift_right_logical3A_17, %broadcast_in_dim3A_198, %and3A_19, %add3A_526] : memref<5x2x4x10x129xf32, #tpu.memory_space<vmem>>[vector<16xi32>, vector<16xi32>, vector<16xi32>, vector<16xi32>, vector<16xi32>], vector<16xf32>,
          %gather3A_535 = tpu.vector_load_idx %arg7[%add3A_139, %shift_right_logical3A_17, %broadcast_in_dim3A_198, %and3A_19, %add3A_529] : memref<5x2x4x10x129xf32, #tpu.memory_space<vmem>>[vector<16xi32>, vector<16xi32>, vector<16xi32>, vector<16xi32>, vector<16xi32>], vector<16xf32>,
          %add3A_536 = arith.constant 256 : i32
          %add3A_537 = arith.addi %add3A_536, %scan3A_531 : i32
          %swap3A_538 = arith.index_cast %rem3A_136 : i32 to index
          %swap3A_539 = arith.index_cast %add3A_537 : i32 to index
          %swap3A_540 = arith.constant 0 : index
          %swap3A_541 = tpu.vector_load %arg8[%swap3A_538, %swap3A_539, %swap3A_540] {strides = array<i32>} : memref<5x512x16xf32, #tpu.memory_space<vmem>>, vector<16xf32>,
          tpu.vector_store %arg8[%swap3A_538, %swap3A_539, %swap3A_540], %gather3A_532 {strides = array<i32>} : memref<5x512x16xf32, #tpu.memory_space<vmem>>, vector<16xf32>,
          %add3A_542 = arith.constant 288 : i32
          %add3A_543 = arith.addi %add3A_542, %scan3A_531 : i32
          %swap3A_544 = arith.index_cast %rem3A_136 : i32 to index
          %swap3A_545 = arith.index_cast %add3A_543 : i32 to index
          %swap3A_546 = arith.constant 0 : index
          %swap3A_547 = tpu.vector_load %arg8[%swap3A_544, %swap3A_545, %swap3A_546] {strides = array<i32>} : memref<5x512x16xf32, #tpu.memory_space<vmem>>, vector<16xf32>,
          tpu.vector_store %arg8[%swap3A_544, %swap3A_545, %swap3A_546], %gather3A_533 {strides = array<i32>} : memref<5x512x16xf32, #tpu.memory_space<vmem>>, vector<16xf32>,
          %add3A_548 = arith.constant 320 : i32
          %add3A_549 = arith.addi %add3A_548, %scan3A_531 : i32
          %swap3A_550 = arith.index_cast %rem3A_136 : i32 to index
          %swap3A_551 = arith.index_cast %add3A_549 : i32 to index
          %swap3A_552 = arith.constant 0 : index
          %swap3A_553 = tpu.vector_load %arg8[%swap3A_550, %swap3A_551, %swap3A_552] {strides = array<i32>} : memref<5x512x16xf32, #tpu.memory_space<vmem>>, vector<16xf32>,
          tpu.vector_store %arg8[%swap3A_550, %swap3A_551, %swap3A_552], %gather3A_534 {strides = array<i32>} : memref<5x512x16xf32, #tpu.memory_space<vmem>>, vector<16xf32>,
          %add3A_554 = arith.constant 352 : i32
          %add3A_555 = arith.addi %add3A_554, %scan3A_531 : i32
          %swap3A_556 = arith.index_cast %rem3A_136 : i32 to index
          %swap3A_557 = arith.index_cast %add3A_555 : i32 to index
          %swap3A_558 = arith.constant 0 : index
          %swap3A_559 = tpu.vector_load %arg8[%swap3A_556, %swap3A_557, %swap3A_558] {strides = array<i32>} : memref<5x512x16xf32, #tpu.memory_space<vmem>>, vector<16xf32>,
          tpu.vector_store %arg8[%swap3A_556, %swap3A_557, %swap3A_558], %gather3A_535 {strides = array<i32>} : memref<5x512x16xf32, #tpu.memory_space<vmem>>, vector<16xf32>,
          %add3A_560 = arith.constant 1 : i32
          %add3A_561 = vector.broadcast %add3A_560 : i32 to vector<16xi32>
          %add3A_562 = arith.addi %add3A_520, %add3A_561 : vector<16xi32>
          %add3A_563 = arith.constant 1 : i32
          %add3A_564 = vector.broadcast %add3A_563 : i32 to vector<16xi32>
          %add3A_565 = arith.addi %add3A_523, %add3A_564 : vector<16xi32>
          %add3A_566 = arith.constant 1 : i32
          %add3A_567 = vector.broadcast %add3A_566 : i32 to vector<16xi32>
          %add3A_568 = arith.addi %add3A_526, %add3A_567 : vector<16xi32>
          %add3A_569 = arith.constant 1 : i32
          %add3A_570 = vector.broadcast %add3A_569 : i32 to vector<16xi32>
          %add3A_571 = arith.addi %add3A_529, %add3A_570 : vector<16xi32>
          scf.yield %add3A_562, %add3A_565, %add3A_568, %add3A_571 : vector<16xi32>, vector<16xi32>, vector<16xi32>, vector<16xi32>
        }
        %scan3A_215 = arith.constant 32 : i32
        %broadcast_in_dim3A_216 = arith.constant 3 : i32
        %broadcast_in_dim3A_217 = vector.broadcast %broadcast_in_dim3A_216 : i32 to vector<16xi32>
        %broadcast_in_dim3A_218 = arith.constant 0 : i32
        %broadcast_in_dim3A_219 = vector.broadcast %broadcast_in_dim3A_218 : i32 to vector<16xi32>
        %add3A_220 = arith.constant 32 : i32
        %add3A_221 = vector.broadcast %add3A_220 : i32 to vector<16xi32>
        %add3A_222 = arith.addi %broadcast_in_dim3A_219, %add3A_221 : vector<16xi32>
        %add3A_223 = arith.constant 64 : i32
        %add3A_224 = vector.broadcast %add3A_223 : i32 to vector<16xi32>
        %add3A_225 = arith.addi %broadcast_in_dim3A_219, %add3A_224 : vector<16xi32>
        %add3A_226 = arith.constant 96 : i32
        %add3A_227 = vector.broadcast %add3A_226 : i32 to vector<16xi32>
        %add3A_228 = arith.addi %broadcast_in_dim3A_219, %add3A_227 : vector<16xi32>
        %scan3A_229 = arith.constant 0 : i32
        %scan3A_230 = arith.constant 32 : i32
        %scan3A_231 = arith.addi %scan3A_229, %scan3A_230 : i32
        %scan3A_232 = arith.constant 8 : i32
        %scan3A_233:4 = scf.for %scan3A_235 = %scan3A_229 to %scan3A_231 step %scan3A_232 iter_args(%scan3A_236 = %broadcast_in_dim3A_219, %scan3A_237 = %add3A_222, %scan3A_238 = %add3A_225, %scan3A_239 = %add3A_228) -> (vector<16xi32>, vector<16xi32>, vector<16xi32>, vector<16xi32>)  : i32 {
          %gather3A = tpu.vector_load_idx %arg7[%add3A_139, %shift_right_logical3A_17, %broadcast_in_dim3A_217, %and3A_19, %scan3A_236] : memref<5x2x4x10x129xf32, #tpu.memory_space<vmem>>[vector<16xi32>, vector<16xi32>, vector<16xi32>, vector<16xi32>, vector<16xi32>], vector<16xf32>,
          %gather3A_240 = tpu.vector_load_idx %arg7[%add3A_139, %shift_right_logical3A_17, %broadcast_in_dim3A_217, %and3A_19, %scan3A_237] : memref<5x2x4x10x129xf32, #tpu.memory_space<vmem>>[vector<16xi32>, vector<16xi32>, vector<16xi32>, vector<16xi32>, vector<16xi32>], vector<16xf32>,
          %gather3A_241 = tpu.vector_load_idx %arg7[%add3A_139, %shift_right_logical3A_17, %broadcast_in_dim3A_217, %and3A_19, %scan3A_238] : memref<5x2x4x10x129xf32, #tpu.memory_space<vmem>>[vector<16xi32>, vector<16xi32>, vector<16xi32>, vector<16xi32>, vector<16xi32>], vector<16xf32>,
          %gather3A_242 = tpu.vector_load_idx %arg7[%add3A_139, %shift_right_logical3A_17, %broadcast_in_dim3A_217, %and3A_19, %scan3A_239] : memref<5x2x4x10x129xf32, #tpu.memory_space<vmem>>[vector<16xi32>, vector<16xi32>, vector<16xi32>, vector<16xi32>, vector<16xi32>], vector<16xf32>,
          %add3A_243 = arith.constant 384 : i32
          %add3A_244 = arith.addi %add3A_243, %scan3A_235 : i32
          %swap3A = arith.index_cast %rem3A_136 : i32 to index
          %swap3A_245 = arith.index_cast %add3A_244 : i32 to index
          %swap3A_246 = arith.constant 0 : index
          %swap3A_247 = tpu.vector_load %arg8[%swap3A, %swap3A_245, %swap3A_246] {strides = array<i32>} : memref<5x512x16xf32, #tpu.memory_space<vmem>>, vector<16xf32>,
          tpu.vector_store %arg8[%swap3A, %swap3A_245, %swap3A_246], %gather3A {strides = array<i32>} : memref<5x512x16xf32, #tpu.memory_space<vmem>>, vector<16xf32>,
          %add3A_248 = arith.constant 416 : i32
          %add3A_249 = arith.addi %add3A_248, %scan3A_235 : i32
          %swap3A_250 = arith.index_cast %rem3A_136 : i32 to index
          %swap3A_251 = arith.index_cast %add3A_249 : i32 to index
          %swap3A_252 = arith.constant 0 : index
          %swap3A_253 = tpu.vector_load %arg8[%swap3A_250, %swap3A_251, %swap3A_252] {strides = array<i32>} : memref<5x512x16xf32, #tpu.memory_space<vmem>>, vector<16xf32>,
          tpu.vector_store %arg8[%swap3A_250, %swap3A_251, %swap3A_252], %gather3A_240 {strides = array<i32>} : memref<5x512x16xf32, #tpu.memory_space<vmem>>, vector<16xf32>,
          %add3A_254 = arith.constant 448 : i32
          %add3A_255 = arith.addi %add3A_254, %scan3A_235 : i32
          %swap3A_256 = arith.index_cast %rem3A_136 : i32 to index
          %swap3A_257 = arith.index_cast %add3A_255 : i32 to index
          %swap3A_258 = arith.constant 0 : index
          %swap3A_259 = tpu.vector_load %arg8[%swap3A_256, %swap3A_257, %swap3A_258] {strides = array<i32>} : memref<5x512x16xf32, #tpu.memory_space<vmem>>, vector<16xf32>,
          tpu.vector_store %arg8[%swap3A_256, %swap3A_257, %swap3A_258], %gather3A_241 {strides = array<i32>} : memref<5x512x16xf32, #tpu.memory_space<vmem>>, vector<16xf32>,
          %add3A_260 = arith.constant 480 : i32
          %add3A_261 = arith.addi %add3A_260, %scan3A_235 : i32
          %swap3A_262 = arith.index_cast %rem3A_136 : i32 to index
          %swap3A_263 = arith.index_cast %add3A_261 : i32 to index
          %swap3A_264 = arith.constant 0 : index
          %swap3A_265 = tpu.vector_load %arg8[%swap3A_262, %swap3A_263, %swap3A_264] {strides = array<i32>} : memref<5x512x16xf32, #tpu.memory_space<vmem>>, vector<16xf32>,
          tpu.vector_store %arg8[%swap3A_262, %swap3A_263, %swap3A_264], %gather3A_242 {strides = array<i32>} : memref<5x512x16xf32, #tpu.memory_space<vmem>>, vector<16xf32>,
          %add3A_266 = arith.constant 1 : i32
          %add3A_267 = vector.broadcast %add3A_266 : i32 to vector<16xi32>
          %add3A_268 = arith.addi %scan3A_236, %add3A_267 : vector<16xi32>
          %add3A_269 = arith.constant 1 : i32
          %add3A_270 = vector.broadcast %add3A_269 : i32 to vector<16xi32>
          %add3A_271 = arith.addi %scan3A_237, %add3A_270 : vector<16xi32>
          %add3A_272 = arith.constant 1 : i32
          %add3A_273 = vector.broadcast %add3A_272 : i32 to vector<16xi32>
          %add3A_274 = arith.addi %scan3A_238, %add3A_273 : vector<16xi32>
          %add3A_275 = arith.constant 1 : i32
          %add3A_276 = vector.broadcast %add3A_275 : i32 to vector<16xi32>
          %add3A_277 = arith.addi %scan3A_239, %add3A_276 : vector<16xi32>
          %scan3A_278 = arith.constant 1 : i32
          %scan3A_279 = arith.addi %scan3A_235, %scan3A_278 : i32
          %gather3A_280 = tpu.vector_load_idx %arg7[%add3A_139, %shift_right_logical3A_17, %broadcast_in_dim3A_217, %and3A_19, %add3A_268] : memref<5x2x4x10x129xf32, #tpu.memory_space<vmem>>[vector<16xi32>, vector<16xi32>, vector<16xi32>, vector<16xi32>, vector<16xi32>], vector<16xf32>,
          %gather3A_281 = tpu.vector_load_idx %arg7[%add3A_139, %shift_right_logical3A_17, %broadcast_in_dim3A_217, %and3A_19, %add3A_271] : memref<5x2x4x10x129xf32, #tpu.memory_space<vmem>>[vector<16xi32>, vector<16xi32>, vector<16xi32>, vector<16xi32>, vector<16xi32>], vector<16xf32>,
          %gather3A_282 = tpu.vector_load_idx %arg7[%add3A_139, %shift_right_logical3A_17, %broadcast_in_dim3A_217, %and3A_19, %add3A_274] : memref<5x2x4x10x129xf32, #tpu.memory_space<vmem>>[vector<16xi32>, vector<16xi32>, vector<16xi32>, vector<16xi32>, vector<16xi32>], vector<16xf32>,
          %gather3A_283 = tpu.vector_load_idx %arg7[%add3A_139, %shift_right_logical3A_17, %broadcast_in_dim3A_217, %and3A_19, %add3A_277] : memref<5x2x4x10x129xf32, #tpu.memory_space<vmem>>[vector<16xi32>, vector<16xi32>, vector<16xi32>, vector<16xi32>, vector<16xi32>], vector<16xf32>,
          %add3A_284 = arith.constant 384 : i32
          %add3A_285 = arith.addi %add3A_284, %scan3A_279 : i32
          %swap3A_286 = arith.index_cast %rem3A_136 : i32 to index
          %swap3A_287 = arith.index_cast %add3A_285 : i32 to index
          %swap3A_288 = arith.constant 0 : index
          %swap3A_289 = tpu.vector_load %arg8[%swap3A_286, %swap3A_287, %swap3A_288] {strides = array<i32>} : memref<5x512x16xf32, #tpu.memory_space<vmem>>, vector<16xf32>,
          tpu.vector_store %arg8[%swap3A_286, %swap3A_287, %swap3A_288], %gather3A_280 {strides = array<i32>} : memref<5x512x16xf32, #tpu.memory_space<vmem>>, vector<16xf32>,
          %add3A_290 = arith.constant 416 : i32
          %add3A_291 = arith.addi %add3A_290, %scan3A_279 : i32
          %swap3A_292 = arith.index_cast %rem3A_136 : i32 to index
          %swap3A_293 = arith.index_cast %add3A_291 : i32 to index
          %swap3A_294 = arith.constant 0 : index
          %swap3A_295 = tpu.vector_load %arg8[%swap3A_292, %swap3A_293, %swap3A_294] {strides = array<i32>} : memref<5x512x16xf32, #tpu.memory_space<vmem>>, vector<16xf32>,
          tpu.vector_store %arg8[%swap3A_292, %swap3A_293, %swap3A_294], %gather3A_281 {strides = array<i32>} : memref<5x512x16xf32, #tpu.memory_space<vmem>>, vector<16xf32>,
          %add3A_296 = arith.constant 448 : i32
          %add3A_297 = arith.addi %add3A_296, %scan3A_279 : i32
          %swap3A_298 = arith.index_cast %rem3A_136 : i32 to index
          %swap3A_299 = arith.index_cast %add3A_297 : i32 to index
          %swap3A_300 = arith.constant 0 : index
          %swap3A_301 = tpu.vector_load %arg8[%swap3A_298, %swap3A_299, %swap3A_300] {strides = array<i32>} : memref<5x512x16xf32, #tpu.memory_space<vmem>>, vector<16xf32>,
          tpu.vector_store %arg8[%swap3A_298, %swap3A_299, %swap3A_300], %gather3A_282 {strides = array<i32>} : memref<5x512x16xf32, #tpu.memory_space<vmem>>, vector<16xf32>,
          %add3A_302 = arith.constant 480 : i32
          %add3A_303 = arith.addi %add3A_302, %scan3A_279 : i32
          %swap3A_304 = arith.index_cast %rem3A_136 : i32 to index
          %swap3A_305 = arith.index_cast %add3A_303 : i32 to index
          %swap3A_306 = arith.constant 0 : index
          %swap3A_307 = tpu.vector_load %arg8[%swap3A_304, %swap3A_305, %swap3A_306] {strides = array<i32>} : memref<5x512x16xf32, #tpu.memory_space<vmem>>, vector<16xf32>,
          tpu.vector_store %arg8[%swap3A_304, %swap3A_305, %swap3A_306], %gather3A_283 {strides = array<i32>} : memref<5x512x16xf32, #tpu.memory_space<vmem>>, vector<16xf32>,
          %add3A_308 = arith.constant 1 : i32
          %add3A_309 = vector.broadcast %add3A_308 : i32 to vector<16xi32>
          %add3A_310 = arith.addi %add3A_268, %add3A_309 : vector<16xi32>
          %add3A_311 = arith.constant 1 : i32
          %add3A_312 = vector.broadcast %add3A_311 : i32 to vector<16xi32>
          %add3A_313 = arith.addi %add3A_271, %add3A_312 : vector<16xi32>
          %add3A_314 = arith.constant 1 : i32
          %add3A_315 = vector.broadcast %add3A_314 : i32 to vector<16xi32>
          %add3A_316 = arith.addi %add3A_274, %add3A_315 : vector<16xi32>
          %add3A_317 = arith.constant 1 : i32
          %add3A_318 = vector.broadcast %add3A_317 : i32 to vector<16xi32>
          %add3A_319 = arith.addi %add3A_277, %add3A_318 : vector<16xi32>
          %scan3A_320 = arith.constant 2 : i32
          %scan3A_321 = arith.addi %scan3A_235, %scan3A_320 : i32
          %gather3A_322 = tpu.vector_load_idx %arg7[%add3A_139, %shift_right_logical3A_17, %broadcast_in_dim3A_217, %and3A_19, %add3A_310] : memref<5x2x4x10x129xf32, #tpu.memory_space<vmem>>[vector<16xi32>, vector<16xi32>, vector<16xi32>, vector<16xi32>, vector<16xi32>], vector<16xf32>,
          %gather3A_323 = tpu.vector_load_idx %arg7[%add3A_139, %shift_right_logical3A_17, %broadcast_in_dim3A_217, %and3A_19, %add3A_313] : memref<5x2x4x10x129xf32, #tpu.memory_space<vmem>>[vector<16xi32>, vector<16xi32>, vector<16xi32>, vector<16xi32>, vector<16xi32>], vector<16xf32>,
          %gather3A_324 = tpu.vector_load_idx %arg7[%add3A_139, %shift_right_logical3A_17, %broadcast_in_dim3A_217, %and3A_19, %add3A_316] : memref<5x2x4x10x129xf32, #tpu.memory_space<vmem>>[vector<16xi32>, vector<16xi32>, vector<16xi32>, vector<16xi32>, vector<16xi32>], vector<16xf32>,
          %gather3A_325 = tpu.vector_load_idx %arg7[%add3A_139, %shift_right_logical3A_17, %broadcast_in_dim3A_217, %and3A_19, %add3A_319] : memref<5x2x4x10x129xf32, #tpu.memory_space<vmem>>[vector<16xi32>, vector<16xi32>, vector<16xi32>, vector<16xi32>, vector<16xi32>], vector<16xf32>,
          %add3A_326 = arith.constant 384 : i32
          %add3A_327 = arith.addi %add3A_326, %scan3A_321 : i32
          %swap3A_328 = arith.index_cast %rem3A_136 : i32 to index
          %swap3A_329 = arith.index_cast %add3A_327 : i32 to index
          %swap3A_330 = arith.constant 0 : index
          %swap3A_331 = tpu.vector_load %arg8[%swap3A_328, %swap3A_329, %swap3A_330] {strides = array<i32>} : memref<5x512x16xf32, #tpu.memory_space<vmem>>, vector<16xf32>,
          tpu.vector_store %arg8[%swap3A_328, %swap3A_329, %swap3A_330], %gather3A_322 {strides = array<i32>} : memref<5x512x16xf32, #tpu.memory_space<vmem>>, vector<16xf32>,
          %add3A_332 = arith.constant 416 : i32
          %add3A_333 = arith.addi %add3A_332, %scan3A_321 : i32
          %swap3A_334 = arith.index_cast %rem3A_136 : i32 to index
          %swap3A_335 = arith.index_cast %add3A_333 : i32 to index
          %swap3A_336 = arith.constant 0 : index
          %swap3A_337 = tpu.vector_load %arg8[%swap3A_334, %swap3A_335, %swap3A_336] {strides = array<i32>} : memref<5x512x16xf32, #tpu.memory_space<vmem>>, vector<16xf32>,
          tpu.vector_store %arg8[%swap3A_334, %swap3A_335, %swap3A_336], %gather3A_323 {strides = array<i32>} : memref<5x512x16xf32, #tpu.memory_space<vmem>>, vector<16xf32>,
          %add3A_338 = arith.constant 448 : i32
          %add3A_339 = arith.addi %add3A_338, %scan3A_321 : i32
          %swap3A_340 = arith.index_cast %rem3A_136 : i32 to index
          %swap3A_341 = arith.index_cast %add3A_339 : i32 to index
          %swap3A_342 = arith.constant 0 : index
          %swap3A_343 = tpu.vector_load %arg8[%swap3A_340, %swap3A_341, %swap3A_342] {strides = array<i32>} : memref<5x512x16xf32, #tpu.memory_space<vmem>>, vector<16xf32>,
          tpu.vector_store %arg8[%swap3A_340, %swap3A_341, %swap3A_342], %gather3A_324 {strides = array<i32>} : memref<5x512x16xf32, #tpu.memory_space<vmem>>, vector<16xf32>,
          %add3A_344 = arith.constant 480 : i32
          %add3A_345 = arith.addi %add3A_344, %scan3A_321 : i32
          %swap3A_346 = arith.index_cast %rem3A_136 : i32 to index
          %swap3A_347 = arith.index_cast %add3A_345 : i32 to index
          %swap3A_348 = arith.constant 0 : index
          %swap3A_349 = tpu.vector_load %arg8[%swap3A_346, %swap3A_347, %swap3A_348] {strides = array<i32>} : memref<5x512x16xf32, #tpu.memory_space<vmem>>, vector<16xf32>,
          tpu.vector_store %arg8[%swap3A_346, %swap3A_347, %swap3A_348], %gather3A_325 {strides = array<i32>} : memref<5x512x16xf32, #tpu.memory_space<vmem>>, vector<16xf32>,
          %add3A_350 = arith.constant 1 : i32
          %add3A_351 = vector.broadcast %add3A_350 : i32 to vector<16xi32>
          %add3A_352 = arith.addi %add3A_310, %add3A_351 : vector<16xi32>
          %add3A_353 = arith.constant 1 : i32
          %add3A_354 = vector.broadcast %add3A_353 : i32 to vector<16xi32>
          %add3A_355 = arith.addi %add3A_313, %add3A_354 : vector<16xi32>
          %add3A_356 = arith.constant 1 : i32
          %add3A_357 = vector.broadcast %add3A_356 : i32 to vector<16xi32>
          %add3A_358 = arith.addi %add3A_316, %add3A_357 : vector<16xi32>
          %add3A_359 = arith.constant 1 : i32
          %add3A_360 = vector.broadcast %add3A_359 : i32 to vector<16xi32>
          %add3A_361 = arith.addi %add3A_319, %add3A_360 : vector<16xi32>
          %scan3A_362 = arith.constant 3 : i32
          %scan3A_363 = arith.addi %scan3A_235, %scan3A_362 : i32
          %gather3A_364 = tpu.vector_load_idx %arg7[%add3A_139, %shift_right_logical3A_17, %broadcast_in_dim3A_217, %and3A_19, %add3A_352] : memref<5x2x4x10x129xf32, #tpu.memory_space<vmem>>[vector<16xi32>, vector<16xi32>, vector<16xi32>, vector<16xi32>, vector<16xi32>], vector<16xf32>,
          %gather3A_365 = tpu.vector_load_idx %arg7[%add3A_139, %shift_right_logical3A_17, %broadcast_in_dim3A_217, %and3A_19, %add3A_355] : memref<5x2x4x10x129xf32, #tpu.memory_space<vmem>>[vector<16xi32>, vector<16xi32>, vector<16xi32>, vector<16xi32>, vector<16xi32>], vector<16xf32>,
          %gather3A_366 = tpu.vector_load_idx %arg7[%add3A_139, %shift_right_logical3A_17, %broadcast_in_dim3A_217, %and3A_19, %add3A_358] : memref<5x2x4x10x129xf32, #tpu.memory_space<vmem>>[vector<16xi32>, vector<16xi32>, vector<16xi32>, vector<16xi32>, vector<16xi32>], vector<16xf32>,
          %gather3A_367 = tpu.vector_load_idx %arg7[%add3A_139, %shift_right_logical3A_17, %broadcast_in_dim3A_217, %and3A_19, %add3A_361] : memref<5x2x4x10x129xf32, #tpu.memory_space<vmem>>[vector<16xi32>, vector<16xi32>, vector<16xi32>, vector<16xi32>, vector<16xi32>], vector<16xf32>,
          %add3A_368 = arith.constant 384 : i32
          %add3A_369 = arith.addi %add3A_368, %scan3A_363 : i32
          %swap3A_370 = arith.index_cast %rem3A_136 : i32 to index
          %swap3A_371 = arith.index_cast %add3A_369 : i32 to index
          %swap3A_372 = arith.constant 0 : index
          %swap3A_373 = tpu.vector_load %arg8[%swap3A_370, %swap3A_371, %swap3A_372] {strides = array<i32>} : memref<5x512x16xf32, #tpu.memory_space<vmem>>, vector<16xf32>,
          tpu.vector_store %arg8[%swap3A_370, %swap3A_371, %swap3A_372], %gather3A_364 {strides = array<i32>} : memref<5x512x16xf32, #tpu.memory_space<vmem>>, vector<16xf32>,
          %add3A_374 = arith.constant 416 : i32
          %add3A_375 = arith.addi %add3A_374, %scan3A_363 : i32
          %swap3A_376 = arith.index_cast %rem3A_136 : i32 to index
          %swap3A_377 = arith.index_cast %add3A_375 : i32 to index
          %swap3A_378 = arith.constant 0 : index
          %swap3A_379 = tpu.vector_load %arg8[%swap3A_376, %swap3A_377, %swap3A_378] {strides = array<i32>} : memref<5x512x16xf32, #tpu.memory_space<vmem>>, vector<16xf32>,
          tpu.vector_store %arg8[%swap3A_376, %swap3A_377, %swap3A_378], %gather3A_365 {strides = array<i32>} : memref<5x512x16xf32, #tpu.memory_space<vmem>>, vector<16xf32>,
          %add3A_380 = arith.constant 448 : i32
          %add3A_381 = arith.addi %add3A_380, %scan3A_363 : i32
          %swap3A_382 = arith.index_cast %rem3A_136 : i32 to index
          %swap3A_383 = arith.index_cast %add3A_381 : i32 to index
          %swap3A_384 = arith.constant 0 : index
          %swap3A_385 = tpu.vector_load %arg8[%swap3A_382, %swap3A_383, %swap3A_384] {strides = array<i32>} : memref<5x512x16xf32, #tpu.memory_space<vmem>>, vector<16xf32>,
          tpu.vector_store %arg8[%swap3A_382, %swap3A_383, %swap3A_384], %gather3A_366 {strides = array<i32>} : memref<5x512x16xf32, #tpu.memory_space<vmem>>, vector<16xf32>,
          %add3A_386 = arith.constant 480 : i32
          %add3A_387 = arith.addi %add3A_386, %scan3A_363 : i32
          %swap3A_388 = arith.index_cast %rem3A_136 : i32 to index
          %swap3A_389 = arith.index_cast %add3A_387 : i32 to index
          %swap3A_390 = arith.constant 0 : index
          %swap3A_391 = tpu.vector_load %arg8[%swap3A_388, %swap3A_389, %swap3A_390] {strides = array<i32>} : memref<5x512x16xf32, #tpu.memory_space<vmem>>, vector<16xf32>,
          tpu.vector_store %arg8[%swap3A_388, %swap3A_389, %swap3A_390], %gather3A_367 {strides = array<i32>} : memref<5x512x16xf32, #tpu.memory_space<vmem>>, vector<16xf32>,
          %add3A_392 = arith.constant 1 : i32
          %add3A_393 = vector.broadcast %add3A_392 : i32 to vector<16xi32>
          %add3A_394 = arith.addi %add3A_352, %add3A_393 : vector<16xi32>
          %add3A_395 = arith.constant 1 : i32
          %add3A_396 = vector.broadcast %add3A_395 : i32 to vector<16xi32>
          %add3A_397 = arith.addi %add3A_355, %add3A_396 : vector<16xi32>
          %add3A_398 = arith.constant 1 : i32
          %add3A_399 = vector.broadcast %add3A_398 : i32 to vector<16xi32>
          %add3A_400 = arith.addi %add3A_358, %add3A_399 : vector<16xi32>
          %add3A_401 = arith.constant 1 : i32
          %add3A_402 = vector.broadcast %add3A_401 : i32 to vector<16xi32>
          %add3A_403 = arith.addi %add3A_361, %add3A_402 : vector<16xi32>
          %scan3A_404 = arith.constant 4 : i32
          %scan3A_405 = arith.addi %scan3A_235, %scan3A_404 : i32
          %gather3A_406 = tpu.vector_load_idx %arg7[%add3A_139, %shift_right_logical3A_17, %broadcast_in_dim3A_217, %and3A_19, %add3A_394] : memref<5x2x4x10x129xf32, #tpu.memory_space<vmem>>[vector<16xi32>, vector<16xi32>, vector<16xi32>, vector<16xi32>, vector<16xi32>], vector<16xf32>,
          %gather3A_407 = tpu.vector_load_idx %arg7[%add3A_139, %shift_right_logical3A_17, %broadcast_in_dim3A_217, %and3A_19, %add3A_397] : memref<5x2x4x10x129xf32, #tpu.memory_space<vmem>>[vector<16xi32>, vector<16xi32>, vector<16xi32>, vector<16xi32>, vector<16xi32>], vector<16xf32>,
          %gather3A_408 = tpu.vector_load_idx %arg7[%add3A_139, %shift_right_logical3A_17, %broadcast_in_dim3A_217, %and3A_19, %add3A_400] : memref<5x2x4x10x129xf32, #tpu.memory_space<vmem>>[vector<16xi32>, vector<16xi32>, vector<16xi32>, vector<16xi32>, vector<16xi32>], vector<16xf32>,
          %gather3A_409 = tpu.vector_load_idx %arg7[%add3A_139, %shift_right_logical3A_17, %broadcast_in_dim3A_217, %and3A_19, %add3A_403] : memref<5x2x4x10x129xf32, #tpu.memory_space<vmem>>[vector<16xi32>, vector<16xi32>, vector<16xi32>, vector<16xi32>, vector<16xi32>], vector<16xf32>,
          %add3A_410 = arith.constant 384 : i32
          %add3A_411 = arith.addi %add3A_410, %scan3A_405 : i32
          %swap3A_412 = arith.index_cast %rem3A_136 : i32 to index
          %swap3A_413 = arith.index_cast %add3A_411 : i32 to index
          %swap3A_414 = arith.constant 0 : index
          %swap3A_415 = tpu.vector_load %arg8[%swap3A_412, %swap3A_413, %swap3A_414] {strides = array<i32>} : memref<5x512x16xf32, #tpu.memory_space<vmem>>, vector<16xf32>,
          tpu.vector_store %arg8[%swap3A_412, %swap3A_413, %swap3A_414], %gather3A_406 {strides = array<i32>} : memref<5x512x16xf32, #tpu.memory_space<vmem>>, vector<16xf32>,
          %add3A_416 = arith.constant 416 : i32
          %add3A_417 = arith.addi %add3A_416, %scan3A_405 : i32
          %swap3A_418 = arith.index_cast %rem3A_136 : i32 to index
          %swap3A_419 = arith.index_cast %add3A_417 : i32 to index
          %swap3A_420 = arith.constant 0 : index
          %swap3A_421 = tpu.vector_load %arg8[%swap3A_418, %swap3A_419, %swap3A_420] {strides = array<i32>} : memref<5x512x16xf32, #tpu.memory_space<vmem>>, vector<16xf32>,
          tpu.vector_store %arg8[%swap3A_418, %swap3A_419, %swap3A_420], %gather3A_407 {strides = array<i32>} : memref<5x512x16xf32, #tpu.memory_space<vmem>>, vector<16xf32>,
          %add3A_422 = arith.constant 448 : i32
          %add3A_423 = arith.addi %add3A_422, %scan3A_405 : i32
          %swap3A_424 = arith.index_cast %rem3A_136 : i32 to index
          %swap3A_425 = arith.index_cast %add3A_423 : i32 to index
          %swap3A_426 = arith.constant 0 : index
          %swap3A_427 = tpu.vector_load %arg8[%swap3A_424, %swap3A_425, %swap3A_426] {strides = array<i32>} : memref<5x512x16xf32, #tpu.memory_space<vmem>>, vector<16xf32>,
          tpu.vector_store %arg8[%swap3A_424, %swap3A_425, %swap3A_426], %gather3A_408 {strides = array<i32>} : memref<5x512x16xf32, #tpu.memory_space<vmem>>, vector<16xf32>,
          %add3A_428 = arith.constant 480 : i32
          %add3A_429 = arith.addi %add3A_428, %scan3A_405 : i32
          %swap3A_430 = arith.index_cast %rem3A_136 : i32 to index
          %swap3A_431 = arith.index_cast %add3A_429 : i32 to index
          %swap3A_432 = arith.constant 0 : index
          %swap3A_433 = tpu.vector_load %arg8[%swap3A_430, %swap3A_431, %swap3A_432] {strides = array<i32>} : memref<5x512x16xf32, #tpu.memory_space<vmem>>, vector<16xf32>,
          tpu.vector_store %arg8[%swap3A_430, %swap3A_431, %swap3A_432], %gather3A_409 {strides = array<i32>} : memref<5x512x16xf32, #tpu.memory_space<vmem>>, vector<16xf32>,
          %add3A_434 = arith.constant 1 : i32
          %add3A_435 = vector.broadcast %add3A_434 : i32 to vector<16xi32>
          %add3A_436 = arith.addi %add3A_394, %add3A_435 : vector<16xi32>
          %add3A_437 = arith.constant 1 : i32
          %add3A_438 = vector.broadcast %add3A_437 : i32 to vector<16xi32>
          %add3A_439 = arith.addi %add3A_397, %add3A_438 : vector<16xi32>
          %add3A_440 = arith.constant 1 : i32
          %add3A_441 = vector.broadcast %add3A_440 : i32 to vector<16xi32>
          %add3A_442 = arith.addi %add3A_400, %add3A_441 : vector<16xi32>
          %add3A_443 = arith.constant 1 : i32
          %add3A_444 = vector.broadcast %add3A_443 : i32 to vector<16xi32>
          %add3A_445 = arith.addi %add3A_403, %add3A_444 : vector<16xi32>
          %scan3A_446 = arith.constant 5 : i32
          %scan3A_447 = arith.addi %scan3A_235, %scan3A_446 : i32
          %gather3A_448 = tpu.vector_load_idx %arg7[%add3A_139, %shift_right_logical3A_17, %broadcast_in_dim3A_217, %and3A_19, %add3A_436] : memref<5x2x4x10x129xf32, #tpu.memory_space<vmem>>[vector<16xi32>, vector<16xi32>, vector<16xi32>, vector<16xi32>, vector<16xi32>], vector<16xf32>,
          %gather3A_449 = tpu.vector_load_idx %arg7[%add3A_139, %shift_right_logical3A_17, %broadcast_in_dim3A_217, %and3A_19, %add3A_439] : memref<5x2x4x10x129xf32, #tpu.memory_space<vmem>>[vector<16xi32>, vector<16xi32>, vector<16xi32>, vector<16xi32>, vector<16xi32>], vector<16xf32>,
          %gather3A_450 = tpu.vector_load_idx %arg7[%add3A_139, %shift_right_logical3A_17, %broadcast_in_dim3A_217, %and3A_19, %add3A_442] : memref<5x2x4x10x129xf32, #tpu.memory_space<vmem>>[vector<16xi32>, vector<16xi32>, vector<16xi32>, vector<16xi32>, vector<16xi32>], vector<16xf32>,
          %gather3A_451 = tpu.vector_load_idx %arg7[%add3A_139, %shift_right_logical3A_17, %broadcast_in_dim3A_217, %and3A_19, %add3A_445] : memref<5x2x4x10x129xf32, #tpu.memory_space<vmem>>[vector<16xi32>, vector<16xi32>, vector<16xi32>, vector<16xi32>, vector<16xi32>], vector<16xf32>,
          %add3A_452 = arith.constant 384 : i32
          %add3A_453 = arith.addi %add3A_452, %scan3A_447 : i32
          %swap3A_454 = arith.index_cast %rem3A_136 : i32 to index
          %swap3A_455 = arith.index_cast %add3A_453 : i32 to index
          %swap3A_456 = arith.constant 0 : index
          %swap3A_457 = tpu.vector_load %arg8[%swap3A_454, %swap3A_455, %swap3A_456] {strides = array<i32>} : memref<5x512x16xf32, #tpu.memory_space<vmem>>, vector<16xf32>,
          tpu.vector_store %arg8[%swap3A_454, %swap3A_455, %swap3A_456], %gather3A_448 {strides = array<i32>} : memref<5x512x16xf32, #tpu.memory_space<vmem>>, vector<16xf32>,
          %add3A_458 = arith.constant 416 : i32
          %add3A_459 = arith.addi %add3A_458, %scan3A_447 : i32
          %swap3A_460 = arith.index_cast %rem3A_136 : i32 to index
          %swap3A_461 = arith.index_cast %add3A_459 : i32 to index
          %swap3A_462 = arith.constant 0 : index
          %swap3A_463 = tpu.vector_load %arg8[%swap3A_460, %swap3A_461, %swap3A_462] {strides = array<i32>} : memref<5x512x16xf32, #tpu.memory_space<vmem>>, vector<16xf32>,
          tpu.vector_store %arg8[%swap3A_460, %swap3A_461, %swap3A_462], %gather3A_449 {strides = array<i32>} : memref<5x512x16xf32, #tpu.memory_space<vmem>>, vector<16xf32>,
          %add3A_464 = arith.constant 448 : i32
          %add3A_465 = arith.addi %add3A_464, %scan3A_447 : i32
          %swap3A_466 = arith.index_cast %rem3A_136 : i32 to index
          %swap3A_467 = arith.index_cast %add3A_465 : i32 to index
          %swap3A_468 = arith.constant 0 : index
          %swap3A_469 = tpu.vector_load %arg8[%swap3A_466, %swap3A_467, %swap3A_468] {strides = array<i32>} : memref<5x512x16xf32, #tpu.memory_space<vmem>>, vector<16xf32>,
          tpu.vector_store %arg8[%swap3A_466, %swap3A_467, %swap3A_468], %gather3A_450 {strides = array<i32>} : memref<5x512x16xf32, #tpu.memory_space<vmem>>, vector<16xf32>,
          %add3A_470 = arith.constant 480 : i32
          %add3A_471 = arith.addi %add3A_470, %scan3A_447 : i32
          %swap3A_472 = arith.index_cast %rem3A_136 : i32 to index
          %swap3A_473 = arith.index_cast %add3A_471 : i32 to index
          %swap3A_474 = arith.constant 0 : index
          %swap3A_475 = tpu.vector_load %arg8[%swap3A_472, %swap3A_473, %swap3A_474] {strides = array<i32>} : memref<5x512x16xf32, #tpu.memory_space<vmem>>, vector<16xf32>,
          tpu.vector_store %arg8[%swap3A_472, %swap3A_473, %swap3A_474], %gather3A_451 {strides = array<i32>} : memref<5x512x16xf32, #tpu.memory_space<vmem>>, vector<16xf32>,
          %add3A_476 = arith.constant 1 : i32
          %add3A_477 = vector.broadcast %add3A_476 : i32 to vector<16xi32>
          %add3A_478 = arith.addi %add3A_436, %add3A_477 : vector<16xi32>
          %add3A_479 = arith.constant 1 : i32
          %add3A_480 = vector.broadcast %add3A_479 : i32 to vector<16xi32>
          %add3A_481 = arith.addi %add3A_439, %add3A_480 : vector<16xi32>
          %add3A_482 = arith.constant 1 : i32
          %add3A_483 = vector.broadcast %add3A_482 : i32 to vector<16xi32>
          %add3A_484 = arith.addi %add3A_442, %add3A_483 : vector<16xi32>
          %add3A_485 = arith.constant 1 : i32
          %add3A_486 = vector.broadcast %add3A_485 : i32 to vector<16xi32>
          %add3A_487 = arith.addi %add3A_445, %add3A_486 : vector<16xi32>
          %scan3A_488 = arith.constant 6 : i32
          %scan3A_489 = arith.addi %scan3A_235, %scan3A_488 : i32
          %gather3A_490 = tpu.vector_load_idx %arg7[%add3A_139, %shift_right_logical3A_17, %broadcast_in_dim3A_217, %and3A_19, %add3A_478] : memref<5x2x4x10x129xf32, #tpu.memory_space<vmem>>[vector<16xi32>, vector<16xi32>, vector<16xi32>, vector<16xi32>, vector<16xi32>], vector<16xf32>,
          %gather3A_491 = tpu.vector_load_idx %arg7[%add3A_139, %shift_right_logical3A_17, %broadcast_in_dim3A_217, %and3A_19, %add3A_481] : memref<5x2x4x10x129xf32, #tpu.memory_space<vmem>>[vector<16xi32>, vector<16xi32>, vector<16xi32>, vector<16xi32>, vector<16xi32>], vector<16xf32>,
          %gather3A_492 = tpu.vector_load_idx %arg7[%add3A_139, %shift_right_logical3A_17, %broadcast_in_dim3A_217, %and3A_19, %add3A_484] : memref<5x2x4x10x129xf32, #tpu.memory_space<vmem>>[vector<16xi32>, vector<16xi32>, vector<16xi32>, vector<16xi32>, vector<16xi32>], vector<16xf32>,
          %gather3A_493 = tpu.vector_load_idx %arg7[%add3A_139, %shift_right_logical3A_17, %broadcast_in_dim3A_217, %and3A_19, %add3A_487] : memref<5x2x4x10x129xf32, #tpu.memory_space<vmem>>[vector<16xi32>, vector<16xi32>, vector<16xi32>, vector<16xi32>, vector<16xi32>], vector<16xf32>,
          %add3A_494 = arith.constant 384 : i32
          %add3A_495 = arith.addi %add3A_494, %scan3A_489 : i32
          %swap3A_496 = arith.index_cast %rem3A_136 : i32 to index
          %swap3A_497 = arith.index_cast %add3A_495 : i32 to index
          %swap3A_498 = arith.constant 0 : index
          %swap3A_499 = tpu.vector_load %arg8[%swap3A_496, %swap3A_497, %swap3A_498] {strides = array<i32>} : memref<5x512x16xf32, #tpu.memory_space<vmem>>, vector<16xf32>,
          tpu.vector_store %arg8[%swap3A_496, %swap3A_497, %swap3A_498], %gather3A_490 {strides = array<i32>} : memref<5x512x16xf32, #tpu.memory_space<vmem>>, vector<16xf32>,
          %add3A_500 = arith.constant 416 : i32
          %add3A_501 = arith.addi %add3A_500, %scan3A_489 : i32
          %swap3A_502 = arith.index_cast %rem3A_136 : i32 to index
          %swap3A_503 = arith.index_cast %add3A_501 : i32 to index
          %swap3A_504 = arith.constant 0 : index
          %swap3A_505 = tpu.vector_load %arg8[%swap3A_502, %swap3A_503, %swap3A_504] {strides = array<i32>} : memref<5x512x16xf32, #tpu.memory_space<vmem>>, vector<16xf32>,
          tpu.vector_store %arg8[%swap3A_502, %swap3A_503, %swap3A_504], %gather3A_491 {strides = array<i32>} : memref<5x512x16xf32, #tpu.memory_space<vmem>>, vector<16xf32>,
          %add3A_506 = arith.constant 448 : i32
          %add3A_507 = arith.addi %add3A_506, %scan3A_489 : i32
          %swap3A_508 = arith.index_cast %rem3A_136 : i32 to index
          %swap3A_509 = arith.index_cast %add3A_507 : i32 to index
          %swap3A_510 = arith.constant 0 : index
          %swap3A_511 = tpu.vector_load %arg8[%swap3A_508, %swap3A_509, %swap3A_510] {strides = array<i32>} : memref<5x512x16xf32, #tpu.memory_space<vmem>>, vector<16xf32>,
          tpu.vector_store %arg8[%swap3A_508, %swap3A_509, %swap3A_510], %gather3A_492 {strides = array<i32>} : memref<5x512x16xf32, #tpu.memory_space<vmem>>, vector<16xf32>,
          %add3A_512 = arith.constant 480 : i32
          %add3A_513 = arith.addi %add3A_512, %scan3A_489 : i32
          %swap3A_514 = arith.index_cast %rem3A_136 : i32 to index
          %swap3A_515 = arith.index_cast %add3A_513 : i32 to index
          %swap3A_516 = arith.constant 0 : index
          %swap3A_517 = tpu.vector_load %arg8[%swap3A_514, %swap3A_515, %swap3A_516] {strides = array<i32>} : memref<5x512x16xf32, #tpu.memory_space<vmem>>, vector<16xf32>,
          tpu.vector_store %arg8[%swap3A_514, %swap3A_515, %swap3A_516], %gather3A_493 {strides = array<i32>} : memref<5x512x16xf32, #tpu.memory_space<vmem>>, vector<16xf32>,
          %add3A_518 = arith.constant 1 : i32
          %add3A_519 = vector.broadcast %add3A_518 : i32 to vector<16xi32>
          %add3A_520 = arith.addi %add3A_478, %add3A_519 : vector<16xi32>
          %add3A_521 = arith.constant 1 : i32
          %add3A_522 = vector.broadcast %add3A_521 : i32 to vector<16xi32>
          %add3A_523 = arith.addi %add3A_481, %add3A_522 : vector<16xi32>
          %add3A_524 = arith.constant 1 : i32
          %add3A_525 = vector.broadcast %add3A_524 : i32 to vector<16xi32>
          %add3A_526 = arith.addi %add3A_484, %add3A_525 : vector<16xi32>
          %add3A_527 = arith.constant 1 : i32
          %add3A_528 = vector.broadcast %add3A_527 : i32 to vector<16xi32>
          %add3A_529 = arith.addi %add3A_487, %add3A_528 : vector<16xi32>
          %scan3A_530 = arith.constant 7 : i32
          %scan3A_531 = arith.addi %scan3A_235, %scan3A_530 : i32
          %gather3A_532 = tpu.vector_load_idx %arg7[%add3A_139, %shift_right_logical3A_17, %broadcast_in_dim3A_217, %and3A_19, %add3A_520] : memref<5x2x4x10x129xf32, #tpu.memory_space<vmem>>[vector<16xi32>, vector<16xi32>, vector<16xi32>, vector<16xi32>, vector<16xi32>], vector<16xf32>,
          %gather3A_533 = tpu.vector_load_idx %arg7[%add3A_139, %shift_right_logical3A_17, %broadcast_in_dim3A_217, %and3A_19, %add3A_523] : memref<5x2x4x10x129xf32, #tpu.memory_space<vmem>>[vector<16xi32>, vector<16xi32>, vector<16xi32>, vector<16xi32>, vector<16xi32>], vector<16xf32>,
          %gather3A_534 = tpu.vector_load_idx %arg7[%add3A_139, %shift_right_logical3A_17, %broadcast_in_dim3A_217, %and3A_19, %add3A_526] : memref<5x2x4x10x129xf32, #tpu.memory_space<vmem>>[vector<16xi32>, vector<16xi32>, vector<16xi32>, vector<16xi32>, vector<16xi32>], vector<16xf32>,
          %gather3A_535 = tpu.vector_load_idx %arg7[%add3A_139, %shift_right_logical3A_17, %broadcast_in_dim3A_217, %and3A_19, %add3A_529] : memref<5x2x4x10x129xf32, #tpu.memory_space<vmem>>[vector<16xi32>, vector<16xi32>, vector<16xi32>, vector<16xi32>, vector<16xi32>], vector<16xf32>,
          %add3A_536 = arith.constant 384 : i32
          %add3A_537 = arith.addi %add3A_536, %scan3A_531 : i32
          %swap3A_538 = arith.index_cast %rem3A_136 : i32 to index
          %swap3A_539 = arith.index_cast %add3A_537 : i32 to index
          %swap3A_540 = arith.constant 0 : index
          %swap3A_541 = tpu.vector_load %arg8[%swap3A_538, %swap3A_539, %swap3A_540] {strides = array<i32>} : memref<5x512x16xf32, #tpu.memory_space<vmem>>, vector<16xf32>,
          tpu.vector_store %arg8[%swap3A_538, %swap3A_539, %swap3A_540], %gather3A_532 {strides = array<i32>} : memref<5x512x16xf32, #tpu.memory_space<vmem>>, vector<16xf32>,
          %add3A_542 = arith.constant 416 : i32
          %add3A_543 = arith.addi %add3A_542, %scan3A_531 : i32
          %swap3A_544 = arith.index_cast %rem3A_136 : i32 to index
          %swap3A_545 = arith.index_cast %add3A_543 : i32 to index
          %swap3A_546 = arith.constant 0 : index
          %swap3A_547 = tpu.vector_load %arg8[%swap3A_544, %swap3A_545, %swap3A_546] {strides = array<i32>} : memref<5x512x16xf32, #tpu.memory_space<vmem>>, vector<16xf32>,
          tpu.vector_store %arg8[%swap3A_544, %swap3A_545, %swap3A_546], %gather3A_533 {strides = array<i32>} : memref<5x512x16xf32, #tpu.memory_space<vmem>>, vector<16xf32>,
          %add3A_548 = arith.constant 448 : i32
          %add3A_549 = arith.addi %add3A_548, %scan3A_531 : i32
          %swap3A_550 = arith.index_cast %rem3A_136 : i32 to index
          %swap3A_551 = arith.index_cast %add3A_549 : i32 to index
          %swap3A_552 = arith.constant 0 : index
          %swap3A_553 = tpu.vector_load %arg8[%swap3A_550, %swap3A_551, %swap3A_552] {strides = array<i32>} : memref<5x512x16xf32, #tpu.memory_space<vmem>>, vector<16xf32>,
          tpu.vector_store %arg8[%swap3A_550, %swap3A_551, %swap3A_552], %gather3A_534 {strides = array<i32>} : memref<5x512x16xf32, #tpu.memory_space<vmem>>, vector<16xf32>,
          %add3A_554 = arith.constant 480 : i32
          %add3A_555 = arith.addi %add3A_554, %scan3A_531 : i32
          %swap3A_556 = arith.index_cast %rem3A_136 : i32 to index
          %swap3A_557 = arith.index_cast %add3A_555 : i32 to index
          %swap3A_558 = arith.constant 0 : index
          %swap3A_559 = tpu.vector_load %arg8[%swap3A_556, %swap3A_557, %swap3A_558] {strides = array<i32>} : memref<5x512x16xf32, #tpu.memory_space<vmem>>, vector<16xf32>,
          tpu.vector_store %arg8[%swap3A_556, %swap3A_557, %swap3A_558], %gather3A_535 {strides = array<i32>} : memref<5x512x16xf32, #tpu.memory_space<vmem>>, vector<16xf32>,
          %add3A_560 = arith.constant 1 : i32
          %add3A_561 = vector.broadcast %add3A_560 : i32 to vector<16xi32>
          %add3A_562 = arith.addi %add3A_520, %add3A_561 : vector<16xi32>
          %add3A_563 = arith.constant 1 : i32
          %add3A_564 = vector.broadcast %add3A_563 : i32 to vector<16xi32>
          %add3A_565 = arith.addi %add3A_523, %add3A_564 : vector<16xi32>
          %add3A_566 = arith.constant 1 : i32
          %add3A_567 = vector.broadcast %add3A_566 : i32 to vector<16xi32>
          %add3A_568 = arith.addi %add3A_526, %add3A_567 : vector<16xi32>
          %add3A_569 = arith.constant 1 : i32
          %add3A_570 = vector.broadcast %add3A_569 : i32 to vector<16xi32>
          %add3A_571 = arith.addi %add3A_529, %add3A_570 : vector<16xi32>
          scf.yield %add3A_562, %add3A_565, %add3A_568, %add3A_571 : vector<16xi32>, vector<16xi32>, vector<16xi32>, vector<16xi32>
        }
        %scan3A_234 = arith.constant 32 : i32
      } else {
      }
      %rem3A_148 = arith.constant 5 : i32
      %rem3A_149 = arith.remsi %scan3A_95, %rem3A_148 : i32
      %mul3A_150 = arith.constant 32 : i32
      %mul3A_151 = arith.muli %scan3A_95, %mul3A_150 : i32
      %add3A_152 = arith.addi %add3A, %mul3A_151 : i32
      %lt3A_153 = arith.constant 625 : i32
      %lt3A_154 = arith.cmpi slt, %add3A_152, %lt3A_153 : i32
      %convert_element_type3A_155 = arith.extui %lt3A_154 : i1 to i32
      %cond3A_156 = arith.constant 0 : i32
      %cond3A_157 = arith.cmpi ne, %convert_element_type3A_155, %cond3A_156 : i32
      scf.if %cond3A_157 {
        %dma_start3A = arith.constant 0 : i32
        %dma_start3A_159 = arith.constant 0 : i32
        %dma_start3A_160 = arith.constant 0 : i32
        %dma_start3A_161 = tpu.memref_slice %arg8[%rem3A_149, %dma_start3A_159, %dma_start3A_160] : memref<5x512x16xf32, #tpu.memory_space<vmem>> -> memref<1x128x16xf32, #tpu.memory_space<vmem>>
        %dma_start3A_162 = tpu.memref_squeeze %dma_start3A_161 : memref<1x128x16xf32, #tpu.memory_space<vmem>> -> memref<128x16xf32, #tpu.memory_space<vmem>>
        %dma_start3A_163 = arith.constant 0 : i32
        %dma_start3A_164 = tpu.memref_slice %arg6[%rem3A_149, %dma_start3A, %dma_start3A_163] : memref<5x4x128xi32, #tpu.memory_space<vmem>> -> memref<1x1x128xi32, #tpu.memory_space<vmem>>
        %dma_start3A_165 = tpu.memref_squeeze %dma_start3A_164 : memref<1x1x128xi32, #tpu.memory_space<vmem>> -> memref<128xi32, #tpu.memory_space<vmem>>
        %dma_start3A_166 = arith.constant 0 : i32
        %dma_start3A_167 = arith.constant 0 : i32
        %dma_start3A_168 = tpu.memref_slice %arg11[%dma_start3A_166, %dma_start3A_167] : memref<10000x16xf32, #tpu.memory_space<vmem_shared>> -> memref<10000x16xf32, #tpu.memory_space<vmem_shared>>
        %dma_start3A_169 = tpu.memref_slice %arg14[%rem3A_149] : memref<5x!tpu.dma_semaphore, #tpu.memory_space<semaphore_mem>> -> memref<1x!tpu.dma_semaphore, #tpu.memory_space<semaphore_mem>>
        %dma_start3A_170 = tpu.memref_squeeze %dma_start3A_169 : memref<1x!tpu.dma_semaphore, #tpu.memory_space<semaphore_mem>> -> memref<!tpu.dma_semaphore, #tpu.memory_space<semaphore_mem>>
        tpu.enqueue_indirect_dma source(%dma_start3A_162 : memref<128x16xf32, #tpu.memory_space<vmem>>) target(%dma_start3A_168 : memref<10000x16xf32, #tpu.memory_space<vmem_shared>>) offsets(%dma_start3A_165 : memref<128xi32, #tpu.memory_space<vmem>>) semaphore(%dma_start3A_170 : memref<!tpu.dma_semaphore, #tpu.memory_space<semaphore_mem>>) {add = true}
        %dma_start3A_171 = arith.constant 0 : i32
        %dma_start3A_172 = arith.constant 0 : i32
        %dma_start3A_173 = tpu.memref_slice %arg6[%rem3A_149, %dma_start3A_171, %dma_start3A_172] : memref<5x4x128xi32, #tpu.memory_space<vmem>> -> memref<1x1x128xi32, #tpu.memory_space<vmem>>
        %dma_start3A_174 = tpu.memref_squeeze %dma_start3A_173 : memref<1x1x128xi32, #tpu.memory_space<vmem>> -> memref<128xi32, #tpu.memory_space<vmem>>
        %dma_start3A_175 = arith.constant 0 : i32
        %dma_start3A_176 = arith.constant 0 : i32
        %dma_start3A_177 = tpu.memref_slice %arg12[%dma_start3A_175, %dma_start3A_176] : memref<10000x16xf32, #tpu.memory_space<vmem_shared>> -> memref<10000x16xf32, #tpu.memory_space<vmem_shared>>
        %dma_start3A_178 = tpu.memref_slice %arg14[%rem3A_149] : memref<5x!tpu.dma_semaphore, #tpu.memory_space<semaphore_mem>> -> memref<1x!tpu.dma_semaphore, #tpu.memory_space<semaphore_mem>>
        %dma_start3A_179 = tpu.memref_squeeze %dma_start3A_178 : memref<1x!tpu.dma_semaphore, #tpu.memory_space<semaphore_mem>> -> memref<!tpu.dma_semaphore, #tpu.memory_space<semaphore_mem>>
        tpu.enqueue_indirect_dma source(%arg9 : memref<128x16xf32, #tpu.memory_space<vmem>>) target(%dma_start3A_177 : memref<10000x16xf32, #tpu.memory_space<vmem_shared>>) offsets(%dma_start3A_174 : memref<128xi32, #tpu.memory_space<vmem>>) semaphore(%dma_start3A_179 : memref<!tpu.dma_semaphore, #tpu.memory_space<semaphore_mem>>) {add = true}
        %dma_start3A_180 = arith.constant 1 : i32
        %dma_start3A_181 = arith.constant 128 : i32
        %dma_start3A_182 = arith.constant 0 : i32
        %dma_start3A_183 = tpu.memref_slice %arg8[%rem3A_149, %dma_start3A_181, %dma_start3A_182] : memref<5x512x16xf32, #tpu.memory_space<vmem>> -> memref<1x128x16xf32, #tpu.memory_space<vmem>>
        %dma_start3A_184 = tpu.memref_squeeze %dma_start3A_183 : memref<1x128x16xf32, #tpu.memory_space<vmem>> -> memref<128x16xf32, #tpu.memory_space<vmem>>
        %dma_start3A_185 = arith.constant 0 : i32
        %dma_start3A_186 = tpu.memref_slice %arg6[%rem3A_149, %dma_start3A_180, %dma_start3A_185] : memref<5x4x128xi32, #tpu.memory_space<vmem>> -> memref<1x1x128xi32, #tpu.memory_space<vmem>>
        %dma_start3A_187 = tpu.memref_squeeze %dma_start3A_186 : memref<1x1x128xi32, #tpu.memory_space<vmem>> -> memref<128xi32, #tpu.memory_space<vmem>>
        %dma_start3A_188 = arith.constant 0 : i32
        %dma_start3A_189 = arith.constant 0 : i32
        %dma_start3A_190 = tpu.memref_slice %arg11[%dma_start3A_188, %dma_start3A_189] : memref<10000x16xf32, #tpu.memory_space<vmem_shared>> -> memref<10000x16xf32, #tpu.memory_space<vmem_shared>>
        %dma_start3A_191 = tpu.memref_slice %arg14[%rem3A_149] : memref<5x!tpu.dma_semaphore, #tpu.memory_space<semaphore_mem>> -> memref<1x!tpu.dma_semaphore, #tpu.memory_space<semaphore_mem>>
        %dma_start3A_192 = tpu.memref_squeeze %dma_start3A_191 : memref<1x!tpu.dma_semaphore, #tpu.memory_space<semaphore_mem>> -> memref<!tpu.dma_semaphore, #tpu.memory_space<semaphore_mem>>
        tpu.enqueue_indirect_dma source(%dma_start3A_184 : memref<128x16xf32, #tpu.memory_space<vmem>>) target(%dma_start3A_190 : memref<10000x16xf32, #tpu.memory_space<vmem_shared>>) offsets(%dma_start3A_187 : memref<128xi32, #tpu.memory_space<vmem>>) semaphore(%dma_start3A_192 : memref<!tpu.dma_semaphore, #tpu.memory_space<semaphore_mem>>) {add = true}
        %dma_start3A_193 = arith.constant 1 : i32
        %dma_start3A_194 = arith.constant 0 : i32
        %dma_start3A_195 = tpu.memref_slice %arg6[%rem3A_149, %dma_start3A_193, %dma_start3A_194] : memref<5x4x128xi32, #tpu.memory_space<vmem>> -> memref<1x1x128xi32, #tpu.memory_space<vmem>>
        %dma_start3A_196 = tpu.memref_squeeze %dma_start3A_195 : memref<1x1x128xi32, #tpu.memory_space<vmem>> -> memref<128xi32, #tpu.memory_space<vmem>>
        %dma_start3A_197 = arith.constant 0 : i32
        %dma_start3A_198 = arith.constant 0 : i32
        %dma_start3A_199 = tpu.memref_slice %arg12[%dma_start3A_197, %dma_start3A_198] : memref<10000x16xf32, #tpu.memory_space<vmem_shared>> -> memref<10000x16xf32, #tpu.memory_space<vmem_shared>>
        %dma_start3A_200 = tpu.memref_slice %arg14[%rem3A_149] : memref<5x!tpu.dma_semaphore, #tpu.memory_space<semaphore_mem>> -> memref<1x!tpu.dma_semaphore, #tpu.memory_space<semaphore_mem>>
        %dma_start3A_201 = tpu.memref_squeeze %dma_start3A_200 : memref<1x!tpu.dma_semaphore, #tpu.memory_space<semaphore_mem>> -> memref<!tpu.dma_semaphore, #tpu.memory_space<semaphore_mem>>
        tpu.enqueue_indirect_dma source(%arg9 : memref<128x16xf32, #tpu.memory_space<vmem>>) target(%dma_start3A_199 : memref<10000x16xf32, #tpu.memory_space<vmem_shared>>) offsets(%dma_start3A_196 : memref<128xi32, #tpu.memory_space<vmem>>) semaphore(%dma_start3A_201 : memref<!tpu.dma_semaphore, #tpu.memory_space<semaphore_mem>>) {add = true}
        %dma_start3A_202 = arith.constant 2 : i32
        %dma_start3A_203 = arith.constant 256 : i32
        %dma_start3A_204 = arith.constant 0 : i32
        %dma_start3A_205 = tpu.memref_slice %arg8[%rem3A_149, %dma_start3A_203, %dma_start3A_204] : memref<5x512x16xf32, #tpu.memory_space<vmem>> -> memref<1x128x16xf32, #tpu.memory_space<vmem>>
        %dma_start3A_206 = tpu.memref_squeeze %dma_start3A_205 : memref<1x128x16xf32, #tpu.memory_space<vmem>> -> memref<128x16xf32, #tpu.memory_space<vmem>>
        %dma_start3A_207 = arith.constant 0 : i32
        %dma_start3A_208 = tpu.memref_slice %arg6[%rem3A_149, %dma_start3A_202, %dma_start3A_207] : memref<5x4x128xi32, #tpu.memory_space<vmem>> -> memref<1x1x128xi32, #tpu.memory_space<vmem>>
        %dma_start3A_209 = tpu.memref_squeeze %dma_start3A_208 : memref<1x1x128xi32, #tpu.memory_space<vmem>> -> memref<128xi32, #tpu.memory_space<vmem>>
        %dma_start3A_210 = arith.constant 0 : i32
        %dma_start3A_211 = arith.constant 0 : i32
        %dma_start3A_212 = tpu.memref_slice %arg11[%dma_start3A_210, %dma_start3A_211] : memref<10000x16xf32, #tpu.memory_space<vmem_shared>> -> memref<10000x16xf32, #tpu.memory_space<vmem_shared>>
        %dma_start3A_213 = tpu.memref_slice %arg14[%rem3A_149] : memref<5x!tpu.dma_semaphore, #tpu.memory_space<semaphore_mem>> -> memref<1x!tpu.dma_semaphore, #tpu.memory_space<semaphore_mem>>
        %dma_start3A_214 = tpu.memref_squeeze %dma_start3A_213 : memref<1x!tpu.dma_semaphore, #tpu.memory_space<semaphore_mem>> -> memref<!tpu.dma_semaphore, #tpu.memory_space<semaphore_mem>>
        tpu.enqueue_indirect_dma source(%dma_start3A_206 : memref<128x16xf32, #tpu.memory_space<vmem>>) target(%dma_start3A_212 : memref<10000x16xf32, #tpu.memory_space<vmem_shared>>) offsets(%dma_start3A_209 : memref<128xi32, #tpu.memory_space<vmem>>) semaphore(%dma_start3A_214 : memref<!tpu.dma_semaphore, #tpu.memory_space<semaphore_mem>>) {add = true}
        %dma_start3A_215 = arith.constant 2 : i32
        %dma_start3A_216 = arith.constant 0 : i32
        %dma_start3A_217 = tpu.memref_slice %arg6[%rem3A_149, %dma_start3A_215, %dma_start3A_216] : memref<5x4x128xi32, #tpu.memory_space<vmem>> -> memref<1x1x128xi32, #tpu.memory_space<vmem>>
        %dma_start3A_218 = tpu.memref_squeeze %dma_start3A_217 : memref<1x1x128xi32, #tpu.memory_space<vmem>> -> memref<128xi32, #tpu.memory_space<vmem>>
        %dma_start3A_219 = arith.constant 0 : i32
        %dma_start3A_220 = arith.constant 0 : i32
        %dma_start3A_221 = tpu.memref_slice %arg12[%dma_start3A_219, %dma_start3A_220] : memref<10000x16xf32, #tpu.memory_space<vmem_shared>> -> memref<10000x16xf32, #tpu.memory_space<vmem_shared>>
        %dma_start3A_222 = tpu.memref_slice %arg14[%rem3A_149] : memref<5x!tpu.dma_semaphore, #tpu.memory_space<semaphore_mem>> -> memref<1x!tpu.dma_semaphore, #tpu.memory_space<semaphore_mem>>
        %dma_start3A_223 = tpu.memref_squeeze %dma_start3A_222 : memref<1x!tpu.dma_semaphore, #tpu.memory_space<semaphore_mem>> -> memref<!tpu.dma_semaphore, #tpu.memory_space<semaphore_mem>>
        tpu.enqueue_indirect_dma source(%arg9 : memref<128x16xf32, #tpu.memory_space<vmem>>) target(%dma_start3A_221 : memref<10000x16xf32, #tpu.memory_space<vmem_shared>>) offsets(%dma_start3A_218 : memref<128xi32, #tpu.memory_space<vmem>>) semaphore(%dma_start3A_223 : memref<!tpu.dma_semaphore, #tpu.memory_space<semaphore_mem>>) {add = true}
        %dma_start3A_224 = arith.constant 3 : i32
        %dma_start3A_225 = arith.constant 384 : i32
        %dma_start3A_226 = arith.constant 0 : i32
        %dma_start3A_227 = tpu.memref_slice %arg8[%rem3A_149, %dma_start3A_225, %dma_start3A_226] : memref<5x512x16xf32, #tpu.memory_space<vmem>> -> memref<1x128x16xf32, #tpu.memory_space<vmem>>
        %dma_start3A_228 = tpu.memref_squeeze %dma_start3A_227 : memref<1x128x16xf32, #tpu.memory_space<vmem>> -> memref<128x16xf32, #tpu.memory_space<vmem>>
        %dma_start3A_229 = arith.constant 0 : i32
        %dma_start3A_230 = tpu.memref_slice %arg6[%rem3A_149, %dma_start3A_224, %dma_start3A_229] : memref<5x4x128xi32, #tpu.memory_space<vmem>> -> memref<1x1x128xi32, #tpu.memory_space<vmem>>
        %dma_start3A_231 = tpu.memref_squeeze %dma_start3A_230 : memref<1x1x128xi32, #tpu.memory_space<vmem>> -> memref<128xi32, #tpu.memory_space<vmem>>
        %dma_start3A_232 = arith.constant 0 : i32
        %dma_start3A_233 = arith.constant 0 : i32
        %dma_start3A_234 = tpu.memref_slice %arg11[%dma_start3A_232, %dma_start3A_233] : memref<10000x16xf32, #tpu.memory_space<vmem_shared>> -> memref<10000x16xf32, #tpu.memory_space<vmem_shared>>
        %dma_start3A_235 = tpu.memref_slice %arg14[%rem3A_149] : memref<5x!tpu.dma_semaphore, #tpu.memory_space<semaphore_mem>> -> memref<1x!tpu.dma_semaphore, #tpu.memory_space<semaphore_mem>>
        %dma_start3A_236 = tpu.memref_squeeze %dma_start3A_235 : memref<1x!tpu.dma_semaphore, #tpu.memory_space<semaphore_mem>> -> memref<!tpu.dma_semaphore, #tpu.memory_space<semaphore_mem>>
        tpu.enqueue_indirect_dma source(%dma_start3A_228 : memref<128x16xf32, #tpu.memory_space<vmem>>) target(%dma_start3A_234 : memref<10000x16xf32, #tpu.memory_space<vmem_shared>>) offsets(%dma_start3A_231 : memref<128xi32, #tpu.memory_space<vmem>>) semaphore(%dma_start3A_236 : memref<!tpu.dma_semaphore, #tpu.memory_space<semaphore_mem>>) {add = true}
        %dma_start3A_237 = arith.constant 3 : i32
        %dma_start3A_238 = arith.constant 0 : i32
        %dma_start3A_239 = tpu.memref_slice %arg6[%rem3A_149, %dma_start3A_237, %dma_start3A_238] : memref<5x4x128xi32, #tpu.memory_space<vmem>> -> memref<1x1x128xi32, #tpu.memory_space<vmem>>
        %dma_start3A_240 = tpu.memref_squeeze %dma_start3A_239 : memref<1x1x128xi32, #tpu.memory_space<vmem>> -> memref<128xi32, #tpu.memory_space<vmem>>
        %dma_start3A_241 = arith.constant 0 : i32
        %dma_start3A_242 = arith.constant 0 : i32
        %dma_start3A_243 = tpu.memref_slice %arg12[%dma_start3A_241, %dma_start3A_242] : memref<10000x16xf32, #tpu.memory_space<vmem_shared>> -> memref<10000x16xf32, #tpu.memory_space<vmem_shared>>
        %dma_start3A_244 = tpu.memref_slice %arg14[%rem3A_149] : memref<5x!tpu.dma_semaphore, #tpu.memory_space<semaphore_mem>> -> memref<1x!tpu.dma_semaphore, #tpu.memory_space<semaphore_mem>>
        %dma_start3A_245 = tpu.memref_squeeze %dma_start3A_244 : memref<1x!tpu.dma_semaphore, #tpu.memory_space<semaphore_mem>> -> memref<!tpu.dma_semaphore, #tpu.memory_space<semaphore_mem>>
        tpu.enqueue_indirect_dma source(%arg9 : memref<128x16xf32, #tpu.memory_space<vmem>>) target(%dma_start3A_243 : memref<10000x16xf32, #tpu.memory_space<vmem_shared>>) offsets(%dma_start3A_240 : memref<128xi32, #tpu.memory_space<vmem>>) semaphore(%dma_start3A_245 : memref<!tpu.dma_semaphore, #tpu.memory_space<semaphore_mem>>) {add = true}
      } else {
      }
      %scan3A_158 = arith.constant 0 : i32
      scf.yield %scan3A_158 : i32
    }
    %scan3A_46 = arith.constant 20 : i32
    %rem3A_47 = arith.constant 17 : i32
    %rem3A_48 = arith.constant 5 : i32
    %rem3A_49 = arith.remsi %rem3A_47, %rem3A_48 : i32
    %ge3A = arith.constant 17 : i32
    %ge3A_50 = arith.constant 0 : i32
    %ge3A_51 = arith.cmpi sge, %ge3A, %ge3A_50 : i32
    %mul3A_52 = arith.constant 17 : i32
    %mul3A_53 = arith.constant 32 : i32
    %mul3A_54 = arith.muli %mul3A_52, %mul3A_53 : i32
    %add3A_55 = arith.addi %add3A, %mul3A_54 : i32
    %lt3A_56 = arith.constant 625 : i32
    %lt3A_57 = arith.cmpi slt, %add3A_55, %lt3A_56 : i32
    %and3A_58 = arith.andi %ge3A_51, %lt3A_57 : i1
    %convert_element_type3A_59 = arith.extui %and3A_58 : i1 to i32
    %cond3A_60 = arith.constant 0 : i32
    %cond3A_61 = arith.cmpi ne, %convert_element_type3A_59, %cond3A_60 : i32
    scf.if %cond3A_61 {
      %dma_wait3A = arith.constant 0 : i32
      %dma_wait3A_95 = arith.constant 0 : i32
      %dma_wait3A_96 = arith.constant 0 : i32
      %dma_wait3A_97 = tpu.memref_slice %arg8[%rem3A_49, %dma_wait3A_95, %dma_wait3A_96] : memref<5x512x16xf32, #tpu.memory_space<vmem>> -> memref<1x128x16xf32, #tpu.memory_space<vmem>>
      %dma_wait3A_98 = tpu.memref_squeeze %dma_wait3A_97 : memref<1x128x16xf32, #tpu.memory_space<vmem>> -> memref<128x16xf32, #tpu.memory_space<vmem>>
      %dma_wait3A_99 = arith.constant 0 : i32
      %dma_wait3A_100 = tpu.memref_slice %arg6[%rem3A_49, %dma_wait3A, %dma_wait3A_99] : memref<5x4x128xi32, #tpu.memory_space<vmem>> -> memref<1x1x128xi32, #tpu.memory_space<vmem>>
      %dma_wait3A_101 = tpu.memref_squeeze %dma_wait3A_100 : memref<1x1x128xi32, #tpu.memory_space<vmem>> -> memref<128xi32, #tpu.memory_space<vmem>>
      %dma_wait3A_102 = arith.constant 0 : i32
      %dma_wait3A_103 = arith.constant 0 : i32
      %dma_wait3A_104 = tpu.memref_slice %arg11[%dma_wait3A_102, %dma_wait3A_103] : memref<10000x16xf32, #tpu.memory_space<vmem_shared>> -> memref<10000x16xf32, #tpu.memory_space<vmem_shared>>
      %dma_wait3A_105 = tpu.memref_slice %arg14[%rem3A_49] : memref<5x!tpu.dma_semaphore, #tpu.memory_space<semaphore_mem>> -> memref<1x!tpu.dma_semaphore, #tpu.memory_space<semaphore_mem>>
      %dma_wait3A_106 = tpu.memref_squeeze %dma_wait3A_105 : memref<1x!tpu.dma_semaphore, #tpu.memory_space<semaphore_mem>> -> memref<!tpu.dma_semaphore, #tpu.memory_space<semaphore_mem>>
      tpu.wait_indirect_dma semaphore(%dma_wait3A_106 : memref<!tpu.dma_semaphore, #tpu.memory_space<semaphore_mem>>) src(%dma_wait3A_98 : memref<128x16xf32, #tpu.memory_space<vmem>>) dst(%dma_wait3A_104 : memref<10000x16xf32, #tpu.memory_space<vmem_shared>>)
      %dma_wait3A_107 = arith.constant 0 : i32
      %dma_wait3A_108 = arith.constant 0 : i32
      %dma_wait3A_109 = tpu.memref_slice %arg6[%rem3A_49, %dma_wait3A_107, %dma_wait3A_108] : memref<5x4x128xi32, #tpu.memory_space<vmem>> -> memref<1x1x128xi32, #tpu.memory_space<vmem>>
      %dma_wait3A_110 = tpu.memref_squeeze %dma_wait3A_109 : memref<1x1x128xi32, #tpu.memory_space<vmem>> -> memref<128xi32, #tpu.memory_space<vmem>>
      %dma_wait3A_111 = arith.constant 0 : i32
      %dma_wait3A_112 = arith.constant 0 : i32
      %dma_wait3A_113 = tpu.memref_slice %arg12[%dma_wait3A_111, %dma_wait3A_112] : memref<10000x16xf32, #tpu.memory_space<vmem_shared>> -> memref<10000x16xf32, #tpu.memory_space<vmem_shared>>
      %dma_wait3A_114 = tpu.memref_slice %arg14[%rem3A_49] : memref<5x!tpu.dma_semaphore, #tpu.memory_space<semaphore_mem>> -> memref<1x!tpu.dma_semaphore, #tpu.memory_space<semaphore_mem>>
      %dma_wait3A_115 = tpu.memref_squeeze %dma_wait3A_114 : memref<1x!tpu.dma_semaphore, #tpu.memory_space<semaphore_mem>> -> memref<!tpu.dma_semaphore, #tpu.memory_space<semaphore_mem>>
      tpu.wait_indirect_dma semaphore(%dma_wait3A_115 : memref<!tpu.dma_semaphore, #tpu.memory_space<semaphore_mem>>) src(%arg9 : memref<128x16xf32, #tpu.memory_space<vmem>>) dst(%dma_wait3A_113 : memref<10000x16xf32, #tpu.memory_space<vmem_shared>>)
      %dma_wait3A_116 = arith.constant 1 : i32
      %dma_wait3A_117 = arith.constant 128 : i32
      %dma_wait3A_118 = arith.constant 0 : i32
      %dma_wait3A_119 = tpu.memref_slice %arg8[%rem3A_49, %dma_wait3A_117, %dma_wait3A_118] : memref<5x512x16xf32, #tpu.memory_space<vmem>> -> memref<1x128x16xf32, #tpu.memory_space<vmem>>
      %dma_wait3A_120 = tpu.memref_squeeze %dma_wait3A_119 : memref<1x128x16xf32, #tpu.memory_space<vmem>> -> memref<128x16xf32, #tpu.memory_space<vmem>>
      %dma_wait3A_121 = arith.constant 0 : i32
      %dma_wait3A_122 = tpu.memref_slice %arg6[%rem3A_49, %dma_wait3A_116, %dma_wait3A_121] : memref<5x4x128xi32, #tpu.memory_space<vmem>> -> memref<1x1x128xi32, #tpu.memory_space<vmem>>
      %dma_wait3A_123 = tpu.memref_squeeze %dma_wait3A_122 : memref<1x1x128xi32, #tpu.memory_space<vmem>> -> memref<128xi32, #tpu.memory_space<vmem>>
      %dma_wait3A_124 = arith.constant 0 : i32
      %dma_wait3A_125 = arith.constant 0 : i32
      %dma_wait3A_126 = tpu.memref_slice %arg11[%dma_wait3A_124, %dma_wait3A_125] : memref<10000x16xf32, #tpu.memory_space<vmem_shared>> -> memref<10000x16xf32, #tpu.memory_space<vmem_shared>>
      %dma_wait3A_127 = tpu.memref_slice %arg14[%rem3A_49] : memref<5x!tpu.dma_semaphore, #tpu.memory_space<semaphore_mem>> -> memref<1x!tpu.dma_semaphore, #tpu.memory_space<semaphore_mem>>
      %dma_wait3A_128 = tpu.memref_squeeze %dma_wait3A_127 : memref<1x!tpu.dma_semaphore, #tpu.memory_space<semaphore_mem>> -> memref<!tpu.dma_semaphore, #tpu.memory_space<semaphore_mem>>
      tpu.wait_indirect_dma semaphore(%dma_wait3A_128 : memref<!tpu.dma_semaphore, #tpu.memory_space<semaphore_mem>>) src(%dma_wait3A_120 : memref<128x16xf32, #tpu.memory_space<vmem>>) dst(%dma_wait3A_126 : memref<10000x16xf32, #tpu.memory_space<vmem_shared>>)
      %dma_wait3A_129 = arith.constant 1 : i32
      %dma_wait3A_130 = arith.constant 0 : i32
      %dma_wait3A_131 = tpu.memref_slice %arg6[%rem3A_49, %dma_wait3A_129, %dma_wait3A_130] : memref<5x4x128xi32, #tpu.memory_space<vmem>> -> memref<1x1x128xi32, #tpu.memory_space<vmem>>
      %dma_wait3A_132 = tpu.memref_squeeze %dma_wait3A_131 : memref<1x1x128xi32, #tpu.memory_space<vmem>> -> memref<128xi32, #tpu.memory_space<vmem>>
      %dma_wait3A_133 = arith.constant 0 : i32
      %dma_wait3A_134 = arith.constant 0 : i32
      %dma_wait3A_135 = tpu.memref_slice %arg12[%dma_wait3A_133, %dma_wait3A_134] : memref<10000x16xf32, #tpu.memory_space<vmem_shared>> -> memref<10000x16xf32, #tpu.memory_space<vmem_shared>>
      %dma_wait3A_136 = tpu.memref_slice %arg14[%rem3A_49] : memref<5x!tpu.dma_semaphore, #tpu.memory_space<semaphore_mem>> -> memref<1x!tpu.dma_semaphore, #tpu.memory_space<semaphore_mem>>
      %dma_wait3A_137 = tpu.memref_squeeze %dma_wait3A_136 : memref<1x!tpu.dma_semaphore, #tpu.memory_space<semaphore_mem>> -> memref<!tpu.dma_semaphore, #tpu.memory_space<semaphore_mem>>
      tpu.wait_indirect_dma semaphore(%dma_wait3A_137 : memref<!tpu.dma_semaphore, #tpu.memory_space<semaphore_mem>>) src(%arg9 : memref<128x16xf32, #tpu.memory_space<vmem>>) dst(%dma_wait3A_135 : memref<10000x16xf32, #tpu.memory_space<vmem_shared>>)
      %dma_wait3A_138 = arith.constant 2 : i32
      %dma_wait3A_139 = arith.constant 256 : i32
      %dma_wait3A_140 = arith.constant 0 : i32
      %dma_wait3A_141 = tpu.memref_slice %arg8[%rem3A_49, %dma_wait3A_139, %dma_wait3A_140] : memref<5x512x16xf32, #tpu.memory_space<vmem>> -> memref<1x128x16xf32, #tpu.memory_space<vmem>>
      %dma_wait3A_142 = tpu.memref_squeeze %dma_wait3A_141 : memref<1x128x16xf32, #tpu.memory_space<vmem>> -> memref<128x16xf32, #tpu.memory_space<vmem>>
      %dma_wait3A_143 = arith.constant 0 : i32
      %dma_wait3A_144 = tpu.memref_slice %arg6[%rem3A_49, %dma_wait3A_138, %dma_wait3A_143] : memref<5x4x128xi32, #tpu.memory_space<vmem>> -> memref<1x1x128xi32, #tpu.memory_space<vmem>>
      %dma_wait3A_145 = tpu.memref_squeeze %dma_wait3A_144 : memref<1x1x128xi32, #tpu.memory_space<vmem>> -> memref<128xi32, #tpu.memory_space<vmem>>
      %dma_wait3A_146 = arith.constant 0 : i32
      %dma_wait3A_147 = arith.constant 0 : i32
      %dma_wait3A_148 = tpu.memref_slice %arg11[%dma_wait3A_146, %dma_wait3A_147] : memref<10000x16xf32, #tpu.memory_space<vmem_shared>> -> memref<10000x16xf32, #tpu.memory_space<vmem_shared>>
      %dma_wait3A_149 = tpu.memref_slice %arg14[%rem3A_49] : memref<5x!tpu.dma_semaphore, #tpu.memory_space<semaphore_mem>> -> memref<1x!tpu.dma_semaphore, #tpu.memory_space<semaphore_mem>>
      %dma_wait3A_150 = tpu.memref_squeeze %dma_wait3A_149 : memref<1x!tpu.dma_semaphore, #tpu.memory_space<semaphore_mem>> -> memref<!tpu.dma_semaphore, #tpu.memory_space<semaphore_mem>>
      tpu.wait_indirect_dma semaphore(%dma_wait3A_150 : memref<!tpu.dma_semaphore, #tpu.memory_space<semaphore_mem>>) src(%dma_wait3A_142 : memref<128x16xf32, #tpu.memory_space<vmem>>) dst(%dma_wait3A_148 : memref<10000x16xf32, #tpu.memory_space<vmem_shared>>)
      %dma_wait3A_151 = arith.constant 2 : i32
      %dma_wait3A_152 = arith.constant 0 : i32
      %dma_wait3A_153 = tpu.memref_slice %arg6[%rem3A_49, %dma_wait3A_151, %dma_wait3A_152] : memref<5x4x128xi32, #tpu.memory_space<vmem>> -> memref<1x1x128xi32, #tpu.memory_space<vmem>>
      %dma_wait3A_154 = tpu.memref_squeeze %dma_wait3A_153 : memref<1x1x128xi32, #tpu.memory_space<vmem>> -> memref<128xi32, #tpu.memory_space<vmem>>
      %dma_wait3A_155 = arith.constant 0 : i32
      %dma_wait3A_156 = arith.constant 0 : i32
      %dma_wait3A_157 = tpu.memref_slice %arg12[%dma_wait3A_155, %dma_wait3A_156] : memref<10000x16xf32, #tpu.memory_space<vmem_shared>> -> memref<10000x16xf32, #tpu.memory_space<vmem_shared>>
      %dma_wait3A_158 = tpu.memref_slice %arg14[%rem3A_49] : memref<5x!tpu.dma_semaphore, #tpu.memory_space<semaphore_mem>> -> memref<1x!tpu.dma_semaphore, #tpu.memory_space<semaphore_mem>>
      %dma_wait3A_159 = tpu.memref_squeeze %dma_wait3A_158 : memref<1x!tpu.dma_semaphore, #tpu.memory_space<semaphore_mem>> -> memref<!tpu.dma_semaphore, #tpu.memory_space<semaphore_mem>>
      tpu.wait_indirect_dma semaphore(%dma_wait3A_159 : memref<!tpu.dma_semaphore, #tpu.memory_space<semaphore_mem>>) src(%arg9 : memref<128x16xf32, #tpu.memory_space<vmem>>) dst(%dma_wait3A_157 : memref<10000x16xf32, #tpu.memory_space<vmem_shared>>)
      %dma_wait3A_160 = arith.constant 3 : i32
      %dma_wait3A_161 = arith.constant 384 : i32
      %dma_wait3A_162 = arith.constant 0 : i32
      %dma_wait3A_163 = tpu.memref_slice %arg8[%rem3A_49, %dma_wait3A_161, %dma_wait3A_162] : memref<5x512x16xf32, #tpu.memory_space<vmem>> -> memref<1x128x16xf32, #tpu.memory_space<vmem>>
      %dma_wait3A_164 = tpu.memref_squeeze %dma_wait3A_163 : memref<1x128x16xf32, #tpu.memory_space<vmem>> -> memref<128x16xf32, #tpu.memory_space<vmem>>
      %dma_wait3A_165 = arith.constant 0 : i32
      %dma_wait3A_166 = tpu.memref_slice %arg6[%rem3A_49, %dma_wait3A_160, %dma_wait3A_165] : memref<5x4x128xi32, #tpu.memory_space<vmem>> -> memref<1x1x128xi32, #tpu.memory_space<vmem>>
      %dma_wait3A_167 = tpu.memref_squeeze %dma_wait3A_166 : memref<1x1x128xi32, #tpu.memory_space<vmem>> -> memref<128xi32, #tpu.memory_space<vmem>>
      %dma_wait3A_168 = arith.constant 0 : i32
      %dma_wait3A_169 = arith.constant 0 : i32
      %dma_wait3A_170 = tpu.memref_slice %arg11[%dma_wait3A_168, %dma_wait3A_169] : memref<10000x16xf32, #tpu.memory_space<vmem_shared>> -> memref<10000x16xf32, #tpu.memory_space<vmem_shared>>
      %dma_wait3A_171 = tpu.memref_slice %arg14[%rem3A_49] : memref<5x!tpu.dma_semaphore, #tpu.memory_space<semaphore_mem>> -> memref<1x!tpu.dma_semaphore, #tpu.memory_space<semaphore_mem>>
      %dma_wait3A_172 = tpu.memref_squeeze %dma_wait3A_171 : memref<1x!tpu.dma_semaphore, #tpu.memory_space<semaphore_mem>> -> memref<!tpu.dma_semaphore, #tpu.memory_space<semaphore_mem>>
      tpu.wait_indirect_dma semaphore(%dma_wait3A_172 : memref<!tpu.dma_semaphore, #tpu.memory_space<semaphore_mem>>) src(%dma_wait3A_164 : memref<128x16xf32, #tpu.memory_space<vmem>>) dst(%dma_wait3A_170 : memref<10000x16xf32, #tpu.memory_space<vmem_shared>>)
      %dma_wait3A_173 = arith.constant 3 : i32
      %dma_wait3A_174 = arith.constant 0 : i32
      %dma_wait3A_175 = tpu.memref_slice %arg6[%rem3A_49, %dma_wait3A_173, %dma_wait3A_174] : memref<5x4x128xi32, #tpu.memory_space<vmem>> -> memref<1x1x128xi32, #tpu.memory_space<vmem>>
      %dma_wait3A_176 = tpu.memref_squeeze %dma_wait3A_175 : memref<1x1x128xi32, #tpu.memory_space<vmem>> -> memref<128xi32, #tpu.memory_space<vmem>>
      %dma_wait3A_177 = arith.constant 0 : i32
      %dma_wait3A_178 = arith.constant 0 : i32
      %dma_wait3A_179 = tpu.memref_slice %arg12[%dma_wait3A_177, %dma_wait3A_178] : memref<10000x16xf32, #tpu.memory_space<vmem_shared>> -> memref<10000x16xf32, #tpu.memory_space<vmem_shared>>
      %dma_wait3A_180 = tpu.memref_slice %arg14[%rem3A_49] : memref<5x!tpu.dma_semaphore, #tpu.memory_space<semaphore_mem>> -> memref<1x!tpu.dma_semaphore, #tpu.memory_space<semaphore_mem>>
      %dma_wait3A_181 = tpu.memref_squeeze %dma_wait3A_180 : memref<1x!tpu.dma_semaphore, #tpu.memory_space<semaphore_mem>> -> memref<!tpu.dma_semaphore, #tpu.memory_space<semaphore_mem>>
      tpu.wait_indirect_dma semaphore(%dma_wait3A_181 : memref<!tpu.dma_semaphore, #tpu.memory_space<semaphore_mem>>) src(%arg9 : memref<128x16xf32, #tpu.memory_space<vmem>>) dst(%dma_wait3A_179 : memref<10000x16xf32, #tpu.memory_space<vmem_shared>>)
    } else {
    }
    %rem3A_62 = arith.constant 18 : i32
    %rem3A_63 = arith.constant 5 : i32
    %rem3A_64 = arith.remsi %rem3A_62, %rem3A_63 : i32
    %ge3A_65 = arith.constant 18 : i32
    %ge3A_66 = arith.constant 0 : i32
    %ge3A_67 = arith.cmpi sge, %ge3A_65, %ge3A_66 : i32
    %mul3A_68 = arith.constant 18 : i32
    %mul3A_69 = arith.constant 32 : i32
    %mul3A_70 = arith.muli %mul3A_68, %mul3A_69 : i32
    %add3A_71 = arith.addi %add3A, %mul3A_70 : i32
    %lt3A_72 = arith.constant 625 : i32
    %lt3A_73 = arith.cmpi slt, %add3A_71, %lt3A_72 : i32
    %and3A_74 = arith.andi %ge3A_67, %lt3A_73 : i1
    %convert_element_type3A_75 = arith.extui %and3A_74 : i1 to i32
    %cond3A_76 = arith.constant 0 : i32
    %cond3A_77 = arith.cmpi ne, %convert_element_type3A_75, %cond3A_76 : i32
    scf.if %cond3A_77 {
      %dma_wait3A = arith.constant 0 : i32
      %dma_wait3A_95 = arith.constant 0 : i32
      %dma_wait3A_96 = arith.constant 0 : i32
      %dma_wait3A_97 = tpu.memref_slice %arg8[%rem3A_64, %dma_wait3A_95, %dma_wait3A_96] : memref<5x512x16xf32, #tpu.memory_space<vmem>> -> memref<1x128x16xf32, #tpu.memory_space<vmem>>
      %dma_wait3A_98 = tpu.memref_squeeze %dma_wait3A_97 : memref<1x128x16xf32, #tpu.memory_space<vmem>> -> memref<128x16xf32, #tpu.memory_space<vmem>>
      %dma_wait3A_99 = arith.constant 0 : i32
      %dma_wait3A_100 = tpu.memref_slice %arg6[%rem3A_64, %dma_wait3A, %dma_wait3A_99] : memref<5x4x128xi32, #tpu.memory_space<vmem>> -> memref<1x1x128xi32, #tpu.memory_space<vmem>>
      %dma_wait3A_101 = tpu.memref_squeeze %dma_wait3A_100 : memref<1x1x128xi32, #tpu.memory_space<vmem>> -> memref<128xi32, #tpu.memory_space<vmem>>
      %dma_wait3A_102 = arith.constant 0 : i32
      %dma_wait3A_103 = arith.constant 0 : i32
      %dma_wait3A_104 = tpu.memref_slice %arg11[%dma_wait3A_102, %dma_wait3A_103] : memref<10000x16xf32, #tpu.memory_space<vmem_shared>> -> memref<10000x16xf32, #tpu.memory_space<vmem_shared>>
      %dma_wait3A_105 = tpu.memref_slice %arg14[%rem3A_64] : memref<5x!tpu.dma_semaphore, #tpu.memory_space<semaphore_mem>> -> memref<1x!tpu.dma_semaphore, #tpu.memory_space<semaphore_mem>>
      %dma_wait3A_106 = tpu.memref_squeeze %dma_wait3A_105 : memref<1x!tpu.dma_semaphore, #tpu.memory_space<semaphore_mem>> -> memref<!tpu.dma_semaphore, #tpu.memory_space<semaphore_mem>>
      tpu.wait_indirect_dma semaphore(%dma_wait3A_106 : memref<!tpu.dma_semaphore, #tpu.memory_space<semaphore_mem>>) src(%dma_wait3A_98 : memref<128x16xf32, #tpu.memory_space<vmem>>) dst(%dma_wait3A_104 : memref<10000x16xf32, #tpu.memory_space<vmem_shared>>)
      %dma_wait3A_107 = arith.constant 0 : i32
      %dma_wait3A_108 = arith.constant 0 : i32
      %dma_wait3A_109 = tpu.memref_slice %arg6[%rem3A_64, %dma_wait3A_107, %dma_wait3A_108] : memref<5x4x128xi32, #tpu.memory_space<vmem>> -> memref<1x1x128xi32, #tpu.memory_space<vmem>>
      %dma_wait3A_110 = tpu.memref_squeeze %dma_wait3A_109 : memref<1x1x128xi32, #tpu.memory_space<vmem>> -> memref<128xi32, #tpu.memory_space<vmem>>
      %dma_wait3A_111 = arith.constant 0 : i32
      %dma_wait3A_112 = arith.constant 0 : i32
      %dma_wait3A_113 = tpu.memref_slice %arg12[%dma_wait3A_111, %dma_wait3A_112] : memref<10000x16xf32, #tpu.memory_space<vmem_shared>> -> memref<10000x16xf32, #tpu.memory_space<vmem_shared>>
      %dma_wait3A_114 = tpu.memref_slice %arg14[%rem3A_64] : memref<5x!tpu.dma_semaphore, #tpu.memory_space<semaphore_mem>> -> memref<1x!tpu.dma_semaphore, #tpu.memory_space<semaphore_mem>>
      %dma_wait3A_115 = tpu.memref_squeeze %dma_wait3A_114 : memref<1x!tpu.dma_semaphore, #tpu.memory_space<semaphore_mem>> -> memref<!tpu.dma_semaphore, #tpu.memory_space<semaphore_mem>>
      tpu.wait_indirect_dma semaphore(%dma_wait3A_115 : memref<!tpu.dma_semaphore, #tpu.memory_space<semaphore_mem>>) src(%arg9 : memref<128x16xf32, #tpu.memory_space<vmem>>) dst(%dma_wait3A_113 : memref<10000x16xf32, #tpu.memory_space<vmem_shared>>)
      %dma_wait3A_116 = arith.constant 1 : i32
      %dma_wait3A_117 = arith.constant 128 : i32
      %dma_wait3A_118 = arith.constant 0 : i32
      %dma_wait3A_119 = tpu.memref_slice %arg8[%rem3A_64, %dma_wait3A_117, %dma_wait3A_118] : memref<5x512x16xf32, #tpu.memory_space<vmem>> -> memref<1x128x16xf32, #tpu.memory_space<vmem>>
      %dma_wait3A_120 = tpu.memref_squeeze %dma_wait3A_119 : memref<1x128x16xf32, #tpu.memory_space<vmem>> -> memref<128x16xf32, #tpu.memory_space<vmem>>
      %dma_wait3A_121 = arith.constant 0 : i32
      %dma_wait3A_122 = tpu.memref_slice %arg6[%rem3A_64, %dma_wait3A_116, %dma_wait3A_121] : memref<5x4x128xi32, #tpu.memory_space<vmem>> -> memref<1x1x128xi32, #tpu.memory_space<vmem>>
      %dma_wait3A_123 = tpu.memref_squeeze %dma_wait3A_122 : memref<1x1x128xi32, #tpu.memory_space<vmem>> -> memref<128xi32, #tpu.memory_space<vmem>>
      %dma_wait3A_124 = arith.constant 0 : i32
      %dma_wait3A_125 = arith.constant 0 : i32
      %dma_wait3A_126 = tpu.memref_slice %arg11[%dma_wait3A_124, %dma_wait3A_125] : memref<10000x16xf32, #tpu.memory_space<vmem_shared>> -> memref<10000x16xf32, #tpu.memory_space<vmem_shared>>
      %dma_wait3A_127 = tpu.memref_slice %arg14[%rem3A_64] : memref<5x!tpu.dma_semaphore, #tpu.memory_space<semaphore_mem>> -> memref<1x!tpu.dma_semaphore, #tpu.memory_space<semaphore_mem>>
      %dma_wait3A_128 = tpu.memref_squeeze %dma_wait3A_127 : memref<1x!tpu.dma_semaphore, #tpu.memory_space<semaphore_mem>> -> memref<!tpu.dma_semaphore, #tpu.memory_space<semaphore_mem>>
      tpu.wait_indirect_dma semaphore(%dma_wait3A_128 : memref<!tpu.dma_semaphore, #tpu.memory_space<semaphore_mem>>) src(%dma_wait3A_120 : memref<128x16xf32, #tpu.memory_space<vmem>>) dst(%dma_wait3A_126 : memref<10000x16xf32, #tpu.memory_space<vmem_shared>>)
      %dma_wait3A_129 = arith.constant 1 : i32
      %dma_wait3A_130 = arith.constant 0 : i32
      %dma_wait3A_131 = tpu.memref_slice %arg6[%rem3A_64, %dma_wait3A_129, %dma_wait3A_130] : memref<5x4x128xi32, #tpu.memory_space<vmem>> -> memref<1x1x128xi32, #tpu.memory_space<vmem>>
      %dma_wait3A_132 = tpu.memref_squeeze %dma_wait3A_131 : memref<1x1x128xi32, #tpu.memory_space<vmem>> -> memref<128xi32, #tpu.memory_space<vmem>>
      %dma_wait3A_133 = arith.constant 0 : i32
      %dma_wait3A_134 = arith.constant 0 : i32
      %dma_wait3A_135 = tpu.memref_slice %arg12[%dma_wait3A_133, %dma_wait3A_134] : memref<10000x16xf32, #tpu.memory_space<vmem_shared>> -> memref<10000x16xf32, #tpu.memory_space<vmem_shared>>
      %dma_wait3A_136 = tpu.memref_slice %arg14[%rem3A_64] : memref<5x!tpu.dma_semaphore, #tpu.memory_space<semaphore_mem>> -> memref<1x!tpu.dma_semaphore, #tpu.memory_space<semaphore_mem>>
      %dma_wait3A_137 = tpu.memref_squeeze %dma_wait3A_136 : memref<1x!tpu.dma_semaphore, #tpu.memory_space<semaphore_mem>> -> memref<!tpu.dma_semaphore, #tpu.memory_space<semaphore_mem>>
      tpu.wait_indirect_dma semaphore(%dma_wait3A_137 : memref<!tpu.dma_semaphore, #tpu.memory_space<semaphore_mem>>) src(%arg9 : memref<128x16xf32, #tpu.memory_space<vmem>>) dst(%dma_wait3A_135 : memref<10000x16xf32, #tpu.memory_space<vmem_shared>>)
      %dma_wait3A_138 = arith.constant 2 : i32
      %dma_wait3A_139 = arith.constant 256 : i32
      %dma_wait3A_140 = arith.constant 0 : i32
      %dma_wait3A_141 = tpu.memref_slice %arg8[%rem3A_64, %dma_wait3A_139, %dma_wait3A_140] : memref<5x512x16xf32, #tpu.memory_space<vmem>> -> memref<1x128x16xf32, #tpu.memory_space<vmem>>
      %dma_wait3A_142 = tpu.memref_squeeze %dma_wait3A_141 : memref<1x128x16xf32, #tpu.memory_space<vmem>> -> memref<128x16xf32, #tpu.memory_space<vmem>>
      %dma_wait3A_143 = arith.constant 0 : i32
      %dma_wait3A_144 = tpu.memref_slice %arg6[%rem3A_64, %dma_wait3A_138, %dma_wait3A_143] : memref<5x4x128xi32, #tpu.memory_space<vmem>> -> memref<1x1x128xi32, #tpu.memory_space<vmem>>
      %dma_wait3A_145 = tpu.memref_squeeze %dma_wait3A_144 : memref<1x1x128xi32, #tpu.memory_space<vmem>> -> memref<128xi32, #tpu.memory_space<vmem>>
      %dma_wait3A_146 = arith.constant 0 : i32
      %dma_wait3A_147 = arith.constant 0 : i32
      %dma_wait3A_148 = tpu.memref_slice %arg11[%dma_wait3A_146, %dma_wait3A_147] : memref<10000x16xf32, #tpu.memory_space<vmem_shared>> -> memref<10000x16xf32, #tpu.memory_space<vmem_shared>>
      %dma_wait3A_149 = tpu.memref_slice %arg14[%rem3A_64] : memref<5x!tpu.dma_semaphore, #tpu.memory_space<semaphore_mem>> -> memref<1x!tpu.dma_semaphore, #tpu.memory_space<semaphore_mem>>
      %dma_wait3A_150 = tpu.memref_squeeze %dma_wait3A_149 : memref<1x!tpu.dma_semaphore, #tpu.memory_space<semaphore_mem>> -> memref<!tpu.dma_semaphore, #tpu.memory_space<semaphore_mem>>
      tpu.wait_indirect_dma semaphore(%dma_wait3A_150 : memref<!tpu.dma_semaphore, #tpu.memory_space<semaphore_mem>>) src(%dma_wait3A_142 : memref<128x16xf32, #tpu.memory_space<vmem>>) dst(%dma_wait3A_148 : memref<10000x16xf32, #tpu.memory_space<vmem_shared>>)
      %dma_wait3A_151 = arith.constant 2 : i32
      %dma_wait3A_152 = arith.constant 0 : i32
      %dma_wait3A_153 = tpu.memref_slice %arg6[%rem3A_64, %dma_wait3A_151, %dma_wait3A_152] : memref<5x4x128xi32, #tpu.memory_space<vmem>> -> memref<1x1x128xi32, #tpu.memory_space<vmem>>
      %dma_wait3A_154 = tpu.memref_squeeze %dma_wait3A_153 : memref<1x1x128xi32, #tpu.memory_space<vmem>> -> memref<128xi32, #tpu.memory_space<vmem>>
      %dma_wait3A_155 = arith.constant 0 : i32
      %dma_wait3A_156 = arith.constant 0 : i32
      %dma_wait3A_157 = tpu.memref_slice %arg12[%dma_wait3A_155, %dma_wait3A_156] : memref<10000x16xf32, #tpu.memory_space<vmem_shared>> -> memref<10000x16xf32, #tpu.memory_space<vmem_shared>>
      %dma_wait3A_158 = tpu.memref_slice %arg14[%rem3A_64] : memref<5x!tpu.dma_semaphore, #tpu.memory_space<semaphore_mem>> -> memref<1x!tpu.dma_semaphore, #tpu.memory_space<semaphore_mem>>
      %dma_wait3A_159 = tpu.memref_squeeze %dma_wait3A_158 : memref<1x!tpu.dma_semaphore, #tpu.memory_space<semaphore_mem>> -> memref<!tpu.dma_semaphore, #tpu.memory_space<semaphore_mem>>
      tpu.wait_indirect_dma semaphore(%dma_wait3A_159 : memref<!tpu.dma_semaphore, #tpu.memory_space<semaphore_mem>>) src(%arg9 : memref<128x16xf32, #tpu.memory_space<vmem>>) dst(%dma_wait3A_157 : memref<10000x16xf32, #tpu.memory_space<vmem_shared>>)
      %dma_wait3A_160 = arith.constant 3 : i32
      %dma_wait3A_161 = arith.constant 384 : i32
      %dma_wait3A_162 = arith.constant 0 : i32
      %dma_wait3A_163 = tpu.memref_slice %arg8[%rem3A_64, %dma_wait3A_161, %dma_wait3A_162] : memref<5x512x16xf32, #tpu.memory_space<vmem>> -> memref<1x128x16xf32, #tpu.memory_space<vmem>>
      %dma_wait3A_164 = tpu.memref_squeeze %dma_wait3A_163 : memref<1x128x16xf32, #tpu.memory_space<vmem>> -> memref<128x16xf32, #tpu.memory_space<vmem>>
      %dma_wait3A_165 = arith.constant 0 : i32
      %dma_wait3A_166 = tpu.memref_slice %arg6[%rem3A_64, %dma_wait3A_160, %dma_wait3A_165] : memref<5x4x128xi32, #tpu.memory_space<vmem>> -> memref<1x1x128xi32, #tpu.memory_space<vmem>>
      %dma_wait3A_167 = tpu.memref_squeeze %dma_wait3A_166 : memref<1x1x128xi32, #tpu.memory_space<vmem>> -> memref<128xi32, #tpu.memory_space<vmem>>
      %dma_wait3A_168 = arith.constant 0 : i32
      %dma_wait3A_169 = arith.constant 0 : i32
      %dma_wait3A_170 = tpu.memref_slice %arg11[%dma_wait3A_168, %dma_wait3A_169] : memref<10000x16xf32, #tpu.memory_space<vmem_shared>> -> memref<10000x16xf32, #tpu.memory_space<vmem_shared>>
      %dma_wait3A_171 = tpu.memref_slice %arg14[%rem3A_64] : memref<5x!tpu.dma_semaphore, #tpu.memory_space<semaphore_mem>> -> memref<1x!tpu.dma_semaphore, #tpu.memory_space<semaphore_mem>>
      %dma_wait3A_172 = tpu.memref_squeeze %dma_wait3A_171 : memref<1x!tpu.dma_semaphore, #tpu.memory_space<semaphore_mem>> -> memref<!tpu.dma_semaphore, #tpu.memory_space<semaphore_mem>>
      tpu.wait_indirect_dma semaphore(%dma_wait3A_172 : memref<!tpu.dma_semaphore, #tpu.memory_space<semaphore_mem>>) src(%dma_wait3A_164 : memref<128x16xf32, #tpu.memory_space<vmem>>) dst(%dma_wait3A_170 : memref<10000x16xf32, #tpu.memory_space<vmem_shared>>)
      %dma_wait3A_173 = arith.constant 3 : i32
      %dma_wait3A_174 = arith.constant 0 : i32
      %dma_wait3A_175 = tpu.memref_slice %arg6[%rem3A_64, %dma_wait3A_173, %dma_wait3A_174] : memref<5x4x128xi32, #tpu.memory_space<vmem>> -> memref<1x1x128xi32, #tpu.memory_space<vmem>>
      %dma_wait3A_176 = tpu.memref_squeeze %dma_wait3A_175 : memref<1x1x128xi32, #tpu.memory_space<vmem>> -> memref<128xi32, #tpu.memory_space<vmem>>
      %dma_wait3A_177 = arith.constant 0 : i32
      %dma_wait3A_178 = arith.constant 0 : i32
      %dma_wait3A_179 = tpu.memref_slice %arg12[%dma_wait3A_177, %dma_wait3A_178] : memref<10000x16xf32, #tpu.memory_space<vmem_shared>> -> memref<10000x16xf32, #tpu.memory_space<vmem_shared>>
      %dma_wait3A_180 = tpu.memref_slice %arg14[%rem3A_64] : memref<5x!tpu.dma_semaphore, #tpu.memory_space<semaphore_mem>> -> memref<1x!tpu.dma_semaphore, #tpu.memory_space<semaphore_mem>>
      %dma_wait3A_181 = tpu.memref_squeeze %dma_wait3A_180 : memref<1x!tpu.dma_semaphore, #tpu.memory_space<semaphore_mem>> -> memref<!tpu.dma_semaphore, #tpu.memory_space<semaphore_mem>>
      tpu.wait_indirect_dma semaphore(%dma_wait3A_181 : memref<!tpu.dma_semaphore, #tpu.memory_space<semaphore_mem>>) src(%arg9 : memref<128x16xf32, #tpu.memory_space<vmem>>) dst(%dma_wait3A_179 : memref<10000x16xf32, #tpu.memory_space<vmem_shared>>)
    } else {
    }
    %rem3A_78 = arith.constant 19 : i32
    %rem3A_79 = arith.constant 5 : i32
    %rem3A_80 = arith.remsi %rem3A_78, %rem3A_79 : i32
    %ge3A_81 = arith.constant 19 : i32
    %ge3A_82 = arith.constant 0 : i32
    %ge3A_83 = arith.cmpi sge, %ge3A_81, %ge3A_82 : i32
    %mul3A_84 = arith.constant 19 : i32
    %mul3A_85 = arith.constant 32 : i32
    %mul3A_86 = arith.muli %mul3A_84, %mul3A_85 : i32
    %add3A_87 = arith.addi %add3A, %mul3A_86 : i32
    %lt3A_88 = arith.constant 625 : i32
    %lt3A_89 = arith.cmpi slt, %add3A_87, %lt3A_88 : i32
    %and3A_90 = arith.andi %ge3A_83, %lt3A_89 : i1
    %convert_element_type3A_91 = arith.extui %and3A_90 : i1 to i32
    %cond3A_92 = arith.constant 0 : i32
    %cond3A_93 = arith.cmpi ne, %convert_element_type3A_91, %cond3A_92 : i32
    scf.if %cond3A_93 {
      %dma_wait3A = arith.constant 0 : i32
      %dma_wait3A_95 = arith.constant 0 : i32
      %dma_wait3A_96 = arith.constant 0 : i32
      %dma_wait3A_97 = tpu.memref_slice %arg8[%rem3A_80, %dma_wait3A_95, %dma_wait3A_96] : memref<5x512x16xf32, #tpu.memory_space<vmem>> -> memref<1x128x16xf32, #tpu.memory_space<vmem>>
      %dma_wait3A_98 = tpu.memref_squeeze %dma_wait3A_97 : memref<1x128x16xf32, #tpu.memory_space<vmem>> -> memref<128x16xf32, #tpu.memory_space<vmem>>
      %dma_wait3A_99 = arith.constant 0 : i32
      %dma_wait3A_100 = tpu.memref_slice %arg6[%rem3A_80, %dma_wait3A, %dma_wait3A_99] : memref<5x4x128xi32, #tpu.memory_space<vmem>> -> memref<1x1x128xi32, #tpu.memory_space<vmem>>
      %dma_wait3A_101 = tpu.memref_squeeze %dma_wait3A_100 : memref<1x1x128xi32, #tpu.memory_space<vmem>> -> memref<128xi32, #tpu.memory_space<vmem>>
      %dma_wait3A_102 = arith.constant 0 : i32
      %dma_wait3A_103 = arith.constant 0 : i32
      %dma_wait3A_104 = tpu.memref_slice %arg11[%dma_wait3A_102, %dma_wait3A_103] : memref<10000x16xf32, #tpu.memory_space<vmem_shared>> -> memref<10000x16xf32, #tpu.memory_space<vmem_shared>>
      %dma_wait3A_105 = tpu.memref_slice %arg14[%rem3A_80] : memref<5x!tpu.dma_semaphore, #tpu.memory_space<semaphore_mem>> -> memref<1x!tpu.dma_semaphore, #tpu.memory_space<semaphore_mem>>
      %dma_wait3A_106 = tpu.memref_squeeze %dma_wait3A_105 : memref<1x!tpu.dma_semaphore, #tpu.memory_space<semaphore_mem>> -> memref<!tpu.dma_semaphore, #tpu.memory_space<semaphore_mem>>
      tpu.wait_indirect_dma semaphore(%dma_wait3A_106 : memref<!tpu.dma_semaphore, #tpu.memory_space<semaphore_mem>>) src(%dma_wait3A_98 : memref<128x16xf32, #tpu.memory_space<vmem>>) dst(%dma_wait3A_104 : memref<10000x16xf32, #tpu.memory_space<vmem_shared>>)
      %dma_wait3A_107 = arith.constant 0 : i32
      %dma_wait3A_108 = arith.constant 0 : i32
      %dma_wait3A_109 = tpu.memref_slice %arg6[%rem3A_80, %dma_wait3A_107, %dma_wait3A_108] : memref<5x4x128xi32, #tpu.memory_space<vmem>> -> memref<1x1x128xi32, #tpu.memory_space<vmem>>
      %dma_wait3A_110 = tpu.memref_squeeze %dma_wait3A_109 : memref<1x1x128xi32, #tpu.memory_space<vmem>> -> memref<128xi32, #tpu.memory_space<vmem>>
      %dma_wait3A_111 = arith.constant 0 : i32
      %dma_wait3A_112 = arith.constant 0 : i32
      %dma_wait3A_113 = tpu.memref_slice %arg12[%dma_wait3A_111, %dma_wait3A_112] : memref<10000x16xf32, #tpu.memory_space<vmem_shared>> -> memref<10000x16xf32, #tpu.memory_space<vmem_shared>>
      %dma_wait3A_114 = tpu.memref_slice %arg14[%rem3A_80] : memref<5x!tpu.dma_semaphore, #tpu.memory_space<semaphore_mem>> -> memref<1x!tpu.dma_semaphore, #tpu.memory_space<semaphore_mem>>
      %dma_wait3A_115 = tpu.memref_squeeze %dma_wait3A_114 : memref<1x!tpu.dma_semaphore, #tpu.memory_space<semaphore_mem>> -> memref<!tpu.dma_semaphore, #tpu.memory_space<semaphore_mem>>
      tpu.wait_indirect_dma semaphore(%dma_wait3A_115 : memref<!tpu.dma_semaphore, #tpu.memory_space<semaphore_mem>>) src(%arg9 : memref<128x16xf32, #tpu.memory_space<vmem>>) dst(%dma_wait3A_113 : memref<10000x16xf32, #tpu.memory_space<vmem_shared>>)
      %dma_wait3A_116 = arith.constant 1 : i32
      %dma_wait3A_117 = arith.constant 128 : i32
      %dma_wait3A_118 = arith.constant 0 : i32
      %dma_wait3A_119 = tpu.memref_slice %arg8[%rem3A_80, %dma_wait3A_117, %dma_wait3A_118] : memref<5x512x16xf32, #tpu.memory_space<vmem>> -> memref<1x128x16xf32, #tpu.memory_space<vmem>>
      %dma_wait3A_120 = tpu.memref_squeeze %dma_wait3A_119 : memref<1x128x16xf32, #tpu.memory_space<vmem>> -> memref<128x16xf32, #tpu.memory_space<vmem>>
      %dma_wait3A_121 = arith.constant 0 : i32
      %dma_wait3A_122 = tpu.memref_slice %arg6[%rem3A_80, %dma_wait3A_116, %dma_wait3A_121] : memref<5x4x128xi32, #tpu.memory_space<vmem>> -> memref<1x1x128xi32, #tpu.memory_space<vmem>>
      %dma_wait3A_123 = tpu.memref_squeeze %dma_wait3A_122 : memref<1x1x128xi32, #tpu.memory_space<vmem>> -> memref<128xi32, #tpu.memory_space<vmem>>
      %dma_wait3A_124 = arith.constant 0 : i32
      %dma_wait3A_125 = arith.constant 0 : i32
      %dma_wait3A_126 = tpu.memref_slice %arg11[%dma_wait3A_124, %dma_wait3A_125] : memref<10000x16xf32, #tpu.memory_space<vmem_shared>> -> memref<10000x16xf32, #tpu.memory_space<vmem_shared>>
      %dma_wait3A_127 = tpu.memref_slice %arg14[%rem3A_80] : memref<5x!tpu.dma_semaphore, #tpu.memory_space<semaphore_mem>> -> memref<1x!tpu.dma_semaphore, #tpu.memory_space<semaphore_mem>>
      %dma_wait3A_128 = tpu.memref_squeeze %dma_wait3A_127 : memref<1x!tpu.dma_semaphore, #tpu.memory_space<semaphore_mem>> -> memref<!tpu.dma_semaphore, #tpu.memory_space<semaphore_mem>>
      tpu.wait_indirect_dma semaphore(%dma_wait3A_128 : memref<!tpu.dma_semaphore, #tpu.memory_space<semaphore_mem>>) src(%dma_wait3A_120 : memref<128x16xf32, #tpu.memory_space<vmem>>) dst(%dma_wait3A_126 : memref<10000x16xf32, #tpu.memory_space<vmem_shared>>)
      %dma_wait3A_129 = arith.constant 1 : i32
      %dma_wait3A_130 = arith.constant 0 : i32
      %dma_wait3A_131 = tpu.memref_slice %arg6[%rem3A_80, %dma_wait3A_129, %dma_wait3A_130] : memref<5x4x128xi32, #tpu.memory_space<vmem>> -> memref<1x1x128xi32, #tpu.memory_space<vmem>>
      %dma_wait3A_132 = tpu.memref_squeeze %dma_wait3A_131 : memref<1x1x128xi32, #tpu.memory_space<vmem>> -> memref<128xi32, #tpu.memory_space<vmem>>
      %dma_wait3A_133 = arith.constant 0 : i32
      %dma_wait3A_134 = arith.constant 0 : i32
      %dma_wait3A_135 = tpu.memref_slice %arg12[%dma_wait3A_133, %dma_wait3A_134] : memref<10000x16xf32, #tpu.memory_space<vmem_shared>> -> memref<10000x16xf32, #tpu.memory_space<vmem_shared>>
      %dma_wait3A_136 = tpu.memref_slice %arg14[%rem3A_80] : memref<5x!tpu.dma_semaphore, #tpu.memory_space<semaphore_mem>> -> memref<1x!tpu.dma_semaphore, #tpu.memory_space<semaphore_mem>>
      %dma_wait3A_137 = tpu.memref_squeeze %dma_wait3A_136 : memref<1x!tpu.dma_semaphore, #tpu.memory_space<semaphore_mem>> -> memref<!tpu.dma_semaphore, #tpu.memory_space<semaphore_mem>>
      tpu.wait_indirect_dma semaphore(%dma_wait3A_137 : memref<!tpu.dma_semaphore, #tpu.memory_space<semaphore_mem>>) src(%arg9 : memref<128x16xf32, #tpu.memory_space<vmem>>) dst(%dma_wait3A_135 : memref<10000x16xf32, #tpu.memory_space<vmem_shared>>)
      %dma_wait3A_138 = arith.constant 2 : i32
      %dma_wait3A_139 = arith.constant 256 : i32
      %dma_wait3A_140 = arith.constant 0 : i32
      %dma_wait3A_141 = tpu.memref_slice %arg8[%rem3A_80, %dma_wait3A_139, %dma_wait3A_140] : memref<5x512x16xf32, #tpu.memory_space<vmem>> -> memref<1x128x16xf32, #tpu.memory_space<vmem>>
      %dma_wait3A_142 = tpu.memref_squeeze %dma_wait3A_141 : memref<1x128x16xf32, #tpu.memory_space<vmem>> -> memref<128x16xf32, #tpu.memory_space<vmem>>
      %dma_wait3A_143 = arith.constant 0 : i32
      %dma_wait3A_144 = tpu.memref_slice %arg6[%rem3A_80, %dma_wait3A_138, %dma_wait3A_143] : memref<5x4x128xi32, #tpu.memory_space<vmem>> -> memref<1x1x128xi32, #tpu.memory_space<vmem>>
      %dma_wait3A_145 = tpu.memref_squeeze %dma_wait3A_144 : memref<1x1x128xi32, #tpu.memory_space<vmem>> -> memref<128xi32, #tpu.memory_space<vmem>>
      %dma_wait3A_146 = arith.constant 0 : i32
      %dma_wait3A_147 = arith.constant 0 : i32
      %dma_wait3A_148 = tpu.memref_slice %arg11[%dma_wait3A_146, %dma_wait3A_147] : memref<10000x16xf32, #tpu.memory_space<vmem_shared>> -> memref<10000x16xf32, #tpu.memory_space<vmem_shared>>
      %dma_wait3A_149 = tpu.memref_slice %arg14[%rem3A_80] : memref<5x!tpu.dma_semaphore, #tpu.memory_space<semaphore_mem>> -> memref<1x!tpu.dma_semaphore, #tpu.memory_space<semaphore_mem>>
      %dma_wait3A_150 = tpu.memref_squeeze %dma_wait3A_149 : memref<1x!tpu.dma_semaphore, #tpu.memory_space<semaphore_mem>> -> memref<!tpu.dma_semaphore, #tpu.memory_space<semaphore_mem>>
      tpu.wait_indirect_dma semaphore(%dma_wait3A_150 : memref<!tpu.dma_semaphore, #tpu.memory_space<semaphore_mem>>) src(%dma_wait3A_142 : memref<128x16xf32, #tpu.memory_space<vmem>>) dst(%dma_wait3A_148 : memref<10000x16xf32, #tpu.memory_space<vmem_shared>>)
      %dma_wait3A_151 = arith.constant 2 : i32
      %dma_wait3A_152 = arith.constant 0 : i32
      %dma_wait3A_153 = tpu.memref_slice %arg6[%rem3A_80, %dma_wait3A_151, %dma_wait3A_152] : memref<5x4x128xi32, #tpu.memory_space<vmem>> -> memref<1x1x128xi32, #tpu.memory_space<vmem>>
      %dma_wait3A_154 = tpu.memref_squeeze %dma_wait3A_153 : memref<1x1x128xi32, #tpu.memory_space<vmem>> -> memref<128xi32, #tpu.memory_space<vmem>>
      %dma_wait3A_155 = arith.constant 0 : i32
      %dma_wait3A_156 = arith.constant 0 : i32
      %dma_wait3A_157 = tpu.memref_slice %arg12[%dma_wait3A_155, %dma_wait3A_156] : memref<10000x16xf32, #tpu.memory_space<vmem_shared>> -> memref<10000x16xf32, #tpu.memory_space<vmem_shared>>
      %dma_wait3A_158 = tpu.memref_slice %arg14[%rem3A_80] : memref<5x!tpu.dma_semaphore, #tpu.memory_space<semaphore_mem>> -> memref<1x!tpu.dma_semaphore, #tpu.memory_space<semaphore_mem>>
      %dma_wait3A_159 = tpu.memref_squeeze %dma_wait3A_158 : memref<1x!tpu.dma_semaphore, #tpu.memory_space<semaphore_mem>> -> memref<!tpu.dma_semaphore, #tpu.memory_space<semaphore_mem>>
      tpu.wait_indirect_dma semaphore(%dma_wait3A_159 : memref<!tpu.dma_semaphore, #tpu.memory_space<semaphore_mem>>) src(%arg9 : memref<128x16xf32, #tpu.memory_space<vmem>>) dst(%dma_wait3A_157 : memref<10000x16xf32, #tpu.memory_space<vmem_shared>>)
      %dma_wait3A_160 = arith.constant 3 : i32
      %dma_wait3A_161 = arith.constant 384 : i32
      %dma_wait3A_162 = arith.constant 0 : i32
      %dma_wait3A_163 = tpu.memref_slice %arg8[%rem3A_80, %dma_wait3A_161, %dma_wait3A_162] : memref<5x512x16xf32, #tpu.memory_space<vmem>> -> memref<1x128x16xf32, #tpu.memory_space<vmem>>
      %dma_wait3A_164 = tpu.memref_squeeze %dma_wait3A_163 : memref<1x128x16xf32, #tpu.memory_space<vmem>> -> memref<128x16xf32, #tpu.memory_space<vmem>>
      %dma_wait3A_165 = arith.constant 0 : i32
      %dma_wait3A_166 = tpu.memref_slice %arg6[%rem3A_80, %dma_wait3A_160, %dma_wait3A_165] : memref<5x4x128xi32, #tpu.memory_space<vmem>> -> memref<1x1x128xi32, #tpu.memory_space<vmem>>
      %dma_wait3A_167 = tpu.memref_squeeze %dma_wait3A_166 : memref<1x1x128xi32, #tpu.memory_space<vmem>> -> memref<128xi32, #tpu.memory_space<vmem>>
      %dma_wait3A_168 = arith.constant 0 : i32
      %dma_wait3A_169 = arith.constant 0 : i32
      %dma_wait3A_170 = tpu.memref_slice %arg11[%dma_wait3A_168, %dma_wait3A_169] : memref<10000x16xf32, #tpu.memory_space<vmem_shared>> -> memref<10000x16xf32, #tpu.memory_space<vmem_shared>>
      %dma_wait3A_171 = tpu.memref_slice %arg14[%rem3A_80] : memref<5x!tpu.dma_semaphore, #tpu.memory_space<semaphore_mem>> -> memref<1x!tpu.dma_semaphore, #tpu.memory_space<semaphore_mem>>
      %dma_wait3A_172 = tpu.memref_squeeze %dma_wait3A_171 : memref<1x!tpu.dma_semaphore, #tpu.memory_space<semaphore_mem>> -> memref<!tpu.dma_semaphore, #tpu.memory_space<semaphore_mem>>
      tpu.wait_indirect_dma semaphore(%dma_wait3A_172 : memref<!tpu.dma_semaphore, #tpu.memory_space<semaphore_mem>>) src(%dma_wait3A_164 : memref<128x16xf32, #tpu.memory_space<vmem>>) dst(%dma_wait3A_170 : memref<10000x16xf32, #tpu.memory_space<vmem_shared>>)
      %dma_wait3A_173 = arith.constant 3 : i32
      %dma_wait3A_174 = arith.constant 0 : i32
      %dma_wait3A_175 = tpu.memref_slice %arg6[%rem3A_80, %dma_wait3A_173, %dma_wait3A_174] : memref<5x4x128xi32, #tpu.memory_space<vmem>> -> memref<1x1x128xi32, #tpu.memory_space<vmem>>
      %dma_wait3A_176 = tpu.memref_squeeze %dma_wait3A_175 : memref<1x1x128xi32, #tpu.memory_space<vmem>> -> memref<128xi32, #tpu.memory_space<vmem>>
      %dma_wait3A_177 = arith.constant 0 : i32
      %dma_wait3A_178 = arith.constant 0 : i32
      %dma_wait3A_179 = tpu.memref_slice %arg12[%dma_wait3A_177, %dma_wait3A_178] : memref<10000x16xf32, #tpu.memory_space<vmem_shared>> -> memref<10000x16xf32, #tpu.memory_space<vmem_shared>>
      %dma_wait3A_180 = tpu.memref_slice %arg14[%rem3A_80] : memref<5x!tpu.dma_semaphore, #tpu.memory_space<semaphore_mem>> -> memref<1x!tpu.dma_semaphore, #tpu.memory_space<semaphore_mem>>
      %dma_wait3A_181 = tpu.memref_squeeze %dma_wait3A_180 : memref<1x!tpu.dma_semaphore, #tpu.memory_space<semaphore_mem>> -> memref<!tpu.dma_semaphore, #tpu.memory_space<semaphore_mem>>
      tpu.wait_indirect_dma semaphore(%dma_wait3A_181 : memref<!tpu.dma_semaphore, #tpu.memory_space<semaphore_mem>>) src(%arg9 : memref<128x16xf32, #tpu.memory_space<vmem>>) dst(%dma_wait3A_179 : memref<10000x16xf32, #tpu.memory_space<vmem_shared>>)
    } else {
    }
    %barrier3A_94 = arith.constant 0 : index
    tpu.barrier barrier_id(%barrier3A_94)
    "tpu.region"() ({
      %run_scoped3A = tpu.sem_alloc : memref<!tpu.dma_semaphore, #tpu.memory_space<semaphore_mem>>
      %dma_start3A = arith.constant 0 : i32
      %dma_start3A_95 = tpu.memref_slice %arg11[%mul3A_13, %dma_start3A] : memref<10000x16xf32, #tpu.memory_space<vmem_shared>> -> memref<625x16xf32, #tpu.memory_space<vmem_shared>>
      %dma_start3A_96 = arith.constant 0 : i32
      %dma_start3A_97 = tpu.memref_slice %arg11[%mul3A_13, %dma_start3A_96] : memref<10000x16xf32, #tpu.memory_space<vmem_shared>> -> memref<625x16xf32, #tpu.memory_space<vmem_shared>>
      tpu.enqueue_dma source(%dma_start3A_97 : memref<625x16xf32, #tpu.memory_space<vmem_shared>>) target(%arg10 : memref<625x16xf32, #tpu.memory_space<vmem>>) target_semaphore(%run_scoped3A : memref<!tpu.dma_semaphore, #tpu.memory_space<semaphore_mem>>)
      %dma_wait3A = arith.constant 0 : i32
      %dma_wait3A_98 = tpu.memref_slice %arg11[%mul3A_13, %dma_wait3A] : memref<10000x16xf32, #tpu.memory_space<vmem_shared>> -> memref<625x16xf32, #tpu.memory_space<vmem_shared>>
      %dma_wait3A_99 = arith.constant 0 : i32
      %dma_wait3A_100 = tpu.memref_slice %arg11[%mul3A_13, %dma_wait3A_99] : memref<10000x16xf32, #tpu.memory_space<vmem_shared>> -> memref<625x16xf32, #tpu.memory_space<vmem_shared>>
      tpu.wait_dma2 semaphore(%run_scoped3A : memref<!tpu.dma_semaphore, #tpu.memory_space<semaphore_mem>>) src(%dma_wait3A_100 : memref<625x16xf32, #tpu.memory_space<vmem_shared>>) dst(%arg10 : memref<625x16xf32, #tpu.memory_space<vmem>>)
      tpu.yield
    }) : () -> ()
    "tpu.region"() ({
      %run_scoped3A = tpu.sem_alloc : memref<!tpu.dma_semaphore, #tpu.memory_space<semaphore_mem>>
      %dma_start3A = arith.constant 0 : i32
      %dma_start3A_95 = tpu.memref_slice %arg4[%arg0, %mul3A_13, %dma_start3A] : memref<2x10000x16xf32, #tpu.memory_space<hbm>> -> memref<1x625x16xf32, #tpu.memory_space<hbm>>
      %dma_start3A_96 = tpu.memref_squeeze %dma_start3A_95 : memref<1x625x16xf32, #tpu.memory_space<hbm>> -> memref<625x16xf32, #tpu.memory_space<hbm>>
      %dma_start3A_97 = arith.constant 0 : i32
      %dma_start3A_98 = tpu.memref_slice %arg4[%arg0, %mul3A_13, %dma_start3A_97] : memref<2x10000x16xf32, #tpu.memory_space<hbm>> -> memref<1x625x16xf32, #tpu.memory_space<hbm>>
      %dma_start3A_99 = tpu.memref_squeeze %dma_start3A_98 : memref<1x625x16xf32, #tpu.memory_space<hbm>> -> memref<625x16xf32, #tpu.memory_space<hbm>>
      tpu.enqueue_dma source(%arg10 : memref<625x16xf32, #tpu.memory_space<vmem>>) target(%dma_start3A_99 : memref<625x16xf32, #tpu.memory_space<hbm>>) target_semaphore(%run_scoped3A : memref<!tpu.dma_semaphore, #tpu.memory_space<semaphore_mem>>)
      %dma_wait3A = arith.constant 0 : i32
      %dma_wait3A_100 = tpu.memref_slice %arg4[%arg0, %mul3A_13, %dma_wait3A] : memref<2x10000x16xf32, #tpu.memory_space<hbm>> -> memref<1x625x16xf32, #tpu.memory_space<hbm>>
      %dma_wait3A_101 = tpu.memref_squeeze %dma_wait3A_100 : memref<1x625x16xf32, #tpu.memory_space<hbm>> -> memref<625x16xf32, #tpu.memory_space<hbm>>
      %dma_wait3A_102 = arith.constant 0 : i32
      %dma_wait3A_103 = tpu.memref_slice %arg4[%arg0, %mul3A_13, %dma_wait3A_102] : memref<2x10000x16xf32, #tpu.memory_space<hbm>> -> memref<1x625x16xf32, #tpu.memory_space<hbm>>
      %dma_wait3A_104 = tpu.memref_squeeze %dma_wait3A_103 : memref<1x625x16xf32, #tpu.memory_space<hbm>> -> memref<625x16xf32, #tpu.memory_space<hbm>>
      tpu.wait_dma2 semaphore(%run_scoped3A : memref<!tpu.dma_semaphore, #tpu.memory_space<semaphore_mem>>) src(%arg10 : memref<625x16xf32, #tpu.memory_space<vmem>>) dst(%dma_wait3A_104 : memref<625x16xf32, #tpu.memory_space<hbm>>)
      tpu.yield
    }) : () -> ()
    "tpu.region"() ({
      %run_scoped3A = tpu.sem_alloc : memref<!tpu.dma_semaphore, #tpu.memory_space<semaphore_mem>>
      %dma_start3A = arith.constant 0 : i32
      %dma_start3A_95 = tpu.memref_slice %arg12[%mul3A_13, %dma_start3A] : memref<10000x16xf32, #tpu.memory_space<vmem_shared>> -> memref<625x16xf32, #tpu.memory_space<vmem_shared>>
      %dma_start3A_96 = arith.constant 0 : i32
      %dma_start3A_97 = tpu.memref_slice %arg12[%mul3A_13, %dma_start3A_96] : memref<10000x16xf32, #tpu.memory_space<vmem_shared>> -> memref<625x16xf32, #tpu.memory_space<vmem_shared>>
      tpu.enqueue_dma source(%dma_start3A_97 : memref<625x16xf32, #tpu.memory_space<vmem_shared>>) target(%arg10 : memref<625x16xf32, #tpu.memory_space<vmem>>) target_semaphore(%run_scoped3A : memref<!tpu.dma_semaphore, #tpu.memory_space<semaphore_mem>>)
      %dma_wait3A = arith.constant 0 : i32
      %dma_wait3A_98 = tpu.memref_slice %arg12[%mul3A_13, %dma_wait3A] : memref<10000x16xf32, #tpu.memory_space<vmem_shared>> -> memref<625x16xf32, #tpu.memory_space<vmem_shared>>
      %dma_wait3A_99 = arith.constant 0 : i32
      %dma_wait3A_100 = tpu.memref_slice %arg12[%mul3A_13, %dma_wait3A_99] : memref<10000x16xf32, #tpu.memory_space<vmem_shared>> -> memref<625x16xf32, #tpu.memory_space<vmem_shared>>
      tpu.wait_dma2 semaphore(%run_scoped3A : memref<!tpu.dma_semaphore, #tpu.memory_space<semaphore_mem>>) src(%dma_wait3A_100 : memref<625x16xf32, #tpu.memory_space<vmem_shared>>) dst(%arg10 : memref<625x16xf32, #tpu.memory_space<vmem>>)
      tpu.yield
    }) : () -> ()
    "tpu.region"() ({
      %run_scoped3A = tpu.sem_alloc : memref<!tpu.dma_semaphore, #tpu.memory_space<semaphore_mem>>
      %dma_start3A = arith.constant 0 : i32
      %dma_start3A_95 = tpu.memref_slice %arg5[%arg0, %mul3A_13, %dma_start3A] : memref<2x10000x16xf32, #tpu.memory_space<hbm>> -> memref<1x625x16xf32, #tpu.memory_space<hbm>>
      %dma_start3A_96 = tpu.memref_squeeze %dma_start3A_95 : memref<1x625x16xf32, #tpu.memory_space<hbm>> -> memref<625x16xf32, #tpu.memory_space<hbm>>
      %dma_start3A_97 = arith.constant 0 : i32
      %dma_start3A_98 = tpu.memref_slice %arg5[%arg0, %mul3A_13, %dma_start3A_97] : memref<2x10000x16xf32, #tpu.memory_space<hbm>> -> memref<1x625x16xf32, #tpu.memory_space<hbm>>
      %dma_start3A_99 = tpu.memref_squeeze %dma_start3A_98 : memref<1x625x16xf32, #tpu.memory_space<hbm>> -> memref<625x16xf32, #tpu.memory_space<hbm>>
      tpu.enqueue_dma source(%arg10 : memref<625x16xf32, #tpu.memory_space<vmem>>) target(%dma_start3A_99 : memref<625x16xf32, #tpu.memory_space<hbm>>) target_semaphore(%run_scoped3A : memref<!tpu.dma_semaphore, #tpu.memory_space<semaphore_mem>>)
      %dma_wait3A = arith.constant 0 : i32
      %dma_wait3A_100 = tpu.memref_slice %arg5[%arg0, %mul3A_13, %dma_wait3A] : memref<2x10000x16xf32, #tpu.memory_space<hbm>> -> memref<1x625x16xf32, #tpu.memory_space<hbm>>
      %dma_wait3A_101 = tpu.memref_squeeze %dma_wait3A_100 : memref<1x625x16xf32, #tpu.memory_space<hbm>> -> memref<625x16xf32, #tpu.memory_space<hbm>>
      %dma_wait3A_102 = arith.constant 0 : i32
      %dma_wait3A_103 = tpu.memref_slice %arg5[%arg0, %mul3A_13, %dma_wait3A_102] : memref<2x10000x16xf32, #tpu.memory_space<hbm>> -> memref<1x625x16xf32, #tpu.memory_space<hbm>>
      %dma_wait3A_104 = tpu.memref_squeeze %dma_wait3A_103 : memref<1x625x16xf32, #tpu.memory_space<hbm>> -> memref<625x16xf32, #tpu.memory_space<hbm>>
      tpu.wait_dma2 semaphore(%run_scoped3A : memref<!tpu.dma_semaphore, #tpu.memory_space<semaphore_mem>>) src(%arg10 : memref<625x16xf32, #tpu.memory_space<vmem>>) dst(%dma_wait3A_104 : memref<625x16xf32, #tpu.memory_space<hbm>>)
      tpu.yield
    }) : () -> ()
    return
  }
}

module attributes {stable_mosaic.version = 14 : i64} {
  func.func @_tc_combine_body(%arg0: i32, %arg1: memref<1000x128xf32, #tpu.memory_space<vmem>>, %arg2: memref<2x1000x16xf32, #tpu.memory_space<vmem>>, %arg3: memref<2x1000x16xf32, #tpu.memory_space<vmem>>, %arg4: memref<16x128xf32, #tpu.memory_space<vmem>>, %arg5: memref<1000x128xf32, #tpu.memory_space<vmem>>) attributes {dimension_semantics = [#tpu.dimension_semantics<arbitrary>], iteration_bounds = array<i64: 10>, scalar_prefetch = 0 : i64, scratch_operands = 0 : i64, tpu.core_type = #tpu.core_type<tc>, window_params = [{transform_indices = @transform_0, window_bounds = array<i64: 1000, 128>}, {transform_indices = @transform_1, window_bounds = array<i64: 2, 1000, 16>}, {transform_indices = @transform_2, window_bounds = array<i64: 2, 1000, 16>}, {pipeline_mode = #tpu.pipeline_mode<synchronous>, transform_indices = @transform_3, window_bounds = array<i64: 16, 128>}, {transform_indices = @transform_4, window_bounds = array<i64: 1000, 128>}]} {
    %get3A = arith.constant 0 : index
    %get3A_0 = arith.constant 0 : index
    %get3A_1 = arith.constant 0 : index
    %get3A_2 = vector.load %arg2[%get3A, %get3A_0, %get3A_1] : memref<2x1000x16xf32, #tpu.memory_space<vmem>>, vector<1x1000x16xf32>
    %get3A_3 = vector.shape_cast %get3A_2 : vector<1x1000x16xf32> to vector<1000x16xf32>
    %get3A_4 = arith.constant 1 : index
    %get3A_5 = arith.constant 0 : index
    %get3A_6 = arith.constant 0 : index
    %get3A_7 = vector.load %arg2[%get3A_4, %get3A_5, %get3A_6] : memref<2x1000x16xf32, #tpu.memory_space<vmem>>, vector<1x1000x16xf32>
    %get3A_8 = vector.shape_cast %get3A_7 : vector<1x1000x16xf32> to vector<1000x16xf32>
    %add3A = arith.addf %get3A_3, %get3A_8 : vector<1000x16xf32>
    %get3A_9 = arith.constant 0 : index
    %get3A_10 = arith.constant 0 : index
    %get3A_11 = arith.constant 0 : index
    %get3A_12 = vector.load %arg3[%get3A_9, %get3A_10, %get3A_11] : memref<2x1000x16xf32, #tpu.memory_space<vmem>>, vector<1x1000x16xf32>
    %get3A_13 = vector.shape_cast %get3A_12 : vector<1x1000x16xf32> to vector<1000x16xf32>
    %get3A_14 = arith.constant 1 : index
    %get3A_15 = arith.constant 0 : index
    %get3A_16 = arith.constant 0 : index
    %get3A_17 = vector.load %arg3[%get3A_14, %get3A_15, %get3A_16] : memref<2x1000x16xf32, #tpu.memory_space<vmem>>, vector<1x1000x16xf32>
    %get3A_18 = vector.shape_cast %get3A_17 : vector<1x1000x16xf32> to vector<1000x16xf32>
    %add3A_19 = arith.addf %get3A_13, %get3A_18 : vector<1000x16xf32>
    %max3A = arith.constant 1.000000e+00 : f32
    %max3A_20 = vector.broadcast %max3A : f32 to vector<1000x16xf32>
    %max3A_21 = arith.maximumf %add3A_19, %max3A_20 : vector<1000x16xf32>
    %div3A = arith.divf %add3A, %max3A_21 : vector<1000x16xf32>
    %get3A_22 = arith.constant 0 : index
    %get3A_23 = arith.constant 0 : index
    %get3A_24 = vector.load %arg1[%get3A_22, %get3A_23] : memref<1000x128xf32, #tpu.memory_space<vmem>>, vector<1000x128xf32>
    %get3A_25 = arith.constant 0 : index
    %get3A_26 = arith.constant 0 : index
    %get3A_27 = vector.load %arg4[%get3A_25, %get3A_26] : memref<16x128xf32, #tpu.memory_space<vmem>>, vector<16x128xf32>
    %dot_general3A = arith.constant dense<0.000000e+00> : vector<1000x128xf32>
    %dot_general3A_28 = tpu.matmul %div3A, %get3A_27, %dot_general3A {dimension_numbers = #tpu.dot_dimension_numbers<[1], [0], [0], [1], [0, 0, 1, 1], [], []>, transpose_lhs_hint = false} : vector<1000x16xf32>, vector<16x128xf32>, vector<1000x128xf32> -> vector<1000x128xf32>
    %add3A_29 = arith.addf %get3A_24, %dot_general3A_28 : vector<1000x128xf32>
    %max3A_30 = arith.constant 0.000000e+00 : f32
    %max3A_31 = vector.broadcast %max3A_30 : f32 to vector<1000x128xf32>
    %max3A_32 = arith.maximumf %add3A_29, %max3A_31 : vector<1000x128xf32>
    %swap3A = arith.constant 0 : index
    %swap3A_33 = arith.constant 0 : index
    %swap3A_34 = vector.load %arg5[%swap3A, %swap3A_33] : memref<1000x128xf32, #tpu.memory_space<vmem>>, vector<1000x128xf32>
    tpu.vector_store %arg5[%swap3A, %swap3A_33], %max3A_32 {strides = array<i32>} : memref<1000x128xf32, #tpu.memory_space<vmem>>, vector<1000x128xf32>,
    return
  }
  func.func @transform_0(%arg0: i32) -> (i32, i32) {
    %c0_i32 = arith.constant 0 : i32
    %c0_i32_0 = arith.constant 0 : i32
    return %arg0, %c0_i32 : i32, i32
  }
  func.func @transform_1(%arg0: i32) -> (i32, i32, i32) {
    %c0_i32 = arith.constant 0 : i32
    %c0_i32_0 = arith.constant 0 : i32
    %c0_i32_1 = arith.constant 0 : i32
    return %c0_i32, %arg0, %c0_i32_0 : i32, i32, i32
  }
  func.func @transform_2(%arg0: i32) -> (i32, i32, i32) {
    %c0_i32 = arith.constant 0 : i32
    %c0_i32_0 = arith.constant 0 : i32
    %c0_i32_1 = arith.constant 0 : i32
    return %c0_i32, %arg0, %c0_i32_0 : i32, i32, i32
  }
  func.func @transform_3(%arg0: i32) -> (i32, i32) {
    %c0_i32 = arith.constant 0 : i32
    %c0_i32_0 = arith.constant 0 : i32
    %c0_i32_1 = arith.constant 0 : i32
    return %c0_i32, %c0_i32_0 : i32, i32
  }
  func.func @transform_4(%arg0: i32) -> (i32, i32) {
    %c0_i32 = arith.constant 0 : i32
    %c0_i32_0 = arith.constant 0 : i32
    return %arg0, %c0_i32 : i32, i32
  }
}

module attributes {stable_mosaic.version = 14 : i64} {
  func.func @_tc_dense_body(%arg0: i32, %arg1: memref<1000x128xf32, #tpu.memory_space<vmem>>, %arg2: memref<128x128xf32, #tpu.memory_space<vmem>>, %arg3: memref<1x128xf32, #tpu.memory_space<vmem>>, %arg4: memref<1000x128xf32, #tpu.memory_space<vmem>>) attributes {dimension_semantics = [#tpu.dimension_semantics<arbitrary>], iteration_bounds = array<i64: 10>, scalar_prefetch = 0 : i64, scratch_operands = 0 : i64, tpu.core_type = #tpu.core_type<tc>, window_params = [{transform_indices = @transform_0, window_bounds = array<i64: 1000, 128>}, {pipeline_mode = #tpu.pipeline_mode<synchronous>, transform_indices = @transform_1, window_bounds = array<i64: 128, 128>}, {pipeline_mode = #tpu.pipeline_mode<synchronous>, transform_indices = @transform_2, window_bounds = array<i64: 1, 128>}, {transform_indices = @transform_3, window_bounds = array<i64: 1000, 128>}]} {
    %get3A = arith.constant 0 : index
    %get3A_0 = arith.constant 0 : index
    %get3A_1 = vector.load %arg1[%get3A, %get3A_0] : memref<1000x128xf32, #tpu.memory_space<vmem>>, vector<1000x128xf32>
    %get3A_2 = arith.constant 0 : index
    %get3A_3 = arith.constant 0 : index
    %get3A_4 = vector.load %arg2[%get3A_2, %get3A_3] : memref<128x128xf32, #tpu.memory_space<vmem>>, vector<128x128xf32>
    %dot_general3A = arith.constant dense<0.000000e+00> : vector<1000x128xf32>
    %dot_general3A_5 = tpu.matmul %get3A_1, %get3A_4, %dot_general3A {dimension_numbers = #tpu.dot_dimension_numbers<[1], [0], [0], [1], [0, 0, 1, 1], [], []>, transpose_lhs_hint = false} : vector<1000x128xf32>, vector<128x128xf32>, vector<1000x128xf32> -> vector<1000x128xf32>
    %get3A_6 = arith.constant 0 : index
    %get3A_7 = arith.constant 0 : index
    %get3A_8 = vector.load %arg3[%get3A_6, %get3A_7] : memref<1x128xf32, #tpu.memory_space<vmem>>, vector<1x128xf32>
    %add3A = vector.broadcast %get3A_8 : vector<1x128xf32> to vector<1000x128xf32>
    %add3A_9 = arith.addf %dot_general3A_5, %add3A : vector<1000x128xf32>
    %swap3A = arith.constant 0 : index
    %swap3A_10 = arith.constant 0 : index
    %swap3A_11 = vector.load %arg4[%swap3A, %swap3A_10] : memref<1000x128xf32, #tpu.memory_space<vmem>>, vector<1000x128xf32>
    tpu.vector_store %arg4[%swap3A, %swap3A_10], %add3A_9 {strides = array<i32>} : memref<1000x128xf32, #tpu.memory_space<vmem>>, vector<1000x128xf32>,
    return
  }
  func.func @transform_0(%arg0: i32) -> (i32, i32) {
    %c0_i32 = arith.constant 0 : i32
    %c0_i32_0 = arith.constant 0 : i32
    return %arg0, %c0_i32 : i32, i32
  }
  func.func @transform_1(%arg0: i32) -> (i32, i32) {
    %c0_i32 = arith.constant 0 : i32
    %c0_i32_0 = arith.constant 0 : i32
    %c0_i32_1 = arith.constant 0 : i32
    return %c0_i32, %c0_i32_0 : i32, i32
  }
  func.func @transform_2(%arg0: i32) -> (i32, i32) {
    %c0_i32 = arith.constant 0 : i32
    %c0_i32_0 = arith.constant 0 : i32
    %c0_i32_1 = arith.constant 0 : i32
    return %c0_i32, %c0_i32_0 : i32, i32
  }
  func.func @transform_3(%arg0: i32) -> (i32, i32) {
    %c0_i32 = arith.constant 0 : i32
    %c0_i32_0 = arith.constant 0 : i32
    return %arg0, %c0_i32 : i32, i32
  }
}

</mosaic_0001>

<sc_bundles>
// kernel: kernel.5.cloned.1.call-start
scs
__scs_entry_jumppad:
0x0: {  	(pc) =	sbr.rel $0x88, $3  }
0x1: {  	(tag) =	ssettag $0x0;
	lr =	simm.s32 $0x1  }
0x2: {  	[smem:$0x3F9C] =	sst lr;
	_ =	strace $0xD0000000  }
0x3: {  	_ = 	snop  }
0x4: {  	_ = 	snop  }
0x5: {  	_ = 	snop  }
0x6: {  	_ = 	snop  }
0x7: {  	_ = 	snop  }
__scs_overlays_trampoline_lowered:
0x8: {  	[smem:$0x3FAB] =	sst s0  }
0x9: {  	[smem:$0x3FAC] =	sst s1  }
0xa: {  	[smem:$0x3FAD] =	sst s2  }
0xb: {  	[smem:$0x3FAE] =	sst s3  }
0xc: {  	[smem:$0x3FAF] =	sst s4  }
0xd: {  	[smem:$0x3FB0] =	sst s5  }
0xe: {  	[smem:$0x3FB1] =	sst s6  }
0xf: {  	[smem:$0x3FB2] =	sst s7  }
0x10: {  	[smem:$0x3FB3] =	sst s8  }
0x11: {  	[smem:$0x3FB4] =	sst s9;
	s0 =	simm.s32 @!p0 $0x0  }
0x12: {  	s1 =	sld [smem:$0x3F9A];
	s0 =	simm.s32 @p0 $0x1  }
0x13: {  	[smem:$0x3FB5] =	sst s0;
	s0 =	simm.s32 @!p1 $0x0  }
0x14: {  	s2 =	sld [smem:$0x3F99];
	s0 =	simm.s32 @p1 $0x1  }
0x15: {  	[smem:$0x3FB6] =	sst s0;
	s0 =	simm.s32 @!p2 $0x0  }
0x16: {  	s3 =	sld [smem:$0x3FDB];
	s0 =	simm.s32 @p2 $0x1  }
0x17: {  	s4 =	simm.s32 $0x1BF5;
	[smem:$0x3FB8] =	sst s0  }
0x18: {  	s0 =	sld [smem:$0x3F9B];
	_ =	swait.ge [sflag:s4], $0x0  }
0x19: {  	s7 =	sld [smem:$0x3F9C]  }
0x1a: {  	s8 =	sadd.s32 $0xFFFFE003, lr  }
0x1b: {  	s9 =	sadd.s32 $0xFFFFFEF7, lr;
	s5 =	simm.s32 $0xFFFFFFFF;
	p2 =	slt.u32 s8, $0xFFFFF086  }
0x1c: {  	p1 =	slt.u32 s9, $0xF7A;
	s5 =	simm.s32 @!p2 $0x0  }
0x1d: {  	s5 =	simm.s32 @p1 $0x1;
	p0 =	seq.s32 s7, s2  }
0x1e: {  	s7 =	smul.u32 @!p0 $0xF7A, s2;
	p2 =	seq.s32 @!p0 s5, $0x0  }
0x1f: {  	s9 =	smul.u32 $0xF7A, s1;
	s8 =	simm.s32 @!p0 $0x1BF5;
	p2 =	por !p2, p0  }
0x20: {  	[sflag:s8] =	ssyncset.s32 @!p0 $0xFFFFF086;
	s6 =	sadd.s32 @!p0 s3, s7;
	s7 =	simm.s32 @!p0 $0x108  }
0x21: {  	s3 =	sadd.s32 s3, s9;
	s6 =	sadd.s32 @!p0 $0x88, s6;
	s7 =	simm.s32 @p2 $0x1082  }
0x22: {  	[simem:s7], [sflag:s8] =	dma.local @!p0 [hbm:s6], $0xF7A  }
0x23: {  	s9 =	sor.u32 $0xD0000000, s2;
	s6 =	simm.s32 $0x108;
	_ =	swait.ge @!p0 [sflag:s8], $0x0  }
0x24: {  	s3 =	sadd.s32 $0x88, s3;
	s6 =	simm.s32 @!p1 $0x1082;
	[sflag:s4] =	ssyncset.s32 $0xFFFFF086  }
0x25: {  	[simem:s6], [sflag:s4] =	dma.local [hbm:s3], $0xF7A  }
0x26: {  	[smem:$0x3F9C] =	sst s1;
	(tag) =	ssettag s2;
	_ =	strace s9  }
0x27: {  	s1 =	sld [smem:$0x3FAC]  }
0x28: {  	s2 =	sld [smem:$0x3FAD]  }
0x29: {  	s4 =	sld [smem:$0x3FAF]  }
0x2a: {  	p0 =	seq.s32 s5, $0x0;
	s5 =	sld [smem:$0x3FB0]  }
0x2b: {  	s6 =	sld [smem:$0x3FB1]  }
0x2c: {  	s7 =	sld [smem:$0x3FB2]  }
0x2d: {  	s3 =	simm.s32 $0x108;
	s8 =	sld [smem:$0x3FB3]  }
0x2e: {  	s3 =	simm.s32 @!p0 $0x1082;
	s9 =	sld [smem:$0x3FB4]  }
0x2f: {  	lr =	sadd.s32 s0, s3;
	s0 =	sld [smem:$0x3FAB]  }
0x30: {  	s3 =	sld [smem:$0x3FAE]  }
0x31: {  	[smem:$0x3FB7] =	sst s10  }
0x32: {  	s10 =	sld [smem:$0x3FB5];
	_ =	sdelay $0x3  }
0x33: {  	p0 =	seq.s32 s10, $0x1;
	s10 =	sld [smem:$0x3FB7];
	_ =	sdelay $0x3  }
0x34: {  	[smem:$0x3FB7] =	sst s10  }
0x35: {  	s10 =	sld [smem:$0x3FB6];
	_ =	sdelay $0x3  }
0x36: {  	p1 =	seq.s32 s10, $0x1;
	s10 =	sld [smem:$0x3FB7];
	_ =	sdelay $0x3  }
0x37: {  	[smem:$0x3FB7] =	sst s10  }
0x38: {  	s10 =	sld [smem:$0x3FB8]  }
0x39: {  	_ = 	snop;
	(pc) =	sbr.ind lr, $3  }
0x3a: {  	_ = 	snop  }
0x3b: {  	_ = 	snop  }
0x3c: {  	p2 =	seq.s32 s10, $0x1;
	s10 =	sld [smem:$0x3FB7]  }
0x3d: {  	_ =	shalt  }
0x3e: {  	_ =	shalt  }
0x3f: {  	_ =	shalt  }
0x40: {  	_ =	shalt  }
0x41: {  	_ =	shalt  }
0x42: {  	_ =	shalt  }
0x43: {  	_ =	shalt  }
0x44: {  	_ =	shalt  }
0x45: {  	_ =	shalt  }
0x46: {  	_ =	shalt  }
0x47: {  	_ =	shalt  }
0x48: {  	_ =	shalt  }
0x49: {  	_ =	shalt  }
0x4a: {  	_ =	shalt  }
0x4b: {  	_ =	shalt  }
0x4c: {  	_ =	shalt  }
0x4d: {  	_ =	shalt  }
0x4e: {  	_ =	shalt  }
0x4f: {  	_ =	shalt  }
0x50: {  	_ =	shalt  }
0x51: {  	_ =	shalt  }
0x52: {  	_ =	shalt  }
0x53: {  	_ =	shalt  }
0x54: {  	_ =	shalt  }
0x55: {  	_ =	shalt  }
0x56: {  	_ =	shalt  }
0x57: {  	_ =	shalt  }
0x58: {  	_ =	shalt  }
0x59: {  	_ =	shalt  }
0x5a: {  	_ =	shalt  }
0x5b: {  	_ =	shalt  }
0x5c: {  	_ =	shalt  }
0x5d: {  	_ =	shalt  }
0x5e: {  	_ =	shalt  }
0x5f: {  	_ =	shalt  }
0x60: {  	_ =	shalt  }
0x61: {  	_ =	shalt  }
0x62: {  	_ =	shalt  }
0x63: {  	_ =	shalt  }
0x64: {  	_ =	shalt  }
0x65: {  	_ =	shalt  }
0x66: {  	_ =	shalt  }
0x67: {  	_ =	shalt  }
0x68: {  	_ =	shalt  }
0x69: {  	_ =	shalt  }
0x6a: {  	_ =	shalt  }
0x6b: {  	_ =	shalt  }
0x6c: {  	_ =	shalt  }
0x6d: {  	_ =	shalt  }
0x6e: {  	_ =	shalt  }
0x6f: {  	_ =	shalt  }
0x70: {  	_ =	shalt  }
0x71: {  	_ =	shalt  }
0x72: {  	_ =	shalt  }
0x73: {  	_ =	shalt  }
0x74: {  	_ =	shalt  }
0x75: {  	_ =	shalt  }
0x76: {  	_ =	shalt  }
0x77: {  	_ =	shalt  }
0x78: {  	_ =	shalt  }
0x79: {  	_ =	shalt  }
0x7a: {  	_ =	shalt  }
0x7b: {  	_ =	shalt  }
0x7c: {  	_ =	shalt  }
0x7d: {  	_ =	shalt  }
0x7e: {  	_ =	shalt  }
0x7f: {  	_ =	shalt  }
0x80: {  	_ =	shalt  }
0x81: {  	_ =	shalt  }
0x82: {  	_ =	shalt  }
0x83: {  	_ =	shalt  }
0x84: {  	_ =	shalt  }
0x85: {  	_ =	shalt  }
0x86: {  	_ =	shalt  }
0x87: {  	_ =	shalt  }
.Lfunc_end0:
.L_simem_size_0:
called_computation_lowered:
.L_overlay_start_0:
0x88: {  	s2 =	sld [smem:$0x3FD9]  }
0x89: {  	s3 =	sld [smem:$0x3FFE];
	_ =	sdelay $0x1  }
0x8a: {  	s1 =	srdreg.scid  }
0x8b: {  	s0 =	sand.u32 $0x1, s1  }
0x8c: {  	s17 =	sshll.u32 s0, $0xA;
	s2 =	sadd.s32 s3, s2  }
0x8d: {  	s2 =	sadd.s32 s2, s17  }
0x8e: {  	[smem:$0x3FC3] =	sst s2  }
0x8f: {  	_ = 	snop  }
0x90: {  	s2 =	sld [smem:$0x3FC8]  }
0x91: {  	s18 =	sld [smem:$0x3FC7]  }
0x92: {  	s4 =	sld [smem:$0x3FD0];
	(tm) =	ssettm $0x1  }
0x93: {  	s5 =	sld [smem:$0x3FFB];
	_ =	sdelay $0x3  }
0x94: {  	_ =	strace s5  }
0x95: {  	s5 =	sld [smem:$0x3FFC];
	_ =	sdelay $0x3  }
0x96: {  	_ =	strace s5  }
0x97: {  	s5 =	sld [smem:$0x3FFD];
	_ =	sdelay $0x3  }
0x98: {  	_ =	strace s5  }
0x99: {  	_ =	strace $0x8FFFFFFF  }
0x9a: {  	s19 =	sld [smem:$0x3FDB];
	_ =	sdelay $0x1  }
0x9b: {  	s6 =	simm.s32 $_scs_section_size  }
0x9c: {  	s7 =	simm.s32 $_size__tile_overlayer_lowered;
	s8 =	simm.s32 $_tile_overlayer_lowered  }
0x9d: {  	s22 =	simm.s32 $0x1BFF;
	s21 =	sshll.u32 s8, $0x1;
	s5 =	sadd.s32 s6, s19  }
0x9e: {  	s9 =	simm.s32 $0x0;
	s20 =	sshll.u32 s7, $0x1;
	s7 =	sadd.s32 s21, s5  }
0x9f: {  	[timem:s9], [sflag:s22] =	dma.local [hbm:s7], s20  }
0xa0: {  	_ =	swait.ge [sflag:s22], s20  }
0xa1: {  	s6 =	ssub.s32 $0x0, s20;
	[sflag:s22] =	ssyncset.done $0x0  }
0xa2: {  	[sflag:s22] =	ssyncadd.s32 s6;
	_ =	sdelay $0x1  }
0xa3: {  	s23 =	simm.s32 $0x1B8B  }
0xa4: {  	_ =	swait.ge [sflag:s23], $0x1  }
0xa5: {  	[sflag:s23] =	ssyncset.done $0x0  }
0xa6: {  	s25 =	simm.s32 $0x1B8E;
	s24 =	sld [smem:$0x3FFE];
	[sflag:s23] =	ssyncadd.s32 $0xFFFFFFFF  }
0xa7: {  	s26 =	simm.s32 $execute0_lowered;
	[smem:$0x3FD2] =	sst s25  }
0xa8: {  	s7 =	sshll.u32 s26, $0x1;
	_ =	strace $0x80000046;
	[dreg:$0x1] =	wrdreg $0xFFFFFFFF  }
0xa9: {  	s28 =	simm.s32 $_size_execute0_lowered;
	s5 =	sadd.s32 s5, s7;
	[dreg:$0x0] =	wrdreg $0x0  }
0xaa: {  	s7 =	sshll.u32 s28, $0x1;
	[dreg:$0x2] =	wrdreg s5  }
0xab: {  	[dreg:$0x3] =	wrdreg s7  }
0xac: {  	[dreg:$0x4] =	wrdreg $0xC0  }
0xad: {  	_ =	task [dreg:s9], $0x5FFFF  }
0xae: {  	[dreg:$0x1] =	wrdreg $0xFFFFFFFF  }
0xaf: {  	[dreg:$0x0] =	wrdreg $0x60  }
0xb0: {  	[dreg:$0x2] =	wrdreg s18  }
0xb1: {  	[dreg:$0x3] =	wrdreg s2  }
0xb2: {  	[dreg:$0x4] =	wrdreg s4  }
0xb3: {  	[dreg:$0x5] =	wrdreg s24  }
0xb4: {  	[dreg:$0x6] =	wrdreg $0x1AD900  }
0xb5: {  	[dreg:$0x7] =	wrdreg $0x1D4A00  }
0xb6: {  	[dreg:$0x8] =	wrdreg $0x9  }
0xb7: {  	_ =	task.clear_ibuf [dreg:s9], $0x9FFFF;
	_ =	strace $0x90000046  }
0xb8: {  	s29 =	simm.s32 $0x9;
	_ =	strace $0x80000048  }
0xb9: {  	_ =	swait.ge [sflag:s29], $0x1  }
0xba: {  	[sflag:s29] =	ssyncadd.s32 $0xFFFFFFFF  }
0xbb: {  	_ =	strace $0x90000048  }
0xbc: {  	_ =	sfence  }
0xbd: {  	s30 =	sld [smem:$0x0];
	_ =	sdelay $0x2  }
0xbe: {  	s31 =	sshll.u32 s1, $0xD;
	s1 =	sshrl.u32 s1, $0x2  }
0xbf: {  	s3 =	sand.u32 $0x4000, s31;
	s1 =	sadd.s32 s1, s30  }
0xc0: {  	s0 =	sor.u32 s3, s0;
	s1 =	sshll.u32 s1, $0x11  }
0xc1: {  	s0 =	sor.u32 s1, s0  }
0xc2: {  	s0 =	sadd.s32 $0x8F2B, s0  }
0xc3: {  	[sflag:s0] =	ssyncadd.remote.s32 $0x1  }
0xc4: {  	_ =	sfence.sel $0xFFFF  }
0xc5: {  	[dreg:$0x0] =	wrdreg $0xFFFFFFFF;
	(pc) =	sbr.abs _section_cstart, $3  }
0xc6: {  	[dreg:$0x1] =	wrdreg $0xFFFFFFFF  }
0xc7: {  	_ =	task.clear_ibuf [dreg:s9], $0x2FFFF;
	_ =	strace $0x9FFFFFFF  }
0xc8: {  	(tm) =	ssettm $0x7FFFFFFF  }
0xc9: {  	_ =	shalt  }
tec
execute0_lowered:
.L_overlay_start_1:
0x0: {  	(tag) =	ssettag $0x1  }
0x1: {  	v0 =	vimm.s32 $0x18F8;
	vm14 =	vcmask $0x300;
	vm13 =	vcmask $0x704  }
0x2: {  	vm12 =	vcmask $0xB08;
	vm11 =	vcmask $0xF0C;
	vm10 =	vcmask $0x1310  }
0x3: {  	vm9 =	vcmask $0x1714;
	vm8 =	vcmask $0x1B18;
	vm7 =	vcmask $0x1F1C  }
0x4: {  	vm6 =	vcmask $0x2320;
	vm5 =	vcmask $0x2724;
	vm4 =	vcmask $0x2B28  }
0x5: {  	vm3 =	vcmask $0x2F2C;
	vm2 =	vcmask $0x3330;
	vm1 =	vcmask $0x3734  }
0x6: {  	vm0 =	vcmask $0x3B38;
	v1 =	vimm.f32 $0.0e+00;
	v3 =	vimm.s32 $0x1E48  }
0x7: {  	s0 =	rddreg [dreg:$0x0];
	v4 =	vimm.s32 $0x2398;
	v5 =	vimm.s32 $0x28E8;
	v0 =	vsel vm14, $0x0, v0  }
0x8: {  	s1 =	rddreg [dreg:$0x1];
	v3 =	vsel vm14, $0x550, v3;
	v4 =	vsel vm14, $0xAA0, v4;
	v5 =	vsel vm14, $0xFF0, v5  }
0x9: {  	s2 =	rddreg [dreg:$0x2];
	v0 =	vsel vm13, $0x88, v0;
	v3 =	vsel vm13, $0x5D8, v3;
	v4 =	vsel vm13, $0xB28, v4  }
0xa: {  	s6 =	rddreg [dreg:$0x3];
	s4 =	srdreg.scid;
	v5 =	vsel vm13, $0x1078, v5;
	v0 =	vsel vm12, $0x110, v0;
	v3 =	vsel vm12, $0x660, v3  }
0xb: {  	s12 =	stileid.u32;
	s3 =	rddreg [dreg:$0x4];
	v4 =	vsel vm12, $0xBB0, v4;
	v5 =	vsel vm12, $0x1100, v5;
	v0 =	vsel vm11, $0x198, v0  }
0xc: {  	s5 =	simm.s32 $0x0;
	s18 =	simm.s32 $0x18680;
	s19 =	simm.s32 $0xB;
	v3 =	vsel vm11, $0x6E8, v3;
	v4 =	vsel vm11, $0xC38, v4;
	v5 =	vsel vm11, $0x1188, v5  }
0xd: {  	s20 =	simm.s32 $0x80;
	s21 =	simm.s32 $0x100;
	s22 =	simm.s32 $0xA00;
	v0 =	vsel vm10, $0x220, v0;
	v3 =	vsel vm10, $0x770, v3;
	v4 =	vsel vm10, $0xCC0, v4  }
0xe: {  	s23 =	simm.s32 $0x9;
	s7 =	sand.u32 $0x1, s4;
	s4 =	rddreg [dreg:$0x5];
	v5 =	vsel vm10, $0x1210, v5;
	v0 =	vsel vm9, $0x2A8, v0;
	v3 =	vsel vm9, $0x7F8, v3  }
0xf: {  	s8 =	smul.u32 $0x2710, s12;
	[smem:$0x7FF] =	sst s5;
	s12 =	sshll.u32 s12, $0x1;
	v4 =	vsel vm9, $0xD48, v4;
	v5 =	vsel vm9, $0x1298, v5;
	v0 =	vsel vm8, $0x330, v0  }
0x10: {  	s9 =	smul.u32 $0x27100, s7;
	_ =	strace $0x80000047;
	s24 =	ssub.s32 $0x2, s7;
	v3 =	vsel vm8, $0x880, v3;
	v4 =	vsel vm8, $0xDD0, v4;
	v5 =	vsel vm8, $0x1320, v5  }
0x11: {  	s7 =	sor.u32 s7, s12;
	s11 =	sshrl.u32 s24, $0x1;
	s16 =	sadd.s32 s8, s3;
	v0 =	vsel vm7, $0x3B8, v0;
	v3 =	vsel vm7, $0x908, v3;
	v4 =	vsel vm7, $0xE58, v4  }
0x12: {  	s17 =	sadd.s32 s8, s4;
	s25 =	sshll.u32 s7, $0x7;
	s26 =	sshll.u32 s7, $0x9;
	v5 =	vsel vm7, $0x13A8, v5;
	v0 =	vsel vm6, $0x1540, v0;
	v3 =	vsel vm6, $0x1A90, v3  }
0x13: {  	s12 =	sor.u32 $0x20, s7;
	s14 =	ssub.s32 $0x271, s7;
	p0 =	sgt.u32 s7, $0x10;
	v4 =	vsel vm6, $0x1FE0, v4;
	v5 =	vsel vm6, $0x2530, v5;
	v0 =	vsel vm5, $0x15C8, v0  }
0x14: {  	s9 =	sadd.s32 s8, s9;
	s15 =	ssub.s32 s24, s11;
	s11 =	sadd.s32 s1, s26;
	v3 =	vsel vm5, $0x1B18, v3;
	v4 =	vsel vm5, $0x2068, v4;
	v5 =	vsel vm5, $0x25B8, v5  }
0x15: {  	s28 =	sshll.u32 s12, $0x7;
	s12 =	sshll.u32 s12, $0x9;
	[dreg:$0x7] =	wrdreg s17;
	v0 =	vsel vm4, $0x1650, v0;
	v3 =	vsel vm4, $0x1BA0, v3;
	v4 =	vsel vm4, $0x20F0, v4  }
0x16: {  	s10 =	sshrl.u32 s9, $0x3;
	s9 =	sadd.s32 $0x10, s0;
	s31 =	smax.u32 s15, $0x1;
	v5 =	vsel vm4, $0x2640, v5;
	v0 =	vsel vm3, $0x16D8, v0;
	v3 =	vsel vm3, $0x1C28, v3  }
.Ltmp0:
0x17: {  	s0 =	sadd.s32 s25, s9;
	[dreg:$0xc] =	wrdreg s31;
	v4 =	vsel vm3, $0x2178, v4;
	v5 =	vsel vm3, $0x26C8, v5;
	v0 =	vsel vm2, $0x1760, v0;
	(pc) =	sbr.rel .LBB2_1-.Ltmp0, $4  }
0x18: {  	s24 =	simm.s32 $0x0;
	s29 =	sadd.s32 s2, s10;
	[dreg:$0x8] =	wrdreg s0;
	v3 =	vsel vm2, $0x1CB0, v3;
	v4 =	vsel vm2, $0x2200, v4;
	v5 =	vsel vm2, $0x2750, v5  }
0x19: {  	s6 =	sadd.s32 s10, s6;
	s0 =	sadd.s32 s28, s9;
	[dreg:$0xa] =	wrdreg s29;
	v2 =	vsel vm1, $0x17E8, v0;
	v0 =	vimm.f32 $1.000000000e+00;
	v3 =	vsel vm1, $0x1D38, v3  }
0x1a: {  	s13 =	sadd.s32 s1, s12;
	s30 =	sadd.s32 $0x1000, s6;
	[dreg:$0x9] =	wrdreg s0;
	v4 =	vsel vm1, $0x2288, v4;
	v5 =	vsel vm1, $0x27D8, v5;
	v2 =	vsel vm0, $0x1870, v2  }
0x1b: {  	s2 =	simm.s32 $0x17E80;
	[dreg:$0xb] =	wrdreg s30;
	s0 =	simm.s32 $0x8;
	v3 =	vsel vm0, $0x1DC0, v3;
	v4 =	vsel vm0, $0x2310, v4;
	v5 =	vsel vm0, $0x2860, v5  }
.LBB2_19:
0x1c: {  	_ =	swait.ge [sflag:s0], $0x800  }
0x1d: {  	[sflag:s0] =	ssyncset.done $0x0  }
0x1e: {  	[sflag:s0] =	ssyncadd.s32 $0xFFFFF800  }
0x1f: {  	_ =	swait.ge [sflag:s0], $0x800  }
0x20: {  	[sflag:s0] =	ssyncset.done $0x0  }
0x21: {  	[sflag:s0] =	ssyncadd.s32 $0xFFFFF800  }
0x22: {  	_ =	swait.ge [sflag:s0], $0x800  }
0x23: {  	[sflag:s0] =	ssyncset.done $0x0  }
0x24: {  	[sflag:s0] =	ssyncadd.s32 $0xFFFFF800  }
0x25: {  	_ =	swait.ge [sflag:s0], $0x800  }
0x26: {  	[sflag:s0] =	ssyncset.done $0x0  }
0x27: {  	[sflag:s0] =	ssyncadd.s32 $0xFFFFF800  }
0x28: {  	_ =	swait.ge [sflag:s0], $0x800  }
0x29: {  	[sflag:s0] =	ssyncset.done $0x0  }
0x2a: {  	[sflag:s0] =	ssyncadd.s32 $0xFFFFF800  }
0x2b: {  	_ =	swait.ge [sflag:s0], $0x800  }
0x2c: {  	[sflag:s0] =	ssyncset.done $0x0  }
0x2d: {  	[sflag:s0] =	ssyncadd.s32 $0xFFFFF800  }
0x2e: {  	_ =	swait.ge [sflag:s0], $0x800  }
0x2f: {  	[sflag:s0] =	ssyncset.done $0x0  }
0x30: {  	[sflag:s0] =	ssyncadd.s32 $0xFFFFF800  }
0x31: {  	_ =	swait.ge [sflag:s0], $0x800  }
0x32: {  	[sflag:s0] =	ssyncset.done $0x0  }
0x33: {  	[sflag:s0] =	ssyncadd.s32 $0xFFFFF800  }
0x34: {  	_ =	swait.ge [sflag:s23], $0x800  }
0x35: {  	[sflag:s23] =	ssyncset.done $0x0  }
0x36: {  	[sflag:s23] =	ssyncadd.s32 $0xFFFFF800  }
0x37: {  	_ =	swait.ge [sflag:s23], $0x800  }
0x38: {  	[sflag:s23] =	ssyncset.done $0x0  }
0x39: {  	[sflag:s23] =	ssyncadd.s32 $0xFFFFF800  }
0x3a: {  	_ =	swait.ge [sflag:s23], $0x800  }
0x3b: {  	[sflag:s23] =	ssyncset.done $0x0  }
0x3c: {  	[sflag:s23] =	ssyncadd.s32 $0xFFFFF800  }
0x3d: {  	_ =	swait.ge [sflag:s23], $0x800  }
0x3e: {  	[sflag:s23] =	ssyncset.done $0x0  }
0x3f: {  	[sflag:s23] =	ssyncadd.s32 $0xFFFFF800  }
0x40: {  	_ =	swait.ge [sflag:s23], $0x800  }
0x41: {  	[sflag:s23] =	ssyncset.done $0x0  }
0x42: {  	[sflag:s23] =	ssyncadd.s32 $0xFFFFF800  }
0x43: {  	_ =	swait.ge [sflag:s23], $0x800  }
0x44: {  	[sflag:s23] =	ssyncset.done $0x0  }
0x45: {  	[sflag:s23] =	ssyncadd.s32 $0xFFFFF800  }
0x46: {  	_ =	swait.ge [sflag:s23], $0x800  }
0x47: {  	[sflag:s23] =	ssyncset.done $0x0  }
0x48: {  	[sflag:s23] =	ssyncadd.s32 $0xFFFFF800  }
0x49: {  	_ =	swait.ge [sflag:s23], $0x800  }
0x4a: {  	[sflag:s23] =	ssyncset.done $0x0  }
0x4b: {  	s6 =	simm.s32 @!p0 $0xA;
	[sflag:s23] =	ssyncadd.s32 $0xFFFFF800  }
0x4c: {  	_ =	swait.ge @!p0 [sflag:s6], $0x800  }
0x4d: {  	[sflag:s6] =	ssyncset.done @!p0 $0x0  }
0x4e: {  	[sflag:s6] =	ssyncadd.s32 @!p0 $0xFFFFF800  }
0x4f: {  	_ =	swait.ge @!p0 [sflag:s6], $0x800  }
0x50: {  	[sflag:s6] =	ssyncset.done @!p0 $0x0  }
0x51: {  	[sflag:s6] =	ssyncadd.s32 @!p0 $0xFFFFF800  }
0x52: {  	_ =	swait.ge @!p0 [sflag:s6], $0x800  }
0x53: {  	[sflag:s6] =	ssyncset.done @!p0 $0x0  }
0x54: {  	[sflag:s6] =	ssyncadd.s32 @!p0 $0xFFFFF800  }
0x55: {  	_ =	swait.ge @!p0 [sflag:s6], $0x800  }
0x56: {  	[sflag:s6] =	ssyncset.done @!p0 $0x0  }
0x57: {  	[sflag:s6] =	ssyncadd.s32 @!p0 $0xFFFFF800  }
0x58: {  	_ =	swait.ge @!p0 [sflag:s6], $0x800  }
0x59: {  	[sflag:s6] =	ssyncset.done @!p0 $0x0  }
0x5a: {  	[sflag:s6] =	ssyncadd.s32 @!p0 $0xFFFFF800  }
0x5b: {  	_ =	swait.ge @!p0 [sflag:s6], $0x800  }
0x5c: {  	[sflag:s6] =	ssyncset.done @!p0 $0x0  }
0x5d: {  	[sflag:s6] =	ssyncadd.s32 @!p0 $0xFFFFF800  }
0x5e: {  	_ =	swait.ge @!p0 [sflag:s6], $0x800  }
0x5f: {  	[sflag:s6] =	ssyncset.done @!p0 $0x0  }
0x60: {  	[sflag:s6] =	ssyncadd.s32 @!p0 $0xFFFFF800  }
0x61: {  	_ =	swait.ge @!p0 [sflag:s6], $0x800  }
0x62: {  	[sflag:s6] =	ssyncset.done @!p0 $0x0  }
0x63: {  	[sflag:s6] =	ssyncadd.s32 @!p0 $0xFFFFF800  }
0x64: {  	[bflag:$0x0] =	sbarrier.arrive $0xFFFF  }
0x65: {  	[tilespmem:s18], [sflag:$0xB] =	stream.linear.gather [spmem:s8], $0x2710, $0x38;
	[tilespmem:$0x1FBB0] =	vst v63  }
0x66: {  	_ =	swait.ge [sflag:s19], $0x2710  }
0x67: {  	[sflag:s19] =	ssyncset.done $0x0  }
0x68: {  	s29 =	rddreg [dreg:$0xa];
	[sflag:s19] =	ssyncadd.s32 $0xFFFFD8F0  }
0x69: {  	[hbm4b:s29+s5] =	stream.linear.scatter [tilespmem:s18], [sflag:$0xB], $0x2710, $0x38;
	[tilespmem:$0x1FBB0] =	vst v63  }
0x6a: {  	_ =	swait.ge [sflag:s19], $0x2710  }
0x6b: {  	[sflag:s19] =	ssyncset.done $0x0  }
0x6c: {  	s17 =	rddreg [dreg:$0x7];
	[sflag:s19] =	ssyncadd.s32 $0xFFFFD8F0  }
0x6d: {  	[tilespmem:s18], [sflag:$0xB] =	stream.linear.gather [spmem:s17], $0x2710, $0x38;
	[tilespmem:$0x1FBB0] =	vst v63  }
0x6e: {  	_ =	swait.ge [sflag:s19], $0x2710  }
0x6f: {  	[sflag:s19] =	ssyncset.done $0x0  }
0x70: {  	s30 =	rddreg [dreg:$0xb];
	[sflag:s19] =	ssyncadd.s32 $0xFFFFD8F0  }
0x71: {  	[hbm4b:s30+s5] =	stream.linear.scatter [tilespmem:s18], [sflag:$0xB], $0x2710, $0x38;
	[tilespmem:$0x1FBB0] =	vst v63  }
0x72: {  	_ =	swait.ge [sflag:s19], $0x2710  }
0x73: {  	s24 =	sadd.s32 $0x1, s24;
	s31 =	rddreg [dreg:$0xc]  }
0x74: {  	p1 =	sne.s32 s24, s31  }
.Ltmp1:
0x75: {  	_ = 	snop;
	(pc) =	sbr.rel @!p1 .LBB2_20-.Ltmp1, $3  }
0x76: {  	_ =	sdelay $0x1  }
0x77: {  	[sflag:s19] =	ssyncset.done $0x0  }
0x78: {  	s16 =	smov.u32 s8;
	[sflag:s19] =	ssyncadd.s32 $0xFFFFD8F0  }
.LBB2_1:
0x79: {  	s6 =	simm.s32 $0x0  }
.LBB2_2:
0x7a: {  	p1 =	sne.s32 s6, $0x1FC0  }
.Ltmp2:
0x7b: {  	_ = 	snop;
	(pc) =	sbr.rel @p1 .LBB2_2-.Ltmp2, $3  }
0x7c: {  	_ =	sdelay $0x1  }
0x7d: {  	s10 =	sshra.s32 s6, $0x2  }
0x7e: {  	s6 =	sadd.s32 $0x40, s6;
	[tilespmem:s10+$0x17E80] =	vst v0  }
0x7f: {  	s6 =	simm.s32 $0x40;
	s10 =	simm.s32 $0x0  }
.LBB2_4:
0x80: {  	p1 =	sne.s32 s6, $0x9C00;
	[tilespmem:s10+$0x18680] =	vst v1;
	s10 =	smov.u32 s6;
	s6 =	sadd.s32 $0x40, s6  }
.Ltmp3:
0x81: {  	(pc) =	sbr.rel @p1 .LBB2_4-.Ltmp3, $2  }
0x82: {  	_ =	sdelay $0x2  }
0x83: {  	s10 =	sshra.s32 s10, $0x2  }
0x84: {  	[tilespmem:s10+$0x18680] =	vst v1  }
0x85: {  	[spmem:s16] =	stream.linear.scatter [tilespmem:s18], [sflag:$0xB], $0x2710, $0x38;
	[tilespmem:$0x1FBB0] =	vst v63  }
0x86: {  	_ =	swait.ge [sflag:s19], $0x2710  }
0x87: {  	[sflag:s19] =	ssyncset.done $0x0  }
0x88: {  	[sflag:s19] =	ssyncadd.s32 $0xFFFFD8F0  }
0x89: {  	[spmem:s17] =	stream.linear.scatter [tilespmem:s18], [sflag:$0xB], $0x2710, $0x38;
	[tilespmem:$0x1FBB0] =	vst v63  }
0x8a: {  	_ =	swait.ge [sflag:s19], $0x2710  }
0x8b: {  	[sflag:s19] =	ssyncset.done $0x0  }
0x8c: {  	[sflag:s19] =	ssyncadd.s32 $0xFFFFD8F0  }
0x8d: {  	[bflag:$0x0] =	sbarrier.arrive $0xFFFF  }
0x8e: {  	s25 =	simm.s32 $0x0;
	s6 =	rddreg [dreg:$0x8]  }
0x8f: {  	[tilespmem:s25], [sflag:$0x1] =	stream.strided.gather [hbm4b:s6+s20], $0x200, s21, s20, $0x38;
	[tilespmem:$0x1FBB0] =	vst v63  }
0x90: {  	_ = 	snop  }
0x91: {  	[tilespmem:s22], [sflag:$0x1] =	stream.linear.gather [hbm4b:s11+s25], $0x80, $0x38;
	[tilespmem:$0x1FBB0] =	vst v63  }
0x92: {  	s8 =	smov.u32 s16;
	s16 =	sadd.s32 $0x10, s11;
	s17 =	simm.s32 $0xA88  }
0x93: {  	[tilespmem:s17], [sflag:$0x1] =	stream.linear.gather [hbm4b:s16+s25], $0x80, $0x38;
	[tilespmem:$0x1FBB0] =	vst v63  }
0x94: {  	s26 =	sadd.s32 $0x20, s11;
	s31 =	simm.s32 $0xB10  }
0x95: {  	[tilespmem:s31], [sflag:$0x1] =	stream.linear.gather [hbm4b:s26+s25], $0x80, $0x38;
	[tilespmem:$0x1FBB0] =	vst v63  }
0x96: {  	s12 =	sadd.s32 $0x30, s11;
	s15 =	simm.s32 $0xB98  }
0x97: {  	[tilespmem:s15], [sflag:$0x1] =	stream.linear.gather [hbm4b:s12+s25], $0x80, $0x38;
	[tilespmem:$0x1FBB0] =	vst v63  }
0x98: {  	s16 =	sadd.s32 $0x40, s11;
	s17 =	simm.s32 $0xC20  }
0x99: {  	[tilespmem:s17], [sflag:$0x1] =	stream.linear.gather [hbm4b:s16+s25], $0x80, $0x38;
	[tilespmem:$0x1FBB0] =	vst v63  }
0x9a: {  	s26 =	sadd.s32 $0x50, s11;
	s31 =	simm.s32 $0xCA8  }
0x9b: {  	[tilespmem:s31], [sflag:$0x1] =	stream.linear.gather [hbm4b:s26+s25], $0x80, $0x38;
	[tilespmem:$0x1FBB0] =	vst v63  }
0x9c: {  	s12 =	sadd.s32 $0x60, s11;
	s15 =	simm.s32 $0xD30  }
0x9d: {  	[tilespmem:s15], [sflag:$0x1] =	stream.linear.gather [hbm4b:s12+s25], $0x80, $0x38;
	[tilespmem:$0x1FBB0] =	vst v63  }
0x9e: {  	s16 =	sadd.s32 $0x70, s11;
	s17 =	simm.s32 $0xDB8  }
0x9f: {  	[tilespmem:s17], [sflag:$0x1] =	stream.linear.gather [hbm4b:s16+s25], $0x80, $0x38;
	[tilespmem:$0x1FBB0] =	vst v63  }
0xa0: {  	s26 =	sadd.s32 $0x80, s11;
	s31 =	simm.s32 $0xF50  }
0xa1: {  	[tilespmem:s31], [sflag:$0x1] =	stream.linear.gather [hbm4b:s26+s25], $0x80, $0x38;
	[tilespmem:$0x1FBB0] =	vst v63  }
0xa2: {  	s12 =	sadd.s32 $0x90, s11;
	s15 =	simm.s32 $0xFD8  }
0xa3: {  	[tilespmem:s15], [sflag:$0x1] =	stream.linear.gather [hbm4b:s12+s25], $0x80, $0x38;
	[tilespmem:$0x1FBB0] =	vst v63  }
0xa4: {  	s16 =	sadd.s32 $0xA0, s11;
	s17 =	simm.s32 $0x1060  }
0xa5: {  	[tilespmem:s17], [sflag:$0x1] =	stream.linear.gather [hbm4b:s16+s25], $0x80, $0x38;
	[tilespmem:$0x1FBB0] =	vst v63  }
0xa6: {  	s26 =	sadd.s32 $0xB0, s11;
	s31 =	simm.s32 $0x10E8  }
0xa7: {  	[tilespmem:s31], [sflag:$0x1] =	stream.linear.gather [hbm4b:s26+s25], $0x80, $0x38;
	[tilespmem:$0x1FBB0] =	vst v63  }
0xa8: {  	s12 =	sadd.s32 $0xC0, s11;
	s15 =	simm.s32 $0x1170  }
0xa9: {  	[tilespmem:s15], [sflag:$0x1] =	stream.linear.gather [hbm4b:s12+s25], $0x80, $0x38;
	[tilespmem:$0x1FBB0] =	vst v63  }
0xaa: {  	s16 =	sadd.s32 $0xD0, s11;
	s17 =	simm.s32 $0x11F8  }
0xab: {  	[tilespmem:s17], [sflag:$0x1] =	stream.linear.gather [hbm4b:s16+s25], $0x80, $0x38;
	[tilespmem:$0x1FBB0] =	vst v63  }
0xac: {  	s26 =	sadd.s32 $0xE0, s11;
	s31 =	simm.s32 $0x1280  }
0xad: {  	[tilespmem:s31], [sflag:$0x1] =	stream.linear.gather [hbm4b:s26+s25], $0x80, $0x38;
	[tilespmem:$0x1FBB0] =	vst v63  }
0xae: {  	s12 =	sadd.s32 $0xF0, s11;
	s15 =	simm.s32 $0x1308  }
0xaf: {  	[tilespmem:s15], [sflag:$0x1] =	stream.linear.gather [hbm4b:s12+s25], $0x80, $0x38;
	[tilespmem:$0x1FBB0] =	vst v63  }
0xb0: {  	s16 =	sadd.s32 $0x100, s11;
	s17 =	simm.s32 $0x14A0  }
0xb1: {  	[tilespmem:s17], [sflag:$0x1] =	stream.linear.gather [hbm4b:s16+s25], $0x80, $0x38;
	[tilespmem:$0x1FBB0] =	vst v63  }
0xb2: {  	s26 =	sadd.s32 $0x110, s11;
	s31 =	simm.s32 $0x1528  }
0xb3: {  	[tilespmem:s31], [sflag:$0x1] =	stream.linear.gather [hbm4b:s26+s25], $0x80, $0x38;
	[tilespmem:$0x1FBB0] =	vst v63  }
0xb4: {  	s12 =	sadd.s32 $0x120, s11;
	s15 =	simm.s32 $0x15B0  }
0xb5: {  	[tilespmem:s15], [sflag:$0x1] =	stream.linear.gather [hbm4b:s12+s25], $0x80, $0x38;
	[tilespmem:$0x1FBB0] =	vst v63  }
0xb6: {  	s16 =	sadd.s32 $0x130, s11;
	s17 =	simm.s32 $0x1638  }
0xb7: {  	[tilespmem:s17], [sflag:$0x1] =	stream.linear.gather [hbm4b:s16+s25], $0x80, $0x38;
	[tilespmem:$0x1FBB0] =	vst v63  }
0xb8: {  	s26 =	sadd.s32 $0x140, s11;
	s31 =	simm.s32 $0x16C0  }
0xb9: {  	[tilespmem:s31], [sflag:$0x1] =	stream.linear.gather [hbm4b:s26+s25], $0x80, $0x38;
	[tilespmem:$0x1FBB0] =	vst v63  }
0xba: {  	s12 =	sadd.s32 $0x150, s11;
	s15 =	simm.s32 $0x1748  }
0xbb: {  	[tilespmem:s15], [sflag:$0x1] =	stream.linear.gather [hbm4b:s12+s25], $0x80, $0x38;
	[tilespmem:$0x1FBB0] =	vst v63  }
0xbc: {  	s16 =	sadd.s32 $0x160, s11;
	s17 =	simm.s32 $0x17D0  }
0xbd: {  	[tilespmem:s17], [sflag:$0x1] =	stream.linear.gather [hbm4b:s16+s25], $0x80, $0x38;
	[tilespmem:$0x1FBB0] =	vst v63  }
0xbe: {  	s26 =	sadd.s32 $0x170, s11;
	s31 =	simm.s32 $0x1858  }
0xbf: {  	[tilespmem:s31], [sflag:$0x1] =	stream.linear.gather [hbm4b:s26+s25], $0x80, $0x38;
	[tilespmem:$0x1FBB0] =	vst v63  }
0xc0: {  	s12 =	sadd.s32 $0x180, s11;
	s15 =	simm.s32 $0x19F0  }
0xc1: {  	[tilespmem:s15], [sflag:$0x1] =	stream.linear.gather [hbm4b:s12+s25], $0x80, $0x38;
	[tilespmem:$0x1FBB0] =	vst v63  }
0xc2: {  	s16 =	sadd.s32 $0x190, s11;
	s17 =	simm.s32 $0x1A78  }
0xc3: {  	[tilespmem:s17], [sflag:$0x1] =	stream.linear.gather [hbm4b:s16+s25], $0x80, $0x38;
	[tilespmem:$0x1FBB0] =	vst v63  }
0xc4: {  	s26 =	sadd.s32 $0x1A0, s11;
	s31 =	simm.s32 $0x1B00  }
0xc5: {  	[tilespmem:s31], [sflag:$0x1] =	stream.linear.gather [hbm4b:s26+s25], $0x80, $0x38;
	[tilespmem:$0x1FBB0] =	vst v63  }
0xc6: {  	s12 =	sadd.s32 $0x1B0, s11;
	s15 =	simm.s32 $0x1B88  }
0xc7: {  	[tilespmem:s15], [sflag:$0x1] =	stream.linear.gather [hbm4b:s12+s25], $0x80, $0x38;
	[tilespmem:$0x1FBB0] =	vst v63  }
0xc8: {  	s16 =	sadd.s32 $0x1C0, s11;
	s17 =	simm.s32 $0x1C10  }
0xc9: {  	[tilespmem:s17], [sflag:$0x1] =	stream.linear.gather [hbm4b:s16+s25], $0x80, $0x38;
	[tilespmem:$0x1FBB0] =	vst v63  }
0xca: {  	s26 =	sadd.s32 $0x1D0, s11;
	s31 =	simm.s32 $0x1C98  }
0xcb: {  	[tilespmem:s31], [sflag:$0x1] =	stream.linear.gather [hbm4b:s26+s25], $0x80, $0x38;
	[tilespmem:$0x1FBB0] =	vst v63  }
0xcc: {  	s12 =	sadd.s32 $0x1E0, s11;
	s15 =	simm.s32 $0x1D20  }
0xcd: {  	[tilespmem:s15], [sflag:$0x1] =	stream.linear.gather [hbm4b:s12+s25], $0x80, $0x38;
	[tilespmem:$0x1FBB0] =	vst v63  }
0xce: {  	s16 =	sadd.s32 $0x1F0, s11;
	s17 =	simm.s32 $0x1DA8  }
0xcf: {  	[tilespmem:s17], [sflag:$0x1] =	stream.linear.gather [hbm4b:s16+s25], $0x80, $0x38;
	[tilespmem:$0x1FBB0] =	vst v63  }
0xd0: {  	s6 =	sadd.s32 $0x4E200, s11;
	s26 =	simm.s32 $0x1F40  }
0xd1: {  	[tilespmem:s26], [sflag:$0x1] =	stream.linear.gather [hbm4b:s6+s25], $0x80, $0x38;
	[tilespmem:$0x1FBB0] =	vst v63  }
0xd2: {  	s31 =	sadd.s32 $0x10, s6;
	s12 =	simm.s32 $0x1FC8  }
0xd3: {  	[tilespmem:s12], [sflag:$0x1] =	stream.linear.gather [hbm4b:s31+s25], $0x80, $0x38;
	[tilespmem:$0x1FBB0] =	vst v63  }
0xd4: {  	s15 =	simm.s32 $0x2050;
	s12 =	sadd.s32 $0x20, s6  }
0xd5: {  	[tilespmem:s15], [sflag:$0x1] =	stream.linear.gather [hbm4b:s12+s25], $0x80, $0x38;
	[tilespmem:$0x1FBB0] =	vst v63  }
0xd6: {  	s16 =	sadd.s32 $0x30, s6;
	s17 =	simm.s32 $0x20D8  }
0xd7: {  	[tilespmem:s17], [sflag:$0x1] =	stream.linear.gather [hbm4b:s16+s25], $0x80, $0x38;
	[tilespmem:$0x1FBB0] =	vst v63  }
0xd8: {  	s26 =	sadd.s32 $0x40, s6;
	s31 =	simm.s32 $0x2160  }
0xd9: {  	[tilespmem:s31], [sflag:$0x1] =	stream.linear.gather [hbm4b:s26+s25], $0x80, $0x38;
	[tilespmem:$0x1FBB0] =	vst v63  }
0xda: {  	s12 =	sadd.s32 $0x50, s6;
	s15 =	simm.s32 $0x21E8  }
0xdb: {  	[tilespmem:s15], [sflag:$0x1] =	stream.linear.gather [hbm4b:s12+s25], $0x80, $0x38;
	[tilespmem:$0x1FBB0] =	vst v63  }
0xdc: {  	s16 =	sadd.s32 $0x60, s6;
	s17 =	simm.s32 $0x2270  }
0xdd: {  	[tilespmem:s17], [sflag:$0x1] =	stream.linear.gather [hbm4b:s16+s25], $0x80, $0x38;
	[tilespmem:$0x1FBB0] =	vst v63  }
0xde: {  	s26 =	sadd.s32 $0x70, s6;
	s31 =	simm.s32 $0x22F8  }
0xdf: {  	[tilespmem:s31], [sflag:$0x1] =	stream.linear.gather [hbm4b:s26+s25], $0x80, $0x38;
	[tilespmem:$0x1FBB0] =	vst v63  }
0xe0: {  	s12 =	sadd.s32 $0x80, s6;
	s15 =	simm.s32 $0x2490  }
0xe1: {  	[tilespmem:s15], [sflag:$0x1] =	stream.linear.gather [hbm4b:s12+s25], $0x80, $0x38;
	[tilespmem:$0x1FBB0] =	vst v63  }
0xe2: {  	s16 =	sadd.s32 $0x90, s6;
	s17 =	simm.s32 $0x2518  }
0xe3: {  	[tilespmem:s17], [sflag:$0x1] =	stream.linear.gather [hbm4b:s16+s25], $0x80, $0x38;
	[tilespmem:$0x1FBB0] =	vst v63  }
0xe4: {  	s26 =	sadd.s32 $0xA0, s6;
	s31 =	simm.s32 $0x25A0  }
0xe5: {  	[tilespmem:s31], [sflag:$0x1] =	stream.linear.gather [hbm4b:s26+s25], $0x80, $0x38;
	[tilespmem:$0x1FBB0] =	vst v63  }
0xe6: {  	s12 =	sadd.s32 $0xB0, s6;
	s15 =	simm.s32 $0x2628  }
0xe7: {  	[tilespmem:s15], [sflag:$0x1] =	stream.linear.gather [hbm4b:s12+s25], $0x80, $0x38;
	[tilespmem:$0x1FBB0] =	vst v63  }
0xe8: {  	s16 =	sadd.s32 $0xC0, s6;
	s17 =	simm.s32 $0x26B0  }
0xe9: {  	[tilespmem:s17], [sflag:$0x1] =	stream.linear.gather [hbm4b:s16+s25], $0x80, $0x38;
	[tilespmem:$0x1FBB0] =	vst v63  }
0xea: {  	s26 =	sadd.s32 $0xD0, s6;
	s31 =	simm.s32 $0x2738  }
0xeb: {  	[tilespmem:s31], [sflag:$0x1] =	stream.linear.gather [hbm4b:s26+s25], $0x80, $0x38;
	[tilespmem:$0x1FBB0] =	vst v63  }
0xec: {  	s12 =	sadd.s32 $0xE0, s6;
	s15 =	simm.s32 $0x27C0  }
0xed: {  	[tilespmem:s15], [sflag:$0x1] =	stream.linear.gather [hbm4b:s12+s25], $0x80, $0x38;
	[tilespmem:$0x1FBB0] =	vst v63  }
0xee: {  	s16 =	sadd.s32 $0xF0, s6;
	s17 =	simm.s32 $0x2848  }
0xef: {  	[tilespmem:s17], [sflag:$0x1] =	stream.linear.gather [hbm4b:s16+s25], $0x80, $0x38;
	[tilespmem:$0x1FBB0] =	vst v63  }
0xf0: {  	s26 =	sadd.s32 $0x100, s6;
	s31 =	simm.s32 $0x29E0  }
0xf1: {  	[tilespmem:s31], [sflag:$0x1] =	stream.linear.gather [hbm4b:s26+s25], $0x80, $0x38;
	[tilespmem:$0x1FBB0] =	vst v63  }
0xf2: {  	s12 =	sadd.s32 $0x110, s6;
	s15 =	simm.s32 $0x2A68  }
0xf3: {  	[tilespmem:s15], [sflag:$0x1] =	stream.linear.gather [hbm4b:s12+s25], $0x80, $0x38;
	[tilespmem:$0x1FBB0] =	vst v63  }
0xf4: {  	s16 =	sadd.s32 $0x120, s6;
	s17 =	simm.s32 $0x2AF0  }
0xf5: {  	[tilespmem:s17], [sflag:$0x1] =	stream.linear.gather [hbm4b:s16+s25], $0x80, $0x38;
	[tilespmem:$0x1FBB0] =	vst v63  }
0xf6: {  	s26 =	sadd.s32 $0x130, s6;
	s31 =	simm.s32 $0x2B78  }
0xf7: {  	[tilespmem:s31], [sflag:$0x1] =	stream.linear.gather [hbm4b:s26+s25], $0x80, $0x38;
	[tilespmem:$0x1FBB0] =	vst v63  }
0xf8: {  	s12 =	sadd.s32 $0x140, s6;
	s15 =	simm.s32 $0x2C00  }
0xf9: {  	[tilespmem:s15], [sflag:$0x1] =	stream.linear.gather [hbm4b:s12+s25], $0x80, $0x38;
	[tilespmem:$0x1FBB0] =	vst v63  }
0xfa: {  	s16 =	sadd.s32 $0x150, s6;
	s17 =	simm.s32 $0x2C88  }
0xfb: {  	[tilespmem:s17], [sflag:$0x1] =	stream.linear.gather [hbm4b:s16+s25], $0x80, $0x38;
	[tilespmem:$0x1FBB0] =	vst v63  }
0xfc: {  	s26 =	sadd.s32 $0x160, s6;
	s31 =	simm.s32 $0x2D10  }
0xfd: {  	[tilespmem:s31], [sflag:$0x1] =	stream.linear.gather [hbm4b:s26+s25], $0x80, $0x38;
	[tilespmem:$0x1FBB0] =	vst v63  }
0xfe: {  	s12 =	sadd.s32 $0x170, s6;
	s15 =	simm.s32 $0x2D98  }
0xff: {  	[tilespmem:s15], [sflag:$0x1] =	stream.linear.gather [hbm4b:s12+s25], $0x80, $0x38;
	[tilespmem:$0x1FBB0] =	vst v63  }
0x100: {  	s16 =	sadd.s32 $0x180, s6;
	s17 =	simm.s32 $0x2F30  }
0x101: {  	[tilespmem:s17], [sflag:$0x1] =	stream.linear.gather [hbm4b:s16+s25], $0x80, $0x38;
	[tilespmem:$0x1FBB0] =	vst v63  }
0x102: {  	s26 =	sadd.s32 $0x190, s6;
	s31 =	simm.s32 $0x2FB8  }
0x103: {  	[tilespmem:s31], [sflag:$0x1] =	stream.linear.gather [hbm4b:s26+s25], $0x80, $0x38;
	[tilespmem:$0x1FBB0] =	vst v63  }
0x104: {  	s12 =	sadd.s32 $0x1A0, s6;
	s15 =	simm.s32 $0x3040  }
0x105: {  	[tilespmem:s15], [sflag:$0x1] =	stream.linear.gather [hbm4b:s12+s25], $0x80, $0x38;
	[tilespmem:$0x1FBB0] =	vst v63  }
0x106: {  	s16 =	sadd.s32 $0x1B0, s6;
	s17 =	simm.s32 $0x30C8  }
0x107: {  	[tilespmem:s17], [sflag:$0x1] =	stream.linear.gather [hbm4b:s16+s25], $0x80, $0x38;
	[tilespmem:$0x1FBB0] =	vst v63  }
0x108: {  	s26 =	sadd.s32 $0x1C0, s6;
	s31 =	simm.s32 $0x3150  }
0x109: {  	[tilespmem:s31], [sflag:$0x1] =	stream.linear.gather [hbm4b:s26+s25], $0x80, $0x38;
	[tilespmem:$0x1FBB0] =	vst v63  }
0x10a: {  	s15 =	sadd.s32 $0x1D0, s6;
	s16 =	simm.s32 $0x31D8  }
0x10b: {  	[tilespmem:s16], [sflag:$0x1] =	stream.linear.gather [hbm4b:s15+s25], $0x80, $0x38;
	[tilespmem:$0x1FBB0] =	vst v63  }
0x10c: {  	s17 =	sadd.s32 $0x1E0, s6;
	s26 =	simm.s32 $0x3260  }
0x10d: {  	[tilespmem:s26], [sflag:$0x1] =	stream.linear.gather [hbm4b:s17+s25], $0x80, $0x38;
	[tilespmem:$0x1FBB0] =	vst v63  }
0x10e: {  	s6 =	sadd.s32 $0x1F0, s6;
	s31 =	simm.s32 $0x32E8  }
0x10f: {  	[tilespmem:s31], [sflag:$0x1] =	stream.linear.gather [hbm4b:s6+s25], $0x80, $0x38;
	[tilespmem:$0x1FBB0] =	vst v63  }
0x110: {  	s10 =	rddreg [dreg:$0x9];
	s12 =	simm.s32 $0x200  }
0x111: {  	[tilespmem:s12], [sflag:$0x2] =	stream.strided.gather [hbm4b:s10+s20], $0x200, s21, s20, $0x38;
	[tilespmem:$0x1FBB0] =	vst v63  }
0x112: {  	s15 =	simm.s32 $0x3480  }
0x113: {  	[tilespmem:s15], [sflag:$0x2] =	stream.linear.gather [hbm4b:s13+s25], $0x80, $0x38;
	[tilespmem:$0x1FBB0] =	vst v63  }
0x114: {  	s16 =	sadd.s32 $0x10, s13;
	s17 =	simm.s32 $0x3508  }
0x115: {  	[tilespmem:s17], [sflag:$0x2] =	stream.linear.gather [hbm4b:s16+s25], $0x80, $0x38;
	[tilespmem:$0x1FBB0] =	vst v63  }
0x116: {  	s26 =	sadd.s32 $0x20, s13;
	s31 =	simm.s32 $0x3590  }
0x117: {  	[tilespmem:s31], [sflag:$0x2] =	stream.linear.gather [hbm4b:s26+s25], $0x80, $0x38;
	[tilespmem:$0x1FBB0] =	vst v63  }
0x118: {  	s12 =	sadd.s32 $0x30, s13;
	s15 =	simm.s32 $0x3618  }
0x119: {  	[tilespmem:s15], [sflag:$0x2] =	stream.linear.gather [hbm4b:s12+s25], $0x80, $0x38;
	[tilespmem:$0x1FBB0] =	vst v63  }
0x11a: {  	s16 =	sadd.s32 $0x40, s13;
	s17 =	simm.s32 $0x36A0  }
0x11b: {  	[tilespmem:s17], [sflag:$0x2] =	stream.linear.gather [hbm4b:s16+s25], $0x80, $0x38;
	[tilespmem:$0x1FBB0] =	vst v63  }
0x11c: {  	s26 =	sadd.s32 $0x50, s13;
	s31 =	simm.s32 $0x3728  }
0x11d: {  	[tilespmem:s31], [sflag:$0x2] =	stream.linear.gather [hbm4b:s26+s25], $0x80, $0x38;
	[tilespmem:$0x1FBB0] =	vst v63  }
0x11e: {  	s12 =	sadd.s32 $0x60, s13;
	s15 =	simm.s32 $0x37B0  }
0x11f: {  	[tilespmem:s15], [sflag:$0x2] =	stream.linear.gather [hbm4b:s12+s25], $0x80, $0x38;
	[tilespmem:$0x1FBB0] =	vst v63  }
0x120: {  	s16 =	sadd.s32 $0x70, s13;
	s17 =	simm.s32 $0x3838  }
0x121: {  	[tilespmem:s17], [sflag:$0x2] =	stream.linear.gather [hbm4b:s16+s25], $0x80, $0x38;
	[tilespmem:$0x1FBB0] =	vst v63  }
0x122: {  	s26 =	sadd.s32 $0x80, s13;
	s31 =	simm.s32 $0x39D0  }
0x123: {  	[tilespmem:s31], [sflag:$0x2] =	stream.linear.gather [hbm4b:s26+s25], $0x80, $0x38;
	[tilespmem:$0x1FBB0] =	vst v63  }
0x124: {  	s12 =	sadd.s32 $0x90, s13;
	s15 =	simm.s32 $0x3A58  }
0x125: {  	[tilespmem:s15], [sflag:$0x2] =	stream.linear.gather [hbm4b:s12+s25], $0x80, $0x38;
	[tilespmem:$0x1FBB0] =	vst v63  }
0x126: {  	s16 =	sadd.s32 $0xA0, s13;
	s17 =	simm.s32 $0x3AE0  }
0x127: {  	[tilespmem:s17], [sflag:$0x2] =	stream.linear.gather [hbm4b:s16+s25], $0x80, $0x38;
	[tilespmem:$0x1FBB0] =	vst v63  }
0x128: {  	s26 =	sadd.s32 $0xB0, s13;
	s31 =	simm.s32 $0x3B68  }
0x129: {  	[tilespmem:s31], [sflag:$0x2] =	stream.linear.gather [hbm4b:s26+s25], $0x80, $0x38;
	[tilespmem:$0x1FBB0] =	vst v63  }
0x12a: {  	s12 =	sadd.s32 $0xC0, s13;
	s15 =	simm.s32 $0x3BF0  }
0x12b: {  	[tilespmem:s15], [sflag:$0x2] =	stream.linear.gather [hbm4b:s12+s25], $0x80, $0x38;
	[tilespmem:$0x1FBB0] =	vst v63  }
0x12c: {  	s16 =	sadd.s32 $0xD0, s13;
	s17 =	simm.s32 $0x3C78  }
0x12d: {  	[tilespmem:s17], [sflag:$0x2] =	stream.linear.gather [hbm4b:s16+s25], $0x80, $0x38;
	[tilespmem:$0x1FBB0] =	vst v63  }
0x12e: {  	s26 =	sadd.s32 $0xE0, s13;
	s31 =	simm.s32 $0x3D00  }
0x12f: {  	[tilespmem:s31], [sflag:$0x2] =	stream.linear.gather [hbm4b:s26+s25], $0x80, $0x38;
	[tilespmem:$0x1FBB0] =	vst v63  }
0x130: {  	s12 =	sadd.s32 $0xF0, s13;
	s15 =	simm.s32 $0x3D88  }
0x131: {  	[tilespmem:s15], [sflag:$0x2] =	stream.linear.gather [hbm4b:s12+s25], $0x80, $0x38;
	[tilespmem:$0x1FBB0] =	vst v63  }
0x132: {  	s16 =	sadd.s32 $0x100, s13;
	s17 =	simm.s32 $0x3F20  }
0x133: {  	[tilespmem:s17], [sflag:$0x2] =	stream.linear.gather [hbm4b:s16+s25], $0x80, $0x38;
	[tilespmem:$0x1FBB0] =	vst v63  }
0x134: {  	s26 =	sadd.s32 $0x110, s13;
	s31 =	simm.s32 $0x3FA8  }
0x135: {  	[tilespmem:s31], [sflag:$0x2] =	stream.linear.gather [hbm4b:s26+s25], $0x80, $0x38;
	[tilespmem:$0x1FBB0] =	vst v63  }
0x136: {  	s12 =	sadd.s32 $0x120, s13;
	s15 =	simm.s32 $0x4030  }
0x137: {  	[tilespmem:s15], [sflag:$0x2] =	stream.linear.gather [hbm4b:s12+s25], $0x80, $0x38;
	[tilespmem:$0x1FBB0] =	vst v63  }
0x138: {  	s16 =	sadd.s32 $0x130, s13;
	s17 =	simm.s32 $0x40B8  }
0x139: {  	[tilespmem:s17], [sflag:$0x2] =	stream.linear.gather [hbm4b:s16+s25], $0x80, $0x38;
	[tilespmem:$0x1FBB0] =	vst v63  }
0x13a: {  	s26 =	sadd.s32 $0x140, s13;
	s31 =	simm.s32 $0x4140  }
0x13b: {  	[tilespmem:s31], [sflag:$0x2] =	stream.linear.gather [hbm4b:s26+s25], $0x80, $0x38;
	[tilespmem:$0x1FBB0] =	vst v63  }
0x13c: {  	s12 =	sadd.s32 $0x150, s13;
	s15 =	simm.s32 $0x41C8  }
0x13d: {  	[tilespmem:s15], [sflag:$0x2] =	stream.linear.gather [hbm4b:s12+s25], $0x80, $0x38;
	[tilespmem:$0x1FBB0] =	vst v63  }
0x13e: {  	s16 =	sadd.s32 $0x160, s13;
	s17 =	simm.s32 $0x4250  }
0x13f: {  	[tilespmem:s17], [sflag:$0x2] =	stream.linear.gather [hbm4b:s16+s25], $0x80, $0x38;
	[tilespmem:$0x1FBB0] =	vst v63  }
0x140: {  	s26 =	sadd.s32 $0x170, s13;
	s31 =	simm.s32 $0x42D8  }
0x141: {  	[tilespmem:s31], [sflag:$0x2] =	stream.linear.gather [hbm4b:s26+s25], $0x80, $0x38;
	[tilespmem:$0x1FBB0] =	vst v63  }
0x142: {  	s12 =	sadd.s32 $0x180, s13;
	s15 =	simm.s32 $0x4470  }
0x143: {  	[tilespmem:s15], [sflag:$0x2] =	stream.linear.gather [hbm4b:s12+s25], $0x80, $0x38;
	[tilespmem:$0x1FBB0] =	vst v63  }
0x144: {  	s16 =	sadd.s32 $0x190, s13;
	s17 =	simm.s32 $0x44F8  }
0x145: {  	[tilespmem:s17], [sflag:$0x2] =	stream.linear.gather [hbm4b:s16+s25], $0x80, $0x38;
	[tilespmem:$0x1FBB0] =	vst v63  }
0x146: {  	s26 =	sadd.s32 $0x1A0, s13;
	s31 =	simm.s32 $0x4580  }
0x147: {  	[tilespmem:s31], [sflag:$0x2] =	stream.linear.gather [hbm4b:s26+s25], $0x80, $0x38;
	[tilespmem:$0x1FBB0] =	vst v63  }
0x148: {  	s12 =	sadd.s32 $0x1B0, s13;
	s15 =	simm.s32 $0x4608  }
0x149: {  	[tilespmem:s15], [sflag:$0x2] =	stream.linear.gather [hbm4b:s12+s25], $0x80, $0x38;
	[tilespmem:$0x1FBB0] =	vst v63  }
0x14a: {  	s16 =	sadd.s32 $0x1C0, s13;
	s17 =	simm.s32 $0x4690  }
0x14b: {  	[tilespmem:s17], [sflag:$0x2] =	stream.linear.gather [hbm4b:s16+s25], $0x80, $0x38;
	[tilespmem:$0x1FBB0] =	vst v63  }
0x14c: {  	s26 =	sadd.s32 $0x1D0, s13;
	s31 =	simm.s32 $0x4718  }
0x14d: {  	[tilespmem:s31], [sflag:$0x2] =	stream.linear.gather [hbm4b:s26+s25], $0x80, $0x38;
	[tilespmem:$0x1FBB0] =	vst v63  }
0x14e: {  	s10 =	sadd.s32 $0x1E0, s13;
	s12 =	simm.s32 $0x47A0  }
0x14f: {  	[tilespmem:s12], [sflag:$0x2] =	stream.linear.gather [hbm4b:s10+s25], $0x80, $0x38;
	[tilespmem:$0x1FBB0] =	vst v63  }
0x150: {  	s15 =	sadd.s32 $0x1F0, s13;
	s16 =	simm.s32 $0x4828  }
0x151: {  	[tilespmem:s16], [sflag:$0x2] =	stream.linear.gather [hbm4b:s15+s25], $0x80, $0x38;
	[tilespmem:$0x1FBB0] =	vst v63  }
0x152: {  	s6 =	sadd.s32 $0x4E200, s13;
	s17 =	simm.s32 $0x49C0  }
0x153: {  	[tilespmem:s17], [sflag:$0x2] =	stream.linear.gather [hbm4b:s6+s25], $0x80, $0x38;
	[tilespmem:$0x1FBB0] =	vst v63  }
0x154: {  	s26 =	sadd.s32 $0x10, s6;
	s31 =	simm.s32 $0x4A48  }
0x155: {  	[tilespmem:s31], [sflag:$0x2] =	stream.linear.gather [hbm4b:s26+s25], $0x80, $0x38;
	[tilespmem:$0x1FBB0] =	vst v63  }
0x156: {  	s12 =	sadd.s32 $0x20, s6;
	s15 =	simm.s32 $0x4AD0  }
0x157: {  	[tilespmem:s15], [sflag:$0x2] =	stream.linear.gather [hbm4b:s12+s25], $0x80, $0x38;
	[tilespmem:$0x1FBB0] =	vst v63  }
0x158: {  	s16 =	sadd.s32 $0x30, s6;
	s17 =	simm.s32 $0x4B58  }
0x159: {  	[tilespmem:s17], [sflag:$0x2] =	stream.linear.gather [hbm4b:s16+s25], $0x80, $0x38;
	[tilespmem:$0x1FBB0] =	vst v63  }
0x15a: {  	s26 =	sadd.s32 $0x40, s6;
	s31 =	simm.s32 $0x4BE0  }
0x15b: {  	[tilespmem:s31], [sflag:$0x2] =	stream.linear.gather [hbm4b:s26+s25], $0x80, $0x38;
	[tilespmem:$0x1FBB0] =	vst v63  }
0x15c: {  	s12 =	sadd.s32 $0x50, s6;
	s15 =	simm.s32 $0x4C68  }
0x15d: {  	[tilespmem:s15], [sflag:$0x2] =	stream.linear.gather [hbm4b:s12+s25], $0x80, $0x38;
	[tilespmem:$0x1FBB0] =	vst v63  }
0x15e: {  	s16 =	sadd.s32 $0x60, s6;
	s17 =	simm.s32 $0x4CF0  }
0x15f: {  	[tilespmem:s17], [sflag:$0x2] =	stream.linear.gather [hbm4b:s16+s25], $0x80, $0x38;
	[tilespmem:$0x1FBB0] =	vst v63  }
0x160: {  	s26 =	sadd.s32 $0x70, s6;
	s31 =	simm.s32 $0x4D78  }
0x161: {  	[tilespmem:s31], [sflag:$0x2] =	stream.linear.gather [hbm4b:s26+s25], $0x80, $0x38;
	[tilespmem:$0x1FBB0] =	vst v63  }
0x162: {  	s12 =	sadd.s32 $0x80, s6;
	s15 =	simm.s32 $0x4F10  }
0x163: {  	[tilespmem:s15], [sflag:$0x2] =	stream.linear.gather [hbm4b:s12+s25], $0x80, $0x38;
	[tilespmem:$0x1FBB0] =	vst v63  }
0x164: {  	s16 =	sadd.s32 $0x90, s6;
	s17 =	simm.s32 $0x4F98  }
0x165: {  	[tilespmem:s17], [sflag:$0x2] =	stream.linear.gather [hbm4b:s16+s25], $0x80, $0x38;
	[tilespmem:$0x1FBB0] =	vst v63  }
0x166: {  	s26 =	sadd.s32 $0xA0, s6;
	s31 =	simm.s32 $0x5020  }
0x167: {  	[tilespmem:s31], [sflag:$0x2] =	stream.linear.gather [hbm4b:s26+s25], $0x80, $0x38;
	[tilespmem:$0x1FBB0] =	vst v63  }
0x168: {  	s12 =	sadd.s32 $0xB0, s6;
	s15 =	simm.s32 $0x50A8  }
0x169: {  	[tilespmem:s15], [sflag:$0x2] =	stream.linear.gather [hbm4b:s12+s25], $0x80, $0x38;
	[tilespmem:$0x1FBB0] =	vst v63  }
0x16a: {  	s16 =	sadd.s32 $0xC0, s6;
	s17 =	simm.s32 $0x5130  }
0x16b: {  	[tilespmem:s17], [sflag:$0x2] =	stream.linear.gather [hbm4b:s16+s25], $0x80, $0x38;
	[tilespmem:$0x1FBB0] =	vst v63  }
0x16c: {  	s26 =	sadd.s32 $0xD0, s6;
	s31 =	simm.s32 $0x51B8  }
0x16d: {  	[tilespmem:s31], [sflag:$0x2] =	stream.linear.gather [hbm4b:s26+s25], $0x80, $0x38;
	[tilespmem:$0x1FBB0] =	vst v63  }
0x16e: {  	s12 =	sadd.s32 $0xE0, s6;
	s15 =	simm.s32 $0x5240  }
0x16f: {  	[tilespmem:s15], [sflag:$0x2] =	stream.linear.gather [hbm4b:s12+s25], $0x80, $0x38;
	[tilespmem:$0x1FBB0] =	vst v63  }
0x170: {  	s16 =	sadd.s32 $0xF0, s6;
	s17 =	simm.s32 $0x52C8  }
0x171: {  	[tilespmem:s17], [sflag:$0x2] =	stream.linear.gather [hbm4b:s16+s25], $0x80, $0x38;
	[tilespmem:$0x1FBB0] =	vst v63  }
0x172: {  	s26 =	sadd.s32 $0x100, s6;
	s31 =	simm.s32 $0x5460  }
0x173: {  	[tilespmem:s31], [sflag:$0x2] =	stream.linear.gather [hbm4b:s26+s25], $0x80, $0x38;
	[tilespmem:$0x1FBB0] =	vst v63  }
0x174: {  	s12 =	sadd.s32 $0x110, s6;
	s15 =	simm.s32 $0x54E8  }
0x175: {  	[tilespmem:s15], [sflag:$0x2] =	stream.linear.gather [hbm4b:s12+s25], $0x80, $0x38;
	[tilespmem:$0x1FBB0] =	vst v63  }
0x176: {  	s16 =	sadd.s32 $0x120, s6;
	s17 =	simm.s32 $0x5570  }
0x177: {  	[tilespmem:s17], [sflag:$0x2] =	stream.linear.gather [hbm4b:s16+s25], $0x80, $0x38;
	[tilespmem:$0x1FBB0] =	vst v63  }
0x178: {  	s26 =	sadd.s32 $0x130, s6;
	s31 =	simm.s32 $0x55F8  }
0x179: {  	[tilespmem:s31], [sflag:$0x2] =	stream.linear.gather [hbm4b:s26+s25], $0x80, $0x38;
	[tilespmem:$0x1FBB0] =	vst v63  }
0x17a: {  	s12 =	sadd.s32 $0x140, s6;
	s15 =	simm.s32 $0x5680  }
0x17b: {  	[tilespmem:s15], [sflag:$0x2] =	stream.linear.gather [hbm4b:s12+s25], $0x80, $0x38;
	[tilespmem:$0x1FBB0] =	vst v63  }
0x17c: {  	s16 =	sadd.s32 $0x150, s6;
	s17 =	simm.s32 $0x5708  }
0x17d: {  	[tilespmem:s17], [sflag:$0x2] =	stream.linear.gather [hbm4b:s16+s25], $0x80, $0x38;
	[tilespmem:$0x1FBB0] =	vst v63  }
0x17e: {  	s26 =	sadd.s32 $0x160, s6;
	s31 =	simm.s32 $0x5790  }
0x17f: {  	[tilespmem:s31], [sflag:$0x2] =	stream.linear.gather [hbm4b:s26+s25], $0x80, $0x38;
	[tilespmem:$0x1FBB0] =	vst v63  }
0x180: {  	s12 =	sadd.s32 $0x170, s6;
	s15 =	simm.s32 $0x5818  }
0x181: {  	[tilespmem:s15], [sflag:$0x2] =	stream.linear.gather [hbm4b:s12+s25], $0x80, $0x38;
	[tilespmem:$0x1FBB0] =	vst v63  }
0x182: {  	s16 =	sadd.s32 $0x180, s6;
	s17 =	simm.s32 $0x59B0  }
0x183: {  	[tilespmem:s17], [sflag:$0x2] =	stream.linear.gather [hbm4b:s16+s25], $0x80, $0x38;
	[tilespmem:$0x1FBB0] =	vst v63  }
0x184: {  	s26 =	sadd.s32 $0x190, s6;
	s31 =	simm.s32 $0x5A38  }
0x185: {  	[tilespmem:s31], [sflag:$0x2] =	stream.linear.gather [hbm4b:s26+s25], $0x80, $0x38;
	[tilespmem:$0x1FBB0] =	vst v63  }
0x186: {  	s12 =	sadd.s32 $0x1A0, s6;
	s15 =	simm.s32 $0x5AC0  }
0x187: {  	[tilespmem:s15], [sflag:$0x2] =	stream.linear.gather [hbm4b:s12+s25], $0x80, $0x38;
	[tilespmem:$0x1FBB0] =	vst v63  }
0x188: {  	s16 =	sadd.s32 $0x1B0, s6;
	s17 =	simm.s32 $0x5B48  }
0x189: {  	[tilespmem:s17], [sflag:$0x2] =	stream.linear.gather [hbm4b:s16+s25], $0x80, $0x38;
	[tilespmem:$0x1FBB0] =	vst v63  }
0x18a: {  	s26 =	sadd.s32 $0x1C0, s6;
	s31 =	simm.s32 $0x5BD0  }
0x18b: {  	[tilespmem:s31], [sflag:$0x2] =	stream.linear.gather [hbm4b:s26+s25], $0x80, $0x38;
	[tilespmem:$0x1FBB0] =	vst v63  }
0x18c: {  	s15 =	sadd.s32 $0x1D0, s6;
	s16 =	simm.s32 $0x5C58  }
0x18d: {  	[tilespmem:s16], [sflag:$0x2] =	stream.linear.gather [hbm4b:s15+s25], $0x80, $0x38;
	[tilespmem:$0x1FBB0] =	vst v63  }
.Ltmp4:
0x18e: {  	s17 =	sadd.s32 $0x1E0, s6;
	s26 =	simm.s32 $0x5CE0;
	(pc) =	sbr.rel .LBB2_6-.Ltmp4, $4  }
0x18f: {  	[tilespmem:s26], [sflag:$0x2] =	stream.linear.gather [hbm4b:s17+s25], $0x80, $0x38;
	[tilespmem:$0x1FBB0] =	vst v63  }
0x190: {  	s28 =	simm.s32 $0xECF0;
	s6 =	sadd.s32 $0x1F0, s6;
	s31 =	simm.s32 $0x5D68  }
0x191: {  	[tilespmem:s31], [sflag:$0x2] =	stream.linear.gather [hbm4b:s6+s25], $0x80, $0x38;
	[tilespmem:$0x1FBB0] =	vst v63  }
0x192: {  	s29 =	simm.s32 $0xF4F0;
	s30 =	simm.s32 $0xFCF0;
	s6 =	simm.s32 $0xE4F0  }
.LBB2_18:
0x193: {  	s25 =	sadd.s32 $0x1, s25  }
0x194: {  	p1 =	sne.s32 s25, $0x14  }
.Ltmp5:
0x195: {  	_ = 	snop;
	(pc) =	sbr.rel @!p1 .LBB2_19-.Ltmp5, $3  }
0x196: {  	_ =	sdelay $0x1  }
0x197: {  	s6 =	sadd.s32 $0x2000, s6  }
0x198: {  	s28 =	sadd.s32 $0x2000, s28;
	s29 =	sadd.s32 $0x2000, s29;
	s30 =	sadd.s32 $0x2000, s30  }
.LBB2_6:
0x199: {  	p1 =	slt.u32 s25, $0x3  }
0x19a: {  	s10 =	sadd.s32 @!p1 $0xFFFFFFFD, s25  }
0x19b: {  	s12 =	sand.u32 @!p1 $0xFF, s10  }
0x19c: {  	s12 =	smul.u32 @!p1 $0xCD, s12;
	_ =	sdelay $0x1  }
0x19d: {  	s12 =	sshrl.u32 @!p1 s12, $0xA  }
0x19e: {  	s12 =	smul.u32 @!p1 $0x5, s12;
	_ =	sdelay $0x1  }
0x19f: {  	s10 =	ssub.s32 @!p1 s10, s12  }
0x1a0: {  	s10 =	sand.u32 @!p1 $0xFF, s10  }
0x1a1: {  	s15 =	sadd.s32 @!p1 $0x6, s10  }
0x1a2: {  	_ =	swait.ge @!p1 [sflag:s15], $0x800  }
0x1a3: {  	[sflag:s15] =	ssyncset.done @!p1 $0x0  }
0x1a4: {  	[sflag:s15] =	ssyncadd.s32 @!p1 $0xFFFFF800  }
0x1a5: {  	_ =	swait.ge @!p1 [sflag:s15], $0x800  }
0x1a6: {  	[sflag:s15] =	ssyncset.done @!p1 $0x0  }
0x1a7: {  	[sflag:s15] =	ssyncadd.s32 @!p1 $0xFFFFF800  }
0x1a8: {  	_ =	swait.ge @!p1 [sflag:s15], $0x800  }
0x1a9: {  	[sflag:s15] =	ssyncset.done @!p1 $0x0  }
0x1aa: {  	[sflag:s15] =	ssyncadd.s32 @!p1 $0xFFFFF800  }
0x1ab: {  	_ =	swait.ge @!p1 [sflag:s15], $0x800  }
0x1ac: {  	[sflag:s15] =	ssyncset.done @!p1 $0x0  }
0x1ad: {  	[sflag:s15] =	ssyncadd.s32 @!p1 $0xFFFFF800  }
0x1ae: {  	_ =	swait.ge @!p1 [sflag:s15], $0x800  }
0x1af: {  	[sflag:s15] =	ssyncset.done @!p1 $0x0  }
0x1b0: {  	[sflag:s15] =	ssyncadd.s32 @!p1 $0xFFFFF800  }
0x1b1: {  	s10 =	sadd.s32 $0x2, s25;
	_ =	swait.ge @!p1 [sflag:s15], $0x800  }
0x1b2: {  	s31 =	sshll.u32 s10, $0x5;
	[sflag:s15] =	ssyncset.done @!p1 $0x0  }
0x1b3: {  	s12 =	sor.u32 s7, s31;
	[sflag:s15] =	ssyncadd.s32 @!p1 $0xFFFFF800  }
0x1b4: {  	p2 =	sgt.u32 s12, $0x270;
	_ =	swait.ge @!p1 [sflag:s15], $0x800  }
.Ltmp6:
0x1b5: {  	[sflag:s15] =	ssyncset.done @!p1 $0x0;
	(pc) =	sbr.rel @p2 .LBB2_8-.Ltmp6, $4  }
0x1b6: {  	[sflag:s15] =	ssyncadd.s32 @!p1 $0xFFFFF800  }
0x1b7: {  	_ =	swait.ge @!p1 [sflag:s15], $0x800  }
0x1b8: {  	[sflag:s15] =	ssyncset.done @!p1 $0x0  }
0x1b9: {  	[sflag:s15] =	ssyncadd.s32 @!p1 $0xFFFFF800  }
0x1ba: {  	s15 =	smul.u32 $0xCD, s10;
	_ =	sdelay $0x1  }
0x1bb: {  	s15 =	sshrl.u32 s15, $0xA  }
0x1bc: {  	s15 =	sand.u32 $0x3F, s15  }
0x1bd: {  	s15 =	smul.u32 $0x5, s15;
	_ =	sdelay $0x1  }
0x1be: {  	s16 =	sshll.u32 s12, $0x7;
	s26 =	ssub.s32 s10, s15  }
0x1bf: {  	s16 =	sadd.s32 s16, s9;
	s15 =	sand.u32 $0xFF, s26  }
0x1c0: {  	s10 =	sadd.s32 $0x1, s15;
	s17 =	sshll.u32 s15, $0x9;
	s15 =	smul.u32 $0xAA00, s15  }
0x1c1: {  	[tilespmem:s17], [sflag:s10] =	stream.strided.gather [hbm4b:s16+s20], $0x200, s21, s20, $0x38;
	[tilespmem:$0x1FBB0] =	vst v63  }
0x1c2: {  	s31 =	sshll.u32 s12, $0x9;
	s12 =	sshrl.u32 s15, $0x2  }
0x1c3: {  	s15 =	sadd.s32 s1, s31;
	s17 =	sadd.s32 $0xA00, s12  }
0x1c4: {  	[tilespmem:s17], [sflag:s10] =	stream.linear.gather [hbm4b:s15+s5], $0x80, $0x38;
	[tilespmem:$0x1FBB0] =	vst v63  }
0x1c5: {  	s26 =	sadd.s32 $0x10, s15;
	s31 =	sadd.s32 $0xA88, s12  }
0x1c6: {  	[tilespmem:s31], [sflag:s10] =	stream.linear.gather [hbm4b:s26+s5], $0x80, $0x38;
	[tilespmem:$0x1FBB0] =	vst v63  }
0x1c7: {  	s26 =	sadd.s32 $0x20, s15;
	s31 =	sadd.s32 $0xB10, s12  }
0x1c8: {  	[tilespmem:s31], [sflag:s10] =	stream.linear.gather [hbm4b:s26+s5], $0x80, $0x38;
	[tilespmem:$0x1FBB0] =	vst v63  }
0x1c9: {  	s26 =	sadd.s32 $0x30, s15;
	s31 =	sadd.s32 $0xB98, s12  }
0x1ca: {  	[tilespmem:s31], [sflag:s10] =	stream.linear.gather [hbm4b:s26+s5], $0x80, $0x38;
	[tilespmem:$0x1FBB0] =	vst v63  }
0x1cb: {  	s26 =	sadd.s32 $0x40, s15;
	s31 =	sadd.s32 $0xC20, s12  }
0x1cc: {  	[tilespmem:s31], [sflag:s10] =	stream.linear.gather [hbm4b:s26+s5], $0x80, $0x38;
	[tilespmem:$0x1FBB0] =	vst v63  }
0x1cd: {  	s26 =	sadd.s32 $0x50, s15;
	s31 =	sadd.s32 $0xCA8, s12  }
0x1ce: {  	[tilespmem:s31], [sflag:s10] =	stream.linear.gather [hbm4b:s26+s5], $0x80, $0x38;
	[tilespmem:$0x1FBB0] =	vst v63  }
0x1cf: {  	s26 =	sadd.s32 $0x60, s15;
	s31 =	sadd.s32 $0xD30, s12  }
0x1d0: {  	[tilespmem:s31], [sflag:s10] =	stream.linear.gather [hbm4b:s26+s5], $0x80, $0x38;
	[tilespmem:$0x1FBB0] =	vst v63  }
0x1d1: {  	s26 =	sadd.s32 $0x70, s15;
	s31 =	sadd.s32 $0xDB8, s12  }
0x1d2: {  	[tilespmem:s31], [sflag:s10] =	stream.linear.gather [hbm4b:s26+s5], $0x80, $0x38;
	[tilespmem:$0x1FBB0] =	vst v63  }
0x1d3: {  	s26 =	sadd.s32 $0x80, s15;
	s31 =	sadd.s32 $0xF50, s12  }
0x1d4: {  	[tilespmem:s31], [sflag:s10] =	stream.linear.gather [hbm4b:s26+s5], $0x80, $0x38;
	[tilespmem:$0x1FBB0] =	vst v63  }
0x1d5: {  	s26 =	sadd.s32 $0x90, s15;
	s31 =	sadd.s32 $0xFD8, s12  }
0x1d6: {  	[tilespmem:s31], [sflag:s10] =	stream.linear.gather [hbm4b:s26+s5], $0x80, $0x38;
	[tilespmem:$0x1FBB0] =	vst v63  }
0x1d7: {  	s26 =	sadd.s32 $0xA0, s15;
	s31 =	sadd.s32 $0x1060, s12  }
0x1d8: {  	[tilespmem:s31], [sflag:s10] =	stream.linear.gather [hbm4b:s26+s5], $0x80, $0x38;
	[tilespmem:$0x1FBB0] =	vst v63  }
0x1d9: {  	s26 =	sadd.s32 $0xB0, s15;
	s31 =	sadd.s32 $0x10E8, s12  }
0x1da: {  	[tilespmem:s31], [sflag:s10] =	stream.linear.gather [hbm4b:s26+s5], $0x80, $0x38;
	[tilespmem:$0x1FBB0] =	vst v63  }
0x1db: {  	s26 =	sadd.s32 $0xC0, s15;
	s31 =	sadd.s32 $0x1170, s12  }
0x1dc: {  	[tilespmem:s31], [sflag:s10] =	stream.linear.gather [hbm4b:s26+s5], $0x80, $0x38;
	[tilespmem:$0x1FBB0] =	vst v63  }
0x1dd: {  	s26 =	sadd.s32 $0xD0, s15;
	s31 =	sadd.s32 $0x11F8, s12  }
0x1de: {  	[tilespmem:s31], [sflag:s10] =	stream.linear.gather [hbm4b:s26+s5], $0x80, $0x38;
	[tilespmem:$0x1FBB0] =	vst v63  }
0x1df: {  	s26 =	sadd.s32 $0xE0, s15;
	s31 =	sadd.s32 $0x1280, s12  }
0x1e0: {  	[tilespmem:s31], [sflag:s10] =	stream.linear.gather [hbm4b:s26+s5], $0x80, $0x38;
	[tilespmem:$0x1FBB0] =	vst v63  }
0x1e1: {  	s26 =	sadd.s32 $0xF0, s15;
	s31 =	sadd.s32 $0x1308, s12  }
0x1e2: {  	[tilespmem:s31], [sflag:s10] =	stream.linear.gather [hbm4b:s26+s5], $0x80, $0x38;
	[tilespmem:$0x1FBB0] =	vst v63  }
0x1e3: {  	s26 =	sadd.s32 $0x100, s15;
	s31 =	sadd.s32 $0x14A0, s12  }
0x1e4: {  	[tilespmem:s31], [sflag:s10] =	stream.linear.gather [hbm4b:s26+s5], $0x80, $0x38;
	[tilespmem:$0x1FBB0] =	vst v63  }
0x1e5: {  	s26 =	sadd.s32 $0x110, s15;
	s31 =	sadd.s32 $0x1528, s12  }
0x1e6: {  	[tilespmem:s31], [sflag:s10] =	stream.linear.gather [hbm4b:s26+s5], $0x80, $0x38;
	[tilespmem:$0x1FBB0] =	vst v63  }
0x1e7: {  	s26 =	sadd.s32 $0x120, s15;
	s31 =	sadd.s32 $0x15B0, s12  }
0x1e8: {  	[tilespmem:s31], [sflag:s10] =	stream.linear.gather [hbm4b:s26+s5], $0x80, $0x38;
	[tilespmem:$0x1FBB0] =	vst v63  }
0x1e9: {  	s26 =	sadd.s32 $0x130, s15;
	s31 =	sadd.s32 $0x1638, s12  }
0x1ea: {  	[tilespmem:s31], [sflag:s10] =	stream.linear.gather [hbm4b:s26+s5], $0x80, $0x38;
	[tilespmem:$0x1FBB0] =	vst v63  }
0x1eb: {  	s26 =	sadd.s32 $0x140, s15;
	s31 =	sadd.s32 $0x16C0, s12  }
0x1ec: {  	[tilespmem:s31], [sflag:s10] =	stream.linear.gather [hbm4b:s26+s5], $0x80, $0x38;
	[tilespmem:$0x1FBB0] =	vst v63  }
0x1ed: {  	s26 =	sadd.s32 $0x150, s15;
	s31 =	sadd.s32 $0x1748, s12  }
0x1ee: {  	[tilespmem:s31], [sflag:s10] =	stream.linear.gather [hbm4b:s26+s5], $0x80, $0x38;
	[tilespmem:$0x1FBB0] =	vst v63  }
0x1ef: {  	s26 =	sadd.s32 $0x160, s15;
	s31 =	sadd.s32 $0x17D0, s12  }
0x1f0: {  	[tilespmem:s31], [sflag:s10] =	stream.linear.gather [hbm4b:s26+s5], $0x80, $0x38;
	[tilespmem:$0x1FBB0] =	vst v63  }
0x1f1: {  	s26 =	sadd.s32 $0x170, s15;
	s31 =	sadd.s32 $0x1858, s12  }
0x1f2: {  	[tilespmem:s31], [sflag:s10] =	stream.linear.gather [hbm4b:s26+s5], $0x80, $0x38;
	[tilespmem:$0x1FBB0] =	vst v63  }
0x1f3: {  	s26 =	sadd.s32 $0x180, s15;
	s31 =	sadd.s32 $0x19F0, s12  }
0x1f4: {  	[tilespmem:s31], [sflag:s10] =	stream.linear.gather [hbm4b:s26+s5], $0x80, $0x38;
	[tilespmem:$0x1FBB0] =	vst v63  }
0x1f5: {  	s26 =	sadd.s32 $0x190, s15;
	s31 =	sadd.s32 $0x1A78, s12  }
0x1f6: {  	[tilespmem:s31], [sflag:s10] =	stream.linear.gather [hbm4b:s26+s5], $0x80, $0x38;
	[tilespmem:$0x1FBB0] =	vst v63  }
0x1f7: {  	s26 =	sadd.s32 $0x1A0, s15;
	s31 =	sadd.s32 $0x1B00, s12  }
0x1f8: {  	[tilespmem:s31], [sflag:s10] =	stream.linear.gather [hbm4b:s26+s5], $0x80, $0x38;
	[tilespmem:$0x1FBB0] =	vst v63  }
0x1f9: {  	s26 =	sadd.s32 $0x1B0, s15;
	s31 =	sadd.s32 $0x1B88, s12  }
0x1fa: {  	[tilespmem:s31], [sflag:s10] =	stream.linear.gather [hbm4b:s26+s5], $0x80, $0x38;
	[tilespmem:$0x1FBB0] =	vst v63  }
0x1fb: {  	s26 =	sadd.s32 $0x1C0, s15;
	s31 =	sadd.s32 $0x1C10, s12  }
0x1fc: {  	[tilespmem:s31], [sflag:s10] =	stream.linear.gather [hbm4b:s26+s5], $0x80, $0x38;
	[tilespmem:$0x1FBB0] =	vst v63  }
0x1fd: {  	s26 =	sadd.s32 $0x1D0, s15;
	s31 =	sadd.s32 $0x1C98, s12  }
0x1fe: {  	[tilespmem:s31], [sflag:s10] =	stream.linear.gather [hbm4b:s26+s5], $0x80, $0x38;
	[tilespmem:$0x1FBB0] =	vst v63  }
0x1ff: {  	s26 =	sadd.s32 $0x1E0, s15;
	s31 =	sadd.s32 $0x1D20, s12  }
0x200: {  	[tilespmem:s31], [sflag:s10] =	stream.linear.gather [hbm4b:s26+s5], $0x80, $0x38;
	[tilespmem:$0x1FBB0] =	vst v63  }
0x201: {  	s26 =	sadd.s32 $0x1F0, s15;
	s31 =	sadd.s32 $0x1DA8, s12  }
0x202: {  	[tilespmem:s31], [sflag:s10] =	stream.linear.gather [hbm4b:s26+s5], $0x80, $0x38;
	[tilespmem:$0x1FBB0] =	vst v63  }
0x203: {  	s17 =	sadd.s32 $0x1F40, s12;
	s15 =	sadd.s32 $0x4E200, s15  }
0x204: {  	[tilespmem:s17], [sflag:s10] =	stream.linear.gather [hbm4b:s15+s5], $0x80, $0x38;
	[tilespmem:$0x1FBB0] =	vst v63  }
0x205: {  	s26 =	sadd.s32 $0x10, s15;
	s31 =	sadd.s32 $0x1FC8, s12  }
0x206: {  	[tilespmem:s31], [sflag:s10] =	stream.linear.gather [hbm4b:s26+s5], $0x80, $0x38;
	[tilespmem:$0x1FBB0] =	vst v63  }
0x207: {  	s26 =	sadd.s32 $0x20, s15;
	s31 =	sadd.s32 $0x2050, s12  }
0x208: {  	[tilespmem:s31], [sflag:s10] =	stream.linear.gather [hbm4b:s26+s5], $0x80, $0x38;
	[tilespmem:$0x1FBB0] =	vst v63  }
0x209: {  	s26 =	sadd.s32 $0x30, s15;
	s31 =	sadd.s32 $0x20D8, s12  }
0x20a: {  	[tilespmem:s31], [sflag:s10] =	stream.linear.gather [hbm4b:s26+s5], $0x80, $0x38;
	[tilespmem:$0x1FBB0] =	vst v63  }
0x20b: {  	s26 =	sadd.s32 $0x40, s15;
	s31 =	sadd.s32 $0x2160, s12  }
0x20c: {  	[tilespmem:s31], [sflag:s10] =	stream.linear.gather [hbm4b:s26+s5], $0x80, $0x38;
	[tilespmem:$0x1FBB0] =	vst v63  }
0x20d: {  	s26 =	sadd.s32 $0x50, s15;
	s31 =	sadd.s32 $0x21E8, s12  }
0x20e: {  	[tilespmem:s31], [sflag:s10] =	stream.linear.gather [hbm4b:s26+s5], $0x80, $0x38;
	[tilespmem:$0x1FBB0] =	vst v63  }
0x20f: {  	s26 =	sadd.s32 $0x60, s15;
	s31 =	sadd.s32 $0x2270, s12  }
0x210: {  	[tilespmem:s31], [sflag:s10] =	stream.linear.gather [hbm4b:s26+s5], $0x80, $0x38;
	[tilespmem:$0x1FBB0] =	vst v63  }
0x211: {  	s26 =	sadd.s32 $0x70, s15;
	s31 =	sadd.s32 $0x22F8, s12  }
0x212: {  	[tilespmem:s31], [sflag:s10] =	stream.linear.gather [hbm4b:s26+s5], $0x80, $0x38;
	[tilespmem:$0x1FBB0] =	vst v63  }
0x213: {  	s26 =	sadd.s32 $0x80, s15;
	s31 =	sadd.s32 $0x2490, s12  }
0x214: {  	[tilespmem:s31], [sflag:s10] =	stream.linear.gather [hbm4b:s26+s5], $0x80, $0x38;
	[tilespmem:$0x1FBB0] =	vst v63  }
0x215: {  	s26 =	sadd.s32 $0x90, s15;
	s31 =	sadd.s32 $0x2518, s12  }
0x216: {  	[tilespmem:s31], [sflag:s10] =	stream.linear.gather [hbm4b:s26+s5], $0x80, $0x38;
	[tilespmem:$0x1FBB0] =	vst v63  }
0x217: {  	s26 =	sadd.s32 $0xA0, s15;
	s31 =	sadd.s32 $0x25A0, s12  }
0x218: {  	[tilespmem:s31], [sflag:s10] =	stream.linear.gather [hbm4b:s26+s5], $0x80, $0x38;
	[tilespmem:$0x1FBB0] =	vst v63  }
0x219: {  	s26 =	sadd.s32 $0xB0, s15;
	s31 =	sadd.s32 $0x2628, s12  }
0x21a: {  	[tilespmem:s31], [sflag:s10] =	stream.linear.gather [hbm4b:s26+s5], $0x80, $0x38;
	[tilespmem:$0x1FBB0] =	vst v63  }
0x21b: {  	s26 =	sadd.s32 $0xC0, s15;
	s31 =	sadd.s32 $0x26B0, s12  }
0x21c: {  	[tilespmem:s31], [sflag:s10] =	stream.linear.gather [hbm4b:s26+s5], $0x80, $0x38;
	[tilespmem:$0x1FBB0] =	vst v63  }
0x21d: {  	s26 =	sadd.s32 $0xD0, s15;
	s31 =	sadd.s32 $0x2738, s12  }
0x21e: {  	[tilespmem:s31], [sflag:s10] =	stream.linear.gather [hbm4b:s26+s5], $0x80, $0x38;
	[tilespmem:$0x1FBB0] =	vst v63  }
0x21f: {  	s26 =	sadd.s32 $0xE0, s15;
	s31 =	sadd.s32 $0x27C0, s12  }
0x220: {  	[tilespmem:s31], [sflag:s10] =	stream.linear.gather [hbm4b:s26+s5], $0x80, $0x38;
	[tilespmem:$0x1FBB0] =	vst v63  }
0x221: {  	s26 =	sadd.s32 $0xF0, s15;
	s31 =	sadd.s32 $0x2848, s12  }
0x222: {  	[tilespmem:s31], [sflag:s10] =	stream.linear.gather [hbm4b:s26+s5], $0x80, $0x38;
	[tilespmem:$0x1FBB0] =	vst v63  }
0x223: {  	s26 =	sadd.s32 $0x100, s15;
	s31 =	sadd.s32 $0x29E0, s12  }
0x224: {  	[tilespmem:s31], [sflag:s10] =	stream.linear.gather [hbm4b:s26+s5], $0x80, $0x38;
	[tilespmem:$0x1FBB0] =	vst v63  }
0x225: {  	s26 =	sadd.s32 $0x110, s15;
	s31 =	sadd.s32 $0x2A68, s12  }
0x226: {  	[tilespmem:s31], [sflag:s10] =	stream.linear.gather [hbm4b:s26+s5], $0x80, $0x38;
	[tilespmem:$0x1FBB0] =	vst v63  }
0x227: {  	s26 =	sadd.s32 $0x120, s15;
	s31 =	sadd.s32 $0x2AF0, s12  }
0x228: {  	[tilespmem:s31], [sflag:s10] =	stream.linear.gather [hbm4b:s26+s5], $0x80, $0x38;
	[tilespmem:$0x1FBB0] =	vst v63  }
0x229: {  	s26 =	sadd.s32 $0x130, s15;
	s31 =	sadd.s32 $0x2B78, s12  }
0x22a: {  	[tilespmem:s31], [sflag:s10] =	stream.linear.gather [hbm4b:s26+s5], $0x80, $0x38;
	[tilespmem:$0x1FBB0] =	vst v63  }
0x22b: {  	s26 =	sadd.s32 $0x140, s15;
	s31 =	sadd.s32 $0x2C00, s12  }
0x22c: {  	[tilespmem:s31], [sflag:s10] =	stream.linear.gather [hbm4b:s26+s5], $0x80, $0x38;
	[tilespmem:$0x1FBB0] =	vst v63  }
0x22d: {  	s26 =	sadd.s32 $0x150, s15;
	s31 =	sadd.s32 $0x2C88, s12  }
0x22e: {  	[tilespmem:s31], [sflag:s10] =	stream.linear.gather [hbm4b:s26+s5], $0x80, $0x38;
	[tilespmem:$0x1FBB0] =	vst v63  }
0x22f: {  	s26 =	sadd.s32 $0x160, s15;
	s31 =	sadd.s32 $0x2D10, s12  }
0x230: {  	[tilespmem:s31], [sflag:s10] =	stream.linear.gather [hbm4b:s26+s5], $0x80, $0x38;
	[tilespmem:$0x1FBB0] =	vst v63  }
0x231: {  	s26 =	sadd.s32 $0x170, s15;
	s31 =	sadd.s32 $0x2D98, s12  }
0x232: {  	[tilespmem:s31], [sflag:s10] =	stream.linear.gather [hbm4b:s26+s5], $0x80, $0x38;
	[tilespmem:$0x1FBB0] =	vst v63  }
0x233: {  	s26 =	sadd.s32 $0x180, s15;
	s31 =	sadd.s32 $0x2F30, s12  }
0x234: {  	[tilespmem:s31], [sflag:s10] =	stream.linear.gather [hbm4b:s26+s5], $0x80, $0x38;
	[tilespmem:$0x1FBB0] =	vst v63  }
0x235: {  	s26 =	sadd.s32 $0x190, s15;
	s31 =	sadd.s32 $0x2FB8, s12  }
0x236: {  	[tilespmem:s31], [sflag:s10] =	stream.linear.gather [hbm4b:s26+s5], $0x80, $0x38;
	[tilespmem:$0x1FBB0] =	vst v63  }
0x237: {  	s26 =	sadd.s32 $0x1A0, s15;
	s31 =	sadd.s32 $0x3040, s12  }
0x238: {  	[tilespmem:s31], [sflag:s10] =	stream.linear.gather [hbm4b:s26+s5], $0x80, $0x38;
	[tilespmem:$0x1FBB0] =	vst v63  }
0x239: {  	s26 =	sadd.s32 $0x1B0, s15;
	s31 =	sadd.s32 $0x30C8, s12  }
0x23a: {  	[tilespmem:s31], [sflag:s10] =	stream.linear.gather [hbm4b:s26+s5], $0x80, $0x38;
	[tilespmem:$0x1FBB0] =	vst v63  }
0x23b: {  	s26 =	sadd.s32 $0x1C0, s15;
	s31 =	sadd.s32 $0x3150, s12  }
0x23c: {  	[tilespmem:s31], [sflag:s10] =	stream.linear.gather [hbm4b:s26+s5], $0x80, $0x38;
	[tilespmem:$0x1FBB0] =	vst v63  }
0x23d: {  	s26 =	sadd.s32 $0x1D0, s15;
	s31 =	sadd.s32 $0x31D8, s12  }
0x23e: {  	[tilespmem:s31], [sflag:s10] =	stream.linear.gather [hbm4b:s26+s5], $0x80, $0x38;
	[tilespmem:$0x1FBB0] =	vst v63  }
0x23f: {  	s26 =	sadd.s32 $0x1E0, s15;
	s31 =	sadd.s32 $0x3260, s12  }
0x240: {  	[tilespmem:s31], [sflag:s10] =	stream.linear.gather [hbm4b:s26+s5], $0x80, $0x38;
	[tilespmem:$0x1FBB0] =	vst v63  }
0x241: {  	s15 =	sadd.s32 $0x1F0, s15;
	s12 =	sadd.s32 $0x32E8, s12  }
0x242: {  	[tilespmem:s12], [sflag:s10] =	stream.linear.gather [hbm4b:s15+s5], $0x80, $0x38;
	[tilespmem:$0x1FBB0] =	vst v63  }
.LBB2_8:
0x243: {  	s10 =	sshll.u32 s25, $0x5  }
0x244: {  	p1 =	sge.u32 s10, s14  }
.Ltmp7:
0x245: {  	_ = 	snop;
	(pc) =	sbr.rel @p1 .LBB2_18-.Ltmp7, $1  }
0x246: {  	_ =	sdelay $0x3  }
0x247: {  	s10 =	smulhi.u32 $0xCCCCCCCD, s25;
	_ =	sdelay $0x1  }
0x248: {  	s12 =	sshrl.u32 s10, $0x2  }
0x249: {  	s10 =	smul.u32 $0x5, s12;
	_ =	sdelay $0x1  }
0x24a: {  	s31 =	ssub.s32 s25, s10  }
0x24b: {  	v6 =	vmov s31  }
0x24c: {  	v6 =	vmul.u32 $0x2A80, v6;
	_ =	sdelay $0x1  }
0x24d: {  	v6 =	vbroadcast v6, $0x0  }
0x24e: {  	s16 =	sadd.s32 $0x1, s31  }
0x24f: {  	v15 =	vimm.s32 $0x60;
	_ =	swait.ge [sflag:s16], $0x200;
	v7 =	vadd.s32 v2, v6  }
0x250: {  	v8 =	vimm.s32 $0x0;
	[sflag:s16] =	ssyncset.done $0x0;
	v11 =	vadd.s32 v7, v15  }
0x251: {  	v9 =	vimm.s32 $0x20;
	[sflag:s16] =	ssyncadd.s32 $0xFFFFFE00;
	v14 =	vadd.s32 v7, v8  }
0x252: {  	v10 =	vimm.s32 $0x40;
	_ =	swait.ge [sflag:s16], $0x2000;
	v12 =	vadd.s32 v7, v9  }
0x253: {  	[sflag:s16] =	ssyncset.done $0x0;
	v13 =	vadd.s32 v7, v10  }
0x254: {  	[sflag:s16] =	ssyncadd.s32 $0xFFFFE000  }
0x255: {  	v16 =	vld.idx.msk [tilespmem:v11+s22+$0x0], $0xffff  }
0x256: {  	s15 =	smul.u32 $0xFFFD8000, s12;
	v17 =	vld.idx.msk [tilespmem:v14+s22+$0x0], $0xffff  }
0x257: {  	v18 =	vld.idx.msk [tilespmem:v12+s22+$0x0], $0xffff  }
0x258: {  	s15 =	sshra.s32 s15, $0x2;
	v19 =	vld.idx.msk [tilespmem:v13+s22+$0x0], $0xffff  }
0x259: {  	s16 =	sadd.s32 s15, s6;
	v20 =	vor.u32 $0x1, v11  }
0x25a: {  	[tilespmem:s16+$0xFFFFFF90] =	vst v16;
	v16 =	vor.u32 $0x1, v14  }
0x25b: {  	[tilespmem:s16+$0xFFFFF990] =	vst v17;
	v17 =	vor.u32 $0x1, v13  }
0x25c: {  	[tilespmem:s16+$0xFFFFFB90] =	vst v18;
	v18 =	vor.u32 $0x1, v12  }
0x25d: {  	[tilespmem:s16+$0xFFFFFD90] =	vst v19  }
0x25e: {  	v19 =	vld.idx.msk [tilespmem:v20+s22+$0x0], $0xffff  }
0x25f: {  	v16 =	vld.idx.msk [tilespmem:v16+s22+$0x0], $0xffff  }
0x260: {  	v17 =	vld.idx.msk [tilespmem:v17+s22+$0x0], $0xffff  }
0x261: {  	v18 =	vld.idx.msk [tilespmem:v18+s22+$0x0], $0xffff  }
0x262: {  	v20 =	vor.u32 $0x2, v11  }
0x263: {  	[tilespmem:s16+$0xFFFFFFA0] =	vst v19;
	v19 =	vor.u32 $0x2, v12  }
0x264: {  	[tilespmem:s16+$0xFFFFF9A0] =	vst v16;
	v16 =	vor.u32 $0x2, v14  }
0x265: {  	[tilespmem:s16+$0xFFFFFDA0] =	vst v17;
	v17 =	vor.u32 $0x2, v13  }
0x266: {  	[tilespmem:s16+$0xFFFFFBA0] =	vst v18  }
0x267: {  	v18 =	vld.idx.msk [tilespmem:v20+s22+$0x0], $0xffff  }
0x268: {  	v19 =	vld.idx.msk [tilespmem:v19+s22+$0x0], $0xffff  }
0x269: {  	v16 =	vld.idx.msk [tilespmem:v16+s22+$0x0], $0xffff  }
0x26a: {  	v17 =	vld.idx.msk [tilespmem:v17+s22+$0x0], $0xffff  }
0x26b: {  	v20 =	vor.u32 $0x3, v11  }
0x26c: {  	[tilespmem:s16+$0xFFFFFFB0] =	vst v18;
	v18 =	vor.u32 $0x3, v12  }
0x26d: {  	[tilespmem:s16+$0xFFFFFBB0] =	vst v19;
	v19 =	vor.u32 $0x3, v14  }
0x26e: {  	[tilespmem:s16+$0xFFFFF9B0] =	vst v16;
	v16 =	vor.u32 $0x3, v13  }
0x26f: {  	[tilespmem:s16+$0xFFFFFDB0] =	vst v17  }
0x270: {  	v17 =	vld.idx.msk [tilespmem:v20+s22+$0x0], $0xffff  }
0x271: {  	v18 =	vld.idx.msk [tilespmem:v18+s22+$0x0], $0xffff  }
0x272: {  	v19 =	vld.idx.msk [tilespmem:v19+s22+$0x0], $0xffff  }
0x273: {  	v16 =	vld.idx.msk [tilespmem:v16+s22+$0x0], $0xffff  }
0x274: {  	v20 =	vor.u32 $0x4, v11  }
0x275: {  	[tilespmem:s16+$0xFFFFFFC0] =	vst v17;
	v17 =	vor.u32 $0x4, v12  }
0x276: {  	[tilespmem:s16+$0xFFFFFBC0] =	vst v18;
	v18 =	vor.u32 $0x4, v13  }
0x277: {  	[tilespmem:s16+$0xFFFFF9C0] =	vst v19;
	v19 =	vor.u32 $0x4, v14  }
0x278: {  	[tilespmem:s16+$0xFFFFFDC0] =	vst v16  }
0x279: {  	v16 =	vld.idx.msk [tilespmem:v20+s22+$0x0], $0xffff  }
0x27a: {  	v17 =	vld.idx.msk [tilespmem:v17+s22+$0x0], $0xffff  }
0x27b: {  	v18 =	vld.idx.msk [tilespmem:v18+s22+$0x0], $0xffff  }
0x27c: {  	v19 =	vld.idx.msk [tilespmem:v19+s22+$0x0], $0xffff  }
0x27d: {  	v20 =	vor.u32 $0x5, v14  }
0x27e: {  	[tilespmem:s16+$0xFFFFFFD0] =	vst v16;
	v16 =	vor.u32 $0x5, v12  }
0x27f: {  	[tilespmem:s16+$0xFFFFFBD0] =	vst v17;
	v17 =	vor.u32 $0x5, v13  }
0x280: {  	v22 =	vor.u32 $0x5, v11;
	[tilespmem:s16+$0xFFFFFDD0] =	vst v18  }
0x281: {  	[tilespmem:s16+$0xFFFFF9D0] =	vst v19  }
0x282: {  	v20 =	vld.idx.msk [tilespmem:v20+s22+$0x0], $0xffff  }
0x283: {  	v21 =	vld.idx.msk [tilespmem:v16+s22+$0x0], $0xffff  }
0x284: {  	v18 =	vld.idx.msk [tilespmem:v17+s22+$0x0], $0xffff  }
0x285: {  	s10 =	sshll.u32 s31, $0xD;
	v17 =	vld.idx.msk [tilespmem:v22+s22+$0x0], $0xffff  }
0x286: {  	s10 =	sand.u32 $0x3FFFE000, s10;
	v19 =	vor.u32 $0x6, v11  }
0x287: {  	s17 =	simm.s32 $0x0;
	s26 =	smov.u32 s6;
	s12 =	sadd.s32 $0xDE80, s10;
	v15 =	vadd.s32 $0x8, v15;
	v16 =	vor.u32 $0x6, v13;
	[tilespmem:s16+$0xFFFFF9E0] =	vst v20;
	v20 =	vor.u32 $0x6, v14  }
.LBB2_10:
0x288: {  	s17 =	sadd.s32 $0x8, s17;
	[tilespmem:s16+$0xFFFFFBE0] =	vst v21;
	v8 =	vadd.s32 $0x8, v8;
	v9 =	vadd.s32 $0x8, v9;
	v10 =	vadd.s32 $0x8, v10;
	s26 =	sadd.s32 $0x80, s26  }
0x289: {  	p1 =	slt.u32 s17, $0x18;
	[tilespmem:s16+$0xFFFFFDE0] =	vst v18;
	v18 =	vor.u32 $0x6, v12  }
0x28a: {  	[tilespmem:s16+$0xFFFFFFE0] =	vst v17  }
0x28b: {  	v17 =	vld.idx.msk [tilespmem:v19+s22+$0x0], $0xffff  }
0x28c: {  	v19 =	vld.idx.msk [tilespmem:v20+s22+$0x0], $0xffff  }
0x28d: {  	v16 =	vld.idx.msk [tilespmem:v16+s22+$0x0], $0xffff  }
0x28e: {  	v18 =	vld.idx.msk [tilespmem:v18+s22+$0x0], $0xffff;
	_ =	sdelay $0x1  }
0x28f: {  	v14 =	vor.u32 $0x7, v14  }
0x290: {  	v11 =	vor.u32 $0x7, v11;
	[tilespmem:s16+$0xFFFFFFF0] =	vst v17  }
0x291: {  	v13 =	vor.u32 $0x7, v13;
	v12 =	vor.u32 $0x7, v12;
	[tilespmem:s16+$0xFFFFF9F0] =	vst v19  }
0x292: {  	[tilespmem:s16+$0xFFFFFDF0] =	vst v16  }
0x293: {  	[tilespmem:s16+$0xFFFFFBF0] =	vst v18  }
0x294: {  	v16 =	vld.idx.msk [tilespmem:v14+s22+$0x0], $0xffff  }
0x295: {  	v17 =	vld.idx.msk [tilespmem:v11+s22+$0x0], $0xffff  }
0x296: {  	v18 =	vld.idx.msk [tilespmem:v13+s22+$0x0], $0xffff  }
0x297: {  	v19 =	vld.idx.msk [tilespmem:v12+s22+$0x0], $0xffff;
	_ =	sdelay $0x1  }
0x298: {  	v11 =	vadd.s32 v7, v15  }
0x299: {  	v14 =	vadd.s32 v7, v8;
	[tilespmem:s16+$0xFFFFFA00] =	vst v16  }
0x29a: {  	v13 =	vadd.s32 v7, v10;
	v12 =	vadd.s32 v7, v9;
	[tilespmem:s16+$0x0] =	vst v17  }
0x29b: {  	v16 =	vor.u32 $0x6, v13;
	[tilespmem:s16+$0xFFFFFE00] =	vst v18  }
0x29c: {  	[tilespmem:s16+$0xFFFFFC00] =	vst v19  }
0x29d: {  	v17 =	vld.idx.msk [tilespmem:v11+s22+$0x0], $0xffff  }
0x29e: {  	v18 =	vld.idx.msk [tilespmem:v14+s22+$0x0], $0xffff  }
0x29f: {  	v19 =	vld.idx.msk [tilespmem:v12+s22+$0x0], $0xffff  }
0x2a0: {  	v20 =	vld.idx.msk [tilespmem:v13+s22+$0x0], $0xffff  }
0x2a1: {  	v21 =	vor.u32 $0x1, v11  }
0x2a2: {  	s16 =	sadd.s32 s15, s26  }
0x2a3: {  	[tilespmem:s16+$0xFFFFFF90] =	vst v17;
	v17 =	vor.u32 $0x1, v14  }
0x2a4: {  	[tilespmem:s16+$0xFFFFF990] =	vst v18;
	v18 =	vor.u32 $0x1, v13  }
0x2a5: {  	[tilespmem:s16+$0xFFFFFB90] =	vst v19;
	v19 =	vor.u32 $0x1, v12  }
0x2a6: {  	[tilespmem:s16+$0xFFFFFD90] =	vst v20  }
0x2a7: {  	v20 =	vld.idx.msk [tilespmem:v21+s22+$0x0], $0xffff  }
0x2a8: {  	v17 =	vld.idx.msk [tilespmem:v17+s22+$0x0], $0xffff  }
0x2a9: {  	v18 =	vld.idx.msk [tilespmem:v18+s22+$0x0], $0xffff  }
0x2aa: {  	v19 =	vld.idx.msk [tilespmem:v19+s22+$0x0], $0xffff;
	_ =	sdelay $0x1  }
0x2ab: {  	v21 =	vor.u32 $0x2, v11  }
0x2ac: {  	[tilespmem:s16+$0xFFFFFFA0] =	vst v20;
	v20 =	vor.u32 $0x2, v12  }
0x2ad: {  	[tilespmem:s16+$0xFFFFF9A0] =	vst v17;
	v17 =	vor.u32 $0x2, v14  }
0x2ae: {  	[tilespmem:s16+$0xFFFFFDA0] =	vst v18;
	v18 =	vor.u32 $0x2, v13  }
0x2af: {  	[tilespmem:s16+$0xFFFFFBA0] =	vst v19  }
0x2b0: {  	v19 =	vld.idx.msk [tilespmem:v21+s22+$0x0], $0xffff  }
0x2b1: {  	v20 =	vld.idx.msk [tilespmem:v20+s22+$0x0], $0xffff  }
0x2b2: {  	v17 =	vld.idx.msk [tilespmem:v17+s22+$0x0], $0xffff  }
0x2b3: {  	v18 =	vld.idx.msk [tilespmem:v18+s22+$0x0], $0xffff;
	_ =	sdelay $0x1  }
0x2b4: {  	v21 =	vor.u32 $0x3, v11  }
0x2b5: {  	[tilespmem:s16+$0xFFFFFFB0] =	vst v19;
	v19 =	vor.u32 $0x3, v12  }
0x2b6: {  	[tilespmem:s16+$0xFFFFFBB0] =	vst v20;
	v20 =	vor.u32 $0x3, v14  }
0x2b7: {  	[tilespmem:s16+$0xFFFFF9B0] =	vst v17;
	v17 =	vor.u32 $0x3, v13  }
0x2b8: {  	[tilespmem:s16+$0xFFFFFDB0] =	vst v18  }
0x2b9: {  	v18 =	vld.idx.msk [tilespmem:v21+s22+$0x0], $0xffff  }
0x2ba: {  	v19 =	vld.idx.msk [tilespmem:v19+s22+$0x0], $0xffff  }
0x2bb: {  	v20 =	vld.idx.msk [tilespmem:v20+s22+$0x0], $0xffff  }
0x2bc: {  	v17 =	vld.idx.msk [tilespmem:v17+s22+$0x0], $0xffff;
	_ =	sdelay $0x1  }
0x2bd: {  	v21 =	vor.u32 $0x4, v11  }
0x2be: {  	[tilespmem:s16+$0xFFFFFFC0] =	vst v18;
	v18 =	vor.u32 $0x4, v12  }
0x2bf: {  	[tilespmem:s16+$0xFFFFFBC0] =	vst v19;
	v19 =	vor.u32 $0x4, v13  }
0x2c0: {  	[tilespmem:s16+$0xFFFFF9C0] =	vst v20;
	v20 =	vor.u32 $0x4, v14  }
0x2c1: {  	[tilespmem:s16+$0xFFFFFDC0] =	vst v17  }
0x2c2: {  	v17 =	vld.idx.msk [tilespmem:v21+s22+$0x0], $0xffff  }
0x2c3: {  	v18 =	vld.idx.msk [tilespmem:v18+s22+$0x0], $0xffff  }
0x2c4: {  	v19 =	vld.idx.msk [tilespmem:v19+s22+$0x0], $0xffff  }
0x2c5: {  	v20 =	vld.idx.msk [tilespmem:v20+s22+$0x0], $0xffff;
	_ =	sdelay $0x1  }
0x2c6: {  	v21 =	vor.u32 $0x5, v14  }
0x2c7: {  	[tilespmem:s16+$0xFFFFFFD0] =	vst v17;
	v17 =	vor.u32 $0x5, v12  }
0x2c8: {  	[tilespmem:s16+$0xFFFFFBD0] =	vst v18;
	v18 =	vor.u32 $0x5, v13  }
0x2c9: {  	[tilespmem:s16+$0xFFFFFDD0] =	vst v19;
	v19 =	vor.u32 $0x5, v11  }
0x2ca: {  	[tilespmem:s16+$0xFFFFF9D0] =	vst v20  }
0x2cb: {  	v20 =	vld.idx.msk [tilespmem:v21+s22+$0x0], $0xffff  }
0x2cc: {  	v21 =	vld.idx.msk [tilespmem:v17+s22+$0x0], $0xffff  }
.Ltmp8:
0x2cd: {  	v18 =	vld.idx.msk [tilespmem:v18+s22+$0x0], $0xffff;
	(pc) =	sbr.rel @p1 .LBB2_10-.Ltmp8, $3  }
0x2ce: {  	v17 =	vld.idx.msk [tilespmem:v19+s22+$0x0], $0xffff;
	_ =	sdelay $0x1  }
0x2cf: {  	v19 =	vor.u32 $0x6, v11  }
0x2d0: {  	v15 =	vadd.s32 $0x8, v15;
	[tilespmem:s16+$0xFFFFF9E0] =	vst v20;
	v20 =	vor.u32 $0x6, v14  }
0x2d1: {  	_ = 	snop  }
0x2d2: {  	[tilespmem:s16+$0xFFFFFBE0] =	vst v21  }
0x2d3: {  	[tilespmem:s16+$0xFFFFFDE0] =	vst v18  }
0x2d4: {  	v7 =	vor.u32 $0x6, v12;
	[tilespmem:s16+$0xFFFFFFE0] =	vst v17  }
0x2d5: {  	v8 =	vld.idx.msk [tilespmem:v19+s22+$0x0], $0xffff  }
0x2d6: {  	v9 =	vld.idx.msk [tilespmem:v20+s22+$0x0], $0xffff;
	_ =	sdelay $0x1  }
0x2d7: {  	v10 =	vld.idx.msk [tilespmem:v16+s22+$0x0], $0xffff  }
0x2d8: {  	v7 =	vld.idx.msk [tilespmem:v7+s22+$0x0], $0xffff  }
0x2d9: {  	[tilespmem:s16+$0xFFFFFFF0] =	vst v8;
	v8 =	vor.u32 $0x7, v11  }
0x2da: {  	[tilespmem:s16+$0xFFFFF9F0] =	vst v9;
	v9 =	vor.u32 $0x7, v13;
	_ =	sdelay $0x1  }
0x2db: {  	v11 =	vor.u32 $0x7, v12;
	[tilespmem:s16+$0xFFFFFDF0] =	vst v10  }
0x2dc: {  	[tilespmem:s16+$0xFFFFFBF0] =	vst v7  }
0x2dd: {  	v14 =	vor.u32 $0x7, v14;
	v8 =	vld.idx.msk [tilespmem:v8+s22+$0x0], $0xffff  }
0x2de: {  	v9 =	vld.idx.msk [tilespmem:v9+s22+$0x0], $0xffff;
	_ =	sdelay $0x1  }
0x2df: {  	v10 =	vld.idx.msk [tilespmem:v11+s22+$0x0], $0xffff;
	_ =	sdelay $0x1  }
0x2e0: {  	v7 =	vld.idx.msk [tilespmem:v14+s22+$0x0], $0xffff;
	[tilespmem:s16+$0x0] =	vst v8  }
0x2e1: {  	[tilespmem:s16+$0xFFFFFE00] =	vst v9;
	v8 =	vadd.s32 v3, v6;
	v9 =	vimm.s32 $0x0  }
0x2e2: {  	v16 =	vimm.s32 $0x60;
	v15 =	vadd.s32 v8, v9  }
0x2e3: {  	[tilespmem:s16+$0xFFFFFC00] =	vst v10;
	v10 =	vimm.s32 $0x20;
	v12 =	vadd.s32 v8, v16  }
0x2e4: {  	v11 =	vimm.s32 $0x40;
	v13 =	vadd.s32 v8, v10  }
0x2e5: {  	v14 =	vadd.s32 v8, v11  }
0x2e6: {  	[tilespmem:s16+$0xFFFFFA00] =	vst v7  }
0x2e7: {  	v7 =	vmov s15;
	v17 =	vld.idx.msk [tilespmem:v15+s22+$0x0], $0xffff  }
0x2e8: {  	v18 =	vld.idx.msk [tilespmem:v12+s22+$0x0], $0xffff  }
0x2e9: {  	v19 =	vld.idx.msk [tilespmem:v13+s22+$0x0], $0xffff  }
0x2ea: {  	v20 =	vld.idx.msk [tilespmem:v14+s22+$0x0], $0xffff  }
0x2eb: {  	v21 =	vor.u32 $0x1, v12  }
0x2ec: {  	[tilespmem:v7+s28+$0xFFFFF990 ss:$0x1] =	vst.idx.msk $0xffff, v17;
	v17 =	vor.u32 $0x1, v15  }
0x2ed: {  	[tilespmem:v7+s28+$0xFFFFFF90 ss:$0x1] =	vst.idx.msk $0xffff, v18;
	v18 =	vor.u32 $0x1, v14  }
0x2ee: {  	[tilespmem:v7+s28+$0xFFFFFB90 ss:$0x1] =	vst.idx.msk $0xffff, v19;
	v19 =	vor.u32 $0x1, v13  }
0x2ef: {  	[tilespmem:v7+s28+$0xFFFFFD90 ss:$0x1] =	vst.idx.msk $0xffff, v20  }
0x2f0: {  	v20 =	vld.idx.msk [tilespmem:v21+s22+$0x0], $0xffff  }
0x2f1: {  	v17 =	vld.idx.msk [tilespmem:v17+s22+$0x0], $0xffff  }
0x2f2: {  	v18 =	vld.idx.msk [tilespmem:v18+s22+$0x0], $0xffff  }
0x2f3: {  	v19 =	vld.idx.msk [tilespmem:v19+s22+$0x0], $0xffff  }
0x2f4: {  	v21 =	vor.u32 $0x2, v13  }
0x2f5: {  	[tilespmem:v7+s28+$0xFFFFFFA0 ss:$0x1] =	vst.idx.msk $0xffff, v20;
	v20 =	vor.u32 $0x2, v14  }
0x2f6: {  	[tilespmem:v7+s28+$0xFFFFF9A0 ss:$0x1] =	vst.idx.msk $0xffff, v17;
	v17 =	vor.u32 $0x2, v15  }
0x2f7: {  	[tilespmem:v7+s28+$0xFFFFFDA0 ss:$0x1] =	vst.idx.msk $0xffff, v18;
	v18 =	vor.u32 $0x2, v12  }
0x2f8: {  	[tilespmem:v7+s28+$0xFFFFFBA0 ss:$0x1] =	vst.idx.msk $0xffff, v19  }
0x2f9: {  	v19 =	vld.idx.msk [tilespmem:v21+s22+$0x0], $0xffff  }
0x2fa: {  	v20 =	vld.idx.msk [tilespmem:v20+s22+$0x0], $0xffff  }
0x2fb: {  	v17 =	vld.idx.msk [tilespmem:v17+s22+$0x0], $0xffff  }
0x2fc: {  	v18 =	vld.idx.msk [tilespmem:v18+s22+$0x0], $0xffff  }
0x2fd: {  	v21 =	vor.u32 $0x3, v15  }
0x2fe: {  	[tilespmem:v7+s28+$0xFFFFFBB0 ss:$0x1] =	vst.idx.msk $0xffff, v19;
	v19 =	vor.u32 $0x3, v12  }
0x2ff: {  	[tilespmem:v7+s28+$0xFFFFFDB0 ss:$0x1] =	vst.idx.msk $0xffff, v20;
	v20 =	vor.u32 $0x3, v14  }
0x300: {  	[tilespmem:v7+s28+$0xFFFFF9B0 ss:$0x1] =	vst.idx.msk $0xffff, v17;
	v17 =	vor.u32 $0x3, v13  }
0x301: {  	[tilespmem:v7+s28+$0xFFFFFFB0 ss:$0x1] =	vst.idx.msk $0xffff, v18  }
0x302: {  	v18 =	vld.idx.msk [tilespmem:v21+s22+$0x0], $0xffff  }
0x303: {  	v19 =	vld.idx.msk [tilespmem:v19+s22+$0x0], $0xffff  }
0x304: {  	v20 =	vld.idx.msk [tilespmem:v20+s22+$0x0], $0xffff  }
0x305: {  	v17 =	vld.idx.msk [tilespmem:v17+s22+$0x0], $0xffff  }
0x306: {  	v21 =	vor.u32 $0x4, v13  }
0x307: {  	[tilespmem:v7+s28+$0xFFFFF9C0 ss:$0x1] =	vst.idx.msk $0xffff, v18;
	v18 =	vor.u32 $0x4, v12  }
0x308: {  	[tilespmem:v7+s28+$0xFFFFFFC0 ss:$0x1] =	vst.idx.msk $0xffff, v19;
	v19 =	vor.u32 $0x4, v14  }
0x309: {  	[tilespmem:v7+s28+$0xFFFFFDC0 ss:$0x1] =	vst.idx.msk $0xffff, v20;
	v20 =	vor.u32 $0x4, v15  }
0x30a: {  	[tilespmem:v7+s28+$0xFFFFFBC0 ss:$0x1] =	vst.idx.msk $0xffff, v17  }
0x30b: {  	v17 =	vld.idx.msk [tilespmem:v21+s22+$0x0], $0xffff  }
0x30c: {  	v18 =	vld.idx.msk [tilespmem:v18+s22+$0x0], $0xffff  }
0x30d: {  	v19 =	vld.idx.msk [tilespmem:v19+s22+$0x0], $0xffff  }
0x30e: {  	v20 =	vld.idx.msk [tilespmem:v20+s22+$0x0], $0xffff  }
0x30f: {  	v21 =	vor.u32 $0x5, v13  }
0x310: {  	[tilespmem:v7+s28+$0xFFFFFBD0 ss:$0x1] =	vst.idx.msk $0xffff, v17;
	v17 =	vor.u32 $0x5, v15  }
0x311: {  	[tilespmem:v7+s28+$0xFFFFFFD0 ss:$0x1] =	vst.idx.msk $0xffff, v18;
	v18 =	vor.u32 $0x5, v12  }
0x312: {  	[tilespmem:v7+s28+$0xFFFFFDD0 ss:$0x1] =	vst.idx.msk $0xffff, v19;
	v19 =	vor.u32 $0x5, v14  }
0x313: {  	[tilespmem:v7+s28+$0xFFFFF9D0 ss:$0x1] =	vst.idx.msk $0xffff, v20  }
0x314: {  	v21 =	vld.idx.msk [tilespmem:v21+s22+$0x0], $0xffff  }
0x315: {  	v20 =	vld.idx.msk [tilespmem:v17+s22+$0x0], $0xffff  }
0x316: {  	v18 =	vld.idx.msk [tilespmem:v18+s22+$0x0], $0xffff  }
0x317: {  	s17 =	smov.u32 s28;
	s15 =	smov.u32 s28;
	s16 =	simm.s32 $0x0;
	v16 =	vadd.s32 $0x8, v16;
	v17 =	vor.u32 $0x6, v15;
	v19 =	vld.idx.msk [tilespmem:v19+s22+$0x0], $0xffff  }
.LBB2_12:
0x318: {  	s16 =	sadd.s32 $0x8, s16;
	v9 =	vadd.s32 $0x8, v9;
	v10 =	vadd.s32 $0x8, v10;
	v11 =	vadd.s32 $0x8, v11;
	s17 =	sadd.s32 $0x80, s17  }
0x319: {  	p1 =	slt.u32 s16, $0x18;
	[tilespmem:v7+s15+$0xFFFFFBE0 ss:$0x1] =	vst.idx.msk $0xffff, v21;
	v21 =	vor.u32 $0x6, v13  }
0x31a: {  	[tilespmem:v7+s15+$0xFFFFF9E0 ss:$0x1] =	vst.idx.msk $0xffff, v20;
	v20 =	vor.u32 $0x6, v14  }
0x31b: {  	[tilespmem:v7+s15+$0xFFFFFFE0 ss:$0x1] =	vst.idx.msk $0xffff, v18;
	v18 =	vor.u32 $0x6, v12  }
0x31c: {  	[tilespmem:v7+s15+$0xFFFFFDE0 ss:$0x1] =	vst.idx.msk $0xffff, v19  }
0x31d: {  	v17 =	vld.idx.msk [tilespmem:v17+s22+$0x0], $0xffff  }
0x31e: {  	v19 =	vld.idx.msk [tilespmem:v21+s22+$0x0], $0xffff  }
0x31f: {  	v20 =	vld.idx.msk [tilespmem:v20+s22+$0x0], $0xffff  }
0x320: {  	v18 =	vld.idx.msk [tilespmem:v18+s22+$0x0], $0xffff;
	_ =	sdelay $0x1  }
0x321: {  	v15 =	vor.u32 $0x7, v15  }
0x322: {  	v13 =	vor.u32 $0x7, v13;
	[tilespmem:v7+s15+$0xFFFFF9F0 ss:$0x1] =	vst.idx.msk $0xffff, v17  }
0x323: {  	v14 =	vor.u32 $0x7, v14;
	[tilespmem:v7+s15+$0xFFFFFBF0 ss:$0x1] =	vst.idx.msk $0xffff, v19  }
0x324: {  	v12 =	vor.u32 $0x7, v12;
	[tilespmem:v7+s15+$0xFFFFFDF0 ss:$0x1] =	vst.idx.msk $0xffff, v20  }
0x325: {  	[tilespmem:v7+s15+$0xFFFFFFF0 ss:$0x1] =	vst.idx.msk $0xffff, v18  }
0x326: {  	v17 =	vld.idx.msk [tilespmem:v15+s22+$0x0], $0xffff  }
0x327: {  	v18 =	vld.idx.msk [tilespmem:v13+s22+$0x0], $0xffff  }
0x328: {  	v19 =	vld.idx.msk [tilespmem:v14+s22+$0x0], $0xffff  }
0x329: {  	v20 =	vld.idx.msk [tilespmem:v12+s22+$0x0], $0xffff;
	_ =	sdelay $0x2  }
0x32a: {  	v15 =	vadd.s32 v8, v9;
	[tilespmem:v7+s15+$0xFFFFFA00 ss:$0x1] =	vst.idx.msk $0xffff, v17  }
0x32b: {  	v13 =	vadd.s32 v8, v10;
	v14 =	vadd.s32 v8, v11;
	v12 =	vadd.s32 v8, v16  }
0x32c: {  	v17 =	vor.u32 $0x6, v15;
	[tilespmem:v7+s15+$0xFFFFFE00 ss:$0x1] =	vst.idx.msk $0xffff, v19  }
0x32d: {  	[tilespmem:v7+s15+$0x0 ss:$0x1] =	vst.idx.msk $0xffff, v20  }
0x32e: {  	[tilespmem:v7+s15+$0xFFFFFC00 ss:$0x1] =	vst.idx.msk $0xffff, v18;
	s15 =	smov.u32 s17  }
0x32f: {  	v18 =	vld.idx.msk [tilespmem:v15+s22+$0x0], $0xffff  }
0x330: {  	v19 =	vld.idx.msk [tilespmem:v12+s22+$0x0], $0xffff  }
0x331: {  	v20 =	vld.idx.msk [tilespmem:v13+s22+$0x0], $0xffff  }
0x332: {  	v21 =	vld.idx.msk [tilespmem:v14+s22+$0x0], $0xffff;
	_ =	sdelay $0x1  }
0x333: {  	v22 =	vor.u32 $0x1, v12  }
0x334: {  	[tilespmem:v7+s17+$0xFFFFF990 ss:$0x1] =	vst.idx.msk $0xffff, v18;
	v18 =	vor.u32 $0x1, v15  }
0x335: {  	[tilespmem:v7+s17+$0xFFFFFF90 ss:$0x1] =	vst.idx.msk $0xffff, v19;
	v19 =	vor.u32 $0x1, v14  }
0x336: {  	[tilespmem:v7+s17+$0xFFFFFB90 ss:$0x1] =	vst.idx.msk $0xffff, v20  }
0x337: {  	v20 =	vor.u32 $0x1, v13;
	[tilespmem:v7+s17+$0xFFFFFD90 ss:$0x1] =	vst.idx.msk $0xffff, v21  }
0x338: {  	v21 =	vld.idx.msk [tilespmem:v22+s22+$0x0], $0xffff  }
0x339: {  	v18 =	vld.idx.msk [tilespmem:v18+s22+$0x0], $0xffff  }
0x33a: {  	v19 =	vld.idx.msk [tilespmem:v19+s22+$0x0], $0xffff;
	_ =	sdelay $0x1  }
0x33b: {  	v20 =	vld.idx.msk [tilespmem:v20+s22+$0x0], $0xffff;
	_ =	sdelay $0x1  }
0x33c: {  	[tilespmem:v7+s17+$0xFFFFFFA0 ss:$0x1] =	vst.idx.msk $0xffff, v21;
	v21 =	vor.u32 $0x2, v13  }
0x33d: {  	[tilespmem:v7+s17+$0xFFFFF9A0 ss:$0x1] =	vst.idx.msk $0xffff, v18;
	v18 =	vor.u32 $0x2, v14  }
0x33e: {  	[tilespmem:v7+s17+$0xFFFFFDA0 ss:$0x1] =	vst.idx.msk $0xffff, v19;
	v19 =	vor.u32 $0x2, v15  }
0x33f: {  	v22 =	vor.u32 $0x2, v12  }
0x340: {  	[tilespmem:v7+s17+$0xFFFFFBA0 ss:$0x1] =	vst.idx.msk $0xffff, v20  }
0x341: {  	v20 =	vld.idx.msk [tilespmem:v21+s22+$0x0], $0xffff  }
0x342: {  	v18 =	vld.idx.msk [tilespmem:v18+s22+$0x0], $0xffff  }
0x343: {  	v19 =	vld.idx.msk [tilespmem:v19+s22+$0x0], $0xffff  }
0x344: {  	v21 =	vld.idx.msk [tilespmem:v22+s22+$0x0], $0xffff;
	_ =	sdelay $0x1  }
0x345: {  	v22 =	vor.u32 $0x3, v15  }
0x346: {  	[tilespmem:v7+s17+$0xFFFFFBB0 ss:$0x1] =	vst.idx.msk $0xffff, v20;
	v20 =	vor.u32 $0x3, v12  }
0x347: {  	[tilespmem:v7+s17+$0xFFFFFDB0 ss:$0x1] =	vst.idx.msk $0xffff, v18;
	v18 =	vor.u32 $0x3, v14  }
0x348: {  	[tilespmem:v7+s17+$0xFFFFF9B0 ss:$0x1] =	vst.idx.msk $0xffff, v19;
	v19 =	vor.u32 $0x3, v13  }
0x349: {  	[tilespmem:v7+s17+$0xFFFFFFB0 ss:$0x1] =	vst.idx.msk $0xffff, v21  }
0x34a: {  	v21 =	vld.idx.msk [tilespmem:v22+s22+$0x0], $0xffff  }
0x34b: {  	v20 =	vld.idx.msk [tilespmem:v20+s22+$0x0], $0xffff  }
0x34c: {  	v18 =	vld.idx.msk [tilespmem:v18+s22+$0x0], $0xffff  }
0x34d: {  	v19 =	vld.idx.msk [tilespmem:v19+s22+$0x0], $0xffff;
	_ =	sdelay $0x1  }
0x34e: {  	v22 =	vor.u32 $0x4, v13  }
0x34f: {  	[tilespmem:v7+s17+$0xFFFFF9C0 ss:$0x1] =	vst.idx.msk $0xffff, v21;
	v21 =	vor.u32 $0x4, v12  }
0x350: {  	[tilespmem:v7+s17+$0xFFFFFFC0 ss:$0x1] =	vst.idx.msk $0xffff, v20;
	v20 =	vor.u32 $0x4, v14  }
0x351: {  	[tilespmem:v7+s17+$0xFFFFFDC0 ss:$0x1] =	vst.idx.msk $0xffff, v18;
	v18 =	vor.u32 $0x4, v15  }
0x352: {  	[tilespmem:v7+s17+$0xFFFFFBC0 ss:$0x1] =	vst.idx.msk $0xffff, v19  }
0x353: {  	v19 =	vld.idx.msk [tilespmem:v22+s22+$0x0], $0xffff  }
0x354: {  	v21 =	vld.idx.msk [tilespmem:v21+s22+$0x0], $0xffff  }
0x355: {  	v20 =	vld.idx.msk [tilespmem:v20+s22+$0x0], $0xffff  }
0x356: {  	v18 =	vld.idx.msk [tilespmem:v18+s22+$0x0], $0xffff;
	_ =	sdelay $0x1  }
0x357: {  	v22 =	vor.u32 $0x5, v13  }
0x358: {  	[tilespmem:v7+s17+$0xFFFFFBD0 ss:$0x1] =	vst.idx.msk $0xffff, v19;
	v19 =	vor.u32 $0x5, v15  }
0x359: {  	v23 =	vor.u32 $0x5, v12;
	[tilespmem:v7+s17+$0xFFFFFFD0 ss:$0x1] =	vst.idx.msk $0xffff, v21  }
0x35a: {  	v24 =	vor.u32 $0x5, v14;
	[tilespmem:v7+s17+$0xFFFFFDD0 ss:$0x1] =	vst.idx.msk $0xffff, v20  }
0x35b: {  	[tilespmem:v7+s17+$0xFFFFF9D0 ss:$0x1] =	vst.idx.msk $0xffff, v18  }
.Ltmp9:
0x35c: {  	v21 =	vld.idx.msk [tilespmem:v22+s22+$0x0], $0xffff;
	(pc) =	sbr.rel @p1 .LBB2_12-.Ltmp9, $4  }
0x35d: {  	v20 =	vld.idx.msk [tilespmem:v19+s22+$0x0], $0xffff  }
0x35e: {  	v18 =	vld.idx.msk [tilespmem:v23+s22+$0x0], $0xffff  }
0x35f: {  	v19 =	vld.idx.msk [tilespmem:v24+s22+$0x0], $0xffff  }
0x360: {  	v16 =	vadd.s32 $0x8, v16  }
0x361: {  	_ =	sdelay $0x2  }
0x362: {  	v8 =	vor.u32 $0x6, v13  }
0x363: {  	[tilespmem:v7+s15+$0xFFFFFBE0 ss:$0x1] =	vst.idx.msk $0xffff, v21  }
0x364: {  	v9 =	vor.u32 $0x6, v14;
	[tilespmem:v7+s15+$0xFFFFF9E0 ss:$0x1] =	vst.idx.msk $0xffff, v20  }
0x365: {  	v10 =	vor.u32 $0x6, v12;
	[tilespmem:v7+s15+$0xFFFFFFE0 ss:$0x1] =	vst.idx.msk $0xffff, v18  }
0x366: {  	[tilespmem:v7+s15+$0xFFFFFDE0 ss:$0x1] =	vst.idx.msk $0xffff, v19  }
0x367: {  	v8 =	vld.idx.msk [tilespmem:v8+s22+$0x0], $0xffff  }
0x368: {  	v11 =	vld.idx.msk [tilespmem:v17+s22+$0x0], $0xffff  }
0x369: {  	v9 =	vld.idx.msk [tilespmem:v9+s22+$0x0], $0xffff  }
0x36a: {  	v10 =	vld.idx.msk [tilespmem:v10+s22+$0x0], $0xffff  }
0x36b: {  	v15 =	vor.u32 $0x7, v15  }
0x36c: {  	[tilespmem:v7+s15+$0xFFFFFBF0 ss:$0x1] =	vst.idx.msk $0xffff, v8;
	v8 =	vor.u32 $0x7, v12  }
0x36d: {  	[tilespmem:v7+s15+$0xFFFFF9F0 ss:$0x1] =	vst.idx.msk $0xffff, v11  }
0x36e: {  	v11 =	vor.u32 $0x7, v14;
	[tilespmem:v7+s15+$0xFFFFFDF0 ss:$0x1] =	vst.idx.msk $0xffff, v9  }
0x36f: {  	v12 =	vor.u32 $0x7, v13;
	[tilespmem:v7+s15+$0xFFFFFFF0 ss:$0x1] =	vst.idx.msk $0xffff, v10  }
0x370: {  	v9 =	vld.idx.msk [tilespmem:v15+s22+$0x0], $0xffff  }
0x371: {  	v8 =	vld.idx.msk [tilespmem:v8+s22+$0x0], $0xffff;
	_ =	sdelay $0x1  }
0x372: {  	v10 =	vld.idx.msk [tilespmem:v11+s22+$0x0], $0xffff  }
0x373: {  	v11 =	vld.idx.msk [tilespmem:v12+s22+$0x0], $0xffff  }
0x374: {  	[tilespmem:v7+s15+$0xFFFFFA00 ss:$0x1] =	vst.idx.msk $0xffff, v9  }
0x375: {  	v9 =	vimm.s32 $0x0;
	[tilespmem:v7+s15+$0x0 ss:$0x1] =	vst.idx.msk $0xffff, v8;
	v8 =	vadd.s32 v4, v6  }
0x376: {  	v16 =	vimm.s32 $0x60;
	v15 =	vadd.s32 v8, v9  }
0x377: {  	[tilespmem:v7+s15+$0xFFFFFE00 ss:$0x1] =	vst.idx.msk $0xffff, v10;
	v10 =	vimm.s32 $0x20;
	v12 =	vadd.s32 v8, v16  }
0x378: {  	[tilespmem:v7+s15+$0xFFFFFC00 ss:$0x1] =	vst.idx.msk $0xffff, v11;
	v11 =	vimm.s32 $0x40;
	v13 =	vadd.s32 v8, v10  }
0x379: {  	v14 =	vadd.s32 v8, v11;
	_ =	sdelay $0x1  }
0x37a: {  	v17 =	vld.idx.msk [tilespmem:v15+s22+$0x0], $0xffff  }
0x37b: {  	v18 =	vld.idx.msk [tilespmem:v12+s22+$0x0], $0xffff  }
0x37c: {  	v19 =	vld.idx.msk [tilespmem:v13+s22+$0x0], $0xffff  }
0x37d: {  	v20 =	vld.idx.msk [tilespmem:v14+s22+$0x0], $0xffff  }
0x37e: {  	v21 =	vor.u32 $0x1, v12  }
0x37f: {  	[tilespmem:v7+s29+$0xFFFFF990 ss:$0x1] =	vst.idx.msk $0xffff, v17;
	v17 =	vor.u32 $0x1, v15  }
0x380: {  	[tilespmem:v7+s29+$0xFFFFFF90 ss:$0x1] =	vst.idx.msk $0xffff, v18;
	v18 =	vor.u32 $0x1, v14  }
0x381: {  	[tilespmem:v7+s29+$0xFFFFFB90 ss:$0x1] =	vst.idx.msk $0xffff, v19;
	v19 =	vor.u32 $0x1, v13  }
0x382: {  	[tilespmem:v7+s29+$0xFFFFFD90 ss:$0x1] =	vst.idx.msk $0xffff, v20  }
0x383: {  	v20 =	vld.idx.msk [tilespmem:v21+s22+$0x0], $0xffff  }
0x384: {  	v17 =	vld.idx.msk [tilespmem:v17+s22+$0x0], $0xffff  }
0x385: {  	v18 =	vld.idx.msk [tilespmem:v18+s22+$0x0], $0xffff  }
0x386: {  	v19 =	vld.idx.msk [tilespmem:v19+s22+$0x0], $0xffff  }
0x387: {  	v21 =	vor.u32 $0x2, v13  }
0x388: {  	[tilespmem:v7+s29+$0xFFFFFFA0 ss:$0x1] =	vst.idx.msk $0xffff, v20;
	v20 =	vor.u32 $0x2, v14  }
0x389: {  	[tilespmem:v7+s29+$0xFFFFF9A0 ss:$0x1] =	vst.idx.msk $0xffff, v17;
	v17 =	vor.u32 $0x2, v15  }
0x38a: {  	[tilespmem:v7+s29+$0xFFFFFDA0 ss:$0x1] =	vst.idx.msk $0xffff, v18;
	v18 =	vor.u32 $0x2, v12  }
0x38b: {  	[tilespmem:v7+s29+$0xFFFFFBA0 ss:$0x1] =	vst.idx.msk $0xffff, v19  }
0x38c: {  	v19 =	vld.idx.msk [tilespmem:v21+s22+$0x0], $0xffff  }
0x38d: {  	v20 =	vld.idx.msk [tilespmem:v20+s22+$0x0], $0xffff  }
0x38e: {  	v17 =	vld.idx.msk [tilespmem:v17+s22+$0x0], $0xffff  }
0x38f: {  	v18 =	vld.idx.msk [tilespmem:v18+s22+$0x0], $0xffff  }
0x390: {  	v21 =	vor.u32 $0x3, v15  }
0x391: {  	[tilespmem:v7+s29+$0xFFFFFBB0 ss:$0x1] =	vst.idx.msk $0xffff, v19;
	v19 =	vor.u32 $0x3, v12  }
0x392: {  	[tilespmem:v7+s29+$0xFFFFFDB0 ss:$0x1] =	vst.idx.msk $0xffff, v20;
	v20 =	vor.u32 $0x3, v14  }
0x393: {  	[tilespmem:v7+s29+$0xFFFFF9B0 ss:$0x1] =	vst.idx.msk $0xffff, v17;
	v17 =	vor.u32 $0x3, v13  }
0x394: {  	[tilespmem:v7+s29+$0xFFFFFFB0 ss:$0x1] =	vst.idx.msk $0xffff, v18  }
0x395: {  	v18 =	vld.idx.msk [tilespmem:v21+s22+$0x0], $0xffff  }
0x396: {  	v19 =	vld.idx.msk [tilespmem:v19+s22+$0x0], $0xffff  }
0x397: {  	v20 =	vld.idx.msk [tilespmem:v20+s22+$0x0], $0xffff  }
0x398: {  	v17 =	vld.idx.msk [tilespmem:v17+s22+$0x0], $0xffff  }
0x399: {  	v21 =	vor.u32 $0x4, v13  }
0x39a: {  	[tilespmem:v7+s29+$0xFFFFF9C0 ss:$0x1] =	vst.idx.msk $0xffff, v18;
	v18 =	vor.u32 $0x4, v12  }
0x39b: {  	[tilespmem:v7+s29+$0xFFFFFFC0 ss:$0x1] =	vst.idx.msk $0xffff, v19;
	v19 =	vor.u32 $0x4, v14  }
0x39c: {  	[tilespmem:v7+s29+$0xFFFFFDC0 ss:$0x1] =	vst.idx.msk $0xffff, v20;
	v20 =	vor.u32 $0x4, v15  }
0x39d: {  	[tilespmem:v7+s29+$0xFFFFFBC0 ss:$0x1] =	vst.idx.msk $0xffff, v17  }
0x39e: {  	v17 =	vld.idx.msk [tilespmem:v21+s22+$0x0], $0xffff  }
0x39f: {  	v18 =	vld.idx.msk [tilespmem:v18+s22+$0x0], $0xffff  }
0x3a0: {  	v19 =	vld.idx.msk [tilespmem:v19+s22+$0x0], $0xffff  }
0x3a1: {  	v20 =	vld.idx.msk [tilespmem:v20+s22+$0x0], $0xffff  }
0x3a2: {  	v21 =	vor.u32 $0x5, v13  }
0x3a3: {  	[tilespmem:v7+s29+$0xFFFFFBD0 ss:$0x1] =	vst.idx.msk $0xffff, v17;
	v17 =	vor.u32 $0x5, v15  }
0x3a4: {  	[tilespmem:v7+s29+$0xFFFFFFD0 ss:$0x1] =	vst.idx.msk $0xffff, v18;
	v18 =	vor.u32 $0x5, v12  }
0x3a5: {  	[tilespmem:v7+s29+$0xFFFFFDD0 ss:$0x1] =	vst.idx.msk $0xffff, v19;
	v19 =	vor.u32 $0x5, v14  }
0x3a6: {  	[tilespmem:v7+s29+$0xFFFFF9D0 ss:$0x1] =	vst.idx.msk $0xffff, v20  }
0x3a7: {  	v21 =	vld.idx.msk [tilespmem:v21+s22+$0x0], $0xffff  }
0x3a8: {  	v20 =	vld.idx.msk [tilespmem:v17+s22+$0x0], $0xffff  }
0x3a9: {  	v18 =	vld.idx.msk [tilespmem:v18+s22+$0x0], $0xffff  }
0x3aa: {  	s16 =	simm.s32 $0x0;
	s17 =	smov.u32 s29;
	s15 =	smov.u32 s29;
	v16 =	vadd.s32 $0x8, v16;
	v17 =	vor.u32 $0x6, v15;
	v19 =	vld.idx.msk [tilespmem:v19+s22+$0x0], $0xffff  }
.LBB2_14:
0x3ab: {  	s16 =	sadd.s32 $0x8, s16;
	v9 =	vadd.s32 $0x8, v9;
	v10 =	vadd.s32 $0x8, v10;
	v11 =	vadd.s32 $0x8, v11;
	s17 =	sadd.s32 $0x80, s17  }
0x3ac: {  	p1 =	slt.u32 s16, $0x18;
	[tilespmem:v7+s15+$0xFFFFFBE0 ss:$0x1] =	vst.idx.msk $0xffff, v21;
	v21 =	vor.u32 $0x6, v13  }
0x3ad: {  	[tilespmem:v7+s15+$0xFFFFF9E0 ss:$0x1] =	vst.idx.msk $0xffff, v20;
	v20 =	vor.u32 $0x6, v14  }
0x3ae: {  	[tilespmem:v7+s15+$0xFFFFFFE0 ss:$0x1] =	vst.idx.msk $0xffff, v18;
	v18 =	vor.u32 $0x6, v12  }
0x3af: {  	[tilespmem:v7+s15+$0xFFFFFDE0 ss:$0x1] =	vst.idx.msk $0xffff, v19  }
0x3b0: {  	v17 =	vld.idx.msk [tilespmem:v17+s22+$0x0], $0xffff  }
0x3b1: {  	v19 =	vld.idx.msk [tilespmem:v21+s22+$0x0], $0xffff  }
0x3b2: {  	v20 =	vld.idx.msk [tilespmem:v20+s22+$0x0], $0xffff  }
0x3b3: {  	v18 =	vld.idx.msk [tilespmem:v18+s22+$0x0], $0xffff;
	_ =	sdelay $0x1  }
0x3b4: {  	v15 =	vor.u32 $0x7, v15  }
0x3b5: {  	v13 =	vor.u32 $0x7, v13;
	[tilespmem:v7+s15+$0xFFFFF9F0 ss:$0x1] =	vst.idx.msk $0xffff, v17  }
0x3b6: {  	v14 =	vor.u32 $0x7, v14;
	[tilespmem:v7+s15+$0xFFFFFBF0 ss:$0x1] =	vst.idx.msk $0xffff, v19  }
0x3b7: {  	v12 =	vor.u32 $0x7, v12;
	[tilespmem:v7+s15+$0xFFFFFDF0 ss:$0x1] =	vst.idx.msk $0xffff, v20  }
0x3b8: {  	[tilespmem:v7+s15+$0xFFFFFFF0 ss:$0x1] =	vst.idx.msk $0xffff, v18  }
0x3b9: {  	v17 =	vld.idx.msk [tilespmem:v15+s22+$0x0], $0xffff  }
0x3ba: {  	v18 =	vld.idx.msk [tilespmem:v13+s22+$0x0], $0xffff  }
0x3bb: {  	v19 =	vld.idx.msk [tilespmem:v14+s22+$0x0], $0xffff  }
0x3bc: {  	v20 =	vld.idx.msk [tilespmem:v12+s22+$0x0], $0xffff;
	_ =	sdelay $0x2  }
0x3bd: {  	v15 =	vadd.s32 v8, v9;
	[tilespmem:v7+s15+$0xFFFFFA00 ss:$0x1] =	vst.idx.msk $0xffff, v17  }
0x3be: {  	v13 =	vadd.s32 v8, v10;
	v14 =	vadd.s32 v8, v11;
	v12 =	vadd.s32 v8, v16  }
0x3bf: {  	v17 =	vor.u32 $0x6, v15;
	[tilespmem:v7+s15+$0xFFFFFE00 ss:$0x1] =	vst.idx.msk $0xffff, v19  }
0x3c0: {  	[tilespmem:v7+s15+$0x0 ss:$0x1] =	vst.idx.msk $0xffff, v20  }
0x3c1: {  	[tilespmem:v7+s15+$0xFFFFFC00 ss:$0x1] =	vst.idx.msk $0xffff, v18;
	s15 =	smov.u32 s17  }
0x3c2: {  	v18 =	vld.idx.msk [tilespmem:v15+s22+$0x0], $0xffff  }
0x3c3: {  	v19 =	vld.idx.msk [tilespmem:v12+s22+$0x0], $0xffff  }
0x3c4: {  	v20 =	vld.idx.msk [tilespmem:v13+s22+$0x0], $0xffff  }
0x3c5: {  	v21 =	vld.idx.msk [tilespmem:v14+s22+$0x0], $0xffff;
	_ =	sdelay $0x1  }
0x3c6: {  	v22 =	vor.u32 $0x1, v12  }
0x3c7: {  	[tilespmem:v7+s17+$0xFFFFF990 ss:$0x1] =	vst.idx.msk $0xffff, v18;
	v18 =	vor.u32 $0x1, v15  }
0x3c8: {  	[tilespmem:v7+s17+$0xFFFFFF90 ss:$0x1] =	vst.idx.msk $0xffff, v19;
	v19 =	vor.u32 $0x1, v14  }
0x3c9: {  	[tilespmem:v7+s17+$0xFFFFFB90 ss:$0x1] =	vst.idx.msk $0xffff, v20  }
0x3ca: {  	v20 =	vor.u32 $0x1, v13;
	[tilespmem:v7+s17+$0xFFFFFD90 ss:$0x1] =	vst.idx.msk $0xffff, v21  }
0x3cb: {  	v21 =	vld.idx.msk [tilespmem:v22+s22+$0x0], $0xffff  }
0x3cc: {  	v18 =	vld.idx.msk [tilespmem:v18+s22+$0x0], $0xffff  }
0x3cd: {  	v19 =	vld.idx.msk [tilespmem:v19+s22+$0x0], $0xffff;
	_ =	sdelay $0x1  }
0x3ce: {  	v20 =	vld.idx.msk [tilespmem:v20+s22+$0x0], $0xffff;
	_ =	sdelay $0x1  }
0x3cf: {  	[tilespmem:v7+s17+$0xFFFFFFA0 ss:$0x1] =	vst.idx.msk $0xffff, v21;
	v21 =	vor.u32 $0x2, v13  }
0x3d0: {  	[tilespmem:v7+s17+$0xFFFFF9A0 ss:$0x1] =	vst.idx.msk $0xffff, v18;
	v18 =	vor.u32 $0x2, v14  }
0x3d1: {  	[tilespmem:v7+s17+$0xFFFFFDA0 ss:$0x1] =	vst.idx.msk $0xffff, v19;
	v19 =	vor.u32 $0x2, v15  }
0x3d2: {  	v22 =	vor.u32 $0x2, v12  }
0x3d3: {  	[tilespmem:v7+s17+$0xFFFFFBA0 ss:$0x1] =	vst.idx.msk $0xffff, v20  }
0x3d4: {  	v20 =	vld.idx.msk [tilespmem:v21+s22+$0x0], $0xffff  }
0x3d5: {  	v18 =	vld.idx.msk [tilespmem:v18+s22+$0x0], $0xffff  }
0x3d6: {  	v19 =	vld.idx.msk [tilespmem:v19+s22+$0x0], $0xffff  }
0x3d7: {  	v21 =	vld.idx.msk [tilespmem:v22+s22+$0x0], $0xffff;
	_ =	sdelay $0x1  }
0x3d8: {  	v22 =	vor.u32 $0x3, v15  }
0x3d9: {  	[tilespmem:v7+s17+$0xFFFFFBB0 ss:$0x1] =	vst.idx.msk $0xffff, v20;
	v20 =	vor.u32 $0x3, v12  }
0x3da: {  	[tilespmem:v7+s17+$0xFFFFFDB0 ss:$0x1] =	vst.idx.msk $0xffff, v18;
	v18 =	vor.u32 $0x3, v14  }
0x3db: {  	[tilespmem:v7+s17+$0xFFFFF9B0 ss:$0x1] =	vst.idx.msk $0xffff, v19;
	v19 =	vor.u32 $0x3, v13  }
0x3dc: {  	[tilespmem:v7+s17+$0xFFFFFFB0 ss:$0x1] =	vst.idx.msk $0xffff, v21  }
0x3dd: {  	v21 =	vld.idx.msk [tilespmem:v22+s22+$0x0], $0xffff  }
0x3de: {  	v20 =	vld.idx.msk [tilespmem:v20+s22+$0x0], $0xffff  }
0x3df: {  	v18 =	vld.idx.msk [tilespmem:v18+s22+$0x0], $0xffff  }
0x3e0: {  	v19 =	vld.idx.msk [tilespmem:v19+s22+$0x0], $0xffff;
	_ =	sdelay $0x1  }
0x3e1: {  	v22 =	vor.u32 $0x4, v13  }
0x3e2: {  	[tilespmem:v7+s17+$0xFFFFF9C0 ss:$0x1] =	vst.idx.msk $0xffff, v21;
	v21 =	vor.u32 $0x4, v12  }
0x3e3: {  	[tilespmem:v7+s17+$0xFFFFFFC0 ss:$0x1] =	vst.idx.msk $0xffff, v20;
	v20 =	vor.u32 $0x4, v14  }
0x3e4: {  	[tilespmem:v7+s17+$0xFFFFFDC0 ss:$0x1] =	vst.idx.msk $0xffff, v18;
	v18 =	vor.u32 $0x4, v15  }
0x3e5: {  	[tilespmem:v7+s17+$0xFFFFFBC0 ss:$0x1] =	vst.idx.msk $0xffff, v19  }
0x3e6: {  	v19 =	vld.idx.msk [tilespmem:v22+s22+$0x0], $0xffff  }
0x3e7: {  	v21 =	vld.idx.msk [tilespmem:v21+s22+$0x0], $0xffff  }
0x3e8: {  	v20 =	vld.idx.msk [tilespmem:v20+s22+$0x0], $0xffff  }
0x3e9: {  	v18 =	vld.idx.msk [tilespmem:v18+s22+$0x0], $0xffff;
	_ =	sdelay $0x1  }
0x3ea: {  	v22 =	vor.u32 $0x5, v13  }
0x3eb: {  	[tilespmem:v7+s17+$0xFFFFFBD0 ss:$0x1] =	vst.idx.msk $0xffff, v19;
	v19 =	vor.u32 $0x5, v15  }
0x3ec: {  	v23 =	vor.u32 $0x5, v12;
	[tilespmem:v7+s17+$0xFFFFFFD0 ss:$0x1] =	vst.idx.msk $0xffff, v21  }
0x3ed: {  	v24 =	vor.u32 $0x5, v14;
	[tilespmem:v7+s17+$0xFFFFFDD0 ss:$0x1] =	vst.idx.msk $0xffff, v20  }
0x3ee: {  	[tilespmem:v7+s17+$0xFFFFF9D0 ss:$0x1] =	vst.idx.msk $0xffff, v18  }
.Ltmp10:
0x3ef: {  	v21 =	vld.idx.msk [tilespmem:v22+s22+$0x0], $0xffff;
	(pc) =	sbr.rel @p1 .LBB2_14-.Ltmp10, $4  }
0x3f0: {  	v20 =	vld.idx.msk [tilespmem:v19+s22+$0x0], $0xffff  }
0x3f1: {  	v18 =	vld.idx.msk [tilespmem:v23+s22+$0x0], $0xffff  }
0x3f2: {  	v19 =	vld.idx.msk [tilespmem:v24+s22+$0x0], $0xffff  }
0x3f3: {  	v16 =	vadd.s32 $0x8, v16  }
0x3f4: {  	_ =	sdelay $0x2  }
0x3f5: {  	v8 =	vor.u32 $0x6, v13  }
0x3f6: {  	[tilespmem:v7+s15+$0xFFFFFBE0 ss:$0x1] =	vst.idx.msk $0xffff, v21  }
0x3f7: {  	v9 =	vor.u32 $0x6, v14;
	[tilespmem:v7+s15+$0xFFFFF9E0 ss:$0x1] =	vst.idx.msk $0xffff, v20  }
0x3f8: {  	v10 =	vor.u32 $0x6, v12;
	[tilespmem:v7+s15+$0xFFFFFFE0 ss:$0x1] =	vst.idx.msk $0xffff, v18  }
0x3f9: {  	[tilespmem:v7+s15+$0xFFFFFDE0 ss:$0x1] =	vst.idx.msk $0xffff, v19  }
0x3fa: {  	v8 =	vld.idx.msk [tilespmem:v8+s22+$0x0], $0xffff  }
0x3fb: {  	v11 =	vld.idx.msk [tilespmem:v17+s22+$0x0], $0xffff  }
0x3fc: {  	v9 =	vld.idx.msk [tilespmem:v9+s22+$0x0], $0xffff  }
0x3fd: {  	v10 =	vld.idx.msk [tilespmem:v10+s22+$0x0], $0xffff  }
0x3fe: {  	v15 =	vor.u32 $0x7, v15  }
0x3ff: {  	[tilespmem:v7+s15+$0xFFFFFBF0 ss:$0x1] =	vst.idx.msk $0xffff, v8;
	v8 =	vor.u32 $0x7, v12  }
0x400: {  	[tilespmem:v7+s15+$0xFFFFF9F0 ss:$0x1] =	vst.idx.msk $0xffff, v11;
	v11 =	vor.u32 $0x7, v14  }
0x401: {  	v12 =	vor.u32 $0x7, v13;
	[tilespmem:v7+s15+$0xFFFFFDF0 ss:$0x1] =	vst.idx.msk $0xffff, v9  }
0x402: {  	[tilespmem:v7+s15+$0xFFFFFFF0 ss:$0x1] =	vst.idx.msk $0xffff, v10  }
0x403: {  	v9 =	vld.idx.msk [tilespmem:v15+s22+$0x0], $0xffff  }
0x404: {  	v8 =	vld.idx.msk [tilespmem:v8+s22+$0x0], $0xffff  }
0x405: {  	v10 =	vld.idx.msk [tilespmem:v11+s22+$0x0], $0xffff  }
0x406: {  	v11 =	vld.idx.msk [tilespmem:v12+s22+$0x0], $0xffff;
	_ =	sdelay $0x2  }
0x407: {  	v6 =	vadd.s32 v5, v6;
	[tilespmem:v7+s15+$0x0 ss:$0x1] =	vst.idx.msk $0xffff, v8;
	v8 =	vimm.s32 $0x0  }
0x408: {  	v15 =	vimm.s32 $0x60;
	[tilespmem:v7+s15+$0xFFFFFA00 ss:$0x1] =	vst.idx.msk $0xffff, v9;
	v14 =	vadd.s32 v6, v8  }
0x409: {  	v9 =	vimm.s32 $0x20;
	[tilespmem:v7+s15+$0xFFFFFC00 ss:$0x1] =	vst.idx.msk $0xffff, v11;
	v11 =	vadd.s32 v6, v15  }
0x40a: {  	v12 =	vadd.s32 v6, v9;
	[tilespmem:v7+s15+$0xFFFFFE00 ss:$0x1] =	vst.idx.msk $0xffff, v10;
	v10 =	vimm.s32 $0x40  }
0x40b: {  	v13 =	vadd.s32 v6, v10;
	_ =	sdelay $0x1  }
0x40c: {  	v16 =	vld.idx.msk [tilespmem:v14+s22+$0x0], $0xffff  }
0x40d: {  	v17 =	vld.idx.msk [tilespmem:v11+s22+$0x0], $0xffff  }
0x40e: {  	v18 =	vld.idx.msk [tilespmem:v12+s22+$0x0], $0xffff  }
0x40f: {  	v19 =	vld.idx.msk [tilespmem:v13+s22+$0x0], $0xffff  }
0x410: {  	v20 =	vor.u32 $0x1, v11  }
0x411: {  	[tilespmem:v7+s30+$0xFFFFF990 ss:$0x1] =	vst.idx.msk $0xffff, v16;
	v16 =	vor.u32 $0x1, v14  }
0x412: {  	[tilespmem:v7+s30+$0xFFFFFF90 ss:$0x1] =	vst.idx.msk $0xffff, v17;
	v17 =	vor.u32 $0x1, v13  }
0x413: {  	[tilespmem:v7+s30+$0xFFFFFB90 ss:$0x1] =	vst.idx.msk $0xffff, v18;
	v18 =	vor.u32 $0x1, v12  }
0x414: {  	[tilespmem:v7+s30+$0xFFFFFD90 ss:$0x1] =	vst.idx.msk $0xffff, v19  }
0x415: {  	v19 =	vld.idx.msk [tilespmem:v20+s22+$0x0], $0xffff  }
0x416: {  	v16 =	vld.idx.msk [tilespmem:v16+s22+$0x0], $0xffff  }
0x417: {  	v17 =	vld.idx.msk [tilespmem:v17+s22+$0x0], $0xffff  }
0x418: {  	v18 =	vld.idx.msk [tilespmem:v18+s22+$0x0], $0xffff  }
0x419: {  	v20 =	vor.u32 $0x2, v12  }
0x41a: {  	[tilespmem:v7+s30+$0xFFFFFFA0 ss:$0x1] =	vst.idx.msk $0xffff, v19;
	v19 =	vor.u32 $0x2, v13  }
0x41b: {  	[tilespmem:v7+s30+$0xFFFFF9A0 ss:$0x1] =	vst.idx.msk $0xffff, v16;
	v16 =	vor.u32 $0x2, v14  }
0x41c: {  	[tilespmem:v7+s30+$0xFFFFFDA0 ss:$0x1] =	vst.idx.msk $0xffff, v17;
	v17 =	vor.u32 $0x2, v11  }
0x41d: {  	[tilespmem:v7+s30+$0xFFFFFBA0 ss:$0x1] =	vst.idx.msk $0xffff, v18  }
0x41e: {  	v18 =	vld.idx.msk [tilespmem:v20+s22+$0x0], $0xffff  }
0x41f: {  	v19 =	vld.idx.msk [tilespmem:v19+s22+$0x0], $0xffff  }
0x420: {  	v16 =	vld.idx.msk [tilespmem:v16+s22+$0x0], $0xffff  }
0x421: {  	v17 =	vld.idx.msk [tilespmem:v17+s22+$0x0], $0xffff  }
0x422: {  	v20 =	vor.u32 $0x3, v14  }
0x423: {  	[tilespmem:v7+s30+$0xFFFFFBB0 ss:$0x1] =	vst.idx.msk $0xffff, v18;
	v18 =	vor.u32 $0x3, v11  }
0x424: {  	[tilespmem:v7+s30+$0xFFFFFDB0 ss:$0x1] =	vst.idx.msk $0xffff, v19;
	v19 =	vor.u32 $0x3, v13  }
0x425: {  	[tilespmem:v7+s30+$0xFFFFF9B0 ss:$0x1] =	vst.idx.msk $0xffff, v16;
	v16 =	vor.u32 $0x3, v12  }
0x426: {  	[tilespmem:v7+s30+$0xFFFFFFB0 ss:$0x1] =	vst.idx.msk $0xffff, v17  }
0x427: {  	v17 =	vld.idx.msk [tilespmem:v20+s22+$0x0], $0xffff  }
0x428: {  	v18 =	vld.idx.msk [tilespmem:v18+s22+$0x0], $0xffff  }
0x429: {  	v19 =	vld.idx.msk [tilespmem:v19+s22+$0x0], $0xffff  }
0x42a: {  	v16 =	vld.idx.msk [tilespmem:v16+s22+$0x0], $0xffff  }
0x42b: {  	v20 =	vor.u32 $0x4, v12  }
0x42c: {  	[tilespmem:v7+s30+$0xFFFFF9C0 ss:$0x1] =	vst.idx.msk $0xffff, v17;
	v17 =	vor.u32 $0x4, v11  }
0x42d: {  	[tilespmem:v7+s30+$0xFFFFFFC0 ss:$0x1] =	vst.idx.msk $0xffff, v18;
	v18 =	vor.u32 $0x4, v13  }
0x42e: {  	[tilespmem:v7+s30+$0xFFFFFDC0 ss:$0x1] =	vst.idx.msk $0xffff, v19;
	v19 =	vor.u32 $0x4, v14  }
0x42f: {  	[tilespmem:v7+s30+$0xFFFFFBC0 ss:$0x1] =	vst.idx.msk $0xffff, v16  }
0x430: {  	v16 =	vld.idx.msk [tilespmem:v20+s22+$0x0], $0xffff  }
0x431: {  	v17 =	vld.idx.msk [tilespmem:v17+s22+$0x0], $0xffff  }
0x432: {  	v18 =	vld.idx.msk [tilespmem:v18+s22+$0x0], $0xffff  }
0x433: {  	v19 =	vld.idx.msk [tilespmem:v19+s22+$0x0], $0xffff  }
0x434: {  	v20 =	vor.u32 $0x5, v12  }
0x435: {  	[tilespmem:v7+s30+$0xFFFFFBD0 ss:$0x1] =	vst.idx.msk $0xffff, v16;
	v16 =	vor.u32 $0x5, v14  }
0x436: {  	[tilespmem:v7+s30+$0xFFFFFFD0 ss:$0x1] =	vst.idx.msk $0xffff, v17;
	v17 =	vor.u32 $0x5, v11  }
0x437: {  	[tilespmem:v7+s30+$0xFFFFFDD0 ss:$0x1] =	vst.idx.msk $0xffff, v18;
	v18 =	vor.u32 $0x5, v13  }
0x438: {  	[tilespmem:v7+s30+$0xFFFFF9D0 ss:$0x1] =	vst.idx.msk $0xffff, v19  }
0x439: {  	v20 =	vld.idx.msk [tilespmem:v20+s22+$0x0], $0xffff  }
0x43a: {  	v19 =	vld.idx.msk [tilespmem:v16+s22+$0x0], $0xffff  }
0x43b: {  	v17 =	vld.idx.msk [tilespmem:v17+s22+$0x0], $0xffff  }
0x43c: {  	s16 =	simm.s32 $0x0;
	s17 =	smov.u32 s30;
	v15 =	vadd.s32 $0x8, v15;
	s15 =	smov.u32 s30;
	v16 =	vor.u32 $0x6, v14;
	v18 =	vld.idx.msk [tilespmem:v18+s22+$0x0], $0xffff  }
.LBB2_16:
0x43d: {  	s16 =	sadd.s32 $0x8, s16;
	v8 =	vadd.s32 $0x8, v8;
	v9 =	vadd.s32 $0x8, v9;
	v10 =	vadd.s32 $0x8, v10;
	s17 =	sadd.s32 $0x80, s17  }
0x43e: {  	p1 =	slt.u32 s16, $0x18;
	[tilespmem:v7+s15+$0xFFFFFBE0 ss:$0x1] =	vst.idx.msk $0xffff, v20;
	v20 =	vor.u32 $0x6, v12  }
0x43f: {  	[tilespmem:v7+s15+$0xFFFFF9E0 ss:$0x1] =	vst.idx.msk $0xffff, v19;
	v19 =	vor.u32 $0x6, v13  }
0x440: {  	[tilespmem:v7+s15+$0xFFFFFFE0 ss:$0x1] =	vst.idx.msk $0xffff, v17;
	v17 =	vor.u32 $0x6, v11  }
0x441: {  	[tilespmem:v7+s15+$0xFFFFFDE0 ss:$0x1] =	vst.idx.msk $0xffff, v18  }
0x442: {  	v16 =	vld.idx.msk [tilespmem:v16+s22+$0x0], $0xffff  }
0x443: {  	v18 =	vld.idx.msk [tilespmem:v20+s22+$0x0], $0xffff  }
0x444: {  	v19 =	vld.idx.msk [tilespmem:v19+s22+$0x0], $0xffff  }
0x445: {  	v17 =	vld.idx.msk [tilespmem:v17+s22+$0x0], $0xffff;
	_ =	sdelay $0x1  }
0x446: {  	v14 =	vor.u32 $0x7, v14  }
0x447: {  	v12 =	vor.u32 $0x7, v12;
	[tilespmem:v7+s15+$0xFFFFF9F0 ss:$0x1] =	vst.idx.msk $0xffff, v16  }
0x448: {  	v13 =	vor.u32 $0x7, v13;
	[tilespmem:v7+s15+$0xFFFFFBF0 ss:$0x1] =	vst.idx.msk $0xffff, v18  }
0x449: {  	v11 =	vor.u32 $0x7, v11;
	[tilespmem:v7+s15+$0xFFFFFDF0 ss:$0x1] =	vst.idx.msk $0xffff, v19  }
0x44a: {  	[tilespmem:v7+s15+$0xFFFFFFF0 ss:$0x1] =	vst.idx.msk $0xffff, v17  }
0x44b: {  	v16 =	vld.idx.msk [tilespmem:v14+s22+$0x0], $0xffff  }
0x44c: {  	v17 =	vld.idx.msk [tilespmem:v12+s22+$0x0], $0xffff  }
0x44d: {  	v18 =	vld.idx.msk [tilespmem:v13+s22+$0x0], $0xffff  }
0x44e: {  	v19 =	vld.idx.msk [tilespmem:v11+s22+$0x0], $0xffff;
	_ =	sdelay $0x2  }
0x44f: {  	v14 =	vadd.s32 v6, v8;
	[tilespmem:v7+s15+$0xFFFFFA00 ss:$0x1] =	vst.idx.msk $0xffff, v16  }
0x450: {  	v12 =	vadd.s32 v6, v9;
	v13 =	vadd.s32 v6, v10;
	v11 =	vadd.s32 v6, v15  }
0x451: {  	v16 =	vor.u32 $0x6, v14;
	[tilespmem:v7+s15+$0xFFFFFE00 ss:$0x1] =	vst.idx.msk $0xffff, v18  }
0x452: {  	[tilespmem:v7+s15+$0x0 ss:$0x1] =	vst.idx.msk $0xffff, v19  }
0x453: {  	[tilespmem:v7+s15+$0xFFFFFC00 ss:$0x1] =	vst.idx.msk $0xffff, v17;
	s15 =	smov.u32 s17  }
0x454: {  	v17 =	vld.idx.msk [tilespmem:v14+s22+$0x0], $0xffff  }
0x455: {  	v18 =	vld.idx.msk [tilespmem:v11+s22+$0x0], $0xffff  }
0x456: {  	v19 =	vld.idx.msk [tilespmem:v12+s22+$0x0], $0xffff  }
0x457: {  	v20 =	vld.idx.msk [tilespmem:v13+s22+$0x0], $0xffff;
	_ =	sdelay $0x1  }
0x458: {  	v21 =	vor.u32 $0x1, v11  }
0x459: {  	[tilespmem:v7+s17+$0xFFFFF990 ss:$0x1] =	vst.idx.msk $0xffff, v17;
	v17 =	vor.u32 $0x1, v14  }
0x45a: {  	[tilespmem:v7+s17+$0xFFFFFF90 ss:$0x1] =	vst.idx.msk $0xffff, v18;
	v18 =	vor.u32 $0x1, v13  }
0x45b: {  	[tilespmem:v7+s17+$0xFFFFFB90 ss:$0x1] =	vst.idx.msk $0xffff, v19  }
0x45c: {  	v19 =	vor.u32 $0x1, v12;
	[tilespmem:v7+s17+$0xFFFFFD90 ss:$0x1] =	vst.idx.msk $0xffff, v20  }
0x45d: {  	v20 =	vld.idx.msk [tilespmem:v21+s22+$0x0], $0xffff  }
0x45e: {  	v17 =	vld.idx.msk [tilespmem:v17+s22+$0x0], $0xffff  }
0x45f: {  	v18 =	vld.idx.msk [tilespmem:v18+s22+$0x0], $0xffff;
	_ =	sdelay $0x1  }
0x460: {  	v19 =	vld.idx.msk [tilespmem:v19+s22+$0x0], $0xffff;
	_ =	sdelay $0x1  }
0x461: {  	[tilespmem:v7+s17+$0xFFFFFFA0 ss:$0x1] =	vst.idx.msk $0xffff, v20;
	v20 =	vor.u32 $0x2, v12  }
0x462: {  	[tilespmem:v7+s17+$0xFFFFF9A0 ss:$0x1] =	vst.idx.msk $0xffff, v17;
	v17 =	vor.u32 $0x2, v13  }
0x463: {  	[tilespmem:v7+s17+$0xFFFFFDA0 ss:$0x1] =	vst.idx.msk $0xffff, v18;
	v18 =	vor.u32 $0x2, v14  }
0x464: {  	v21 =	vor.u32 $0x2, v11  }
0x465: {  	[tilespmem:v7+s17+$0xFFFFFBA0 ss:$0x1] =	vst.idx.msk $0xffff, v19  }
0x466: {  	v19 =	vld.idx.msk [tilespmem:v20+s22+$0x0], $0xffff  }
0x467: {  	v17 =	vld.idx.msk [tilespmem:v17+s22+$0x0], $0xffff  }
0x468: {  	v18 =	vld.idx.msk [tilespmem:v18+s22+$0x0], $0xffff  }
0x469: {  	v20 =	vld.idx.msk [tilespmem:v21+s22+$0x0], $0xffff;
	_ =	sdelay $0x1  }
0x46a: {  	v21 =	vor.u32 $0x3, v14  }
0x46b: {  	[tilespmem:v7+s17+$0xFFFFFBB0 ss:$0x1] =	vst.idx.msk $0xffff, v19;
	v19 =	vor.u32 $0x3, v11  }
0x46c: {  	[tilespmem:v7+s17+$0xFFFFFDB0 ss:$0x1] =	vst.idx.msk $0xffff, v17;
	v17 =	vor.u32 $0x3, v13  }
0x46d: {  	[tilespmem:v7+s17+$0xFFFFF9B0 ss:$0x1] =	vst.idx.msk $0xffff, v18;
	v18 =	vor.u32 $0x3, v12  }
0x46e: {  	[tilespmem:v7+s17+$0xFFFFFFB0 ss:$0x1] =	vst.idx.msk $0xffff, v20  }
0x46f: {  	v20 =	vld.idx.msk [tilespmem:v21+s22+$0x0], $0xffff  }
0x470: {  	v19 =	vld.idx.msk [tilespmem:v19+s22+$0x0], $0xffff  }
0x471: {  	v17 =	vld.idx.msk [tilespmem:v17+s22+$0x0], $0xffff  }
0x472: {  	v18 =	vld.idx.msk [tilespmem:v18+s22+$0x0], $0xffff;
	_ =	sdelay $0x1  }
0x473: {  	v21 =	vor.u32 $0x4, v12  }
0x474: {  	[tilespmem:v7+s17+$0xFFFFF9C0 ss:$0x1] =	vst.idx.msk $0xffff, v20;
	v20 =	vor.u32 $0x4, v11  }
0x475: {  	[tilespmem:v7+s17+$0xFFFFFFC0 ss:$0x1] =	vst.idx.msk $0xffff, v19;
	v19 =	vor.u32 $0x4, v13  }
0x476: {  	[tilespmem:v7+s17+$0xFFFFFDC0 ss:$0x1] =	vst.idx.msk $0xffff, v17;
	v17 =	vor.u32 $0x4, v14  }
0x477: {  	[tilespmem:v7+s17+$0xFFFFFBC0 ss:$0x1] =	vst.idx.msk $0xffff, v18  }
0x478: {  	v18 =	vld.idx.msk [tilespmem:v21+s22+$0x0], $0xffff  }
0x479: {  	v20 =	vld.idx.msk [tilespmem:v20+s22+$0x0], $0xffff  }
0x47a: {  	v19 =	vld.idx.msk [tilespmem:v19+s22+$0x0], $0xffff  }
0x47b: {  	v17 =	vld.idx.msk [tilespmem:v17+s22+$0x0], $0xffff;
	_ =	sdelay $0x1  }
0x47c: {  	v21 =	vor.u32 $0x5, v12  }
0x47d: {  	[tilespmem:v7+s17+$0xFFFFFBD0 ss:$0x1] =	vst.idx.msk $0xffff, v18;
	v18 =	vor.u32 $0x5, v14  }
0x47e: {  	v22 =	vor.u32 $0x5, v11;
	[tilespmem:v7+s17+$0xFFFFFFD0 ss:$0x1] =	vst.idx.msk $0xffff, v20  }
0x47f: {  	v23 =	vor.u32 $0x5, v13;
	[tilespmem:v7+s17+$0xFFFFFDD0 ss:$0x1] =	vst.idx.msk $0xffff, v19  }
0x480: {  	[tilespmem:v7+s17+$0xFFFFF9D0 ss:$0x1] =	vst.idx.msk $0xffff, v17  }
.Ltmp11:
0x481: {  	v20 =	vld.idx.msk [tilespmem:v21+s22+$0x0], $0xffff;
	(pc) =	sbr.rel @p1 .LBB2_16-.Ltmp11, $4  }
0x482: {  	v19 =	vld.idx.msk [tilespmem:v18+s22+$0x0], $0xffff  }
0x483: {  	v17 =	vld.idx.msk [tilespmem:v22+s22+$0x0], $0xffff  }
0x484: {  	v18 =	vld.idx.msk [tilespmem:v23+s22+$0x0], $0xffff  }
0x485: {  	v15 =	vadd.s32 $0x8, v15  }
0x486: {  	_ =	sdelay $0x3  }
0x487: {  	[tilespmem:v7+s15+$0xFFFFFBE0 ss:$0x1] =	vst.idx.msk $0xffff, v20;
	v6 =	vor.u32 $0x6, v12  }
0x488: {  	v8 =	vor.u32 $0x6, v13;
	[tilespmem:v7+s15+$0xFFFFF9E0 ss:$0x1] =	vst.idx.msk $0xffff, v19  }
0x489: {  	v9 =	vor.u32 $0x6, v11;
	[tilespmem:v7+s15+$0xFFFFFFE0 ss:$0x1] =	vst.idx.msk $0xffff, v17  }
0x48a: {  	[tilespmem:v7+s15+$0xFFFFFDE0 ss:$0x1] =	vst.idx.msk $0xffff, v18  }
0x48b: {  	v10 =	vld.idx.msk [tilespmem:v16+s22+$0x0], $0xffff  }
0x48c: {  	v6 =	vld.idx.msk [tilespmem:v6+s22+$0x0], $0xffff  }
0x48d: {  	v8 =	vld.idx.msk [tilespmem:v8+s22+$0x0], $0xffff  }
0x48e: {  	v9 =	vld.idx.msk [tilespmem:v9+s22+$0x0], $0xffff  }
0x48f: {  	v14 =	vor.u32 $0x7, v14  }
0x490: {  	v61 =	vor.u32 $0x7, v13;
	[tilespmem:v7+s15+$0xFFFFF9F0 ss:$0x1] =	vst.idx.msk $0xffff, v10  }
0x491: {  	v62 =	vor.u32 $0x7, v12;
	[tilespmem:v7+s15+$0xFFFFFBF0 ss:$0x1] =	vst.idx.msk $0xffff, v6  }
0x492: {  	v6 =	vor.u32 $0x7, v11;
	[tilespmem:v7+s15+$0xFFFFFDF0 ss:$0x1] =	vst.idx.msk $0xffff, v8  }
0x493: {  	[tilespmem:v7+s15+$0xFFFFFFF0 ss:$0x1] =	vst.idx.msk $0xffff, v9  }
0x494: {  	v8 =	vld.idx.msk [tilespmem:v14+s22+$0x0], $0xffff  }
0x495: {  	v9 =	vld.idx.msk [tilespmem:v61+s22+$0x0], $0xffff  }
0x496: {  	v63 =	vld.idx.msk [tilespmem:v62+s22+$0x0], $0xffff  }
0x497: {  	v6 =	vld.idx.msk [tilespmem:v6+s22+$0x0], $0xffff;
	_ =	sdelay $0x1  }
0x498: {  	[tilespmem:v7+s15+$0xFFFFFA00 ss:$0x1] =	vst.idx.msk $0xffff, v8  }
0x499: {  	[tilespmem:v7+s15+$0xFFFFFE00 ss:$0x1] =	vst.idx.msk $0xffff, v9  }
0x49a: {  	s16 =	sshll.u32 s31, $0x9;
	[tilespmem:v7+s15+$0xFFFFFC00 ss:$0x1] =	vst.idx.msk $0xffff, v63  }
0x49b: {  	[tilespmem:v7+s15+$0x0 ss:$0x1] =	vst.idx.msk $0xffff, v6;
	s15 =	sand.u32 $0x3FFFFE00, s16;
	s16 =	sadd.s32 $0x6, s31  }
0x49c: {  	[spmem:s3] =	stream.indirect.scatter.add.f32 [tilespmem:s12], [sflag:s16], $0x10, s15, s20, $0xb8;
	[tilespmem:$0x1FBB0] =	vst v63  }
0x49d: {  	_ = 	snop  }
0x49e: {  	[spmem:s4] =	stream.indirect.scatter.add.f32 [tilespmem:s2], [sflag:s16], $0x10, s15, s20, $0xb8;
	[tilespmem:$0x1FBB0] =	vst v63  }
0x49f: {  	s31 =	sadd.s32 $0xE680, s10;
	s17 =	sor.u32 $0x80, s15  }
0x4a0: {  	[spmem:s3] =	stream.indirect.scatter.add.f32 [tilespmem:s31], [sflag:s16], $0x10, s17, s20, $0xb8;
	[tilespmem:$0x1FBB0] =	vst v63  }
0x4a1: {  	_ = 	snop  }
0x4a2: {  	[spmem:s4] =	stream.indirect.scatter.add.f32 [tilespmem:s2], [sflag:s16], $0x10, s17, s20, $0xb8;
	[tilespmem:$0x1FBB0] =	vst v63  }
0x4a3: {  	s26 =	sadd.s32 $0xEE80, s10;
	s31 =	sor.u32 $0x100, s15  }
0x4a4: {  	[spmem:s3] =	stream.indirect.scatter.add.f32 [tilespmem:s26], [sflag:s16], $0x10, s31, s20, $0xb8;
	[tilespmem:$0x1FBB0] =	vst v63  }
0x4a5: {  	_ = 	snop  }
0x4a6: {  	[spmem:s4] =	stream.indirect.scatter.add.f32 [tilespmem:s2], [sflag:s16], $0x10, s31, s20, $0xb8;
	[tilespmem:$0x1FBB0] =	vst v63  }
.Ltmp12:
0x4a7: {  	_ = 	snop;
	(pc) =	sbr.rel .LBB2_18-.Ltmp12, $4  }
0x4a8: {  	s26 =	sadd.s32 $0xF680, s10;
	s31 =	sor.u32 $0x180, s15  }
0x4a9: {  	[spmem:s3] =	stream.indirect.scatter.add.f32 [tilespmem:s26], [sflag:s16], $0x10, s31, s20, $0xb8;
	[tilespmem:$0x1FBB0] =	vst v63  }
0x4aa: {  	_ = 	snop  }
0x4ab: {  	[spmem:s4] =	stream.indirect.scatter.add.f32 [tilespmem:s2], [sflag:s16], $0x10, s31, s20, $0xb8;
	[tilespmem:$0x1FBB0] =	vst v63  }
.LBB2_20:
0x4ac: {  	_ =	sfence.sel $0x180000  }
0x4ad: {  	[bflag:$0x0] =	sbarrier.arrive $0xFFFF  }
0x4ae: {  	_ =	strace $0x90000047  }
0x4af: {  	s0 =	stileid.u32;
	[bflag:$0x2] =	sbarrier.arrive $0xFFFF  }
0x4b0: {  	p0 =	sne.s32 s0, $0x0;
	s0 =	rddreg [dreg:$0x6]  }
0x4b1: {  	s0 =	sadd.s32 @!p0 $0x100000, s0  }
0x4b2: {  	[sflag:s0] =	ssyncadd.tile.s32 @!p0 $0x1;
	_ =	shalt  }
.Lfunc_end2:
_tile_overlayer_lowered:
.L_overlay_start_2:
0x4b3: {  	(tag) =	ssettag $0x2  }
0x4b4: {  	s0 =	rddreg [dreg:$0x0];
	s2 =	stileid.u32  }
0x4b5: {  	s1 =	rddreg [dreg:$0x1];
	p0 =	sne.s32 s2, $0x0  }
0x4b6: {  	s3 =	rddreg [dreg:$0x2];
	[bflag:$0x3] =	sbarrier.arrive $0xFFFF;
	s2 =	simm.s32 @!p0 $0x1C0B  }
0x4b7: {  	[timem:s3], [sflag:s2] =	dma.local @!p0 [hbm:s0], s1  }
0x4b8: {  	s0 =	simm.s32 @!p0 $0xB  }
0x4b9: {  	_ =	swait.ge @!p0 [sflag:s0], s1  }
0x4ba: {  	s1 =	ssub.s32 @!p0 $0x0, s1;
	[sflag:s0] =	ssyncset.done @!p0 $0x0  }
0x4bb: {  	[sflag:s0] =	ssyncadd.s32 @!p0 s1  }
0x4bc: {  	[bflag:$0x3] =	sbarrier.arrive $0xFFFF  }
0x4bd: {  	_ =	shalt  }

</sc_bundles>
